<compile_context>
chip_gen: v7x
topology: tpu7x:2x2x1
jax: 0.10.2.dev20260603
libtpu: 0.0.44.dev20260713+nightly
codegen_flags: <defaults>
</compile_context>

<pallas_src>
import functools

import jax
import jax.numpy as jnp
from jax import lax
from jax.experimental import pallas as pl
from jax.experimental.pallas import tpu as pltpu
from jax.experimental.pallas import tpu_sc as plsc

N = 10000
NP = 10240
E = 320000
D = 128
CH = 128
NW = 32
CPT = 80
NCHP = NW * CPT
EP = NCHP * CH
NB = 4
RPT = NP // 16
BM = 1024


def _scat_body(gp_hbm, src_hbm, dst_hbm, out_hbm,
               r0, r1, s0, s1, s2, s3, d0, d1, d2, d3, acc,
               gs0, gs1, is0, is1, is2, is3, ss0, ss1):
    rb = [r0, r1]
    sx = [s0, s1, s2, s3]
    dx = [d0, d1, d2, d3]
    gsem = [gs0, gs1]
    isem = [is0, is1, is2, is3]
    ssem = [ss0, ss1]
    c = lax.axis_index("c")
    s = lax.axis_index("s")
    wid = s * 2 + c
    base = s * RPT
    cbase = wid * CPT

    def fetch_idx(j, q):
        pltpu.async_copy(src_hbm.at[cbase + j], sx[q], isem[q])
        pltpu.async_copy(dst_hbm.at[cbase + j], dx[q], isem[q])

    def wait_idx(q):
        pltpu.make_async_copy(src_hbm.at[0], sx[q], isem[q]).wait()
        pltpu.make_async_copy(dst_hbm.at[0], dx[q], isem[q]).wait()

    def wait_gather(b):
        pltpu.make_async_copy(gp_hbm.at[sx[0]], rb[b], gsem[b]).wait()

    def wait_scat(b):
        pltpu.make_async_copy(gp_hbm.at[pl.ds(0, CH)], rb[b], ssem[b]).wait()

    fetch_idx(0, 0)
    fetch_idx(1, 1)
    for k in range(RPT // CH):
        pltpu.sync_copy(gp_hbm.at[pl.ds(base + k * CH, CH)], rb[k % 2])
        pltpu.sync_copy(rb[k % 2], acc.at[pl.ds(base + k * CH, CH)])
    wait_idx(0)
    plsc.subcore_barrier()
    pltpu.async_copy(gp_hbm.at[sx[0]], rb[0], gsem[0])

    def rnd(t, carry):
        for k in range(4):
            j = 4 * t + k
            b = k % 2
            @pl.when(j > 0)
            def _():
                wait_scat(1 - b)
            @pl.when(j + 2 < CPT)
            def _():
                fetch_idx(j + 2, (k + 2) % 4)
            @pl.when(j + 1 < CPT)
            def _():
                wait_idx((k + 1) % 4)
                pltpu.async_copy(gp_hbm.at[sx[(k + 1) % 4]],
                                 rb[1 - b], gsem[1 - b])
            wait_gather(b)
            pltpu.async_copy(rb[b], acc.at[dx[k]], ssem[b], add=True)
        return carry

    lax.fori_loop(0, CPT // 4, rnd, 0)
    wait_scat((CPT - 1) % 2)
    plsc.subcore_barrier()
    for k in range(RPT // CH):
        pltpu.sync_copy(acc.at[pl.ds(base + k * CH, CH)], rb[k % 2])
        pltpu.sync_copy(rb[k % 2], out_hbm.at[c, pl.ds(base + k * CH, CH)])


def _deg_body(dst_hbm, out_hbm, vbuf, ones, dbuf, acc, dsem, isem):
    c = lax.axis_index("c")
    s = lax.axis_index("s")
    wid = s * 2 + c
    ic = pltpu.async_copy(dst_hbm.at[pl.ds(wid * CPT, CPT)], dbuf, isem)
    for i in range(RPT // 16):
        vbuf[pl.ds(i * 16, 16)] = jnp.zeros((16,), jnp.float32)
    for i in range(CH // 16):
        ones[pl.ds(i * 16, 16)] = jnp.full((16,), 1.0, jnp.float32)
    pltpu.sync_copy(vbuf, acc.at[pl.ds(s * RPT, RPT)])
    ic.wait()
    plsc.subcore_barrier()

    def rnd(t, carry):
        for b in range(NB):
            pltpu.async_copy(ones, acc.at[dbuf.at[t * NB + b]], dsem, add=True)
        for b in range(NB):
            pltpu.make_async_copy(ones, acc.at[dbuf.at[0]], dsem).wait()
        return carry

    lax.fori_loop(0, CPT // NB, rnd, 0)
    plsc.subcore_barrier()
    pltpu.sync_copy(acc.at[pl.ds(s * RPT, RPT)], vbuf)
    pltpu.sync_copy(vbuf, out_hbm.at[c, pl.ds(s * RPT, RPT)])


@functools.lru_cache(maxsize=None)
def _sc_kernels():
    mesh = plsc.VectorSubcoreMesh(core_axis_name="c", subcore_axis_name="s")
    scat = pl.kernel(
        _scat_body,
        out_type=jax.ShapeDtypeStruct((2, NP, D), jnp.float32),
        mesh=mesh,
        scratch_types=(
            [pltpu.VMEM((CH, D), jnp.float32) for _ in range(2)]
            + [pltpu.VMEM((CH,), jnp.int32) for _ in range(8)]
            + [pltpu.VMEM_SHARED((NP, D), jnp.float32)]
            + [pltpu.SemaphoreType.DMA] * 8
        ),
    )
    deg = pl.kernel(
        _deg_body,
        out_type=jax.ShapeDtypeStruct((2, NP), jnp.float32),
        mesh=mesh,
        scratch_types=(
            [pltpu.VMEM((RPT,), jnp.float32),
             pltpu.VMEM((CH,), jnp.float32),
             pltpu.VMEM((CPT, CH), jnp.int32),
             pltpu.VMEM_SHARED((NP,), jnp.float32)]
            + [pltpu.SemaphoreType.DMA] * 2
        ),
    )
    return scat, deg


def _tc_pre_body(x_ref, d0_ref, d1_ref, W1_ref, b1_ref, W2_ref,
                 dense_ref, gp_ref, dinv_ref):
    deg = d0_ref[...] + d1_ref[...] + 1.0
    dinv = lax.rsqrt(deg)
    xb = x_ref[...]
    dense_ref[...] = (
        jnp.dot(xb, W1_ref[...], preferred_element_type=jnp.float32)
        + b1_ref[...]
    )
    gp_ref[...] = dinv[:, None] * jnp.dot(
        xb, W2_ref[...], preferred_element_type=jnp.float32)
    dinv_ref[...] = dinv


def _tc_layer_body(with_h, dense_ref, gp_ref, parts_ref, dinv_ref, bc_ref,
                   Wd_ref, bd_ref, Wg_ref, *out_refs):
    dinv = dinv_ref[...]
    gp = gp_ref[...]
    accs = parts_ref[0] + parts_ref[1] - gp
    conv = dinv[:, None] * accs + bc_ref[...]
    h = jnp.maximum(dense_ref[...] + conv, 0.0)
    mean = jnp.mean(h, axis=1, keepdims=True)
    dlt = h - mean
    var = jnp.sum(dlt * dlt, axis=1, keepdims=True) * (1.0 / (D - 1))
    hn = dlt / (jnp.sqrt(var) + 1e-5)
    out_refs[0][...] = (
        jnp.dot(hn, Wd_ref[...], preferred_element_type=jnp.float32)
        + bd_ref[...]
    )
    out_refs[1][...] = dinv[:, None] * jnp.dot(
        hn, Wg_ref[...], preferred_element_type=jnp.float32)
    if with_h:
        out_refs[2][...] = hn


def _tc_fin_body(dense_ref, gp_ref, parts_ref, dinv_ref, bc_ref, out_ref):
    accs = parts_ref[0] + parts_ref[1] - gp_ref[...]
    out_ref[...] = dense_ref[...] + dinv_ref[...][:, None] * accs + bc_ref[...]


_ROWS = pl.BlockSpec((BM, D), lambda i: (i, 0))
_VECN = pl.BlockSpec((BM,), lambda i: (i,))
_WFULL = pl.BlockSpec((D, D), lambda i: (0, 0))
_BFULL = pl.BlockSpec((D,), lambda i: (0,))
_PARTS = pl.BlockSpec((2, BM, D), lambda i: (0, i, 0))
_GRID = (NP // BM,)

_mat = jax.ShapeDtypeStruct((NP, D), jnp.float32)
_vec = jax.ShapeDtypeStruct((NP,), jnp.float32)

_tc_pre = pl.pallas_call(
    _tc_pre_body,
    grid=_GRID,
    in_specs=[_ROWS, _VECN, _VECN, _WFULL, _BFULL, _WFULL],
    out_specs=[_ROWS, _ROWS, _VECN],
    out_shape=[_mat, _mat, _vec],
)

_tc_mid = pl.pallas_call(
    functools.partial(_tc_layer_body, False),
    grid=_GRID,
    in_specs=[_ROWS, _ROWS, _PARTS, _VECN, _BFULL, _WFULL, _BFULL, _WFULL],
    out_specs=[_ROWS, _ROWS],
    out_shape=[_mat, _mat],
)

_tc_out = pl.pallas_call(
    functools.partial(_tc_layer_body, True),
    grid=_GRID,
    in_specs=[_ROWS, _ROWS, _PARTS, _VECN, _BFULL, _WFULL, _BFULL, _WFULL],
    out_specs=[_ROWS, _ROWS, _ROWS],
    out_shape=[_mat, _mat, _mat],
)

_tc_fin = pl.pallas_call(
    _tc_fin_body,
    grid=_GRID,
    in_specs=[_ROWS, _ROWS, _PARTS, _VECN, _BFULL],
    out_specs=_ROWS,
    out_shape=_mat,
)


def kernel(x, edge_index, W1_1, b1_1, W1_2, b1_2, Wm1, bm1, Wm2, bm2,
           Wo1, bo1, Wo2, bo2):
    pad = jnp.arange(EP - E, dtype=jnp.int32)
    src2 = jnp.concatenate([edge_index[0], pad % NP]).reshape(NCHP, CH)
    dst2 = jnp.concatenate([edge_index[1], N + pad % (NP - N)]).reshape(NCHP, CH)
    x_p = jnp.pad(x, ((0, NP - N), (0, 0)))

    _scat, _deg = _sc_kernels()
    degp = _deg(dst2)
    dense1, gp1, dinv = _tc_pre(x_p, degp[0], degp[1], W1_1, b1_1, W1_2)
    parts1 = _scat(gp1, src2, dst2)
    dense2, gp2 = _tc_mid(dense1, gp1, parts1, dinv, b1_2, Wm1, bm1, Wm2)
    parts2 = _scat(gp2, src2, dst2)
    dense3, gp3, pen = _tc_out(dense2, gp2, parts2, dinv, bm2, Wo1, bo1, Wo2)
    parts3 = _scat(gp3, src2, dst2)
    out = _tc_fin(dense3, gp3, parts3, dinv, bo2)
    return out[:N], pen[:N]

# --- scband reference (transcript-rebuilt; emitter-appended) ---
"""Pipeline reference for scband-gnn-f-28527172780190 (READ-ONLY COPY).

The authoritative reference and input builder live on the scoring server;
editing this copy changes nothing except your own understanding.
"""

import jax, jax.numpy as jnp
import numpy as np

N = 10000
E = 320000
D_IN = 128
D_H = 128
D_OUT = 128


def setup_inputs(seed: int = 0) -> dict:
    key = jax.random.key(seed)
    ks = jax.random.split(key, 16)
    x = jax.random.normal(ks[0], (N, D_IN), dtype=jnp.float32)
    edge_index = jax.random.randint(ks[1], (2, E), 0, N, dtype=jnp.int32)
    s = 0.05
    W1_1 = jax.random.normal(ks[2], (D_IN, D_H), dtype=jnp.float32) * s
    b1_1 = jnp.zeros((D_H,), dtype=jnp.float32)
    W1_2 = jax.random.normal(ks[3], (D_IN, D_H), dtype=jnp.float32) * s
    b1_2 = jnp.zeros((D_H,), dtype=jnp.float32)
    Wm1 = jax.random.normal(ks[4], (D_H, D_H), dtype=jnp.float32) * s
    bm1 = jnp.zeros((D_H,), dtype=jnp.float32)
    Wm2 = jax.random.normal(ks[5], (D_H, D_H), dtype=jnp.float32) * s
    bm2 = jnp.zeros((D_H,), dtype=jnp.float32)
    Wo1 = jax.random.normal(ks[6], (D_H, D_OUT), dtype=jnp.float32) * s
    bo1 = jnp.zeros((D_OUT,), dtype=jnp.float32)
    Wo2 = jax.random.normal(ks[7], (D_H, D_OUT), dtype=jnp.float32) * s
    bo2 = jnp.zeros((D_OUT,), dtype=jnp.float32)
    return {"x": x, "edge_index": edge_index, "W1_1": W1_1, "b1_1": b1_1,
            "W1_2": W1_2, "b1_2": b1_2, "Wm1": Wm1, "bm1": bm1,
            "Wm2": Wm2, "bm2": bm2, "Wo1": Wo1, "bo1": bo1,
            "Wo2": Wo2, "bo2": bo2}


def gcn_conv(x, edge_index, W, b):
    # Faithful to PyG GCNConv: h = x @ W; add self-loops; symmetric norm; scatter-add to dst; + bias
    src = edge_index[0]
    dst = edge_index[1]
    loop = jnp.arange(N, dtype=edge_index.dtype)
    src_f = jnp.concatenate([src, loop])
    dst_f = jnp.concatenate([dst, loop])
    h = x @ W
    deg = jnp.zeros((N,), dtype=x.dtype).at[dst_f].add(1.0)
    dinv = jnp.where(deg > 0, jax.lax.rsqrt(deg), 0.0)
    norm = dinv[src_f] * dinv[dst_f]
    msg = jnp.take(h, src_f, axis=0) * norm[:, None]
    out = jnp.zeros((N, h.shape[1]), dtype=x.dtype).at[dst_f].add(msg)
    return out + b


def instance_norm(x):
    mean = jnp.mean(x, axis=1, keepdims=True)
    std = jnp.std(x, axis=1, keepdims=True, ddof=1) + 1e-05  # torch.std is unbiased (ddof=1)
    return (x - mean) / std


def reference(x, edge_index, W1_1, b1_1, W1_2, b1_2, Wm1, bm1, Wm2, bm2, Wo1, bo1, Wo2, bo2):
    # layer 1
    h = jax.nn.relu((x @ W1_1 + b1_1) + gcn_conv(x, edge_index, W1_2, b1_2))
    h = instance_norm(h)
    # middle layer (num_layers=3 -> 1 middle layer); dropout p=0.0 is identity
    h = jax.nn.relu((h @ Wm1 + bm1) + gcn_conv(h, edge_index, Wm2, bm2))
    h = instance_norm(h)
    penultimate = h
    out = (h @ Wo1 + bo1) + gcn_conv(h, edge_index, Wo2, bo2)
    return (out, penultimate)

if __name__ == "__main__":
    import jax
    _d = setup_inputs()
    print(jax.jit(kernel)(*tuple(_d.values())))

</pallas_src>

<mosaic_0001>
#map = affine_map<(d0, d1) -> (0, 0)>
module attributes {stable_mosaic.version = 14 : i64} {
  func.func @_deg_body(%arg0: i32, %arg1: i32, %arg2: memref<2560x128xi32, #tpu.memory_space<hbm>>, %arg3: memref<2x10240xf32, #tpu.memory_space<hbm>>, %arg4: memref<640xf32, #tpu.memory_space<vmem>>, %arg5: memref<128xf32, #tpu.memory_space<vmem>>, %arg6: memref<80x128xi32, #tpu.memory_space<vmem>>, %arg7: memref<10240xf32, #tpu.memory_space<vmem_shared>>, %arg8: memref<!tpu.dma_semaphore, #tpu.memory_space<semaphore_mem>>, %arg9: memref<!tpu.dma_semaphore, #tpu.memory_space<semaphore_mem>>) attributes {dimension_semantics = [#tpu.dimension_semantics<core_parallel>, #tpu.dimension_semantics<subcore_parallel>], iteration_bounds = array<i64: 2, 16>, scalar_prefetch = 0 : i64, scratch_operands = 6 : i64, tpu.core_type = #tpu.core_type<sc_vector_subcore>, window_params = [{transform_indices = #map}, {transform_indices = #map}]} {
    %mul3A = arith.constant 2 : i32
    %mul3A_0 = arith.muli %arg1, %mul3A : i32
    %add3A = arith.addi %mul3A_0, %arg0 : i32
    %mul3A_1 = arith.constant 80 : i32
    %mul3A_2 = arith.muli %add3A, %mul3A_1 : i32
    %dma_start3A = arith.constant 0 : i32
    %dma_start3A_3 = tpu.memref_slice %arg2[%mul3A_2, %dma_start3A] : memref<2560x128xi32, #tpu.memory_space<hbm>> -> memref<80x128xi32, #tpu.memory_space<hbm>>
    %dma_start3A_4 = arith.constant 0 : i32
    %dma_start3A_5 = tpu.memref_slice %arg2[%mul3A_2, %dma_start3A_4] : memref<2560x128xi32, #tpu.memory_space<hbm>> -> memref<80x128xi32, #tpu.memory_space<hbm>>
    tpu.enqueue_dma source(%dma_start3A_5 : memref<80x128xi32, #tpu.memory_space<hbm>>) target(%arg6 : memref<80x128xi32, #tpu.memory_space<vmem>>) target_semaphore(%arg9 : memref<!tpu.dma_semaphore, #tpu.memory_space<semaphore_mem>>)
    %broadcast_in_dim3A = arith.constant 0.000000e+00 : f32
    %broadcast_in_dim3A_6 = vector.broadcast %broadcast_in_dim3A : f32 to vector<16xf32>
    %swap3A = arith.constant 0 : index
    %swap3A_7 = tpu.vector_load %arg4[%swap3A] {strides = array<i32>} : memref<640xf32, #tpu.memory_space<vmem>>, vector<16xf32>,
    %swap3A_8 = vector.shape_cast %swap3A_7 : vector<16xf32> to vector<16xf32>
    %swap3A_9 = vector.shape_cast %broadcast_in_dim3A_6 : vector<16xf32> to vector<16xf32>
    tpu.vector_store %arg4[%swap3A], %swap3A_9 {strides = array<i32>} : memref<640xf32, #tpu.memory_space<vmem>>, vector<16xf32>,
    %broadcast_in_dim3A_10 = arith.constant 0.000000e+00 : f32
    %broadcast_in_dim3A_11 = vector.broadcast %broadcast_in_dim3A_10 : f32 to vector<16xf32>
    %swap3A_12 = arith.constant 16 : index
    %swap3A_13 = tpu.vector_load %arg4[%swap3A_12] {strides = array<i32>} : memref<640xf32, #tpu.memory_space<vmem>>, vector<16xf32>,
    %swap3A_14 = vector.shape_cast %swap3A_13 : vector<16xf32> to vector<16xf32>
    %swap3A_15 = vector.shape_cast %broadcast_in_dim3A_11 : vector<16xf32> to vector<16xf32>
    tpu.vector_store %arg4[%swap3A_12], %swap3A_15 {strides = array<i32>} : memref<640xf32, #tpu.memory_space<vmem>>, vector<16xf32>,
    %broadcast_in_dim3A_16 = arith.constant 0.000000e+00 : f32
    %broadcast_in_dim3A_17 = vector.broadcast %broadcast_in_dim3A_16 : f32 to vector<16xf32>
    %swap3A_18 = arith.constant 32 : index
    %swap3A_19 = tpu.vector_load %arg4[%swap3A_18] {strides = array<i32>} : memref<640xf32, #tpu.memory_space<vmem>>, vector<16xf32>,
    %swap3A_20 = vector.shape_cast %swap3A_19 : vector<16xf32> to vector<16xf32>
    %swap3A_21 = vector.shape_cast %broadcast_in_dim3A_17 : vector<16xf32> to vector<16xf32>
    tpu.vector_store %arg4[%swap3A_18], %swap3A_21 {strides = array<i32>} : memref<640xf32, #tpu.memory_space<vmem>>, vector<16xf32>,
    %broadcast_in_dim3A_22 = arith.constant 0.000000e+00 : f32
    %broadcast_in_dim3A_23 = vector.broadcast %broadcast_in_dim3A_22 : f32 to vector<16xf32>
    %swap3A_24 = arith.constant 48 : index
    %swap3A_25 = tpu.vector_load %arg4[%swap3A_24] {strides = array<i32>} : memref<640xf32, #tpu.memory_space<vmem>>, vector<16xf32>,
    %swap3A_26 = vector.shape_cast %swap3A_25 : vector<16xf32> to vector<16xf32>
    %swap3A_27 = vector.shape_cast %broadcast_in_dim3A_23 : vector<16xf32> to vector<16xf32>
    tpu.vector_store %arg4[%swap3A_24], %swap3A_27 {strides = array<i32>} : memref<640xf32, #tpu.memory_space<vmem>>, vector<16xf32>,
    %broadcast_in_dim3A_28 = arith.constant 0.000000e+00 : f32
    %broadcast_in_dim3A_29 = vector.broadcast %broadcast_in_dim3A_28 : f32 to vector<16xf32>
    %swap3A_30 = arith.constant 64 : index
    %swap3A_31 = tpu.vector_load %arg4[%swap3A_30] {strides = array<i32>} : memref<640xf32, #tpu.memory_space<vmem>>, vector<16xf32>,
    %swap3A_32 = vector.shape_cast %swap3A_31 : vector<16xf32> to vector<16xf32>
    %swap3A_33 = vector.shape_cast %broadcast_in_dim3A_29 : vector<16xf32> to vector<16xf32>
    tpu.vector_store %arg4[%swap3A_30], %swap3A_33 {strides = array<i32>} : memref<640xf32, #tpu.memory_space<vmem>>, vector<16xf32>,
    %broadcast_in_dim3A_34 = arith.constant 0.000000e+00 : f32
    %broadcast_in_dim3A_35 = vector.broadcast %broadcast_in_dim3A_34 : f32 to vector<16xf32>
    %swap3A_36 = arith.constant 80 : index
    %swap3A_37 = tpu.vector_load %arg4[%swap3A_36] {strides = array<i32>} : memref<640xf32, #tpu.memory_space<vmem>>, vector<16xf32>,
    %swap3A_38 = vector.shape_cast %swap3A_37 : vector<16xf32> to vector<16xf32>
    %swap3A_39 = vector.shape_cast %broadcast_in_dim3A_35 : vector<16xf32> to vector<16xf32>
    tpu.vector_store %arg4[%swap3A_36], %swap3A_39 {strides = array<i32>} : memref<640xf32, #tpu.memory_space<vmem>>, vector<16xf32>,
    %broadcast_in_dim3A_40 = arith.constant 0.000000e+00 : f32
    %broadcast_in_dim3A_41 = vector.broadcast %broadcast_in_dim3A_40 : f32 to vector<16xf32>
    %swap3A_42 = arith.constant 96 : index
    %swap3A_43 = tpu.vector_load %arg4[%swap3A_42] {strides = array<i32>} : memref<640xf32, #tpu.memory_space<vmem>>, vector<16xf32>,
    %swap3A_44 = vector.shape_cast %swap3A_43 : vector<16xf32> to vector<16xf32>
    %swap3A_45 = vector.shape_cast %broadcast_in_dim3A_41 : vector<16xf32> to vector<16xf32>
    tpu.vector_store %arg4[%swap3A_42], %swap3A_45 {strides = array<i32>} : memref<640xf32, #tpu.memory_space<vmem>>, vector<16xf32>,
    %broadcast_in_dim3A_46 = arith.constant 0.000000e+00 : f32
    %broadcast_in_dim3A_47 = vector.broadcast %broadcast_in_dim3A_46 : f32 to vector<16xf32>
    %swap3A_48 = arith.constant 112 : index
    %swap3A_49 = tpu.vector_load %arg4[%swap3A_48] {strides = array<i32>} : memref<640xf32, #tpu.memory_space<vmem>>, vector<16xf32>,
    %swap3A_50 = vector.shape_cast %swap3A_49 : vector<16xf32> to vector<16xf32>
    %swap3A_51 = vector.shape_cast %broadcast_in_dim3A_47 : vector<16xf32> to vector<16xf32>
    tpu.vector_store %arg4[%swap3A_48], %swap3A_51 {strides = array<i32>} : memref<640xf32, #tpu.memory_space<vmem>>, vector<16xf32>,
    %broadcast_in_dim3A_52 = arith.constant 0.000000e+00 : f32
    %broadcast_in_dim3A_53 = vector.broadcast %broadcast_in_dim3A_52 : f32 to vector<16xf32>
    %swap3A_54 = arith.constant 128 : index
    %swap3A_55 = tpu.vector_load %arg4[%swap3A_54] {strides = array<i32>} : memref<640xf32, #tpu.memory_space<vmem>>, vector<16xf32>,
    %swap3A_56 = vector.shape_cast %swap3A_55 : vector<16xf32> to vector<16xf32>
    %swap3A_57 = vector.shape_cast %broadcast_in_dim3A_53 : vector<16xf32> to vector<16xf32>
    tpu.vector_store %arg4[%swap3A_54], %swap3A_57 {strides = array<i32>} : memref<640xf32, #tpu.memory_space<vmem>>, vector<16xf32>,
    %broadcast_in_dim3A_58 = arith.constant 0.000000e+00 : f32
    %broadcast_in_dim3A_59 = vector.broadcast %broadcast_in_dim3A_58 : f32 to vector<16xf32>
    %swap3A_60 = arith.constant 144 : index
    %swap3A_61 = tpu.vector_load %arg4[%swap3A_60] {strides = array<i32>} : memref<640xf32, #tpu.memory_space<vmem>>, vector<16xf32>,
    %swap3A_62 = vector.shape_cast %swap3A_61 : vector<16xf32> to vector<16xf32>
    %swap3A_63 = vector.shape_cast %broadcast_in_dim3A_59 : vector<16xf32> to vector<16xf32>
    tpu.vector_store %arg4[%swap3A_60], %swap3A_63 {strides = array<i32>} : memref<640xf32, #tpu.memory_space<vmem>>, vector<16xf32>,
    %broadcast_in_dim3A_64 = arith.constant 0.000000e+00 : f32
    %broadcast_in_dim3A_65 = vector.broadcast %broadcast_in_dim3A_64 : f32 to vector<16xf32>
    %swap3A_66 = arith.constant 160 : index
    %swap3A_67 = tpu.vector_load %arg4[%swap3A_66] {strides = array<i32>} : memref<640xf32, #tpu.memory_space<vmem>>, vector<16xf32>,
    %swap3A_68 = vector.shape_cast %swap3A_67 : vector<16xf32> to vector<16xf32>
    %swap3A_69 = vector.shape_cast %broadcast_in_dim3A_65 : vector<16xf32> to vector<16xf32>
    tpu.vector_store %arg4[%swap3A_66], %swap3A_69 {strides = array<i32>} : memref<640xf32, #tpu.memory_space<vmem>>, vector<16xf32>,
    %broadcast_in_dim3A_70 = arith.constant 0.000000e+00 : f32
    %broadcast_in_dim3A_71 = vector.broadcast %broadcast_in_dim3A_70 : f32 to vector<16xf32>
    %swap3A_72 = arith.constant 176 : index
    %swap3A_73 = tpu.vector_load %arg4[%swap3A_72] {strides = array<i32>} : memref<640xf32, #tpu.memory_space<vmem>>, vector<16xf32>,
    %swap3A_74 = vector.shape_cast %swap3A_73 : vector<16xf32> to vector<16xf32>
    %swap3A_75 = vector.shape_cast %broadcast_in_dim3A_71 : vector<16xf32> to vector<16xf32>
    tpu.vector_store %arg4[%swap3A_72], %swap3A_75 {strides = array<i32>} : memref<640xf32, #tpu.memory_space<vmem>>, vector<16xf32>,
    %broadcast_in_dim3A_76 = arith.constant 0.000000e+00 : f32
    %broadcast_in_dim3A_77 = vector.broadcast %broadcast_in_dim3A_76 : f32 to vector<16xf32>
    %swap3A_78 = arith.constant 192 : index
    %swap3A_79 = tpu.vector_load %arg4[%swap3A_78] {strides = array<i32>} : memref<640xf32, #tpu.memory_space<vmem>>, vector<16xf32>,
    %swap3A_80 = vector.shape_cast %swap3A_79 : vector<16xf32> to vector<16xf32>
    %swap3A_81 = vector.shape_cast %broadcast_in_dim3A_77 : vector<16xf32> to vector<16xf32>
    tpu.vector_store %arg4[%swap3A_78], %swap3A_81 {strides = array<i32>} : memref<640xf32, #tpu.memory_space<vmem>>, vector<16xf32>,
    %broadcast_in_dim3A_82 = arith.constant 0.000000e+00 : f32
    %broadcast_in_dim3A_83 = vector.broadcast %broadcast_in_dim3A_82 : f32 to vector<16xf32>
    %swap3A_84 = arith.constant 208 : index
    %swap3A_85 = tpu.vector_load %arg4[%swap3A_84] {strides = array<i32>} : memref<640xf32, #tpu.memory_space<vmem>>, vector<16xf32>,
    %swap3A_86 = vector.shape_cast %swap3A_85 : vector<16xf32> to vector<16xf32>
    %swap3A_87 = vector.shape_cast %broadcast_in_dim3A_83 : vector<16xf32> to vector<16xf32>
    tpu.vector_store %arg4[%swap3A_84], %swap3A_87 {strides = array<i32>} : memref<640xf32, #tpu.memory_space<vmem>>, vector<16xf32>,
    %broadcast_in_dim3A_88 = arith.constant 0.000000e+00 : f32
    %broadcast_in_dim3A_89 = vector.broadcast %broadcast_in_dim3A_88 : f32 to vector<16xf32>
    %swap3A_90 = arith.constant 224 : index
    %swap3A_91 = tpu.vector_load %arg4[%swap3A_90] {strides = array<i32>} : memref<640xf32, #tpu.memory_space<vmem>>, vector<16xf32>,
    %swap3A_92 = vector.shape_cast %swap3A_91 : vector<16xf32> to vector<16xf32>
    %swap3A_93 = vector.shape_cast %broadcast_in_dim3A_89 : vector<16xf32> to vector<16xf32>
    tpu.vector_store %arg4[%swap3A_90], %swap3A_93 {strides = array<i32>} : memref<640xf32, #tpu.memory_space<vmem>>, vector<16xf32>,
    %broadcast_in_dim3A_94 = arith.constant 0.000000e+00 : f32
    %broadcast_in_dim3A_95 = vector.broadcast %broadcast_in_dim3A_94 : f32 to vector<16xf32>
    %swap3A_96 = arith.constant 240 : index
    %swap3A_97 = tpu.vector_load %arg4[%swap3A_96] {strides = array<i32>} : memref<640xf32, #tpu.memory_space<vmem>>, vector<16xf32>,
    %swap3A_98 = vector.shape_cast %swap3A_97 : vector<16xf32> to vector<16xf32>
    %swap3A_99 = vector.shape_cast %broadcast_in_dim3A_95 : vector<16xf32> to vector<16xf32>
    tpu.vector_store %arg4[%swap3A_96], %swap3A_99 {strides = array<i32>} : memref<640xf32, #tpu.memory_space<vmem>>, vector<16xf32>,
    %broadcast_in_dim3A_100 = arith.constant 0.000000e+00 : f32
    %broadcast_in_dim3A_101 = vector.broadcast %broadcast_in_dim3A_100 : f32 to vector<16xf32>
    %swap3A_102 = arith.constant 256 : index
    %swap3A_103 = tpu.vector_load %arg4[%swap3A_102] {strides = array<i32>} : memref<640xf32, #tpu.memory_space<vmem>>, vector<16xf32>,
    %swap3A_104 = vector.shape_cast %swap3A_103 : vector<16xf32> to vector<16xf32>
    %swap3A_105 = vector.shape_cast %broadcast_in_dim3A_101 : vector<16xf32> to vector<16xf32>
    tpu.vector_store %arg4[%swap3A_102], %swap3A_105 {strides = array<i32>} : memref<640xf32, #tpu.memory_space<vmem>>, vector<16xf32>,
    %broadcast_in_dim3A_106 = arith.constant 0.000000e+00 : f32
    %broadcast_in_dim3A_107 = vector.broadcast %broadcast_in_dim3A_106 : f32 to vector<16xf32>
    %swap3A_108 = arith.constant 272 : index
    %swap3A_109 = tpu.vector_load %arg4[%swap3A_108] {strides = array<i32>} : memref<640xf32, #tpu.memory_space<vmem>>, vector<16xf32>,
    %swap3A_110 = vector.shape_cast %swap3A_109 : vector<16xf32> to vector<16xf32>
    %swap3A_111 = vector.shape_cast %broadcast_in_dim3A_107 : vector<16xf32> to vector<16xf32>
    tpu.vector_store %arg4[%swap3A_108], %swap3A_111 {strides = array<i32>} : memref<640xf32, #tpu.memory_space<vmem>>, vector<16xf32>,
    %broadcast_in_dim3A_112 = arith.constant 0.000000e+00 : f32
    %broadcast_in_dim3A_113 = vector.broadcast %broadcast_in_dim3A_112 : f32 to vector<16xf32>
    %swap3A_114 = arith.constant 288 : index
    %swap3A_115 = tpu.vector_load %arg4[%swap3A_114] {strides = array<i32>} : memref<640xf32, #tpu.memory_space<vmem>>, vector<16xf32>,
    %swap3A_116 = vector.shape_cast %swap3A_115 : vector<16xf32> to vector<16xf32>
    %swap3A_117 = vector.shape_cast %broadcast_in_dim3A_113 : vector<16xf32> to vector<16xf32>
    tpu.vector_store %arg4[%swap3A_114], %swap3A_117 {strides = array<i32>} : memref<640xf32, #tpu.memory_space<vmem>>, vector<16xf32>,
    %broadcast_in_dim3A_118 = arith.constant 0.000000e+00 : f32
    %broadcast_in_dim3A_119 = vector.broadcast %broadcast_in_dim3A_118 : f32 to vector<16xf32>
    %swap3A_120 = arith.constant 304 : index
    %swap3A_121 = tpu.vector_load %arg4[%swap3A_120] {strides = array<i32>} : memref<640xf32, #tpu.memory_space<vmem>>, vector<16xf32>,
    %swap3A_122 = vector.shape_cast %swap3A_121 : vector<16xf32> to vector<16xf32>
    %swap3A_123 = vector.shape_cast %broadcast_in_dim3A_119 : vector<16xf32> to vector<16xf32>
    tpu.vector_store %arg4[%swap3A_120], %swap3A_123 {strides = array<i32>} : memref<640xf32, #tpu.memory_space<vmem>>, vector<16xf32>,
    %broadcast_in_dim3A_124 = arith.constant 0.000000e+00 : f32
    %broadcast_in_dim3A_125 = vector.broadcast %broadcast_in_dim3A_124 : f32 to vector<16xf32>
    %swap3A_126 = arith.constant 320 : index
    %swap3A_127 = tpu.vector_load %arg4[%swap3A_126] {strides = array<i32>} : memref<640xf32, #tpu.memory_space<vmem>>, vector<16xf32>,
    %swap3A_128 = vector.shape_cast %swap3A_127 : vector<16xf32> to vector<16xf32>
    %swap3A_129 = vector.shape_cast %broadcast_in_dim3A_125 : vector<16xf32> to vector<16xf32>
    tpu.vector_store %arg4[%swap3A_126], %swap3A_129 {strides = array<i32>} : memref<640xf32, #tpu.memory_space<vmem>>, vector<16xf32>,
    %broadcast_in_dim3A_130 = arith.constant 0.000000e+00 : f32
    %broadcast_in_dim3A_131 = vector.broadcast %broadcast_in_dim3A_130 : f32 to vector<16xf32>
    %swap3A_132 = arith.constant 336 : index
    %swap3A_133 = tpu.vector_load %arg4[%swap3A_132] {strides = array<i32>} : memref<640xf32, #tpu.memory_space<vmem>>, vector<16xf32>,
    %swap3A_134 = vector.shape_cast %swap3A_133 : vector<16xf32> to vector<16xf32>
    %swap3A_135 = vector.shape_cast %broadcast_in_dim3A_131 : vector<16xf32> to vector<16xf32>
    tpu.vector_store %arg4[%swap3A_132], %swap3A_135 {strides = array<i32>} : memref<640xf32, #tpu.memory_space<vmem>>, vector<16xf32>,
    %broadcast_in_dim3A_136 = arith.constant 0.000000e+00 : f32
    %broadcast_in_dim3A_137 = vector.broadcast %broadcast_in_dim3A_136 : f32 to vector<16xf32>
    %swap3A_138 = arith.constant 352 : index
    %swap3A_139 = tpu.vector_load %arg4[%swap3A_138] {strides = array<i32>} : memref<640xf32, #tpu.memory_space<vmem>>, vector<16xf32>,
    %swap3A_140 = vector.shape_cast %swap3A_139 : vector<16xf32> to vector<16xf32>
    %swap3A_141 = vector.shape_cast %broadcast_in_dim3A_137 : vector<16xf32> to vector<16xf32>
    tpu.vector_store %arg4[%swap3A_138], %swap3A_141 {strides = array<i32>} : memref<640xf32, #tpu.memory_space<vmem>>, vector<16xf32>,
    %broadcast_in_dim3A_142 = arith.constant 0.000000e+00 : f32
    %broadcast_in_dim3A_143 = vector.broadcast %broadcast_in_dim3A_142 : f32 to vector<16xf32>
    %swap3A_144 = arith.constant 368 : index
    %swap3A_145 = tpu.vector_load %arg4[%swap3A_144] {strides = array<i32>} : memref<640xf32, #tpu.memory_space<vmem>>, vector<16xf32>,
    %swap3A_146 = vector.shape_cast %swap3A_145 : vector<16xf32> to vector<16xf32>
    %swap3A_147 = vector.shape_cast %broadcast_in_dim3A_143 : vector<16xf32> to vector<16xf32>
    tpu.vector_store %arg4[%swap3A_144], %swap3A_147 {strides = array<i32>} : memref<640xf32, #tpu.memory_space<vmem>>, vector<16xf32>,
    %broadcast_in_dim3A_148 = arith.constant 0.000000e+00 : f32
    %broadcast_in_dim3A_149 = vector.broadcast %broadcast_in_dim3A_148 : f32 to vector<16xf32>
    %swap3A_150 = arith.constant 384 : index
    %swap3A_151 = tpu.vector_load %arg4[%swap3A_150] {strides = array<i32>} : memref<640xf32, #tpu.memory_space<vmem>>, vector<16xf32>,
    %swap3A_152 = vector.shape_cast %swap3A_151 : vector<16xf32> to vector<16xf32>
    %swap3A_153 = vector.shape_cast %broadcast_in_dim3A_149 : vector<16xf32> to vector<16xf32>
    tpu.vector_store %arg4[%swap3A_150], %swap3A_153 {strides = array<i32>} : memref<640xf32, #tpu.memory_space<vmem>>, vector<16xf32>,
    %broadcast_in_dim3A_154 = arith.constant 0.000000e+00 : f32
    %broadcast_in_dim3A_155 = vector.broadcast %broadcast_in_dim3A_154 : f32 to vector<16xf32>
    %swap3A_156 = arith.constant 400 : index
    %swap3A_157 = tpu.vector_load %arg4[%swap3A_156] {strides = array<i32>} : memref<640xf32, #tpu.memory_space<vmem>>, vector<16xf32>,
    %swap3A_158 = vector.shape_cast %swap3A_157 : vector<16xf32> to vector<16xf32>
    %swap3A_159 = vector.shape_cast %broadcast_in_dim3A_155 : vector<16xf32> to vector<16xf32>
    tpu.vector_store %arg4[%swap3A_156], %swap3A_159 {strides = array<i32>} : memref<640xf32, #tpu.memory_space<vmem>>, vector<16xf32>,
    %broadcast_in_dim3A_160 = arith.constant 0.000000e+00 : f32
    %broadcast_in_dim3A_161 = vector.broadcast %broadcast_in_dim3A_160 : f32 to vector<16xf32>
    %swap3A_162 = arith.constant 416 : index
    %swap3A_163 = tpu.vector_load %arg4[%swap3A_162] {strides = array<i32>} : memref<640xf32, #tpu.memory_space<vmem>>, vector<16xf32>,
    %swap3A_164 = vector.shape_cast %swap3A_163 : vector<16xf32> to vector<16xf32>
    %swap3A_165 = vector.shape_cast %broadcast_in_dim3A_161 : vector<16xf32> to vector<16xf32>
    tpu.vector_store %arg4[%swap3A_162], %swap3A_165 {strides = array<i32>} : memref<640xf32, #tpu.memory_space<vmem>>, vector<16xf32>,
    %broadcast_in_dim3A_166 = arith.constant 0.000000e+00 : f32
    %broadcast_in_dim3A_167 = vector.broadcast %broadcast_in_dim3A_166 : f32 to vector<16xf32>
    %swap3A_168 = arith.constant 432 : index
    %swap3A_169 = tpu.vector_load %arg4[%swap3A_168] {strides = array<i32>} : memref<640xf32, #tpu.memory_space<vmem>>, vector<16xf32>,
    %swap3A_170 = vector.shape_cast %swap3A_169 : vector<16xf32> to vector<16xf32>
    %swap3A_171 = vector.shape_cast %broadcast_in_dim3A_167 : vector<16xf32> to vector<16xf32>
    tpu.vector_store %arg4[%swap3A_168], %swap3A_171 {strides = array<i32>} : memref<640xf32, #tpu.memory_space<vmem>>, vector<16xf32>,
    %broadcast_in_dim3A_172 = arith.constant 0.000000e+00 : f32
    %broadcast_in_dim3A_173 = vector.broadcast %broadcast_in_dim3A_172 : f32 to vector<16xf32>
    %swap3A_174 = arith.constant 448 : index
    %swap3A_175 = tpu.vector_load %arg4[%swap3A_174] {strides = array<i32>} : memref<640xf32, #tpu.memory_space<vmem>>, vector<16xf32>,
    %swap3A_176 = vector.shape_cast %swap3A_175 : vector<16xf32> to vector<16xf32>
    %swap3A_177 = vector.shape_cast %broadcast_in_dim3A_173 : vector<16xf32> to vector<16xf32>
    tpu.vector_store %arg4[%swap3A_174], %swap3A_177 {strides = array<i32>} : memref<640xf32, #tpu.memory_space<vmem>>, vector<16xf32>,
    %broadcast_in_dim3A_178 = arith.constant 0.000000e+00 : f32
    %broadcast_in_dim3A_179 = vector.broadcast %broadcast_in_dim3A_178 : f32 to vector<16xf32>
    %swap3A_180 = arith.constant 464 : index
    %swap3A_181 = tpu.vector_load %arg4[%swap3A_180] {strides = array<i32>} : memref<640xf32, #tpu.memory_space<vmem>>, vector<16xf32>,
    %swap3A_182 = vector.shape_cast %swap3A_181 : vector<16xf32> to vector<16xf32>
    %swap3A_183 = vector.shape_cast %broadcast_in_dim3A_179 : vector<16xf32> to vector<16xf32>
    tpu.vector_store %arg4[%swap3A_180], %swap3A_183 {strides = array<i32>} : memref<640xf32, #tpu.memory_space<vmem>>, vector<16xf32>,
    %broadcast_in_dim3A_184 = arith.constant 0.000000e+00 : f32
    %broadcast_in_dim3A_185 = vector.broadcast %broadcast_in_dim3A_184 : f32 to vector<16xf32>
    %swap3A_186 = arith.constant 480 : index
    %swap3A_187 = tpu.vector_load %arg4[%swap3A_186] {strides = array<i32>} : memref<640xf32, #tpu.memory_space<vmem>>, vector<16xf32>,
    %swap3A_188 = vector.shape_cast %swap3A_187 : vector<16xf32> to vector<16xf32>
    %swap3A_189 = vector.shape_cast %broadcast_in_dim3A_185 : vector<16xf32> to vector<16xf32>
    tpu.vector_store %arg4[%swap3A_186], %swap3A_189 {strides = array<i32>} : memref<640xf32, #tpu.memory_space<vmem>>, vector<16xf32>,
    %broadcast_in_dim3A_190 = arith.constant 0.000000e+00 : f32
    %broadcast_in_dim3A_191 = vector.broadcast %broadcast_in_dim3A_190 : f32 to vector<16xf32>
    %swap3A_192 = arith.constant 496 : index
    %swap3A_193 = tpu.vector_load %arg4[%swap3A_192] {strides = array<i32>} : memref<640xf32, #tpu.memory_space<vmem>>, vector<16xf32>,
    %swap3A_194 = vector.shape_cast %swap3A_193 : vector<16xf32> to vector<16xf32>
    %swap3A_195 = vector.shape_cast %broadcast_in_dim3A_191 : vector<16xf32> to vector<16xf32>
    tpu.vector_store %arg4[%swap3A_192], %swap3A_195 {strides = array<i32>} : memref<640xf32, #tpu.memory_space<vmem>>, vector<16xf32>,
    %broadcast_in_dim3A_196 = arith.constant 0.000000e+00 : f32
    %broadcast_in_dim3A_197 = vector.broadcast %broadcast_in_dim3A_196 : f32 to vector<16xf32>
    %swap3A_198 = arith.constant 512 : index
    %swap3A_199 = tpu.vector_load %arg4[%swap3A_198] {strides = array<i32>} : memref<640xf32, #tpu.memory_space<vmem>>, vector<16xf32>,
    %swap3A_200 = vector.shape_cast %swap3A_199 : vector<16xf32> to vector<16xf32>
    %swap3A_201 = vector.shape_cast %broadcast_in_dim3A_197 : vector<16xf32> to vector<16xf32>
    tpu.vector_store %arg4[%swap3A_198], %swap3A_201 {strides = array<i32>} : memref<640xf32, #tpu.memory_space<vmem>>, vector<16xf32>,
    %broadcast_in_dim3A_202 = arith.constant 0.000000e+00 : f32
    %broadcast_in_dim3A_203 = vector.broadcast %broadcast_in_dim3A_202 : f32 to vector<16xf32>
    %swap3A_204 = arith.constant 528 : index
    %swap3A_205 = tpu.vector_load %arg4[%swap3A_204] {strides = array<i32>} : memref<640xf32, #tpu.memory_space<vmem>>, vector<16xf32>,
    %swap3A_206 = vector.shape_cast %swap3A_205 : vector<16xf32> to vector<16xf32>
    %swap3A_207 = vector.shape_cast %broadcast_in_dim3A_203 : vector<16xf32> to vector<16xf32>
    tpu.vector_store %arg4[%swap3A_204], %swap3A_207 {strides = array<i32>} : memref<640xf32, #tpu.memory_space<vmem>>, vector<16xf32>,
    %broadcast_in_dim3A_208 = arith.constant 0.000000e+00 : f32
    %broadcast_in_dim3A_209 = vector.broadcast %broadcast_in_dim3A_208 : f32 to vector<16xf32>
    %swap3A_210 = arith.constant 544 : index
    %swap3A_211 = tpu.vector_load %arg4[%swap3A_210] {strides = array<i32>} : memref<640xf32, #tpu.memory_space<vmem>>, vector<16xf32>,
    %swap3A_212 = vector.shape_cast %swap3A_211 : vector<16xf32> to vector<16xf32>
    %swap3A_213 = vector.shape_cast %broadcast_in_dim3A_209 : vector<16xf32> to vector<16xf32>
    tpu.vector_store %arg4[%swap3A_210], %swap3A_213 {strides = array<i32>} : memref<640xf32, #tpu.memory_space<vmem>>, vector<16xf32>,
    %broadcast_in_dim3A_214 = arith.constant 0.000000e+00 : f32
    %broadcast_in_dim3A_215 = vector.broadcast %broadcast_in_dim3A_214 : f32 to vector<16xf32>
    %swap3A_216 = arith.constant 560 : index
    %swap3A_217 = tpu.vector_load %arg4[%swap3A_216] {strides = array<i32>} : memref<640xf32, #tpu.memory_space<vmem>>, vector<16xf32>,
    %swap3A_218 = vector.shape_cast %swap3A_217 : vector<16xf32> to vector<16xf32>
    %swap3A_219 = vector.shape_cast %broadcast_in_dim3A_215 : vector<16xf32> to vector<16xf32>
    tpu.vector_store %arg4[%swap3A_216], %swap3A_219 {strides = array<i32>} : memref<640xf32, #tpu.memory_space<vmem>>, vector<16xf32>,
    %broadcast_in_dim3A_220 = arith.constant 0.000000e+00 : f32
    %broadcast_in_dim3A_221 = vector.broadcast %broadcast_in_dim3A_220 : f32 to vector<16xf32>
    %swap3A_222 = arith.constant 576 : index
    %swap3A_223 = tpu.vector_load %arg4[%swap3A_222] {strides = array<i32>} : memref<640xf32, #tpu.memory_space<vmem>>, vector<16xf32>,
    %swap3A_224 = vector.shape_cast %swap3A_223 : vector<16xf32> to vector<16xf32>
    %swap3A_225 = vector.shape_cast %broadcast_in_dim3A_221 : vector<16xf32> to vector<16xf32>
    tpu.vector_store %arg4[%swap3A_222], %swap3A_225 {strides = array<i32>} : memref<640xf32, #tpu.memory_space<vmem>>, vector<16xf32>,
    %broadcast_in_dim3A_226 = arith.constant 0.000000e+00 : f32
    %broadcast_in_dim3A_227 = vector.broadcast %broadcast_in_dim3A_226 : f32 to vector<16xf32>
    %swap3A_228 = arith.constant 592 : index
    %swap3A_229 = tpu.vector_load %arg4[%swap3A_228] {strides = array<i32>} : memref<640xf32, #tpu.memory_space<vmem>>, vector<16xf32>,
    %swap3A_230 = vector.shape_cast %swap3A_229 : vector<16xf32> to vector<16xf32>
    %swap3A_231 = vector.shape_cast %broadcast_in_dim3A_227 : vector<16xf32> to vector<16xf32>
    tpu.vector_store %arg4[%swap3A_228], %swap3A_231 {strides = array<i32>} : memref<640xf32, #tpu.memory_space<vmem>>, vector<16xf32>,
    %broadcast_in_dim3A_232 = arith.constant 0.000000e+00 : f32
    %broadcast_in_dim3A_233 = vector.broadcast %broadcast_in_dim3A_232 : f32 to vector<16xf32>
    %swap3A_234 = arith.constant 608 : index
    %swap3A_235 = tpu.vector_load %arg4[%swap3A_234] {strides = array<i32>} : memref<640xf32, #tpu.memory_space<vmem>>, vector<16xf32>,
    %swap3A_236 = vector.shape_cast %swap3A_235 : vector<16xf32> to vector<16xf32>
    %swap3A_237 = vector.shape_cast %broadcast_in_dim3A_233 : vector<16xf32> to vector<16xf32>
    tpu.vector_store %arg4[%swap3A_234], %swap3A_237 {strides = array<i32>} : memref<640xf32, #tpu.memory_space<vmem>>, vector<16xf32>,
    %broadcast_in_dim3A_238 = arith.constant 0.000000e+00 : f32
    %broadcast_in_dim3A_239 = vector.broadcast %broadcast_in_dim3A_238 : f32 to vector<16xf32>
    %swap3A_240 = arith.constant 624 : index
    %swap3A_241 = tpu.vector_load %arg4[%swap3A_240] {strides = array<i32>} : memref<640xf32, #tpu.memory_space<vmem>>, vector<16xf32>,
    %swap3A_242 = vector.shape_cast %swap3A_241 : vector<16xf32> to vector<16xf32>
    %swap3A_243 = vector.shape_cast %broadcast_in_dim3A_239 : vector<16xf32> to vector<16xf32>
    tpu.vector_store %arg4[%swap3A_240], %swap3A_243 {strides = array<i32>} : memref<640xf32, #tpu.memory_space<vmem>>, vector<16xf32>,
    %broadcast_in_dim3A_244 = arith.constant 1.000000e+00 : f32
    %broadcast_in_dim3A_245 = vector.broadcast %broadcast_in_dim3A_244 : f32 to vector<16xf32>
    %swap3A_246 = arith.constant 0 : index
    %swap3A_247 = tpu.vector_load %arg5[%swap3A_246] {strides = array<i32>} : memref<128xf32, #tpu.memory_space<vmem>>, vector<16xf32>,
    %swap3A_248 = vector.shape_cast %swap3A_247 : vector<16xf32> to vector<16xf32>
    %swap3A_249 = vector.shape_cast %broadcast_in_dim3A_245 : vector<16xf32> to vector<16xf32>
    tpu.vector_store %arg5[%swap3A_246], %swap3A_249 {strides = array<i32>} : memref<128xf32, #tpu.memory_space<vmem>>, vector<16xf32>,
    %broadcast_in_dim3A_250 = arith.constant 1.000000e+00 : f32
    %broadcast_in_dim3A_251 = vector.broadcast %broadcast_in_dim3A_250 : f32 to vector<16xf32>
    %swap3A_252 = arith.constant 16 : index
    %swap3A_253 = tpu.vector_load %arg5[%swap3A_252] {strides = array<i32>} : memref<128xf32, #tpu.memory_space<vmem>>, vector<16xf32>,
    %swap3A_254 = vector.shape_cast %swap3A_253 : vector<16xf32> to vector<16xf32>
    %swap3A_255 = vector.shape_cast %broadcast_in_dim3A_251 : vector<16xf32> to vector<16xf32>
    tpu.vector_store %arg5[%swap3A_252], %swap3A_255 {strides = array<i32>} : memref<128xf32, #tpu.memory_space<vmem>>, vector<16xf32>,
    %broadcast_in_dim3A_256 = arith.constant 1.000000e+00 : f32
    %broadcast_in_dim3A_257 = vector.broadcast %broadcast_in_dim3A_256 : f32 to vector<16xf32>
    %swap3A_258 = arith.constant 32 : index
    %swap3A_259 = tpu.vector_load %arg5[%swap3A_258] {strides = array<i32>} : memref<128xf32, #tpu.memory_space<vmem>>, vector<16xf32>,
    %swap3A_260 = vector.shape_cast %swap3A_259 : vector<16xf32> to vector<16xf32>
    %swap3A_261 = vector.shape_cast %broadcast_in_dim3A_257 : vector<16xf32> to vector<16xf32>
    tpu.vector_store %arg5[%swap3A_258], %swap3A_261 {strides = array<i32>} : memref<128xf32, #tpu.memory_space<vmem>>, vector<16xf32>,
    %broadcast_in_dim3A_262 = arith.constant 1.000000e+00 : f32
    %broadcast_in_dim3A_263 = vector.broadcast %broadcast_in_dim3A_262 : f32 to vector<16xf32>
    %swap3A_264 = arith.constant 48 : index
    %swap3A_265 = tpu.vector_load %arg5[%swap3A_264] {strides = array<i32>} : memref<128xf32, #tpu.memory_space<vmem>>, vector<16xf32>,
    %swap3A_266 = vector.shape_cast %swap3A_265 : vector<16xf32> to vector<16xf32>
    %swap3A_267 = vector.shape_cast %broadcast_in_dim3A_263 : vector<16xf32> to vector<16xf32>
    tpu.vector_store %arg5[%swap3A_264], %swap3A_267 {strides = array<i32>} : memref<128xf32, #tpu.memory_space<vmem>>, vector<16xf32>,
    %broadcast_in_dim3A_268 = arith.constant 1.000000e+00 : f32
    %broadcast_in_dim3A_269 = vector.broadcast %broadcast_in_dim3A_268 : f32 to vector<16xf32>
    %swap3A_270 = arith.constant 64 : index
    %swap3A_271 = tpu.vector_load %arg5[%swap3A_270] {strides = array<i32>} : memref<128xf32, #tpu.memory_space<vmem>>, vector<16xf32>,
    %swap3A_272 = vector.shape_cast %swap3A_271 : vector<16xf32> to vector<16xf32>
    %swap3A_273 = vector.shape_cast %broadcast_in_dim3A_269 : vector<16xf32> to vector<16xf32>
    tpu.vector_store %arg5[%swap3A_270], %swap3A_273 {strides = array<i32>} : memref<128xf32, #tpu.memory_space<vmem>>, vector<16xf32>,
    %broadcast_in_dim3A_274 = arith.constant 1.000000e+00 : f32
    %broadcast_in_dim3A_275 = vector.broadcast %broadcast_in_dim3A_274 : f32 to vector<16xf32>
    %swap3A_276 = arith.constant 80 : index
    %swap3A_277 = tpu.vector_load %arg5[%swap3A_276] {strides = array<i32>} : memref<128xf32, #tpu.memory_space<vmem>>, vector<16xf32>,
    %swap3A_278 = vector.shape_cast %swap3A_277 : vector<16xf32> to vector<16xf32>
    %swap3A_279 = vector.shape_cast %broadcast_in_dim3A_275 : vector<16xf32> to vector<16xf32>
    tpu.vector_store %arg5[%swap3A_276], %swap3A_279 {strides = array<i32>} : memref<128xf32, #tpu.memory_space<vmem>>, vector<16xf32>,
    %broadcast_in_dim3A_280 = arith.constant 1.000000e+00 : f32
    %broadcast_in_dim3A_281 = vector.broadcast %broadcast_in_dim3A_280 : f32 to vector<16xf32>
    %swap3A_282 = arith.constant 96 : index
    %swap3A_283 = tpu.vector_load %arg5[%swap3A_282] {strides = array<i32>} : memref<128xf32, #tpu.memory_space<vmem>>, vector<16xf32>,
    %swap3A_284 = vector.shape_cast %swap3A_283 : vector<16xf32> to vector<16xf32>
    %swap3A_285 = vector.shape_cast %broadcast_in_dim3A_281 : vector<16xf32> to vector<16xf32>
    tpu.vector_store %arg5[%swap3A_282], %swap3A_285 {strides = array<i32>} : memref<128xf32, #tpu.memory_space<vmem>>, vector<16xf32>,
    %broadcast_in_dim3A_286 = arith.constant 1.000000e+00 : f32
    %broadcast_in_dim3A_287 = vector.broadcast %broadcast_in_dim3A_286 : f32 to vector<16xf32>
    %swap3A_288 = arith.constant 112 : index
    %swap3A_289 = tpu.vector_load %arg5[%swap3A_288] {strides = array<i32>} : memref<128xf32, #tpu.memory_space<vmem>>, vector<16xf32>,
    %swap3A_290 = vector.shape_cast %swap3A_289 : vector<16xf32> to vector<16xf32>
    %swap3A_291 = vector.shape_cast %broadcast_in_dim3A_287 : vector<16xf32> to vector<16xf32>
    tpu.vector_store %arg5[%swap3A_288], %swap3A_291 {strides = array<i32>} : memref<128xf32, #tpu.memory_space<vmem>>, vector<16xf32>,
    %mul3A_292 = arith.constant 640 : i32
    %mul3A_293 = arith.muli %arg1, %mul3A_292 : i32
    "tpu.region"() ({
      %run_scoped3A = tpu.sem_alloc : memref<!tpu.dma_semaphore, #tpu.memory_space<semaphore_mem>>
      %dma_start3A_307 = tpu.memref_slice %arg7[%mul3A_293] : memref<10240xf32, #tpu.memory_space<vmem_shared>> -> memref<640xf32, #tpu.memory_space<vmem_shared>>
      %dma_start3A_308 = tpu.memref_slice %arg7[%mul3A_293] : memref<10240xf32, #tpu.memory_space<vmem_shared>> -> memref<640xf32, #tpu.memory_space<vmem_shared>>
      tpu.enqueue_dma source(%arg4 : memref<640xf32, #tpu.memory_space<vmem>>) target(%dma_start3A_308 : memref<640xf32, #tpu.memory_space<vmem_shared>>) target_semaphore(%run_scoped3A : memref<!tpu.dma_semaphore, #tpu.memory_space<semaphore_mem>>)
      %dma_wait3A_309 = tpu.memref_slice %arg7[%mul3A_293] : memref<10240xf32, #tpu.memory_space<vmem_shared>> -> memref<640xf32, #tpu.memory_space<vmem_shared>>
      %dma_wait3A_310 = tpu.memref_slice %arg7[%mul3A_293] : memref<10240xf32, #tpu.memory_space<vmem_shared>> -> memref<640xf32, #tpu.memory_space<vmem_shared>>
      tpu.wait_dma2 semaphore(%run_scoped3A : memref<!tpu.dma_semaphore, #tpu.memory_space<semaphore_mem>>) src(%arg4 : memref<640xf32, #tpu.memory_space<vmem>>) dst(%dma_wait3A_310 : memref<640xf32, #tpu.memory_space<vmem_shared>>)
      tpu.yield
    }) : () -> ()
    %dma_wait3A = arith.constant 0 : i32
    %dma_wait3A_294 = tpu.memref_slice %arg2[%mul3A_2, %dma_wait3A] : memref<2560x128xi32, #tpu.memory_space<hbm>> -> memref<80x128xi32, #tpu.memory_space<hbm>>
    %dma_wait3A_295 = arith.constant 0 : i32
    %dma_wait3A_296 = tpu.memref_slice %arg2[%mul3A_2, %dma_wait3A_295] : memref<2560x128xi32, #tpu.memory_space<hbm>> -> memref<80x128xi32, #tpu.memory_space<hbm>>
    tpu.wait_dma2 semaphore(%arg9 : memref<!tpu.dma_semaphore, #tpu.memory_space<semaphore_mem>>) src(%dma_wait3A_296 : memref<80x128xi32, #tpu.memory_space<hbm>>) dst(%arg6 : memref<80x128xi32, #tpu.memory_space<vmem>>)
    %barrier3A = arith.constant 0 : index
    tpu.barrier barrier_id(%barrier3A)
    %scan3A = arith.constant 0 : i32
    %scan3A_297 = arith.constant 0 : i32
    %scan3A_298 = arith.constant 20 : i32
    %scan3A_299 = arith.addi %scan3A_297, %scan3A_298 : i32
    %scan3A_300 = arith.constant 1 : i32
    scf.for %scan3A_307 = %scan3A_297 to %scan3A_299 step %scan3A_300  : i32 {
      %mul3A_308 = arith.constant 4 : i32
      %mul3A_309 = arith.muli %scan3A_307, %mul3A_308 : i32
      %add3A_310 = arith.constant 0 : i32
      %add3A_311 = arith.addi %mul3A_309, %add3A_310 : i32
      %dma_start3A_312 = arith.constant 0 : i32
      %dma_start3A_313 = tpu.memref_slice %arg6[%add3A_311, %dma_start3A_312] : memref<80x128xi32, #tpu.memory_space<vmem>> -> memref<1x128xi32, #tpu.memory_space<vmem>>
      %dma_start3A_314 = tpu.memref_squeeze %dma_start3A_313 : memref<1x128xi32, #tpu.memory_space<vmem>> -> memref<128xi32, #tpu.memory_space<vmem>>
      %dma_start3A_315 = arith.constant 0 : i32
      %dma_start3A_316 = tpu.memref_slice %arg7[%dma_start3A_315] : memref<10240xf32, #tpu.memory_space<vmem_shared>> -> memref<10240xf32, #tpu.memory_space<vmem_shared>>
      tpu.enqueue_indirect_dma source(%arg5 : memref<128xf32, #tpu.memory_space<vmem>>) target(%dma_start3A_316 : memref<10240xf32, #tpu.memory_space<vmem_shared>>) offsets(%dma_start3A_314 : memref<128xi32, #tpu.memory_space<vmem>>) semaphore(%arg8 : memref<!tpu.dma_semaphore, #tpu.memory_space<semaphore_mem>>) {add = true}
      %mul3A_317 = arith.constant 4 : i32
      %mul3A_318 = arith.muli %scan3A_307, %mul3A_317 : i32
      %add3A_319 = arith.constant 1 : i32
      %add3A_320 = arith.addi %mul3A_318, %add3A_319 : i32
      %dma_start3A_321 = arith.constant 0 : i32
      %dma_start3A_322 = tpu.memref_slice %arg6[%add3A_320, %dma_start3A_321] : memref<80x128xi32, #tpu.memory_space<vmem>> -> memref<1x128xi32, #tpu.memory_space<vmem>>
      %dma_start3A_323 = tpu.memref_squeeze %dma_start3A_322 : memref<1x128xi32, #tpu.memory_space<vmem>> -> memref<128xi32, #tpu.memory_space<vmem>>
      %dma_start3A_324 = arith.constant 0 : i32
      %dma_start3A_325 = tpu.memref_slice %arg7[%dma_start3A_324] : memref<10240xf32, #tpu.memory_space<vmem_shared>> -> memref<10240xf32, #tpu.memory_space<vmem_shared>>
      tpu.enqueue_indirect_dma source(%arg5 : memref<128xf32, #tpu.memory_space<vmem>>) target(%dma_start3A_325 : memref<10240xf32, #tpu.memory_space<vmem_shared>>) offsets(%dma_start3A_323 : memref<128xi32, #tpu.memory_space<vmem>>) semaphore(%arg8 : memref<!tpu.dma_semaphore, #tpu.memory_space<semaphore_mem>>) {add = true}
      %mul3A_326 = arith.constant 4 : i32
      %mul3A_327 = arith.muli %scan3A_307, %mul3A_326 : i32
      %add3A_328 = arith.constant 2 : i32
      %add3A_329 = arith.addi %mul3A_327, %add3A_328 : i32
      %dma_start3A_330 = arith.constant 0 : i32
      %dma_start3A_331 = tpu.memref_slice %arg6[%add3A_329, %dma_start3A_330] : memref<80x128xi32, #tpu.memory_space<vmem>> -> memref<1x128xi32, #tpu.memory_space<vmem>>
      %dma_start3A_332 = tpu.memref_squeeze %dma_start3A_331 : memref<1x128xi32, #tpu.memory_space<vmem>> -> memref<128xi32, #tpu.memory_space<vmem>>
      %dma_start3A_333 = arith.constant 0 : i32
      %dma_start3A_334 = tpu.memref_slice %arg7[%dma_start3A_333] : memref<10240xf32, #tpu.memory_space<vmem_shared>> -> memref<10240xf32, #tpu.memory_space<vmem_shared>>
      tpu.enqueue_indirect_dma source(%arg5 : memref<128xf32, #tpu.memory_space<vmem>>) target(%dma_start3A_334 : memref<10240xf32, #tpu.memory_space<vmem_shared>>) offsets(%dma_start3A_332 : memref<128xi32, #tpu.memory_space<vmem>>) semaphore(%arg8 : memref<!tpu.dma_semaphore, #tpu.memory_space<semaphore_mem>>) {add = true}
      %mul3A_335 = arith.constant 4 : i32
      %mul3A_336 = arith.muli %scan3A_307, %mul3A_335 : i32
      %add3A_337 = arith.constant 3 : i32
      %add3A_338 = arith.addi %mul3A_336, %add3A_337 : i32
      %dma_start3A_339 = arith.constant 0 : i32
      %dma_start3A_340 = tpu.memref_slice %arg6[%add3A_338, %dma_start3A_339] : memref<80x128xi32, #tpu.memory_space<vmem>> -> memref<1x128xi32, #tpu.memory_space<vmem>>
      %dma_start3A_341 = tpu.memref_squeeze %dma_start3A_340 : memref<1x128xi32, #tpu.memory_space<vmem>> -> memref<128xi32, #tpu.memory_space<vmem>>
      %dma_start3A_342 = arith.constant 0 : i32
      %dma_start3A_343 = tpu.memref_slice %arg7[%dma_start3A_342] : memref<10240xf32, #tpu.memory_space<vmem_shared>> -> memref<10240xf32, #tpu.memory_space<vmem_shared>>
      tpu.enqueue_indirect_dma source(%arg5 : memref<128xf32, #tpu.memory_space<vmem>>) target(%dma_start3A_343 : memref<10240xf32, #tpu.memory_space<vmem_shared>>) offsets(%dma_start3A_341 : memref<128xi32, #tpu.memory_space<vmem>>) semaphore(%arg8 : memref<!tpu.dma_semaphore, #tpu.memory_space<semaphore_mem>>) {add = true}
      %dma_wait3A_344 = arith.constant 0 : i32
      %dma_wait3A_345 = arith.constant 0 : i32
      %dma_wait3A_346 = tpu.memref_slice %arg6[%dma_wait3A_344, %dma_wait3A_345] : memref<80x128xi32, #tpu.memory_space<vmem>> -> memref<1x128xi32, #tpu.memory_space<vmem>>
      %dma_wait3A_347 = tpu.memref_squeeze %dma_wait3A_346 : memref<1x128xi32, #tpu.memory_space<vmem>> -> memref<128xi32, #tpu.memory_space<vmem>>
      %dma_wait3A_348 = arith.constant 0 : i32
      %dma_wait3A_349 = tpu.memref_slice %arg7[%dma_wait3A_348] : memref<10240xf32, #tpu.memory_space<vmem_shared>> -> memref<10240xf32, #tpu.memory_space<vmem_shared>>
      tpu.wait_indirect_dma semaphore(%arg8 : memref<!tpu.dma_semaphore, #tpu.memory_space<semaphore_mem>>) src(%arg5 : memref<128xf32, #tpu.memory_space<vmem>>) dst(%dma_wait3A_349 : memref<10240xf32, #tpu.memory_space<vmem_shared>>)
      %dma_wait3A_350 = arith.constant 0 : i32
      %dma_wait3A_351 = arith.constant 0 : i32
      %dma_wait3A_352 = tpu.memref_slice %arg6[%dma_wait3A_350, %dma_wait3A_351] : memref<80x128xi32, #tpu.memory_space<vmem>> -> memref<1x128xi32, #tpu.memory_space<vmem>>
      %dma_wait3A_353 = tpu.memref_squeeze %dma_wait3A_352 : memref<1x128xi32, #tpu.memory_space<vmem>> -> memref<128xi32, #tpu.memory_space<vmem>>
      %dma_wait3A_354 = arith.constant 0 : i32
      %dma_wait3A_355 = tpu.memref_slice %arg7[%dma_wait3A_354] : memref<10240xf32, #tpu.memory_space<vmem_shared>> -> memref<10240xf32, #tpu.memory_space<vmem_shared>>
      tpu.wait_indirect_dma semaphore(%arg8 : memref<!tpu.dma_semaphore, #tpu.memory_space<semaphore_mem>>) src(%arg5 : memref<128xf32, #tpu.memory_space<vmem>>) dst(%dma_wait3A_355 : memref<10240xf32, #tpu.memory_space<vmem_shared>>)
      %dma_wait3A_356 = arith.constant 0 : i32
      %dma_wait3A_357 = arith.constant 0 : i32
      %dma_wait3A_358 = tpu.memref_slice %arg6[%dma_wait3A_356, %dma_wait3A_357] : memref<80x128xi32, #tpu.memory_space<vmem>> -> memref<1x128xi32, #tpu.memory_space<vmem>>
      %dma_wait3A_359 = tpu.memref_squeeze %dma_wait3A_358 : memref<1x128xi32, #tpu.memory_space<vmem>> -> memref<128xi32, #tpu.memory_space<vmem>>
      %dma_wait3A_360 = arith.constant 0 : i32
      %dma_wait3A_361 = tpu.memref_slice %arg7[%dma_wait3A_360] : memref<10240xf32, #tpu.memory_space<vmem_shared>> -> memref<10240xf32, #tpu.memory_space<vmem_shared>>
      tpu.wait_indirect_dma semaphore(%arg8 : memref<!tpu.dma_semaphore, #tpu.memory_space<semaphore_mem>>) src(%arg5 : memref<128xf32, #tpu.memory_space<vmem>>) dst(%dma_wait3A_361 : memref<10240xf32, #tpu.memory_space<vmem_shared>>)
      %dma_wait3A_362 = arith.constant 0 : i32
      %dma_wait3A_363 = arith.constant 0 : i32
      %dma_wait3A_364 = tpu.memref_slice %arg6[%dma_wait3A_362, %dma_wait3A_363] : memref<80x128xi32, #tpu.memory_space<vmem>> -> memref<1x128xi32, #tpu.memory_space<vmem>>
      %dma_wait3A_365 = tpu.memref_squeeze %dma_wait3A_364 : memref<1x128xi32, #tpu.memory_space<vmem>> -> memref<128xi32, #tpu.memory_space<vmem>>
      %dma_wait3A_366 = arith.constant 0 : i32
      %dma_wait3A_367 = tpu.memref_slice %arg7[%dma_wait3A_366] : memref<10240xf32, #tpu.memory_space<vmem_shared>> -> memref<10240xf32, #tpu.memory_space<vmem_shared>>
      tpu.wait_indirect_dma semaphore(%arg8 : memref<!tpu.dma_semaphore, #tpu.memory_space<semaphore_mem>>) src(%arg5 : memref<128xf32, #tpu.memory_space<vmem>>) dst(%dma_wait3A_367 : memref<10240xf32, #tpu.memory_space<vmem_shared>>)
    }
    %scan3A_301 = arith.constant 20 : i32
    %barrier3A_302 = arith.constant 0 : index
    tpu.barrier barrier_id(%barrier3A_302)
    %mul3A_303 = arith.constant 640 : i32
    %mul3A_304 = arith.muli %arg1, %mul3A_303 : i32
    "tpu.region"() ({
      %run_scoped3A = tpu.sem_alloc : memref<!tpu.dma_semaphore, #tpu.memory_space<semaphore_mem>>
      %dma_start3A_307 = tpu.memref_slice %arg7[%mul3A_304] : memref<10240xf32, #tpu.memory_space<vmem_shared>> -> memref<640xf32, #tpu.memory_space<vmem_shared>>
      %dma_start3A_308 = tpu.memref_slice %arg7[%mul3A_304] : memref<10240xf32, #tpu.memory_space<vmem_shared>> -> memref<640xf32, #tpu.memory_space<vmem_shared>>
      tpu.enqueue_dma source(%dma_start3A_308 : memref<640xf32, #tpu.memory_space<vmem_shared>>) target(%arg4 : memref<640xf32, #tpu.memory_space<vmem>>) target_semaphore(%run_scoped3A : memref<!tpu.dma_semaphore, #tpu.memory_space<semaphore_mem>>)
      %dma_wait3A_309 = tpu.memref_slice %arg7[%mul3A_304] : memref<10240xf32, #tpu.memory_space<vmem_shared>> -> memref<640xf32, #tpu.memory_space<vmem_shared>>
      %dma_wait3A_310 = tpu.memref_slice %arg7[%mul3A_304] : memref<10240xf32, #tpu.memory_space<vmem_shared>> -> memref<640xf32, #tpu.memory_space<vmem_shared>>
      tpu.wait_dma2 semaphore(%run_scoped3A : memref<!tpu.dma_semaphore, #tpu.memory_space<semaphore_mem>>) src(%dma_wait3A_310 : memref<640xf32, #tpu.memory_space<vmem_shared>>) dst(%arg4 : memref<640xf32, #tpu.memory_space<vmem>>)
      tpu.yield
    }) : () -> ()
    %mul3A_305 = arith.constant 640 : i32
    %mul3A_306 = arith.muli %arg1, %mul3A_305 : i32
    "tpu.region"() ({
      %run_scoped3A = tpu.sem_alloc : memref<!tpu.dma_semaphore, #tpu.memory_space<semaphore_mem>>
      %dma_start3A_307 = tpu.memref_slice %arg3[%arg0, %mul3A_306] : memref<2x10240xf32, #tpu.memory_space<hbm>> -> memref<1x640xf32, #tpu.memory_space<hbm>>
      %dma_start3A_308 = tpu.memref_squeeze %dma_start3A_307 : memref<1x640xf32, #tpu.memory_space<hbm>> -> memref<640xf32, #tpu.memory_space<hbm>>
      %dma_start3A_309 = tpu.memref_slice %arg3[%arg0, %mul3A_306] : memref<2x10240xf32, #tpu.memory_space<hbm>> -> memref<1x640xf32, #tpu.memory_space<hbm>>
      %dma_start3A_310 = tpu.memref_squeeze %dma_start3A_309 : memref<1x640xf32, #tpu.memory_space<hbm>> -> memref<640xf32, #tpu.memory_space<hbm>>
      tpu.enqueue_dma source(%arg4 : memref<640xf32, #tpu.memory_space<vmem>>) target(%dma_start3A_310 : memref<640xf32, #tpu.memory_space<hbm>>) target_semaphore(%run_scoped3A : memref<!tpu.dma_semaphore, #tpu.memory_space<semaphore_mem>>)
      %dma_wait3A_311 = tpu.memref_slice %arg3[%arg0, %mul3A_306] : memref<2x10240xf32, #tpu.memory_space<hbm>> -> memref<1x640xf32, #tpu.memory_space<hbm>>
      %dma_wait3A_312 = tpu.memref_squeeze %dma_wait3A_311 : memref<1x640xf32, #tpu.memory_space<hbm>> -> memref<640xf32, #tpu.memory_space<hbm>>
      %dma_wait3A_313 = tpu.memref_slice %arg3[%arg0, %mul3A_306] : memref<2x10240xf32, #tpu.memory_space<hbm>> -> memref<1x640xf32, #tpu.memory_space<hbm>>
      %dma_wait3A_314 = tpu.memref_squeeze %dma_wait3A_313 : memref<1x640xf32, #tpu.memory_space<hbm>> -> memref<640xf32, #tpu.memory_space<hbm>>
      tpu.wait_dma2 semaphore(%run_scoped3A : memref<!tpu.dma_semaphore, #tpu.memory_space<semaphore_mem>>) src(%arg4 : memref<640xf32, #tpu.memory_space<vmem>>) dst(%dma_wait3A_314 : memref<640xf32, #tpu.memory_space<hbm>>)
      tpu.yield
    }) : () -> ()
    return
  }
}

#map = affine_map<(d0, d1) -> (0, 0)>
#map1 = affine_map<(d0, d1) -> (0, 0, 0)>
module attributes {stable_mosaic.version = 14 : i64} {
  func.func @_scat_body(%arg0: i32, %arg1: i32, %arg2: memref<10240x128xf32, #tpu.memory_space<hbm>>, %arg3: memref<2560x128xi32, #tpu.memory_space<hbm>>, %arg4: memref<2560x128xi32, #tpu.memory_space<hbm>>, %arg5: memref<2x10240x128xf32, #tpu.memory_space<hbm>>, %arg6: memref<128x128xf32, #tpu.memory_space<vmem>>, %arg7: memref<128x128xf32, #tpu.memory_space<vmem>>, %arg8: memref<128xi32, #tpu.memory_space<vmem>>, %arg9: memref<128xi32, #tpu.memory_space<vmem>>, %arg10: memref<128xi32, #tpu.memory_space<vmem>>, %arg11: memref<128xi32, #tpu.memory_space<vmem>>, %arg12: memref<128xi32, #tpu.memory_space<vmem>>, %arg13: memref<128xi32, #tpu.memory_space<vmem>>, %arg14: memref<128xi32, #tpu.memory_space<vmem>>, %arg15: memref<128xi32, #tpu.memory_space<vmem>>, %arg16: memref<10240x128xf32, #tpu.memory_space<vmem_shared>>, %arg17: memref<!tpu.dma_semaphore, #tpu.memory_space<semaphore_mem>>, %arg18: memref<!tpu.dma_semaphore, #tpu.memory_space<semaphore_mem>>, %arg19: memref<!tpu.dma_semaphore, #tpu.memory_space<semaphore_mem>>, %arg20: memref<!tpu.dma_semaphore, #tpu.memory_space<semaphore_mem>>, %arg21: memref<!tpu.dma_semaphore, #tpu.memory_space<semaphore_mem>>, %arg22: memref<!tpu.dma_semaphore, #tpu.memory_space<semaphore_mem>>, %arg23: memref<!tpu.dma_semaphore, #tpu.memory_space<semaphore_mem>>, %arg24: memref<!tpu.dma_semaphore, #tpu.memory_space<semaphore_mem>>) attributes {dimension_semantics = [#tpu.dimension_semantics<core_parallel>, #tpu.dimension_semantics<subcore_parallel>], iteration_bounds = array<i64: 2, 16>, scalar_prefetch = 0 : i64, scratch_operands = 19 : i64, tpu.core_type = #tpu.core_type<sc_vector_subcore>, window_params = [{transform_indices = #map}, {transform_indices = #map}, {transform_indices = #map}, {transform_indices = #map1}]} {
    %mul3A = arith.constant 2 : i32
    %mul3A_0 = arith.muli %arg1, %mul3A : i32
    %add3A = arith.addi %mul3A_0, %arg0 : i32
    %mul3A_1 = arith.constant 640 : i32
    %mul3A_2 = arith.muli %arg1, %mul3A_1 : i32
    %mul3A_3 = arith.constant 80 : i32
    %mul3A_4 = arith.muli %add3A, %mul3A_3 : i32
    %add3A_5 = arith.constant 0 : i32
    %add3A_6 = arith.addi %mul3A_4, %add3A_5 : i32
    %dma_start3A = arith.constant 0 : i32
    %dma_start3A_7 = tpu.memref_slice %arg3[%add3A_6, %dma_start3A] : memref<2560x128xi32, #tpu.memory_space<hbm>> -> memref<1x128xi32, #tpu.memory_space<hbm>>
    %dma_start3A_8 = tpu.memref_squeeze %dma_start3A_7 : memref<1x128xi32, #tpu.memory_space<hbm>> -> memref<128xi32, #tpu.memory_space<hbm>>
    %dma_start3A_9 = arith.constant 0 : i32
    %dma_start3A_10 = tpu.memref_slice %arg3[%add3A_6, %dma_start3A_9] : memref<2560x128xi32, #tpu.memory_space<hbm>> -> memref<1x128xi32, #tpu.memory_space<hbm>>
    %dma_start3A_11 = tpu.memref_squeeze %dma_start3A_10 : memref<1x128xi32, #tpu.memory_space<hbm>> -> memref<128xi32, #tpu.memory_space<hbm>>
    tpu.enqueue_dma source(%dma_start3A_11 : memref<128xi32, #tpu.memory_space<hbm>>) target(%arg8 : memref<128xi32, #tpu.memory_space<vmem>>) target_semaphore(%arg19 : memref<!tpu.dma_semaphore, #tpu.memory_space<semaphore_mem>>)
    %add3A_12 = arith.constant 0 : i32
    %add3A_13 = arith.addi %mul3A_4, %add3A_12 : i32
    %dma_start3A_14 = arith.constant 0 : i32
    %dma_start3A_15 = tpu.memref_slice %arg4[%add3A_13, %dma_start3A_14] : memref<2560x128xi32, #tpu.memory_space<hbm>> -> memref<1x128xi32, #tpu.memory_space<hbm>>
    %dma_start3A_16 = tpu.memref_squeeze %dma_start3A_15 : memref<1x128xi32, #tpu.memory_space<hbm>> -> memref<128xi32, #tpu.memory_space<hbm>>
    %dma_start3A_17 = arith.constant 0 : i32
    %dma_start3A_18 = tpu.memref_slice %arg4[%add3A_13, %dma_start3A_17] : memref<2560x128xi32, #tpu.memory_space<hbm>> -> memref<1x128xi32, #tpu.memory_space<hbm>>
    %dma_start3A_19 = tpu.memref_squeeze %dma_start3A_18 : memref<1x128xi32, #tpu.memory_space<hbm>> -> memref<128xi32, #tpu.memory_space<hbm>>
    tpu.enqueue_dma source(%dma_start3A_19 : memref<128xi32, #tpu.memory_space<hbm>>) target(%arg12 : memref<128xi32, #tpu.memory_space<vmem>>) target_semaphore(%arg19 : memref<!tpu.dma_semaphore, #tpu.memory_space<semaphore_mem>>)
    %add3A_20 = arith.constant 1 : i32
    %add3A_21 = arith.addi %mul3A_4, %add3A_20 : i32
    %dma_start3A_22 = arith.constant 0 : i32
    %dma_start3A_23 = tpu.memref_slice %arg3[%add3A_21, %dma_start3A_22] : memref<2560x128xi32, #tpu.memory_space<hbm>> -> memref<1x128xi32, #tpu.memory_space<hbm>>
    %dma_start3A_24 = tpu.memref_squeeze %dma_start3A_23 : memref<1x128xi32, #tpu.memory_space<hbm>> -> memref<128xi32, #tpu.memory_space<hbm>>
    %dma_start3A_25 = arith.constant 0 : i32
    %dma_start3A_26 = tpu.memref_slice %arg3[%add3A_21, %dma_start3A_25] : memref<2560x128xi32, #tpu.memory_space<hbm>> -> memref<1x128xi32, #tpu.memory_space<hbm>>
    %dma_start3A_27 = tpu.memref_squeeze %dma_start3A_26 : memref<1x128xi32, #tpu.memory_space<hbm>> -> memref<128xi32, #tpu.memory_space<hbm>>
    tpu.enqueue_dma source(%dma_start3A_27 : memref<128xi32, #tpu.memory_space<hbm>>) target(%arg9 : memref<128xi32, #tpu.memory_space<vmem>>) target_semaphore(%arg20 : memref<!tpu.dma_semaphore, #tpu.memory_space<semaphore_mem>>)
    %add3A_28 = arith.constant 1 : i32
    %add3A_29 = arith.addi %mul3A_4, %add3A_28 : i32
    %dma_start3A_30 = arith.constant 0 : i32
    %dma_start3A_31 = tpu.memref_slice %arg4[%add3A_29, %dma_start3A_30] : memref<2560x128xi32, #tpu.memory_space<hbm>> -> memref<1x128xi32, #tpu.memory_space<hbm>>
    %dma_start3A_32 = tpu.memref_squeeze %dma_start3A_31 : memref<1x128xi32, #tpu.memory_space<hbm>> -> memref<128xi32, #tpu.memory_space<hbm>>
    %dma_start3A_33 = arith.constant 0 : i32
    %dma_start3A_34 = tpu.memref_slice %arg4[%add3A_29, %dma_start3A_33] : memref<2560x128xi32, #tpu.memory_space<hbm>> -> memref<1x128xi32, #tpu.memory_space<hbm>>
    %dma_start3A_35 = tpu.memref_squeeze %dma_start3A_34 : memref<1x128xi32, #tpu.memory_space<hbm>> -> memref<128xi32, #tpu.memory_space<hbm>>
    tpu.enqueue_dma source(%dma_start3A_35 : memref<128xi32, #tpu.memory_space<hbm>>) target(%arg13 : memref<128xi32, #tpu.memory_space<vmem>>) target_semaphore(%arg20 : memref<!tpu.dma_semaphore, #tpu.memory_space<semaphore_mem>>)
    %add3A_36 = arith.constant 0 : i32
    %add3A_37 = arith.addi %mul3A_2, %add3A_36 : i32
    "tpu.region"() ({
      %run_scoped3A = tpu.sem_alloc : memref<!tpu.dma_semaphore, #tpu.memory_space<semaphore_mem>>
      %dma_start3A_104 = arith.constant 0 : i32
      %dma_start3A_105 = tpu.memref_slice %arg2[%add3A_37, %dma_start3A_104] : memref<10240x128xf32, #tpu.memory_space<hbm>> -> memref<128x128xf32, #tpu.memory_space<hbm>>
      %dma_start3A_106 = arith.constant 0 : i32
      %dma_start3A_107 = tpu.memref_slice %arg2[%add3A_37, %dma_start3A_106] : memref<10240x128xf32, #tpu.memory_space<hbm>> -> memref<128x128xf32, #tpu.memory_space<hbm>>
      tpu.enqueue_dma source(%dma_start3A_107 : memref<128x128xf32, #tpu.memory_space<hbm>>) target(%arg6 : memref<128x128xf32, #tpu.memory_space<vmem>>) target_semaphore(%run_scoped3A : memref<!tpu.dma_semaphore, #tpu.memory_space<semaphore_mem>>)
      %dma_wait3A_108 = arith.constant 0 : i32
      %dma_wait3A_109 = tpu.memref_slice %arg2[%add3A_37, %dma_wait3A_108] : memref<10240x128xf32, #tpu.memory_space<hbm>> -> memref<128x128xf32, #tpu.memory_space<hbm>>
      %dma_wait3A_110 = arith.constant 0 : i32
      %dma_wait3A_111 = tpu.memref_slice %arg2[%add3A_37, %dma_wait3A_110] : memref<10240x128xf32, #tpu.memory_space<hbm>> -> memref<128x128xf32, #tpu.memory_space<hbm>>
      tpu.wait_dma2 semaphore(%run_scoped3A : memref<!tpu.dma_semaphore, #tpu.memory_space<semaphore_mem>>) src(%dma_wait3A_111 : memref<128x128xf32, #tpu.memory_space<hbm>>) dst(%arg6 : memref<128x128xf32, #tpu.memory_space<vmem>>)
      tpu.yield
    }) : () -> ()
    %add3A_38 = arith.constant 0 : i32
    %add3A_39 = arith.addi %mul3A_2, %add3A_38 : i32
    "tpu.region"() ({
      %run_scoped3A = tpu.sem_alloc : memref<!tpu.dma_semaphore, #tpu.memory_space<semaphore_mem>>
      %dma_start3A_104 = arith.constant 0 : i32
      %dma_start3A_105 = tpu.memref_slice %arg16[%add3A_39, %dma_start3A_104] : memref<10240x128xf32, #tpu.memory_space<vmem_shared>> -> memref<128x128xf32, #tpu.memory_space<vmem_shared>>
      %dma_start3A_106 = arith.constant 0 : i32
      %dma_start3A_107 = tpu.memref_slice %arg16[%add3A_39, %dma_start3A_106] : memref<10240x128xf32, #tpu.memory_space<vmem_shared>> -> memref<128x128xf32, #tpu.memory_space<vmem_shared>>
      tpu.enqueue_dma source(%arg6 : memref<128x128xf32, #tpu.memory_space<vmem>>) target(%dma_start3A_107 : memref<128x128xf32, #tpu.memory_space<vmem_shared>>) target_semaphore(%run_scoped3A : memref<!tpu.dma_semaphore, #tpu.memory_space<semaphore_mem>>)
      %dma_wait3A_108 = arith.constant 0 : i32
      %dma_wait3A_109 = tpu.memref_slice %arg16[%add3A_39, %dma_wait3A_108] : memref<10240x128xf32, #tpu.memory_space<vmem_shared>> -> memref<128x128xf32, #tpu.memory_space<vmem_shared>>
      %dma_wait3A_110 = arith.constant 0 : i32
      %dma_wait3A_111 = tpu.memref_slice %arg16[%add3A_39, %dma_wait3A_110] : memref<10240x128xf32, #tpu.memory_space<vmem_shared>> -> memref<128x128xf32, #tpu.memory_space<vmem_shared>>
      tpu.wait_dma2 semaphore(%run_scoped3A : memref<!tpu.dma_semaphore, #tpu.memory_space<semaphore_mem>>) src(%arg6 : memref<128x128xf32, #tpu.memory_space<vmem>>) dst(%dma_wait3A_111 : memref<128x128xf32, #tpu.memory_space<vmem_shared>>)
      tpu.yield
    }) : () -> ()
    %add3A_40 = arith.constant 128 : i32
    %add3A_41 = arith.addi %mul3A_2, %add3A_40 : i32
    "tpu.region"() ({
      %run_scoped3A = tpu.sem_alloc : memref<!tpu.dma_semaphore, #tpu.memory_space<semaphore_mem>>
      %dma_start3A_104 = arith.constant 0 : i32
      %dma_start3A_105 = tpu.memref_slice %arg2[%add3A_41, %dma_start3A_104] : memref<10240x128xf32, #tpu.memory_space<hbm>> -> memref<128x128xf32, #tpu.memory_space<hbm>>
      %dma_start3A_106 = arith.constant 0 : i32
      %dma_start3A_107 = tpu.memref_slice %arg2[%add3A_41, %dma_start3A_106] : memref<10240x128xf32, #tpu.memory_space<hbm>> -> memref<128x128xf32, #tpu.memory_space<hbm>>
      tpu.enqueue_dma source(%dma_start3A_107 : memref<128x128xf32, #tpu.memory_space<hbm>>) target(%arg7 : memref<128x128xf32, #tpu.memory_space<vmem>>) target_semaphore(%run_scoped3A : memref<!tpu.dma_semaphore, #tpu.memory_space<semaphore_mem>>)
      %dma_wait3A_108 = arith.constant 0 : i32
      %dma_wait3A_109 = tpu.memref_slice %arg2[%add3A_41, %dma_wait3A_108] : memref<10240x128xf32, #tpu.memory_space<hbm>> -> memref<128x128xf32, #tpu.memory_space<hbm>>
      %dma_wait3A_110 = arith.constant 0 : i32
      %dma_wait3A_111 = tpu.memref_slice %arg2[%add3A_41, %dma_wait3A_110] : memref<10240x128xf32, #tpu.memory_space<hbm>> -> memref<128x128xf32, #tpu.memory_space<hbm>>
      tpu.wait_dma2 semaphore(%run_scoped3A : memref<!tpu.dma_semaphore, #tpu.memory_space<semaphore_mem>>) src(%dma_wait3A_111 : memref<128x128xf32, #tpu.memory_space<hbm>>) dst(%arg7 : memref<128x128xf32, #tpu.memory_space<vmem>>)
      tpu.yield
    }) : () -> ()
    %add3A_42 = arith.constant 128 : i32
    %add3A_43 = arith.addi %mul3A_2, %add3A_42 : i32
    "tpu.region"() ({
      %run_scoped3A = tpu.sem_alloc : memref<!tpu.dma_semaphore, #tpu.memory_space<semaphore_mem>>
      %dma_start3A_104 = arith.constant 0 : i32
      %dma_start3A_105 = tpu.memref_slice %arg16[%add3A_43, %dma_start3A_104] : memref<10240x128xf32, #tpu.memory_space<vmem_shared>> -> memref<128x128xf32, #tpu.memory_space<vmem_shared>>
      %dma_start3A_106 = arith.constant 0 : i32
      %dma_start3A_107 = tpu.memref_slice %arg16[%add3A_43, %dma_start3A_106] : memref<10240x128xf32, #tpu.memory_space<vmem_shared>> -> memref<128x128xf32, #tpu.memory_space<vmem_shared>>
      tpu.enqueue_dma source(%arg7 : memref<128x128xf32, #tpu.memory_space<vmem>>) target(%dma_start3A_107 : memref<128x128xf32, #tpu.memory_space<vmem_shared>>) target_semaphore(%run_scoped3A : memref<!tpu.dma_semaphore, #tpu.memory_space<semaphore_mem>>)
      %dma_wait3A_108 = arith.constant 0 : i32
      %dma_wait3A_109 = tpu.memref_slice %arg16[%add3A_43, %dma_wait3A_108] : memref<10240x128xf32, #tpu.memory_space<vmem_shared>> -> memref<128x128xf32, #tpu.memory_space<vmem_shared>>
      %dma_wait3A_110 = arith.constant 0 : i32
      %dma_wait3A_111 = tpu.memref_slice %arg16[%add3A_43, %dma_wait3A_110] : memref<10240x128xf32, #tpu.memory_space<vmem_shared>> -> memref<128x128xf32, #tpu.memory_space<vmem_shared>>
      tpu.wait_dma2 semaphore(%run_scoped3A : memref<!tpu.dma_semaphore, #tpu.memory_space<semaphore_mem>>) src(%arg7 : memref<128x128xf32, #tpu.memory_space<vmem>>) dst(%dma_wait3A_111 : memref<128x128xf32, #tpu.memory_space<vmem_shared>>)
      tpu.yield
    }) : () -> ()
    %add3A_44 = arith.constant 256 : i32
    %add3A_45 = arith.addi %mul3A_2, %add3A_44 : i32
    "tpu.region"() ({
      %run_scoped3A = tpu.sem_alloc : memref<!tpu.dma_semaphore, #tpu.memory_space<semaphore_mem>>
      %dma_start3A_104 = arith.constant 0 : i32
      %dma_start3A_105 = tpu.memref_slice %arg2[%add3A_45, %dma_start3A_104] : memref<10240x128xf32, #tpu.memory_space<hbm>> -> memref<128x128xf32, #tpu.memory_space<hbm>>
      %dma_start3A_106 = arith.constant 0 : i32
      %dma_start3A_107 = tpu.memref_slice %arg2[%add3A_45, %dma_start3A_106] : memref<10240x128xf32, #tpu.memory_space<hbm>> -> memref<128x128xf32, #tpu.memory_space<hbm>>
      tpu.enqueue_dma source(%dma_start3A_107 : memref<128x128xf32, #tpu.memory_space<hbm>>) target(%arg6 : memref<128x128xf32, #tpu.memory_space<vmem>>) target_semaphore(%run_scoped3A : memref<!tpu.dma_semaphore, #tpu.memory_space<semaphore_mem>>)
      %dma_wait3A_108 = arith.constant 0 : i32
      %dma_wait3A_109 = tpu.memref_slice %arg2[%add3A_45, %dma_wait3A_108] : memref<10240x128xf32, #tpu.memory_space<hbm>> -> memref<128x128xf32, #tpu.memory_space<hbm>>
      %dma_wait3A_110 = arith.constant 0 : i32
      %dma_wait3A_111 = tpu.memref_slice %arg2[%add3A_45, %dma_wait3A_110] : memref<10240x128xf32, #tpu.memory_space<hbm>> -> memref<128x128xf32, #tpu.memory_space<hbm>>
      tpu.wait_dma2 semaphore(%run_scoped3A : memref<!tpu.dma_semaphore, #tpu.memory_space<semaphore_mem>>) src(%dma_wait3A_111 : memref<128x128xf32, #tpu.memory_space<hbm>>) dst(%arg6 : memref<128x128xf32, #tpu.memory_space<vmem>>)
      tpu.yield
    }) : () -> ()
    %add3A_46 = arith.constant 256 : i32
    %add3A_47 = arith.addi %mul3A_2, %add3A_46 : i32
    "tpu.region"() ({
      %run_scoped3A = tpu.sem_alloc : memref<!tpu.dma_semaphore, #tpu.memory_space<semaphore_mem>>
      %dma_start3A_104 = arith.constant 0 : i32
      %dma_start3A_105 = tpu.memref_slice %arg16[%add3A_47, %dma_start3A_104] : memref<10240x128xf32, #tpu.memory_space<vmem_shared>> -> memref<128x128xf32, #tpu.memory_space<vmem_shared>>
      %dma_start3A_106 = arith.constant 0 : i32
      %dma_start3A_107 = tpu.memref_slice %arg16[%add3A_47, %dma_start3A_106] : memref<10240x128xf32, #tpu.memory_space<vmem_shared>> -> memref<128x128xf32, #tpu.memory_space<vmem_shared>>
      tpu.enqueue_dma source(%arg6 : memref<128x128xf32, #tpu.memory_space<vmem>>) target(%dma_start3A_107 : memref<128x128xf32, #tpu.memory_space<vmem_shared>>) target_semaphore(%run_scoped3A : memref<!tpu.dma_semaphore, #tpu.memory_space<semaphore_mem>>)
      %dma_wait3A_108 = arith.constant 0 : i32
      %dma_wait3A_109 = tpu.memref_slice %arg16[%add3A_47, %dma_wait3A_108] : memref<10240x128xf32, #tpu.memory_space<vmem_shared>> -> memref<128x128xf32, #tpu.memory_space<vmem_shared>>
      %dma_wait3A_110 = arith.constant 0 : i32
      %dma_wait3A_111 = tpu.memref_slice %arg16[%add3A_47, %dma_wait3A_110] : memref<10240x128xf32, #tpu.memory_space<vmem_shared>> -> memref<128x128xf32, #tpu.memory_space<vmem_shared>>
      tpu.wait_dma2 semaphore(%run_scoped3A : memref<!tpu.dma_semaphore, #tpu.memory_space<semaphore_mem>>) src(%arg6 : memref<128x128xf32, #tpu.memory_space<vmem>>) dst(%dma_wait3A_111 : memref<128x128xf32, #tpu.memory_space<vmem_shared>>)
      tpu.yield
    }) : () -> ()
    %add3A_48 = arith.constant 384 : i32
    %add3A_49 = arith.addi %mul3A_2, %add3A_48 : i32
    "tpu.region"() ({
      %run_scoped3A = tpu.sem_alloc : memref<!tpu.dma_semaphore, #tpu.memory_space<semaphore_mem>>
      %dma_start3A_104 = arith.constant 0 : i32
      %dma_start3A_105 = tpu.memref_slice %arg2[%add3A_49, %dma_start3A_104] : memref<10240x128xf32, #tpu.memory_space<hbm>> -> memref<128x128xf32, #tpu.memory_space<hbm>>
      %dma_start3A_106 = arith.constant 0 : i32
      %dma_start3A_107 = tpu.memref_slice %arg2[%add3A_49, %dma_start3A_106] : memref<10240x128xf32, #tpu.memory_space<hbm>> -> memref<128x128xf32, #tpu.memory_space<hbm>>
      tpu.enqueue_dma source(%dma_start3A_107 : memref<128x128xf32, #tpu.memory_space<hbm>>) target(%arg7 : memref<128x128xf32, #tpu.memory_space<vmem>>) target_semaphore(%run_scoped3A : memref<!tpu.dma_semaphore, #tpu.memory_space<semaphore_mem>>)
      %dma_wait3A_108 = arith.constant 0 : i32
      %dma_wait3A_109 = tpu.memref_slice %arg2[%add3A_49, %dma_wait3A_108] : memref<10240x128xf32, #tpu.memory_space<hbm>> -> memref<128x128xf32, #tpu.memory_space<hbm>>
      %dma_wait3A_110 = arith.constant 0 : i32
      %dma_wait3A_111 = tpu.memref_slice %arg2[%add3A_49, %dma_wait3A_110] : memref<10240x128xf32, #tpu.memory_space<hbm>> -> memref<128x128xf32, #tpu.memory_space<hbm>>
      tpu.wait_dma2 semaphore(%run_scoped3A : memref<!tpu.dma_semaphore, #tpu.memory_space<semaphore_mem>>) src(%dma_wait3A_111 : memref<128x128xf32, #tpu.memory_space<hbm>>) dst(%arg7 : memref<128x128xf32, #tpu.memory_space<vmem>>)
      tpu.yield
    }) : () -> ()
    %add3A_50 = arith.constant 384 : i32
    %add3A_51 = arith.addi %mul3A_2, %add3A_50 : i32
    "tpu.region"() ({
      %run_scoped3A = tpu.sem_alloc : memref<!tpu.dma_semaphore, #tpu.memory_space<semaphore_mem>>
      %dma_start3A_104 = arith.constant 0 : i32
      %dma_start3A_105 = tpu.memref_slice %arg16[%add3A_51, %dma_start3A_104] : memref<10240x128xf32, #tpu.memory_space<vmem_shared>> -> memref<128x128xf32, #tpu.memory_space<vmem_shared>>
      %dma_start3A_106 = arith.constant 0 : i32
      %dma_start3A_107 = tpu.memref_slice %arg16[%add3A_51, %dma_start3A_106] : memref<10240x128xf32, #tpu.memory_space<vmem_shared>> -> memref<128x128xf32, #tpu.memory_space<vmem_shared>>
      tpu.enqueue_dma source(%arg7 : memref<128x128xf32, #tpu.memory_space<vmem>>) target(%dma_start3A_107 : memref<128x128xf32, #tpu.memory_space<vmem_shared>>) target_semaphore(%run_scoped3A : memref<!tpu.dma_semaphore, #tpu.memory_space<semaphore_mem>>)
      %dma_wait3A_108 = arith.constant 0 : i32
      %dma_wait3A_109 = tpu.memref_slice %arg16[%add3A_51, %dma_wait3A_108] : memref<10240x128xf32, #tpu.memory_space<vmem_shared>> -> memref<128x128xf32, #tpu.memory_space<vmem_shared>>
      %dma_wait3A_110 = arith.constant 0 : i32
      %dma_wait3A_111 = tpu.memref_slice %arg16[%add3A_51, %dma_wait3A_110] : memref<10240x128xf32, #tpu.memory_space<vmem_shared>> -> memref<128x128xf32, #tpu.memory_space<vmem_shared>>
      tpu.wait_dma2 semaphore(%run_scoped3A : memref<!tpu.dma_semaphore, #tpu.memory_space<semaphore_mem>>) src(%arg7 : memref<128x128xf32, #tpu.memory_space<vmem>>) dst(%dma_wait3A_111 : memref<128x128xf32, #tpu.memory_space<vmem_shared>>)
      tpu.yield
    }) : () -> ()
    %add3A_52 = arith.constant 512 : i32
    %add3A_53 = arith.addi %mul3A_2, %add3A_52 : i32
    "tpu.region"() ({
      %run_scoped3A = tpu.sem_alloc : memref<!tpu.dma_semaphore, #tpu.memory_space<semaphore_mem>>
      %dma_start3A_104 = arith.constant 0 : i32
      %dma_start3A_105 = tpu.memref_slice %arg2[%add3A_53, %dma_start3A_104] : memref<10240x128xf32, #tpu.memory_space<hbm>> -> memref<128x128xf32, #tpu.memory_space<hbm>>
      %dma_start3A_106 = arith.constant 0 : i32
      %dma_start3A_107 = tpu.memref_slice %arg2[%add3A_53, %dma_start3A_106] : memref<10240x128xf32, #tpu.memory_space<hbm>> -> memref<128x128xf32, #tpu.memory_space<hbm>>
      tpu.enqueue_dma source(%dma_start3A_107 : memref<128x128xf32, #tpu.memory_space<hbm>>) target(%arg6 : memref<128x128xf32, #tpu.memory_space<vmem>>) target_semaphore(%run_scoped3A : memref<!tpu.dma_semaphore, #tpu.memory_space<semaphore_mem>>)
      %dma_wait3A_108 = arith.constant 0 : i32
      %dma_wait3A_109 = tpu.memref_slice %arg2[%add3A_53, %dma_wait3A_108] : memref<10240x128xf32, #tpu.memory_space<hbm>> -> memref<128x128xf32, #tpu.memory_space<hbm>>
      %dma_wait3A_110 = arith.constant 0 : i32
      %dma_wait3A_111 = tpu.memref_slice %arg2[%add3A_53, %dma_wait3A_110] : memref<10240x128xf32, #tpu.memory_space<hbm>> -> memref<128x128xf32, #tpu.memory_space<hbm>>
      tpu.wait_dma2 semaphore(%run_scoped3A : memref<!tpu.dma_semaphore, #tpu.memory_space<semaphore_mem>>) src(%dma_wait3A_111 : memref<128x128xf32, #tpu.memory_space<hbm>>) dst(%arg6 : memref<128x128xf32, #tpu.memory_space<vmem>>)
      tpu.yield
    }) : () -> ()
    %add3A_54 = arith.constant 512 : i32
    %add3A_55 = arith.addi %mul3A_2, %add3A_54 : i32
    "tpu.region"() ({
      %run_scoped3A = tpu.sem_alloc : memref<!tpu.dma_semaphore, #tpu.memory_space<semaphore_mem>>
      %dma_start3A_104 = arith.constant 0 : i32
      %dma_start3A_105 = tpu.memref_slice %arg16[%add3A_55, %dma_start3A_104] : memref<10240x128xf32, #tpu.memory_space<vmem_shared>> -> memref<128x128xf32, #tpu.memory_space<vmem_shared>>
      %dma_start3A_106 = arith.constant 0 : i32
      %dma_start3A_107 = tpu.memref_slice %arg16[%add3A_55, %dma_start3A_106] : memref<10240x128xf32, #tpu.memory_space<vmem_shared>> -> memref<128x128xf32, #tpu.memory_space<vmem_shared>>
      tpu.enqueue_dma source(%arg6 : memref<128x128xf32, #tpu.memory_space<vmem>>) target(%dma_start3A_107 : memref<128x128xf32, #tpu.memory_space<vmem_shared>>) target_semaphore(%run_scoped3A : memref<!tpu.dma_semaphore, #tpu.memory_space<semaphore_mem>>)
      %dma_wait3A_108 = arith.constant 0 : i32
      %dma_wait3A_109 = tpu.memref_slice %arg16[%add3A_55, %dma_wait3A_108] : memref<10240x128xf32, #tpu.memory_space<vmem_shared>> -> memref<128x128xf32, #tpu.memory_space<vmem_shared>>
      %dma_wait3A_110 = arith.constant 0 : i32
      %dma_wait3A_111 = tpu.memref_slice %arg16[%add3A_55, %dma_wait3A_110] : memref<10240x128xf32, #tpu.memory_space<vmem_shared>> -> memref<128x128xf32, #tpu.memory_space<vmem_shared>>
      tpu.wait_dma2 semaphore(%run_scoped3A : memref<!tpu.dma_semaphore, #tpu.memory_space<semaphore_mem>>) src(%arg6 : memref<128x128xf32, #tpu.memory_space<vmem>>) dst(%dma_wait3A_111 : memref<128x128xf32, #tpu.memory_space<vmem_shared>>)
      tpu.yield
    }) : () -> ()
    %dma_wait3A = arith.constant 0 : i32
    %dma_wait3A_56 = arith.constant 0 : i32
    %dma_wait3A_57 = tpu.memref_slice %arg3[%dma_wait3A, %dma_wait3A_56] : memref<2560x128xi32, #tpu.memory_space<hbm>> -> memref<1x128xi32, #tpu.memory_space<hbm>>
    %dma_wait3A_58 = tpu.memref_squeeze %dma_wait3A_57 : memref<1x128xi32, #tpu.memory_space<hbm>> -> memref<128xi32, #tpu.memory_space<hbm>>
    %dma_wait3A_59 = arith.constant 0 : i32
    %dma_wait3A_60 = tpu.memref_slice %arg3[%dma_wait3A, %dma_wait3A_59] : memref<2560x128xi32, #tpu.memory_space<hbm>> -> memref<1x128xi32, #tpu.memory_space<hbm>>
    %dma_wait3A_61 = tpu.memref_squeeze %dma_wait3A_60 : memref<1x128xi32, #tpu.memory_space<hbm>> -> memref<128xi32, #tpu.memory_space<hbm>>
    tpu.wait_dma2 semaphore(%arg19 : memref<!tpu.dma_semaphore, #tpu.memory_space<semaphore_mem>>) src(%dma_wait3A_61 : memref<128xi32, #tpu.memory_space<hbm>>) dst(%arg8 : memref<128xi32, #tpu.memory_space<vmem>>)
    %dma_wait3A_62 = arith.constant 0 : i32
    %dma_wait3A_63 = arith.constant 0 : i32
    %dma_wait3A_64 = tpu.memref_slice %arg4[%dma_wait3A_62, %dma_wait3A_63] : memref<2560x128xi32, #tpu.memory_space<hbm>> -> memref<1x128xi32, #tpu.memory_space<hbm>>
    %dma_wait3A_65 = tpu.memref_squeeze %dma_wait3A_64 : memref<1x128xi32, #tpu.memory_space<hbm>> -> memref<128xi32, #tpu.memory_space<hbm>>
    %dma_wait3A_66 = arith.constant 0 : i32
    %dma_wait3A_67 = tpu.memref_slice %arg4[%dma_wait3A_62, %dma_wait3A_66] : memref<2560x128xi32, #tpu.memory_space<hbm>> -> memref<1x128xi32, #tpu.memory_space<hbm>>
    %dma_wait3A_68 = tpu.memref_squeeze %dma_wait3A_67 : memref<1x128xi32, #tpu.memory_space<hbm>> -> memref<128xi32, #tpu.memory_space<hbm>>
    tpu.wait_dma2 semaphore(%arg19 : memref<!tpu.dma_semaphore, #tpu.memory_space<semaphore_mem>>) src(%dma_wait3A_68 : memref<128xi32, #tpu.memory_space<hbm>>) dst(%arg12 : memref<128xi32, #tpu.memory_space<vmem>>)
    %barrier3A = arith.constant 0 : index
    tpu.barrier barrier_id(%barrier3A)
    %dma_start3A_69 = arith.constant 0 : i32
    %dma_start3A_70 = arith.constant 0 : i32
    %dma_start3A_71 = tpu.memref_slice %arg2[%dma_start3A_69, %dma_start3A_70] : memref<10240x128xf32, #tpu.memory_space<hbm>> -> memref<10240x128xf32, #tpu.memory_space<hbm>>
    tpu.enqueue_indirect_dma source(%dma_start3A_71 : memref<10240x128xf32, #tpu.memory_space<hbm>>) target(%arg6 : memref<128x128xf32, #tpu.memory_space<vmem>>) offsets(%arg8 : memref<128xi32, #tpu.memory_space<vmem>>) semaphore(%arg17 : memref<!tpu.dma_semaphore, #tpu.memory_space<semaphore_mem>>)
    %scan3A = arith.constant 0 : i32
    %scan3A_72 = arith.constant 0 : i32
    %scan3A_73 = arith.constant 20 : i32
    %scan3A_74 = arith.addi %scan3A_72, %scan3A_73 : i32
    %scan3A_75 = arith.constant 1 : i32
    scf.for %scan3A_104 = %scan3A_72 to %scan3A_74 step %scan3A_75  : i32 {
      %mul3A_105 = arith.constant 4 : i32
      %mul3A_106 = arith.muli %mul3A_105, %scan3A_104 : i32
      %add3A_107 = arith.constant 0 : i32
      %add3A_108 = arith.addi %mul3A_106, %add3A_107 : i32
      %gt3A = arith.constant 0 : i32
      %gt3A_109 = arith.cmpi sgt, %add3A_108, %gt3A : i32
      %convert_element_type3A = arith.extui %gt3A_109 : i1 to i32
      %cond3A = arith.constant 0 : i32
      %cond3A_110 = arith.cmpi ne, %convert_element_type3A, %cond3A : i32
      scf.if %cond3A_110 {
        %dma_wait3A_217 = arith.constant 0 : i32
        %dma_wait3A_218 = arith.constant 0 : i32
        %dma_wait3A_219 = tpu.memref_slice %arg2[%dma_wait3A_217, %dma_wait3A_218] : memref<10240x128xf32, #tpu.memory_space<hbm>> -> memref<128x128xf32, #tpu.memory_space<hbm>>
        %dma_wait3A_220 = arith.constant 0 : i32
        %dma_wait3A_221 = arith.constant 0 : i32
        %dma_wait3A_222 = tpu.memref_slice %arg2[%dma_wait3A_220, %dma_wait3A_221] : memref<10240x128xf32, #tpu.memory_space<hbm>> -> memref<128x128xf32, #tpu.memory_space<hbm>>
        tpu.wait_dma2 semaphore(%arg24 : memref<!tpu.dma_semaphore, #tpu.memory_space<semaphore_mem>>) src(%dma_wait3A_222 : memref<128x128xf32, #tpu.memory_space<hbm>>) dst(%arg7 : memref<128x128xf32, #tpu.memory_space<vmem>>)
      } else {
      }
      %add3A_111 = arith.constant 2 : i32
      %add3A_112 = arith.addi %add3A_108, %add3A_111 : i32
      %lt3A = arith.constant 80 : i32
      %lt3A_113 = arith.cmpi slt, %add3A_112, %lt3A : i32
      %convert_element_type3A_114 = arith.extui %lt3A_113 : i1 to i32
      %cond3A_115 = arith.constant 0 : i32
      %cond3A_116 = arith.cmpi ne, %convert_element_type3A_114, %cond3A_115 : i32
      scf.if %cond3A_116 {
        %add3A_217 = arith.constant 2 : i32
        %add3A_218 = arith.addi %add3A_108, %add3A_217 : i32
        %add3A_219 = arith.addi %mul3A_4, %add3A_218 : i32
        %dma_start3A_220 = arith.constant 0 : i32
        %dma_start3A_221 = tpu.memref_slice %arg3[%add3A_219, %dma_start3A_220] : memref<2560x128xi32, #tpu.memory_space<hbm>> -> memref<1x128xi32, #tpu.memory_space<hbm>>
        %dma_start3A_222 = tpu.memref_squeeze %dma_start3A_221 : memref<1x128xi32, #tpu.memory_space<hbm>> -> memref<128xi32, #tpu.memory_space<hbm>>
        %dma_start3A_223 = arith.constant 0 : i32
        %dma_start3A_224 = tpu.memref_slice %arg3[%add3A_219, %dma_start3A_223] : memref<2560x128xi32, #tpu.memory_space<hbm>> -> memref<1x128xi32, #tpu.memory_space<hbm>>
        %dma_start3A_225 = tpu.memref_squeeze %dma_start3A_224 : memref<1x128xi32, #tpu.memory_space<hbm>> -> memref<128xi32, #tpu.memory_space<hbm>>
        tpu.enqueue_dma source(%dma_start3A_225 : memref<128xi32, #tpu.memory_space<hbm>>) target(%arg10 : memref<128xi32, #tpu.memory_space<vmem>>) target_semaphore(%arg21 : memref<!tpu.dma_semaphore, #tpu.memory_space<semaphore_mem>>)
        %add3A_226 = arith.addi %mul3A_4, %add3A_218 : i32
        %dma_start3A_227 = arith.constant 0 : i32
        %dma_start3A_228 = tpu.memref_slice %arg4[%add3A_226, %dma_start3A_227] : memref<2560x128xi32, #tpu.memory_space<hbm>> -> memref<1x128xi32, #tpu.memory_space<hbm>>
        %dma_start3A_229 = tpu.memref_squeeze %dma_start3A_228 : memref<1x128xi32, #tpu.memory_space<hbm>> -> memref<128xi32, #tpu.memory_space<hbm>>
        %dma_start3A_230 = arith.constant 0 : i32
        %dma_start3A_231 = tpu.memref_slice %arg4[%add3A_226, %dma_start3A_230] : memref<2560x128xi32, #tpu.memory_space<hbm>> -> memref<1x128xi32, #tpu.memory_space<hbm>>
        %dma_start3A_232 = tpu.memref_squeeze %dma_start3A_231 : memref<1x128xi32, #tpu.memory_space<hbm>> -> memref<128xi32, #tpu.memory_space<hbm>>
        tpu.enqueue_dma source(%dma_start3A_232 : memref<128xi32, #tpu.memory_space<hbm>>) target(%arg14 : memref<128xi32, #tpu.memory_space<vmem>>) target_semaphore(%arg21 : memref<!tpu.dma_semaphore, #tpu.memory_space<semaphore_mem>>)
      } else {
      }
      %add3A_117 = arith.constant 1 : i32
      %add3A_118 = arith.addi %add3A_108, %add3A_117 : i32
      %lt3A_119 = arith.constant 80 : i32
      %lt3A_120 = arith.cmpi slt, %add3A_118, %lt3A_119 : i32
      %convert_element_type3A_121 = arith.extui %lt3A_120 : i1 to i32
      %cond3A_122 = arith.constant 0 : i32
      %cond3A_123 = arith.cmpi ne, %convert_element_type3A_121, %cond3A_122 : i32
      scf.if %cond3A_123 {
        %dma_wait3A_217 = arith.constant 0 : i32
        %dma_wait3A_218 = arith.constant 0 : i32
        %dma_wait3A_219 = tpu.memref_slice %arg3[%dma_wait3A_217, %dma_wait3A_218] : memref<2560x128xi32, #tpu.memory_space<hbm>> -> memref<1x128xi32, #tpu.memory_space<hbm>>
        %dma_wait3A_220 = tpu.memref_squeeze %dma_wait3A_219 : memref<1x128xi32, #tpu.memory_space<hbm>> -> memref<128xi32, #tpu.memory_space<hbm>>
        %dma_wait3A_221 = arith.constant 0 : i32
        %dma_wait3A_222 = tpu.memref_slice %arg3[%dma_wait3A_217, %dma_wait3A_221] : memref<2560x128xi32, #tpu.memory_space<hbm>> -> memref<1x128xi32, #tpu.memory_space<hbm>>
        %dma_wait3A_223 = tpu.memref_squeeze %dma_wait3A_222 : memref<1x128xi32, #tpu.memory_space<hbm>> -> memref<128xi32, #tpu.memory_space<hbm>>
        tpu.wait_dma2 semaphore(%arg20 : memref<!tpu.dma_semaphore, #tpu.memory_space<semaphore_mem>>) src(%dma_wait3A_223 : memref<128xi32, #tpu.memory_space<hbm>>) dst(%arg9 : memref<128xi32, #tpu.memory_space<vmem>>)
        %dma_wait3A_224 = arith.constant 0 : i32
        %dma_wait3A_225 = arith.constant 0 : i32
        %dma_wait3A_226 = tpu.memref_slice %arg4[%dma_wait3A_224, %dma_wait3A_225] : memref<2560x128xi32, #tpu.memory_space<hbm>> -> memref<1x128xi32, #tpu.memory_space<hbm>>
        %dma_wait3A_227 = tpu.memref_squeeze %dma_wait3A_226 : memref<1x128xi32, #tpu.memory_space<hbm>> -> memref<128xi32, #tpu.memory_space<hbm>>
        %dma_wait3A_228 = arith.constant 0 : i32
        %dma_wait3A_229 = tpu.memref_slice %arg4[%dma_wait3A_224, %dma_wait3A_228] : memref<2560x128xi32, #tpu.memory_space<hbm>> -> memref<1x128xi32, #tpu.memory_space<hbm>>
        %dma_wait3A_230 = tpu.memref_squeeze %dma_wait3A_229 : memref<1x128xi32, #tpu.memory_space<hbm>> -> memref<128xi32, #tpu.memory_space<hbm>>
        tpu.wait_dma2 semaphore(%arg20 : memref<!tpu.dma_semaphore, #tpu.memory_space<semaphore_mem>>) src(%dma_wait3A_230 : memref<128xi32, #tpu.memory_space<hbm>>) dst(%arg13 : memref<128xi32, #tpu.memory_space<vmem>>)
        %dma_start3A_231 = arith.constant 0 : i32
        %dma_start3A_232 = arith.constant 0 : i32
        %dma_start3A_233 = tpu.memref_slice %arg2[%dma_start3A_231, %dma_start3A_232] : memref<10240x128xf32, #tpu.memory_space<hbm>> -> memref<10240x128xf32, #tpu.memory_space<hbm>>
        tpu.enqueue_indirect_dma source(%dma_start3A_233 : memref<10240x128xf32, #tpu.memory_space<hbm>>) target(%arg7 : memref<128x128xf32, #tpu.memory_space<vmem>>) offsets(%arg9 : memref<128xi32, #tpu.memory_space<vmem>>) semaphore(%arg18 : memref<!tpu.dma_semaphore, #tpu.memory_space<semaphore_mem>>)
      } else {
      }
      %dma_wait3A_124 = arith.constant 0 : i32
      %dma_wait3A_125 = arith.constant 0 : i32
      %dma_wait3A_126 = tpu.memref_slice %arg2[%dma_wait3A_124, %dma_wait3A_125] : memref<10240x128xf32, #tpu.memory_space<hbm>> -> memref<10240x128xf32, #tpu.memory_space<hbm>>
      tpu.wait_indirect_dma semaphore(%arg17 : memref<!tpu.dma_semaphore, #tpu.memory_space<semaphore_mem>>) src(%dma_wait3A_126 : memref<10240x128xf32, #tpu.memory_space<hbm>>) dst(%arg6 : memref<128x128xf32, #tpu.memory_space<vmem>>)
      %dma_start3A_127 = arith.constant 0 : i32
      %dma_start3A_128 = arith.constant 0 : i32
      %dma_start3A_129 = tpu.memref_slice %arg16[%dma_start3A_127, %dma_start3A_128] : memref<10240x128xf32, #tpu.memory_space<vmem_shared>> -> memref<10240x128xf32, #tpu.memory_space<vmem_shared>>
      tpu.enqueue_indirect_dma source(%arg6 : memref<128x128xf32, #tpu.memory_space<vmem>>) target(%dma_start3A_129 : memref<10240x128xf32, #tpu.memory_space<vmem_shared>>) offsets(%arg12 : memref<128xi32, #tpu.memory_space<vmem>>) semaphore(%arg23 : memref<!tpu.dma_semaphore, #tpu.memory_space<semaphore_mem>>) {add = true}
      %mul3A_130 = arith.constant 4 : i32
      %mul3A_131 = arith.muli %mul3A_130, %scan3A_104 : i32
      %add3A_132 = arith.constant 1 : i32
      %add3A_133 = arith.addi %mul3A_131, %add3A_132 : i32
      %gt3A_134 = arith.constant 0 : i32
      %gt3A_135 = arith.cmpi sgt, %add3A_133, %gt3A_134 : i32
      %convert_element_type3A_136 = arith.extui %gt3A_135 : i1 to i32
      %cond3A_137 = arith.constant 0 : i32
      %cond3A_138 = arith.cmpi ne, %convert_element_type3A_136, %cond3A_137 : i32
      scf.if %cond3A_138 {
        %dma_wait3A_217 = arith.constant 0 : i32
        %dma_wait3A_218 = arith.constant 0 : i32
        %dma_wait3A_219 = tpu.memref_slice %arg2[%dma_wait3A_217, %dma_wait3A_218] : memref<10240x128xf32, #tpu.memory_space<hbm>> -> memref<128x128xf32, #tpu.memory_space<hbm>>
        %dma_wait3A_220 = arith.constant 0 : i32
        %dma_wait3A_221 = arith.constant 0 : i32
        %dma_wait3A_222 = tpu.memref_slice %arg2[%dma_wait3A_220, %dma_wait3A_221] : memref<10240x128xf32, #tpu.memory_space<hbm>> -> memref<128x128xf32, #tpu.memory_space<hbm>>
        tpu.wait_dma2 semaphore(%arg23 : memref<!tpu.dma_semaphore, #tpu.memory_space<semaphore_mem>>) src(%dma_wait3A_222 : memref<128x128xf32, #tpu.memory_space<hbm>>) dst(%arg6 : memref<128x128xf32, #tpu.memory_space<vmem>>)
      } else {
      }
      %add3A_139 = arith.constant 2 : i32
      %add3A_140 = arith.addi %add3A_133, %add3A_139 : i32
      %lt3A_141 = arith.constant 80 : i32
      %lt3A_142 = arith.cmpi slt, %add3A_140, %lt3A_141 : i32
      %convert_element_type3A_143 = arith.extui %lt3A_142 : i1 to i32
      %cond3A_144 = arith.constant 0 : i32
      %cond3A_145 = arith.cmpi ne, %convert_element_type3A_143, %cond3A_144 : i32
      scf.if %cond3A_145 {
        %add3A_217 = arith.constant 2 : i32
        %add3A_218 = arith.addi %add3A_133, %add3A_217 : i32
        %add3A_219 = arith.addi %mul3A_4, %add3A_218 : i32
        %dma_start3A_220 = arith.constant 0 : i32
        %dma_start3A_221 = tpu.memref_slice %arg3[%add3A_219, %dma_start3A_220] : memref<2560x128xi32, #tpu.memory_space<hbm>> -> memref<1x128xi32, #tpu.memory_space<hbm>>
        %dma_start3A_222 = tpu.memref_squeeze %dma_start3A_221 : memref<1x128xi32, #tpu.memory_space<hbm>> -> memref<128xi32, #tpu.memory_space<hbm>>
        %dma_start3A_223 = arith.constant 0 : i32
        %dma_start3A_224 = tpu.memref_slice %arg3[%add3A_219, %dma_start3A_223] : memref<2560x128xi32, #tpu.memory_space<hbm>> -> memref<1x128xi32, #tpu.memory_space<hbm>>
        %dma_start3A_225 = tpu.memref_squeeze %dma_start3A_224 : memref<1x128xi32, #tpu.memory_space<hbm>> -> memref<128xi32, #tpu.memory_space<hbm>>
        tpu.enqueue_dma source(%dma_start3A_225 : memref<128xi32, #tpu.memory_space<hbm>>) target(%arg11 : memref<128xi32, #tpu.memory_space<vmem>>) target_semaphore(%arg22 : memref<!tpu.dma_semaphore, #tpu.memory_space<semaphore_mem>>)
        %add3A_226 = arith.addi %mul3A_4, %add3A_218 : i32
        %dma_start3A_227 = arith.constant 0 : i32
        %dma_start3A_228 = tpu.memref_slice %arg4[%add3A_226, %dma_start3A_227] : memref<2560x128xi32, #tpu.memory_space<hbm>> -> memref<1x128xi32, #tpu.memory_space<hbm>>
        %dma_start3A_229 = tpu.memref_squeeze %dma_start3A_228 : memref<1x128xi32, #tpu.memory_space<hbm>> -> memref<128xi32, #tpu.memory_space<hbm>>
        %dma_start3A_230 = arith.constant 0 : i32
        %dma_start3A_231 = tpu.memref_slice %arg4[%add3A_226, %dma_start3A_230] : memref<2560x128xi32, #tpu.memory_space<hbm>> -> memref<1x128xi32, #tpu.memory_space<hbm>>
        %dma_start3A_232 = tpu.memref_squeeze %dma_start3A_231 : memref<1x128xi32, #tpu.memory_space<hbm>> -> memref<128xi32, #tpu.memory_space<hbm>>
        tpu.enqueue_dma source(%dma_start3A_232 : memref<128xi32, #tpu.memory_space<hbm>>) target(%arg15 : memref<128xi32, #tpu.memory_space<vmem>>) target_semaphore(%arg22 : memref<!tpu.dma_semaphore, #tpu.memory_space<semaphore_mem>>)
      } else {
      }
      %add3A_146 = arith.constant 1 : i32
      %add3A_147 = arith.addi %add3A_133, %add3A_146 : i32
      %lt3A_148 = arith.constant 80 : i32
      %lt3A_149 = arith.cmpi slt, %add3A_147, %lt3A_148 : i32
      %convert_element_type3A_150 = arith.extui %lt3A_149 : i1 to i32
      %cond3A_151 = arith.constant 0 : i32
      %cond3A_152 = arith.cmpi ne, %convert_element_type3A_150, %cond3A_151 : i32
      scf.if %cond3A_152 {
        %dma_wait3A_217 = arith.constant 0 : i32
        %dma_wait3A_218 = arith.constant 0 : i32
        %dma_wait3A_219 = tpu.memref_slice %arg3[%dma_wait3A_217, %dma_wait3A_218] : memref<2560x128xi32, #tpu.memory_space<hbm>> -> memref<1x128xi32, #tpu.memory_space<hbm>>
        %dma_wait3A_220 = tpu.memref_squeeze %dma_wait3A_219 : memref<1x128xi32, #tpu.memory_space<hbm>> -> memref<128xi32, #tpu.memory_space<hbm>>
        %dma_wait3A_221 = arith.constant 0 : i32
        %dma_wait3A_222 = tpu.memref_slice %arg3[%dma_wait3A_217, %dma_wait3A_221] : memref<2560x128xi32, #tpu.memory_space<hbm>> -> memref<1x128xi32, #tpu.memory_space<hbm>>
        %dma_wait3A_223 = tpu.memref_squeeze %dma_wait3A_222 : memref<1x128xi32, #tpu.memory_space<hbm>> -> memref<128xi32, #tpu.memory_space<hbm>>
        tpu.wait_dma2 semaphore(%arg21 : memref<!tpu.dma_semaphore, #tpu.memory_space<semaphore_mem>>) src(%dma_wait3A_223 : memref<128xi32, #tpu.memory_space<hbm>>) dst(%arg10 : memref<128xi32, #tpu.memory_space<vmem>>)
        %dma_wait3A_224 = arith.constant 0 : i32
        %dma_wait3A_225 = arith.constant 0 : i32
        %dma_wait3A_226 = tpu.memref_slice %arg4[%dma_wait3A_224, %dma_wait3A_225] : memref<2560x128xi32, #tpu.memory_space<hbm>> -> memref<1x128xi32, #tpu.memory_space<hbm>>
        %dma_wait3A_227 = tpu.memref_squeeze %dma_wait3A_226 : memref<1x128xi32, #tpu.memory_space<hbm>> -> memref<128xi32, #tpu.memory_space<hbm>>
        %dma_wait3A_228 = arith.constant 0 : i32
        %dma_wait3A_229 = tpu.memref_slice %arg4[%dma_wait3A_224, %dma_wait3A_228] : memref<2560x128xi32, #tpu.memory_space<hbm>> -> memref<1x128xi32, #tpu.memory_space<hbm>>
        %dma_wait3A_230 = tpu.memref_squeeze %dma_wait3A_229 : memref<1x128xi32, #tpu.memory_space<hbm>> -> memref<128xi32, #tpu.memory_space<hbm>>
        tpu.wait_dma2 semaphore(%arg21 : memref<!tpu.dma_semaphore, #tpu.memory_space<semaphore_mem>>) src(%dma_wait3A_230 : memref<128xi32, #tpu.memory_space<hbm>>) dst(%arg14 : memref<128xi32, #tpu.memory_space<vmem>>)
        %dma_start3A_231 = arith.constant 0 : i32
        %dma_start3A_232 = arith.constant 0 : i32
        %dma_start3A_233 = tpu.memref_slice %arg2[%dma_start3A_231, %dma_start3A_232] : memref<10240x128xf32, #tpu.memory_space<hbm>> -> memref<10240x128xf32, #tpu.memory_space<hbm>>
        tpu.enqueue_indirect_dma source(%dma_start3A_233 : memref<10240x128xf32, #tpu.memory_space<hbm>>) target(%arg6 : memref<128x128xf32, #tpu.memory_space<vmem>>) offsets(%arg10 : memref<128xi32, #tpu.memory_space<vmem>>) semaphore(%arg17 : memref<!tpu.dma_semaphore, #tpu.memory_space<semaphore_mem>>)
      } else {
      }
      %dma_wait3A_153 = arith.constant 0 : i32
      %dma_wait3A_154 = arith.constant 0 : i32
      %dma_wait3A_155 = tpu.memref_slice %arg2[%dma_wait3A_153, %dma_wait3A_154] : memref<10240x128xf32, #tpu.memory_space<hbm>> -> memref<10240x128xf32, #tpu.memory_space<hbm>>
      tpu.wait_indirect_dma semaphore(%arg18 : memref<!tpu.dma_semaphore, #tpu.memory_space<semaphore_mem>>) src(%dma_wait3A_155 : memref<10240x128xf32, #tpu.memory_space<hbm>>) dst(%arg7 : memref<128x128xf32, #tpu.memory_space<vmem>>)
      %dma_start3A_156 = arith.constant 0 : i32
      %dma_start3A_157 = arith.constant 0 : i32
      %dma_start3A_158 = tpu.memref_slice %arg16[%dma_start3A_156, %dma_start3A_157] : memref<10240x128xf32, #tpu.memory_space<vmem_shared>> -> memref<10240x128xf32, #tpu.memory_space<vmem_shared>>
      tpu.enqueue_indirect_dma source(%arg7 : memref<128x128xf32, #tpu.memory_space<vmem>>) target(%dma_start3A_158 : memref<10240x128xf32, #tpu.memory_space<vmem_shared>>) offsets(%arg13 : memref<128xi32, #tpu.memory_space<vmem>>) semaphore(%arg24 : memref<!tpu.dma_semaphore, #tpu.memory_space<semaphore_mem>>) {add = true}
      %mul3A_159 = arith.constant 4 : i32
      %mul3A_160 = arith.muli %mul3A_159, %scan3A_104 : i32
      %add3A_161 = arith.constant 2 : i32
      %add3A_162 = arith.addi %mul3A_160, %add3A_161 : i32
      %gt3A_163 = arith.constant 0 : i32
      %gt3A_164 = arith.cmpi sgt, %add3A_162, %gt3A_163 : i32
      %convert_element_type3A_165 = arith.extui %gt3A_164 : i1 to i32
      %cond3A_166 = arith.constant 0 : i32
      %cond3A_167 = arith.cmpi ne, %convert_element_type3A_165, %cond3A_166 : i32
      scf.if %cond3A_167 {
        %dma_wait3A_217 = arith.constant 0 : i32
        %dma_wait3A_218 = arith.constant 0 : i32
        %dma_wait3A_219 = tpu.memref_slice %arg2[%dma_wait3A_217, %dma_wait3A_218] : memref<10240x128xf32, #tpu.memory_space<hbm>> -> memref<128x128xf32, #tpu.memory_space<hbm>>
        %dma_wait3A_220 = arith.constant 0 : i32
        %dma_wait3A_221 = arith.constant 0 : i32
        %dma_wait3A_222 = tpu.memref_slice %arg2[%dma_wait3A_220, %dma_wait3A_221] : memref<10240x128xf32, #tpu.memory_space<hbm>> -> memref<128x128xf32, #tpu.memory_space<hbm>>
        tpu.wait_dma2 semaphore(%arg24 : memref<!tpu.dma_semaphore, #tpu.memory_space<semaphore_mem>>) src(%dma_wait3A_222 : memref<128x128xf32, #tpu.memory_space<hbm>>) dst(%arg7 : memref<128x128xf32, #tpu.memory_space<vmem>>)
      } else {
      }
      %add3A_168 = arith.constant 2 : i32
      %add3A_169 = arith.addi %add3A_162, %add3A_168 : i32
      %lt3A_170 = arith.constant 80 : i32
      %lt3A_171 = arith.cmpi slt, %add3A_169, %lt3A_170 : i32
      %convert_element_type3A_172 = arith.extui %lt3A_171 : i1 to i32
      %cond3A_173 = arith.constant 0 : i32
      %cond3A_174 = arith.cmpi ne, %convert_element_type3A_172, %cond3A_173 : i32
      scf.if %cond3A_174 {
        %add3A_217 = arith.constant 2 : i32
        %add3A_218 = arith.addi %add3A_162, %add3A_217 : i32
        %add3A_219 = arith.addi %mul3A_4, %add3A_218 : i32
        %dma_start3A_220 = arith.constant 0 : i32
        %dma_start3A_221 = tpu.memref_slice %arg3[%add3A_219, %dma_start3A_220] : memref<2560x128xi32, #tpu.memory_space<hbm>> -> memref<1x128xi32, #tpu.memory_space<hbm>>
        %dma_start3A_222 = tpu.memref_squeeze %dma_start3A_221 : memref<1x128xi32, #tpu.memory_space<hbm>> -> memref<128xi32, #tpu.memory_space<hbm>>
        %dma_start3A_223 = arith.constant 0 : i32
        %dma_start3A_224 = tpu.memref_slice %arg3[%add3A_219, %dma_start3A_223] : memref<2560x128xi32, #tpu.memory_space<hbm>> -> memref<1x128xi32, #tpu.memory_space<hbm>>
        %dma_start3A_225 = tpu.memref_squeeze %dma_start3A_224 : memref<1x128xi32, #tpu.memory_space<hbm>> -> memref<128xi32, #tpu.memory_space<hbm>>
        tpu.enqueue_dma source(%dma_start3A_225 : memref<128xi32, #tpu.memory_space<hbm>>) target(%arg8 : memref<128xi32, #tpu.memory_space<vmem>>) target_semaphore(%arg19 : memref<!tpu.dma_semaphore, #tpu.memory_space<semaphore_mem>>)
        %add3A_226 = arith.addi %mul3A_4, %add3A_218 : i32
        %dma_start3A_227 = arith.constant 0 : i32
        %dma_start3A_228 = tpu.memref_slice %arg4[%add3A_226, %dma_start3A_227] : memref<2560x128xi32, #tpu.memory_space<hbm>> -> memref<1x128xi32, #tpu.memory_space<hbm>>
        %dma_start3A_229 = tpu.memref_squeeze %dma_start3A_228 : memref<1x128xi32, #tpu.memory_space<hbm>> -> memref<128xi32, #tpu.memory_space<hbm>>
        %dma_start3A_230 = arith.constant 0 : i32
        %dma_start3A_231 = tpu.memref_slice %arg4[%add3A_226, %dma_start3A_230] : memref<2560x128xi32, #tpu.memory_space<hbm>> -> memref<1x128xi32, #tpu.memory_space<hbm>>
        %dma_start3A_232 = tpu.memref_squeeze %dma_start3A_231 : memref<1x128xi32, #tpu.memory_space<hbm>> -> memref<128xi32, #tpu.memory_space<hbm>>
        tpu.enqueue_dma source(%dma_start3A_232 : memref<128xi32, #tpu.memory_space<hbm>>) target(%arg12 : memref<128xi32, #tpu.memory_space<vmem>>) target_semaphore(%arg19 : memref<!tpu.dma_semaphore, #tpu.memory_space<semaphore_mem>>)
      } else {
      }
      %add3A_175 = arith.constant 1 : i32
      %add3A_176 = arith.addi %add3A_162, %add3A_175 : i32
      %lt3A_177 = arith.constant 80 : i32
      %lt3A_178 = arith.cmpi slt, %add3A_176, %lt3A_177 : i32
      %convert_element_type3A_179 = arith.extui %lt3A_178 : i1 to i32
      %cond3A_180 = arith.constant 0 : i32
      %cond3A_181 = arith.cmpi ne, %convert_element_type3A_179, %cond3A_180 : i32
      scf.if %cond3A_181 {
        %dma_wait3A_217 = arith.constant 0 : i32
        %dma_wait3A_218 = arith.constant 0 : i32
        %dma_wait3A_219 = tpu.memref_slice %arg3[%dma_wait3A_217, %dma_wait3A_218] : memref<2560x128xi32, #tpu.memory_space<hbm>> -> memref<1x128xi32, #tpu.memory_space<hbm>>
        %dma_wait3A_220 = tpu.memref_squeeze %dma_wait3A_219 : memref<1x128xi32, #tpu.memory_space<hbm>> -> memref<128xi32, #tpu.memory_space<hbm>>
        %dma_wait3A_221 = arith.constant 0 : i32
        %dma_wait3A_222 = tpu.memref_slice %arg3[%dma_wait3A_217, %dma_wait3A_221] : memref<2560x128xi32, #tpu.memory_space<hbm>> -> memref<1x128xi32, #tpu.memory_space<hbm>>
        %dma_wait3A_223 = tpu.memref_squeeze %dma_wait3A_222 : memref<1x128xi32, #tpu.memory_space<hbm>> -> memref<128xi32, #tpu.memory_space<hbm>>
        tpu.wait_dma2 semaphore(%arg22 : memref<!tpu.dma_semaphore, #tpu.memory_space<semaphore_mem>>) src(%dma_wait3A_223 : memref<128xi32, #tpu.memory_space<hbm>>) dst(%arg11 : memref<128xi32, #tpu.memory_space<vmem>>)
        %dma_wait3A_224 = arith.constant 0 : i32
        %dma_wait3A_225 = arith.constant 0 : i32
        %dma_wait3A_226 = tpu.memref_slice %arg4[%dma_wait3A_224, %dma_wait3A_225] : memref<2560x128xi32, #tpu.memory_space<hbm>> -> memref<1x128xi32, #tpu.memory_space<hbm>>
        %dma_wait3A_227 = tpu.memref_squeeze %dma_wait3A_226 : memref<1x128xi32, #tpu.memory_space<hbm>> -> memref<128xi32, #tpu.memory_space<hbm>>
        %dma_wait3A_228 = arith.constant 0 : i32
        %dma_wait3A_229 = tpu.memref_slice %arg4[%dma_wait3A_224, %dma_wait3A_228] : memref<2560x128xi32, #tpu.memory_space<hbm>> -> memref<1x128xi32, #tpu.memory_space<hbm>>
        %dma_wait3A_230 = tpu.memref_squeeze %dma_wait3A_229 : memref<1x128xi32, #tpu.memory_space<hbm>> -> memref<128xi32, #tpu.memory_space<hbm>>
        tpu.wait_dma2 semaphore(%arg22 : memref<!tpu.dma_semaphore, #tpu.memory_space<semaphore_mem>>) src(%dma_wait3A_230 : memref<128xi32, #tpu.memory_space<hbm>>) dst(%arg15 : memref<128xi32, #tpu.memory_space<vmem>>)
        %dma_start3A_231 = arith.constant 0 : i32
        %dma_start3A_232 = arith.constant 0 : i32
        %dma_start3A_233 = tpu.memref_slice %arg2[%dma_start3A_231, %dma_start3A_232] : memref<10240x128xf32, #tpu.memory_space<hbm>> -> memref<10240x128xf32, #tpu.memory_space<hbm>>
        tpu.enqueue_indirect_dma source(%dma_start3A_233 : memref<10240x128xf32, #tpu.memory_space<hbm>>) target(%arg7 : memref<128x128xf32, #tpu.memory_space<vmem>>) offsets(%arg11 : memref<128xi32, #tpu.memory_space<vmem>>) semaphore(%arg18 : memref<!tpu.dma_semaphore, #tpu.memory_space<semaphore_mem>>)
      } else {
      }
      %dma_wait3A_182 = arith.constant 0 : i32
      %dma_wait3A_183 = arith.constant 0 : i32
      %dma_wait3A_184 = tpu.memref_slice %arg2[%dma_wait3A_182, %dma_wait3A_183] : memref<10240x128xf32, #tpu.memory_space<hbm>> -> memref<10240x128xf32, #tpu.memory_space<hbm>>
      tpu.wait_indirect_dma semaphore(%arg17 : memref<!tpu.dma_semaphore, #tpu.memory_space<semaphore_mem>>) src(%dma_wait3A_184 : memref<10240x128xf32, #tpu.memory_space<hbm>>) dst(%arg6 : memref<128x128xf32, #tpu.memory_space<vmem>>)
      %dma_start3A_185 = arith.constant 0 : i32
      %dma_start3A_186 = arith.constant 0 : i32
      %dma_start3A_187 = tpu.memref_slice %arg16[%dma_start3A_185, %dma_start3A_186] : memref<10240x128xf32, #tpu.memory_space<vmem_shared>> -> memref<10240x128xf32, #tpu.memory_space<vmem_shared>>
      tpu.enqueue_indirect_dma source(%arg6 : memref<128x128xf32, #tpu.memory_space<vmem>>) target(%dma_start3A_187 : memref<10240x128xf32, #tpu.memory_space<vmem_shared>>) offsets(%arg14 : memref<128xi32, #tpu.memory_space<vmem>>) semaphore(%arg23 : memref<!tpu.dma_semaphore, #tpu.memory_space<semaphore_mem>>) {add = true}
      %mul3A_188 = arith.constant 4 : i32
      %mul3A_189 = arith.muli %mul3A_188, %scan3A_104 : i32
      %add3A_190 = arith.constant 3 : i32
      %add3A_191 = arith.addi %mul3A_189, %add3A_190 : i32
      %gt3A_192 = arith.constant 0 : i32
      %gt3A_193 = arith.cmpi sgt, %add3A_191, %gt3A_192 : i32
      %convert_element_type3A_194 = arith.extui %gt3A_193 : i1 to i32
      %cond3A_195 = arith.constant 0 : i32
      %cond3A_196 = arith.cmpi ne, %convert_element_type3A_194, %cond3A_195 : i32
      scf.if %cond3A_196 {
        %dma_wait3A_217 = arith.constant 0 : i32
        %dma_wait3A_218 = arith.constant 0 : i32
        %dma_wait3A_219 = tpu.memref_slice %arg2[%dma_wait3A_217, %dma_wait3A_218] : memref<10240x128xf32, #tpu.memory_space<hbm>> -> memref<128x128xf32, #tpu.memory_space<hbm>>
        %dma_wait3A_220 = arith.constant 0 : i32
        %dma_wait3A_221 = arith.constant 0 : i32
        %dma_wait3A_222 = tpu.memref_slice %arg2[%dma_wait3A_220, %dma_wait3A_221] : memref<10240x128xf32, #tpu.memory_space<hbm>> -> memref<128x128xf32, #tpu.memory_space<hbm>>
        tpu.wait_dma2 semaphore(%arg23 : memref<!tpu.dma_semaphore, #tpu.memory_space<semaphore_mem>>) src(%dma_wait3A_222 : memref<128x128xf32, #tpu.memory_space<hbm>>) dst(%arg6 : memref<128x128xf32, #tpu.memory_space<vmem>>)
      } else {
      }
      %add3A_197 = arith.constant 2 : i32
      %add3A_198 = arith.addi %add3A_191, %add3A_197 : i32
      %lt3A_199 = arith.constant 80 : i32
      %lt3A_200 = arith.cmpi slt, %add3A_198, %lt3A_199 : i32
      %convert_element_type3A_201 = arith.extui %lt3A_200 : i1 to i32
      %cond3A_202 = arith.constant 0 : i32
      %cond3A_203 = arith.cmpi ne, %convert_element_type3A_201, %cond3A_202 : i32
      scf.if %cond3A_203 {
        %add3A_217 = arith.constant 2 : i32
        %add3A_218 = arith.addi %add3A_191, %add3A_217 : i32
        %add3A_219 = arith.addi %mul3A_4, %add3A_218 : i32
        %dma_start3A_220 = arith.constant 0 : i32
        %dma_start3A_221 = tpu.memref_slice %arg3[%add3A_219, %dma_start3A_220] : memref<2560x128xi32, #tpu.memory_space<hbm>> -> memref<1x128xi32, #tpu.memory_space<hbm>>
        %dma_start3A_222 = tpu.memref_squeeze %dma_start3A_221 : memref<1x128xi32, #tpu.memory_space<hbm>> -> memref<128xi32, #tpu.memory_space<hbm>>
        %dma_start3A_223 = arith.constant 0 : i32
        %dma_start3A_224 = tpu.memref_slice %arg3[%add3A_219, %dma_start3A_223] : memref<2560x128xi32, #tpu.memory_space<hbm>> -> memref<1x128xi32, #tpu.memory_space<hbm>>
        %dma_start3A_225 = tpu.memref_squeeze %dma_start3A_224 : memref<1x128xi32, #tpu.memory_space<hbm>> -> memref<128xi32, #tpu.memory_space<hbm>>
        tpu.enqueue_dma source(%dma_start3A_225 : memref<128xi32, #tpu.memory_space<hbm>>) target(%arg9 : memref<128xi32, #tpu.memory_space<vmem>>) target_semaphore(%arg20 : memref<!tpu.dma_semaphore, #tpu.memory_space<semaphore_mem>>)
        %add3A_226 = arith.addi %mul3A_4, %add3A_218 : i32
        %dma_start3A_227 = arith.constant 0 : i32
        %dma_start3A_228 = tpu.memref_slice %arg4[%add3A_226, %dma_start3A_227] : memref<2560x128xi32, #tpu.memory_space<hbm>> -> memref<1x128xi32, #tpu.memory_space<hbm>>
        %dma_start3A_229 = tpu.memref_squeeze %dma_start3A_228 : memref<1x128xi32, #tpu.memory_space<hbm>> -> memref<128xi32, #tpu.memory_space<hbm>>
        %dma_start3A_230 = arith.constant 0 : i32
        %dma_start3A_231 = tpu.memref_slice %arg4[%add3A_226, %dma_start3A_230] : memref<2560x128xi32, #tpu.memory_space<hbm>> -> memref<1x128xi32, #tpu.memory_space<hbm>>
        %dma_start3A_232 = tpu.memref_squeeze %dma_start3A_231 : memref<1x128xi32, #tpu.memory_space<hbm>> -> memref<128xi32, #tpu.memory_space<hbm>>
        tpu.enqueue_dma source(%dma_start3A_232 : memref<128xi32, #tpu.memory_space<hbm>>) target(%arg13 : memref<128xi32, #tpu.memory_space<vmem>>) target_semaphore(%arg20 : memref<!tpu.dma_semaphore, #tpu.memory_space<semaphore_mem>>)
      } else {
      }
      %add3A_204 = arith.constant 1 : i32
      %add3A_205 = arith.addi %add3A_191, %add3A_204 : i32
      %lt3A_206 = arith.constant 80 : i32
      %lt3A_207 = arith.cmpi slt, %add3A_205, %lt3A_206 : i32
      %convert_element_type3A_208 = arith.extui %lt3A_207 : i1 to i32
      %cond3A_209 = arith.constant 0 : i32
      %cond3A_210 = arith.cmpi ne, %convert_element_type3A_208, %cond3A_209 : i32
      scf.if %cond3A_210 {
        %dma_wait3A_217 = arith.constant 0 : i32
        %dma_wait3A_218 = arith.constant 0 : i32
        %dma_wait3A_219 = tpu.memref_slice %arg3[%dma_wait3A_217, %dma_wait3A_218] : memref<2560x128xi32, #tpu.memory_space<hbm>> -> memref<1x128xi32, #tpu.memory_space<hbm>>
        %dma_wait3A_220 = tpu.memref_squeeze %dma_wait3A_219 : memref<1x128xi32, #tpu.memory_space<hbm>> -> memref<128xi32, #tpu.memory_space<hbm>>
        %dma_wait3A_221 = arith.constant 0 : i32
        %dma_wait3A_222 = tpu.memref_slice %arg3[%dma_wait3A_217, %dma_wait3A_221] : memref<2560x128xi32, #tpu.memory_space<hbm>> -> memref<1x128xi32, #tpu.memory_space<hbm>>
        %dma_wait3A_223 = tpu.memref_squeeze %dma_wait3A_222 : memref<1x128xi32, #tpu.memory_space<hbm>> -> memref<128xi32, #tpu.memory_space<hbm>>
        tpu.wait_dma2 semaphore(%arg19 : memref<!tpu.dma_semaphore, #tpu.memory_space<semaphore_mem>>) src(%dma_wait3A_223 : memref<128xi32, #tpu.memory_space<hbm>>) dst(%arg8 : memref<128xi32, #tpu.memory_space<vmem>>)
        %dma_wait3A_224 = arith.constant 0 : i32
        %dma_wait3A_225 = arith.constant 0 : i32
        %dma_wait3A_226 = tpu.memref_slice %arg4[%dma_wait3A_224, %dma_wait3A_225] : memref<2560x128xi32, #tpu.memory_space<hbm>> -> memref<1x128xi32, #tpu.memory_space<hbm>>
        %dma_wait3A_227 = tpu.memref_squeeze %dma_wait3A_226 : memref<1x128xi32, #tpu.memory_space<hbm>> -> memref<128xi32, #tpu.memory_space<hbm>>
        %dma_wait3A_228 = arith.constant 0 : i32
        %dma_wait3A_229 = tpu.memref_slice %arg4[%dma_wait3A_224, %dma_wait3A_228] : memref<2560x128xi32, #tpu.memory_space<hbm>> -> memref<1x128xi32, #tpu.memory_space<hbm>>
        %dma_wait3A_230 = tpu.memref_squeeze %dma_wait3A_229 : memref<1x128xi32, #tpu.memory_space<hbm>> -> memref<128xi32, #tpu.memory_space<hbm>>
        tpu.wait_dma2 semaphore(%arg19 : memref<!tpu.dma_semaphore, #tpu.memory_space<semaphore_mem>>) src(%dma_wait3A_230 : memref<128xi32, #tpu.memory_space<hbm>>) dst(%arg12 : memref<128xi32, #tpu.memory_space<vmem>>)
        %dma_start3A_231 = arith.constant 0 : i32
        %dma_start3A_232 = arith.constant 0 : i32
        %dma_start3A_233 = tpu.memref_slice %arg2[%dma_start3A_231, %dma_start3A_232] : memref<10240x128xf32, #tpu.memory_space<hbm>> -> memref<10240x128xf32, #tpu.memory_space<hbm>>
        tpu.enqueue_indirect_dma source(%dma_start3A_233 : memref<10240x128xf32, #tpu.memory_space<hbm>>) target(%arg6 : memref<128x128xf32, #tpu.memory_space<vmem>>) offsets(%arg8 : memref<128xi32, #tpu.memory_space<vmem>>) semaphore(%arg17 : memref<!tpu.dma_semaphore, #tpu.memory_space<semaphore_mem>>)
      } else {
      }
      %dma_wait3A_211 = arith.constant 0 : i32
      %dma_wait3A_212 = arith.constant 0 : i32
      %dma_wait3A_213 = tpu.memref_slice %arg2[%dma_wait3A_211, %dma_wait3A_212] : memref<10240x128xf32, #tpu.memory_space<hbm>> -> memref<10240x128xf32, #tpu.memory_space<hbm>>
      tpu.wait_indirect_dma semaphore(%arg18 : memref<!tpu.dma_semaphore, #tpu.memory_space<semaphore_mem>>) src(%dma_wait3A_213 : memref<10240x128xf32, #tpu.memory_space<hbm>>) dst(%arg7 : memref<128x128xf32, #tpu.memory_space<vmem>>)
      %dma_start3A_214 = arith.constant 0 : i32
      %dma_start3A_215 = arith.constant 0 : i32
      %dma_start3A_216 = tpu.memref_slice %arg16[%dma_start3A_214, %dma_start3A_215] : memref<10240x128xf32, #tpu.memory_space<vmem_shared>> -> memref<10240x128xf32, #tpu.memory_space<vmem_shared>>
      tpu.enqueue_indirect_dma source(%arg7 : memref<128x128xf32, #tpu.memory_space<vmem>>) target(%dma_start3A_216 : memref<10240x128xf32, #tpu.memory_space<vmem_shared>>) offsets(%arg15 : memref<128xi32, #tpu.memory_space<vmem>>) semaphore(%arg24 : memref<!tpu.dma_semaphore, #tpu.memory_space<semaphore_mem>>) {add = true}
    }
    %scan3A_76 = arith.constant 20 : i32
    %dma_wait3A_77 = arith.constant 0 : i32
    %dma_wait3A_78 = arith.constant 0 : i32
    %dma_wait3A_79 = tpu.memref_slice %arg2[%dma_wait3A_77, %dma_wait3A_78] : memref<10240x128xf32, #tpu.memory_space<hbm>> -> memref<128x128xf32, #tpu.memory_space<hbm>>
    %dma_wait3A_80 = arith.constant 0 : i32
    %dma_wait3A_81 = arith.constant 0 : i32
    %dma_wait3A_82 = tpu.memref_slice %arg2[%dma_wait3A_80, %dma_wait3A_81] : memref<10240x128xf32, #tpu.memory_space<hbm>> -> memref<128x128xf32, #tpu.memory_space<hbm>>
    tpu.wait_dma2 semaphore(%arg24 : memref<!tpu.dma_semaphore, #tpu.memory_space<semaphore_mem>>) src(%dma_wait3A_82 : memref<128x128xf32, #tpu.memory_space<hbm>>) dst(%arg7 : memref<128x128xf32, #tpu.memory_space<vmem>>)
    %barrier3A_83 = arith.constant 0 : index
    tpu.barrier barrier_id(%barrier3A_83)
    %add3A_84 = arith.constant 0 : i32
    %add3A_85 = arith.addi %mul3A_2, %add3A_84 : i32
    "tpu.region"() ({
      %run_scoped3A = tpu.sem_alloc : memref<!tpu.dma_semaphore, #tpu.memory_space<semaphore_mem>>
      %dma_start3A_104 = arith.constant 0 : i32
      %dma_start3A_105 = tpu.memref_slice %arg16[%add3A_85, %dma_start3A_104] : memref<10240x128xf32, #tpu.memory_space<vmem_shared>> -> memref<128x128xf32, #tpu.memory_space<vmem_shared>>
      %dma_start3A_106 = arith.constant 0 : i32
      %dma_start3A_107 = tpu.memref_slice %arg16[%add3A_85, %dma_start3A_106] : memref<10240x128xf32, #tpu.memory_space<vmem_shared>> -> memref<128x128xf32, #tpu.memory_space<vmem_shared>>
      tpu.enqueue_dma source(%dma_start3A_107 : memref<128x128xf32, #tpu.memory_space<vmem_shared>>) target(%arg6 : memref<128x128xf32, #tpu.memory_space<vmem>>) target_semaphore(%run_scoped3A : memref<!tpu.dma_semaphore, #tpu.memory_space<semaphore_mem>>)
      %dma_wait3A_108 = arith.constant 0 : i32
      %dma_wait3A_109 = tpu.memref_slice %arg16[%add3A_85, %dma_wait3A_108] : memref<10240x128xf32, #tpu.memory_space<vmem_shared>> -> memref<128x128xf32, #tpu.memory_space<vmem_shared>>
      %dma_wait3A_110 = arith.constant 0 : i32
      %dma_wait3A_111 = tpu.memref_slice %arg16[%add3A_85, %dma_wait3A_110] : memref<10240x128xf32, #tpu.memory_space<vmem_shared>> -> memref<128x128xf32, #tpu.memory_space<vmem_shared>>
      tpu.wait_dma2 semaphore(%run_scoped3A : memref<!tpu.dma_semaphore, #tpu.memory_space<semaphore_mem>>) src(%dma_wait3A_111 : memref<128x128xf32, #tpu.memory_space<vmem_shared>>) dst(%arg6 : memref<128x128xf32, #tpu.memory_space<vmem>>)
      tpu.yield
    }) : () -> ()
    %add3A_86 = arith.constant 0 : i32
    %add3A_87 = arith.addi %mul3A_2, %add3A_86 : i32
    "tpu.region"() ({
      %run_scoped3A = tpu.sem_alloc : memref<!tpu.dma_semaphore, #tpu.memory_space<semaphore_mem>>
      %dma_start3A_104 = arith.constant 0 : i32
      %dma_start3A_105 = tpu.memref_slice %arg5[%arg0, %add3A_87, %dma_start3A_104] : memref<2x10240x128xf32, #tpu.memory_space<hbm>> -> memref<1x128x128xf32, #tpu.memory_space<hbm>>
      %dma_start3A_106 = tpu.memref_squeeze %dma_start3A_105 : memref<1x128x128xf32, #tpu.memory_space<hbm>> -> memref<128x128xf32, #tpu.memory_space<hbm>>
      %dma_start3A_107 = arith.constant 0 : i32
      %dma_start3A_108 = tpu.memref_slice %arg5[%arg0, %add3A_87, %dma_start3A_107] : memref<2x10240x128xf32, #tpu.memory_space<hbm>> -> memref<1x128x128xf32, #tpu.memory_space<hbm>>
      %dma_start3A_109 = tpu.memref_squeeze %dma_start3A_108 : memref<1x128x128xf32, #tpu.memory_space<hbm>> -> memref<128x128xf32, #tpu.memory_space<hbm>>
      tpu.enqueue_dma source(%arg6 : memref<128x128xf32, #tpu.memory_space<vmem>>) target(%dma_start3A_109 : memref<128x128xf32, #tpu.memory_space<hbm>>) target_semaphore(%run_scoped3A : memref<!tpu.dma_semaphore, #tpu.memory_space<semaphore_mem>>)
      %dma_wait3A_110 = arith.constant 0 : i32
      %dma_wait3A_111 = tpu.memref_slice %arg5[%arg0, %add3A_87, %dma_wait3A_110] : memref<2x10240x128xf32, #tpu.memory_space<hbm>> -> memref<1x128x128xf32, #tpu.memory_space<hbm>>
      %dma_wait3A_112 = tpu.memref_squeeze %dma_wait3A_111 : memref<1x128x128xf32, #tpu.memory_space<hbm>> -> memref<128x128xf32, #tpu.memory_space<hbm>>
      %dma_wait3A_113 = arith.constant 0 : i32
      %dma_wait3A_114 = tpu.memref_slice %arg5[%arg0, %add3A_87, %dma_wait3A_113] : memref<2x10240x128xf32, #tpu.memory_space<hbm>> -> memref<1x128x128xf32, #tpu.memory_space<hbm>>
      %dma_wait3A_115 = tpu.memref_squeeze %dma_wait3A_114 : memref<1x128x128xf32, #tpu.memory_space<hbm>> -> memref<128x128xf32, #tpu.memory_space<hbm>>
      tpu.wait_dma2 semaphore(%run_scoped3A : memref<!tpu.dma_semaphore, #tpu.memory_space<semaphore_mem>>) src(%arg6 : memref<128x128xf32, #tpu.memory_space<vmem>>) dst(%dma_wait3A_115 : memref<128x128xf32, #tpu.memory_space<hbm>>)
      tpu.yield
    }) : () -> ()
    %add3A_88 = arith.constant 128 : i32
    %add3A_89 = arith.addi %mul3A_2, %add3A_88 : i32
    "tpu.region"() ({
      %run_scoped3A = tpu.sem_alloc : memref<!tpu.dma_semaphore, #tpu.memory_space<semaphore_mem>>
      %dma_start3A_104 = arith.constant 0 : i32
      %dma_start3A_105 = tpu.memref_slice %arg16[%add3A_89, %dma_start3A_104] : memref<10240x128xf32, #tpu.memory_space<vmem_shared>> -> memref<128x128xf32, #tpu.memory_space<vmem_shared>>
      %dma_start3A_106 = arith.constant 0 : i32
      %dma_start3A_107 = tpu.memref_slice %arg16[%add3A_89, %dma_start3A_106] : memref<10240x128xf32, #tpu.memory_space<vmem_shared>> -> memref<128x128xf32, #tpu.memory_space<vmem_shared>>
      tpu.enqueue_dma source(%dma_start3A_107 : memref<128x128xf32, #tpu.memory_space<vmem_shared>>) target(%arg7 : memref<128x128xf32, #tpu.memory_space<vmem>>) target_semaphore(%run_scoped3A : memref<!tpu.dma_semaphore, #tpu.memory_space<semaphore_mem>>)
      %dma_wait3A_108 = arith.constant 0 : i32
      %dma_wait3A_109 = tpu.memref_slice %arg16[%add3A_89, %dma_wait3A_108] : memref<10240x128xf32, #tpu.memory_space<vmem_shared>> -> memref<128x128xf32, #tpu.memory_space<vmem_shared>>
      %dma_wait3A_110 = arith.constant 0 : i32
      %dma_wait3A_111 = tpu.memref_slice %arg16[%add3A_89, %dma_wait3A_110] : memref<10240x128xf32, #tpu.memory_space<vmem_shared>> -> memref<128x128xf32, #tpu.memory_space<vmem_shared>>
      tpu.wait_dma2 semaphore(%run_scoped3A : memref<!tpu.dma_semaphore, #tpu.memory_space<semaphore_mem>>) src(%dma_wait3A_111 : memref<128x128xf32, #tpu.memory_space<vmem_shared>>) dst(%arg7 : memref<128x128xf32, #tpu.memory_space<vmem>>)
      tpu.yield
    }) : () -> ()
    %add3A_90 = arith.constant 128 : i32
    %add3A_91 = arith.addi %mul3A_2, %add3A_90 : i32
    "tpu.region"() ({
      %run_scoped3A = tpu.sem_alloc : memref<!tpu.dma_semaphore, #tpu.memory_space<semaphore_mem>>
      %dma_start3A_104 = arith.constant 0 : i32
      %dma_start3A_105 = tpu.memref_slice %arg5[%arg0, %add3A_91, %dma_start3A_104] : memref<2x10240x128xf32, #tpu.memory_space<hbm>> -> memref<1x128x128xf32, #tpu.memory_space<hbm>>
      %dma_start3A_106 = tpu.memref_squeeze %dma_start3A_105 : memref<1x128x128xf32, #tpu.memory_space<hbm>> -> memref<128x128xf32, #tpu.memory_space<hbm>>
      %dma_start3A_107 = arith.constant 0 : i32
      %dma_start3A_108 = tpu.memref_slice %arg5[%arg0, %add3A_91, %dma_start3A_107] : memref<2x10240x128xf32, #tpu.memory_space<hbm>> -> memref<1x128x128xf32, #tpu.memory_space<hbm>>
      %dma_start3A_109 = tpu.memref_squeeze %dma_start3A_108 : memref<1x128x128xf32, #tpu.memory_space<hbm>> -> memref<128x128xf32, #tpu.memory_space<hbm>>
      tpu.enqueue_dma source(%arg7 : memref<128x128xf32, #tpu.memory_space<vmem>>) target(%dma_start3A_109 : memref<128x128xf32, #tpu.memory_space<hbm>>) target_semaphore(%run_scoped3A : memref<!tpu.dma_semaphore, #tpu.memory_space<semaphore_mem>>)
      %dma_wait3A_110 = arith.constant 0 : i32
      %dma_wait3A_111 = tpu.memref_slice %arg5[%arg0, %add3A_91, %dma_wait3A_110] : memref<2x10240x128xf32, #tpu.memory_space<hbm>> -> memref<1x128x128xf32, #tpu.memory_space<hbm>>
      %dma_wait3A_112 = tpu.memref_squeeze %dma_wait3A_111 : memref<1x128x128xf32, #tpu.memory_space<hbm>> -> memref<128x128xf32, #tpu.memory_space<hbm>>
      %dma_wait3A_113 = arith.constant 0 : i32
      %dma_wait3A_114 = tpu.memref_slice %arg5[%arg0, %add3A_91, %dma_wait3A_113] : memref<2x10240x128xf32, #tpu.memory_space<hbm>> -> memref<1x128x128xf32, #tpu.memory_space<hbm>>
      %dma_wait3A_115 = tpu.memref_squeeze %dma_wait3A_114 : memref<1x128x128xf32, #tpu.memory_space<hbm>> -> memref<128x128xf32, #tpu.memory_space<hbm>>
      tpu.wait_dma2 semaphore(%run_scoped3A : memref<!tpu.dma_semaphore, #tpu.memory_space<semaphore_mem>>) src(%arg7 : memref<128x128xf32, #tpu.memory_space<vmem>>) dst(%dma_wait3A_115 : memref<128x128xf32, #tpu.memory_space<hbm>>)
      tpu.yield
    }) : () -> ()
    %add3A_92 = arith.constant 256 : i32
    %add3A_93 = arith.addi %mul3A_2, %add3A_92 : i32
    "tpu.region"() ({
      %run_scoped3A = tpu.sem_alloc : memref<!tpu.dma_semaphore, #tpu.memory_space<semaphore_mem>>
      %dma_start3A_104 = arith.constant 0 : i32
      %dma_start3A_105 = tpu.memref_slice %arg16[%add3A_93, %dma_start3A_104] : memref<10240x128xf32, #tpu.memory_space<vmem_shared>> -> memref<128x128xf32, #tpu.memory_space<vmem_shared>>
      %dma_start3A_106 = arith.constant 0 : i32
      %dma_start3A_107 = tpu.memref_slice %arg16[%add3A_93, %dma_start3A_106] : memref<10240x128xf32, #tpu.memory_space<vmem_shared>> -> memref<128x128xf32, #tpu.memory_space<vmem_shared>>
      tpu.enqueue_dma source(%dma_start3A_107 : memref<128x128xf32, #tpu.memory_space<vmem_shared>>) target(%arg6 : memref<128x128xf32, #tpu.memory_space<vmem>>) target_semaphore(%run_scoped3A : memref<!tpu.dma_semaphore, #tpu.memory_space<semaphore_mem>>)
      %dma_wait3A_108 = arith.constant 0 : i32
      %dma_wait3A_109 = tpu.memref_slice %arg16[%add3A_93, %dma_wait3A_108] : memref<10240x128xf32, #tpu.memory_space<vmem_shared>> -> memref<128x128xf32, #tpu.memory_space<vmem_shared>>
      %dma_wait3A_110 = arith.constant 0 : i32
      %dma_wait3A_111 = tpu.memref_slice %arg16[%add3A_93, %dma_wait3A_110] : memref<10240x128xf32, #tpu.memory_space<vmem_shared>> -> memref<128x128xf32, #tpu.memory_space<vmem_shared>>
      tpu.wait_dma2 semaphore(%run_scoped3A : memref<!tpu.dma_semaphore, #tpu.memory_space<semaphore_mem>>) src(%dma_wait3A_111 : memref<128x128xf32, #tpu.memory_space<vmem_shared>>) dst(%arg6 : memref<128x128xf32, #tpu.memory_space<vmem>>)
      tpu.yield
    }) : () -> ()
    %add3A_94 = arith.constant 256 : i32
    %add3A_95 = arith.addi %mul3A_2, %add3A_94 : i32
    "tpu.region"() ({
      %run_scoped3A = tpu.sem_alloc : memref<!tpu.dma_semaphore, #tpu.memory_space<semaphore_mem>>
      %dma_start3A_104 = arith.constant 0 : i32
      %dma_start3A_105 = tpu.memref_slice %arg5[%arg0, %add3A_95, %dma_start3A_104] : memref<2x10240x128xf32, #tpu.memory_space<hbm>> -> memref<1x128x128xf32, #tpu.memory_space<hbm>>
      %dma_start3A_106 = tpu.memref_squeeze %dma_start3A_105 : memref<1x128x128xf32, #tpu.memory_space<hbm>> -> memref<128x128xf32, #tpu.memory_space<hbm>>
      %dma_start3A_107 = arith.constant 0 : i32
      %dma_start3A_108 = tpu.memref_slice %arg5[%arg0, %add3A_95, %dma_start3A_107] : memref<2x10240x128xf32, #tpu.memory_space<hbm>> -> memref<1x128x128xf32, #tpu.memory_space<hbm>>
      %dma_start3A_109 = tpu.memref_squeeze %dma_start3A_108 : memref<1x128x128xf32, #tpu.memory_space<hbm>> -> memref<128x128xf32, #tpu.memory_space<hbm>>
      tpu.enqueue_dma source(%arg6 : memref<128x128xf32, #tpu.memory_space<vmem>>) target(%dma_start3A_109 : memref<128x128xf32, #tpu.memory_space<hbm>>) target_semaphore(%run_scoped3A : memref<!tpu.dma_semaphore, #tpu.memory_space<semaphore_mem>>)
      %dma_wait3A_110 = arith.constant 0 : i32
      %dma_wait3A_111 = tpu.memref_slice %arg5[%arg0, %add3A_95, %dma_wait3A_110] : memref<2x10240x128xf32, #tpu.memory_space<hbm>> -> memref<1x128x128xf32, #tpu.memory_space<hbm>>
      %dma_wait3A_112 = tpu.memref_squeeze %dma_wait3A_111 : memref<1x128x128xf32, #tpu.memory_space<hbm>> -> memref<128x128xf32, #tpu.memory_space<hbm>>
      %dma_wait3A_113 = arith.constant 0 : i32
      %dma_wait3A_114 = tpu.memref_slice %arg5[%arg0, %add3A_95, %dma_wait3A_113] : memref<2x10240x128xf32, #tpu.memory_space<hbm>> -> memref<1x128x128xf32, #tpu.memory_space<hbm>>
      %dma_wait3A_115 = tpu.memref_squeeze %dma_wait3A_114 : memref<1x128x128xf32, #tpu.memory_space<hbm>> -> memref<128x128xf32, #tpu.memory_space<hbm>>
      tpu.wait_dma2 semaphore(%run_scoped3A : memref<!tpu.dma_semaphore, #tpu.memory_space<semaphore_mem>>) src(%arg6 : memref<128x128xf32, #tpu.memory_space<vmem>>) dst(%dma_wait3A_115 : memref<128x128xf32, #tpu.memory_space<hbm>>)
      tpu.yield
    }) : () -> ()
    %add3A_96 = arith.constant 384 : i32
    %add3A_97 = arith.addi %mul3A_2, %add3A_96 : i32
    "tpu.region"() ({
      %run_scoped3A = tpu.sem_alloc : memref<!tpu.dma_semaphore, #tpu.memory_space<semaphore_mem>>
      %dma_start3A_104 = arith.constant 0 : i32
      %dma_start3A_105 = tpu.memref_slice %arg16[%add3A_97, %dma_start3A_104] : memref<10240x128xf32, #tpu.memory_space<vmem_shared>> -> memref<128x128xf32, #tpu.memory_space<vmem_shared>>
      %dma_start3A_106 = arith.constant 0 : i32
      %dma_start3A_107 = tpu.memref_slice %arg16[%add3A_97, %dma_start3A_106] : memref<10240x128xf32, #tpu.memory_space<vmem_shared>> -> memref<128x128xf32, #tpu.memory_space<vmem_shared>>
      tpu.enqueue_dma source(%dma_start3A_107 : memref<128x128xf32, #tpu.memory_space<vmem_shared>>) target(%arg7 : memref<128x128xf32, #tpu.memory_space<vmem>>) target_semaphore(%run_scoped3A : memref<!tpu.dma_semaphore, #tpu.memory_space<semaphore_mem>>)
      %dma_wait3A_108 = arith.constant 0 : i32
      %dma_wait3A_109 = tpu.memref_slice %arg16[%add3A_97, %dma_wait3A_108] : memref<10240x128xf32, #tpu.memory_space<vmem_shared>> -> memref<128x128xf32, #tpu.memory_space<vmem_shared>>
      %dma_wait3A_110 = arith.constant 0 : i32
      %dma_wait3A_111 = tpu.memref_slice %arg16[%add3A_97, %dma_wait3A_110] : memref<10240x128xf32, #tpu.memory_space<vmem_shared>> -> memref<128x128xf32, #tpu.memory_space<vmem_shared>>
      tpu.wait_dma2 semaphore(%run_scoped3A : memref<!tpu.dma_semaphore, #tpu.memory_space<semaphore_mem>>) src(%dma_wait3A_111 : memref<128x128xf32, #tpu.memory_space<vmem_shared>>) dst(%arg7 : memref<128x128xf32, #tpu.memory_space<vmem>>)
      tpu.yield
    }) : () -> ()
    %add3A_98 = arith.constant 384 : i32
    %add3A_99 = arith.addi %mul3A_2, %add3A_98 : i32
    "tpu.region"() ({
      %run_scoped3A = tpu.sem_alloc : memref<!tpu.dma_semaphore, #tpu.memory_space<semaphore_mem>>
      %dma_start3A_104 = arith.constant 0 : i32
      %dma_start3A_105 = tpu.memref_slice %arg5[%arg0, %add3A_99, %dma_start3A_104] : memref<2x10240x128xf32, #tpu.memory_space<hbm>> -> memref<1x128x128xf32, #tpu.memory_space<hbm>>
      %dma_start3A_106 = tpu.memref_squeeze %dma_start3A_105 : memref<1x128x128xf32, #tpu.memory_space<hbm>> -> memref<128x128xf32, #tpu.memory_space<hbm>>
      %dma_start3A_107 = arith.constant 0 : i32
      %dma_start3A_108 = tpu.memref_slice %arg5[%arg0, %add3A_99, %dma_start3A_107] : memref<2x10240x128xf32, #tpu.memory_space<hbm>> -> memref<1x128x128xf32, #tpu.memory_space<hbm>>
      %dma_start3A_109 = tpu.memref_squeeze %dma_start3A_108 : memref<1x128x128xf32, #tpu.memory_space<hbm>> -> memref<128x128xf32, #tpu.memory_space<hbm>>
      tpu.enqueue_dma source(%arg7 : memref<128x128xf32, #tpu.memory_space<vmem>>) target(%dma_start3A_109 : memref<128x128xf32, #tpu.memory_space<hbm>>) target_semaphore(%run_scoped3A : memref<!tpu.dma_semaphore, #tpu.memory_space<semaphore_mem>>)
      %dma_wait3A_110 = arith.constant 0 : i32
      %dma_wait3A_111 = tpu.memref_slice %arg5[%arg0, %add3A_99, %dma_wait3A_110] : memref<2x10240x128xf32, #tpu.memory_space<hbm>> -> memref<1x128x128xf32, #tpu.memory_space<hbm>>
      %dma_wait3A_112 = tpu.memref_squeeze %dma_wait3A_111 : memref<1x128x128xf32, #tpu.memory_space<hbm>> -> memref<128x128xf32, #tpu.memory_space<hbm>>
      %dma_wait3A_113 = arith.constant 0 : i32
      %dma_wait3A_114 = tpu.memref_slice %arg5[%arg0, %add3A_99, %dma_wait3A_113] : memref<2x10240x128xf32, #tpu.memory_space<hbm>> -> memref<1x128x128xf32, #tpu.memory_space<hbm>>
      %dma_wait3A_115 = tpu.memref_squeeze %dma_wait3A_114 : memref<1x128x128xf32, #tpu.memory_space<hbm>> -> memref<128x128xf32, #tpu.memory_space<hbm>>
      tpu.wait_dma2 semaphore(%run_scoped3A : memref<!tpu.dma_semaphore, #tpu.memory_space<semaphore_mem>>) src(%arg7 : memref<128x128xf32, #tpu.memory_space<vmem>>) dst(%dma_wait3A_115 : memref<128x128xf32, #tpu.memory_space<hbm>>)
      tpu.yield
    }) : () -> ()
    %add3A_100 = arith.constant 512 : i32
    %add3A_101 = arith.addi %mul3A_2, %add3A_100 : i32
    "tpu.region"() ({
      %run_scoped3A = tpu.sem_alloc : memref<!tpu.dma_semaphore, #tpu.memory_space<semaphore_mem>>
      %dma_start3A_104 = arith.constant 0 : i32
      %dma_start3A_105 = tpu.memref_slice %arg16[%add3A_101, %dma_start3A_104] : memref<10240x128xf32, #tpu.memory_space<vmem_shared>> -> memref<128x128xf32, #tpu.memory_space<vmem_shared>>
      %dma_start3A_106 = arith.constant 0 : i32
      %dma_start3A_107 = tpu.memref_slice %arg16[%add3A_101, %dma_start3A_106] : memref<10240x128xf32, #tpu.memory_space<vmem_shared>> -> memref<128x128xf32, #tpu.memory_space<vmem_shared>>
      tpu.enqueue_dma source(%dma_start3A_107 : memref<128x128xf32, #tpu.memory_space<vmem_shared>>) target(%arg6 : memref<128x128xf32, #tpu.memory_space<vmem>>) target_semaphore(%run_scoped3A : memref<!tpu.dma_semaphore, #tpu.memory_space<semaphore_mem>>)
      %dma_wait3A_108 = arith.constant 0 : i32
      %dma_wait3A_109 = tpu.memref_slice %arg16[%add3A_101, %dma_wait3A_108] : memref<10240x128xf32, #tpu.memory_space<vmem_shared>> -> memref<128x128xf32, #tpu.memory_space<vmem_shared>>
      %dma_wait3A_110 = arith.constant 0 : i32
      %dma_wait3A_111 = tpu.memref_slice %arg16[%add3A_101, %dma_wait3A_110] : memref<10240x128xf32, #tpu.memory_space<vmem_shared>> -> memref<128x128xf32, #tpu.memory_space<vmem_shared>>
      tpu.wait_dma2 semaphore(%run_scoped3A : memref<!tpu.dma_semaphore, #tpu.memory_space<semaphore_mem>>) src(%dma_wait3A_111 : memref<128x128xf32, #tpu.memory_space<vmem_shared>>) dst(%arg6 : memref<128x128xf32, #tpu.memory_space<vmem>>)
      tpu.yield
    }) : () -> ()
    %add3A_102 = arith.constant 512 : i32
    %add3A_103 = arith.addi %mul3A_2, %add3A_102 : i32
    "tpu.region"() ({
      %run_scoped3A = tpu.sem_alloc : memref<!tpu.dma_semaphore, #tpu.memory_space<semaphore_mem>>
      %dma_start3A_104 = arith.constant 0 : i32
      %dma_start3A_105 = tpu.memref_slice %arg5[%arg0, %add3A_103, %dma_start3A_104] : memref<2x10240x128xf32, #tpu.memory_space<hbm>> -> memref<1x128x128xf32, #tpu.memory_space<hbm>>
      %dma_start3A_106 = tpu.memref_squeeze %dma_start3A_105 : memref<1x128x128xf32, #tpu.memory_space<hbm>> -> memref<128x128xf32, #tpu.memory_space<hbm>>
      %dma_start3A_107 = arith.constant 0 : i32
      %dma_start3A_108 = tpu.memref_slice %arg5[%arg0, %add3A_103, %dma_start3A_107] : memref<2x10240x128xf32, #tpu.memory_space<hbm>> -> memref<1x128x128xf32, #tpu.memory_space<hbm>>
      %dma_start3A_109 = tpu.memref_squeeze %dma_start3A_108 : memref<1x128x128xf32, #tpu.memory_space<hbm>> -> memref<128x128xf32, #tpu.memory_space<hbm>>
      tpu.enqueue_dma source(%arg6 : memref<128x128xf32, #tpu.memory_space<vmem>>) target(%dma_start3A_109 : memref<128x128xf32, #tpu.memory_space<hbm>>) target_semaphore(%run_scoped3A : memref<!tpu.dma_semaphore, #tpu.memory_space<semaphore_mem>>)
      %dma_wait3A_110 = arith.constant 0 : i32
      %dma_wait3A_111 = tpu.memref_slice %arg5[%arg0, %add3A_103, %dma_wait3A_110] : memref<2x10240x128xf32, #tpu.memory_space<hbm>> -> memref<1x128x128xf32, #tpu.memory_space<hbm>>
      %dma_wait3A_112 = tpu.memref_squeeze %dma_wait3A_111 : memref<1x128x128xf32, #tpu.memory_space<hbm>> -> memref<128x128xf32, #tpu.memory_space<hbm>>
      %dma_wait3A_113 = arith.constant 0 : i32
      %dma_wait3A_114 = tpu.memref_slice %arg5[%arg0, %add3A_103, %dma_wait3A_113] : memref<2x10240x128xf32, #tpu.memory_space<hbm>> -> memref<1x128x128xf32, #tpu.memory_space<hbm>>
      %dma_wait3A_115 = tpu.memref_squeeze %dma_wait3A_114 : memref<1x128x128xf32, #tpu.memory_space<hbm>> -> memref<128x128xf32, #tpu.memory_space<hbm>>
      tpu.wait_dma2 semaphore(%run_scoped3A : memref<!tpu.dma_semaphore, #tpu.memory_space<semaphore_mem>>) src(%arg6 : memref<128x128xf32, #tpu.memory_space<vmem>>) dst(%dma_wait3A_115 : memref<128x128xf32, #tpu.memory_space<hbm>>)
      tpu.yield
    }) : () -> ()
    return
  }
}

#map = affine_map<(d0, d1) -> (0, 0)>
#map1 = affine_map<(d0, d1) -> (0, 0, 0)>
module attributes {stable_mosaic.version = 14 : i64} {
  func.func @_scat_body(%arg0: i32, %arg1: i32, %arg2: memref<10240x128xf32, #tpu.memory_space<hbm>>, %arg3: memref<2560x128xi32, #tpu.memory_space<hbm>>, %arg4: memref<2560x128xi32, #tpu.memory_space<hbm>>, %arg5: memref<2x10240x128xf32, #tpu.memory_space<hbm>>, %arg6: memref<128x128xf32, #tpu.memory_space<vmem>>, %arg7: memref<128x128xf32, #tpu.memory_space<vmem>>, %arg8: memref<128xi32, #tpu.memory_space<vmem>>, %arg9: memref<128xi32, #tpu.memory_space<vmem>>, %arg10: memref<128xi32, #tpu.memory_space<vmem>>, %arg11: memref<128xi32, #tpu.memory_space<vmem>>, %arg12: memref<128xi32, #tpu.memory_space<vmem>>, %arg13: memref<128xi32, #tpu.memory_space<vmem>>, %arg14: memref<128xi32, #tpu.memory_space<vmem>>, %arg15: memref<128xi32, #tpu.memory_space<vmem>>, %arg16: memref<10240x128xf32, #tpu.memory_space<vmem_shared>>, %arg17: memref<!tpu.dma_semaphore, #tpu.memory_space<semaphore_mem>>, %arg18: memref<!tpu.dma_semaphore, #tpu.memory_space<semaphore_mem>>, %arg19: memref<!tpu.dma_semaphore, #tpu.memory_space<semaphore_mem>>, %arg20: memref<!tpu.dma_semaphore, #tpu.memory_space<semaphore_mem>>, %arg21: memref<!tpu.dma_semaphore, #tpu.memory_space<semaphore_mem>>, %arg22: memref<!tpu.dma_semaphore, #tpu.memory_space<semaphore_mem>>, %arg23: memref<!tpu.dma_semaphore, #tpu.memory_space<semaphore_mem>>, %arg24: memref<!tpu.dma_semaphore, #tpu.memory_space<semaphore_mem>>) attributes {dimension_semantics = [#tpu.dimension_semantics<core_parallel>, #tpu.dimension_semantics<subcore_parallel>], iteration_bounds = array<i64: 2, 16>, scalar_prefetch = 0 : i64, scratch_operands = 19 : i64, tpu.core_type = #tpu.core_type<sc_vector_subcore>, window_params = [{transform_indices = #map}, {transform_indices = #map}, {transform_indices = #map}, {transform_indices = #map1}]} {
    %mul3A = arith.constant 2 : i32
    %mul3A_0 = arith.muli %arg1, %mul3A : i32
    %add3A = arith.addi %mul3A_0, %arg0 : i32
    %mul3A_1 = arith.constant 640 : i32
    %mul3A_2 = arith.muli %arg1, %mul3A_1 : i32
    %mul3A_3 = arith.constant 80 : i32
    %mul3A_4 = arith.muli %add3A, %mul3A_3 : i32
    %add3A_5 = arith.constant 0 : i32
    %add3A_6 = arith.addi %mul3A_4, %add3A_5 : i32
    %dma_start3A = arith.constant 0 : i32
    %dma_start3A_7 = tpu.memref_slice %arg3[%add3A_6, %dma_start3A] : memref<2560x128xi32, #tpu.memory_space<hbm>> -> memref<1x128xi32, #tpu.memory_space<hbm>>
    %dma_start3A_8 = tpu.memref_squeeze %dma_start3A_7 : memref<1x128xi32, #tpu.memory_space<hbm>> -> memref<128xi32, #tpu.memory_space<hbm>>
    %dma_start3A_9 = arith.constant 0 : i32
    %dma_start3A_10 = tpu.memref_slice %arg3[%add3A_6, %dma_start3A_9] : memref<2560x128xi32, #tpu.memory_space<hbm>> -> memref<1x128xi32, #tpu.memory_space<hbm>>
    %dma_start3A_11 = tpu.memref_squeeze %dma_start3A_10 : memref<1x128xi32, #tpu.memory_space<hbm>> -> memref<128xi32, #tpu.memory_space<hbm>>
    tpu.enqueue_dma source(%dma_start3A_11 : memref<128xi32, #tpu.memory_space<hbm>>) target(%arg8 : memref<128xi32, #tpu.memory_space<vmem>>) target_semaphore(%arg19 : memref<!tpu.dma_semaphore, #tpu.memory_space<semaphore_mem>>)
    %add3A_12 = arith.constant 0 : i32
    %add3A_13 = arith.addi %mul3A_4, %add3A_12 : i32
    %dma_start3A_14 = arith.constant 0 : i32
    %dma_start3A_15 = tpu.memref_slice %arg4[%add3A_13, %dma_start3A_14] : memref<2560x128xi32, #tpu.memory_space<hbm>> -> memref<1x128xi32, #tpu.memory_space<hbm>>
    %dma_start3A_16 = tpu.memref_squeeze %dma_start3A_15 : memref<1x128xi32, #tpu.memory_space<hbm>> -> memref<128xi32, #tpu.memory_space<hbm>>
    %dma_start3A_17 = arith.constant 0 : i32
    %dma_start3A_18 = tpu.memref_slice %arg4[%add3A_13, %dma_start3A_17] : memref<2560x128xi32, #tpu.memory_space<hbm>> -> memref<1x128xi32, #tpu.memory_space<hbm>>
    %dma_start3A_19 = tpu.memref_squeeze %dma_start3A_18 : memref<1x128xi32, #tpu.memory_space<hbm>> -> memref<128xi32, #tpu.memory_space<hbm>>
    tpu.enqueue_dma source(%dma_start3A_19 : memref<128xi32, #tpu.memory_space<hbm>>) target(%arg12 : memref<128xi32, #tpu.memory_space<vmem>>) target_semaphore(%arg19 : memref<!tpu.dma_semaphore, #tpu.memory_space<semaphore_mem>>)
    %add3A_20 = arith.constant 1 : i32
    %add3A_21 = arith.addi %mul3A_4, %add3A_20 : i32
    %dma_start3A_22 = arith.constant 0 : i32
    %dma_start3A_23 = tpu.memref_slice %arg3[%add3A_21, %dma_start3A_22] : memref<2560x128xi32, #tpu.memory_space<hbm>> -> memref<1x128xi32, #tpu.memory_space<hbm>>
    %dma_start3A_24 = tpu.memref_squeeze %dma_start3A_23 : memref<1x128xi32, #tpu.memory_space<hbm>> -> memref<128xi32, #tpu.memory_space<hbm>>
    %dma_start3A_25 = arith.constant 0 : i32
    %dma_start3A_26 = tpu.memref_slice %arg3[%add3A_21, %dma_start3A_25] : memref<2560x128xi32, #tpu.memory_space<hbm>> -> memref<1x128xi32, #tpu.memory_space<hbm>>
    %dma_start3A_27 = tpu.memref_squeeze %dma_start3A_26 : memref<1x128xi32, #tpu.memory_space<hbm>> -> memref<128xi32, #tpu.memory_space<hbm>>
    tpu.enqueue_dma source(%dma_start3A_27 : memref<128xi32, #tpu.memory_space<hbm>>) target(%arg9 : memref<128xi32, #tpu.memory_space<vmem>>) target_semaphore(%arg20 : memref<!tpu.dma_semaphore, #tpu.memory_space<semaphore_mem>>)
    %add3A_28 = arith.constant 1 : i32
    %add3A_29 = arith.addi %mul3A_4, %add3A_28 : i32
    %dma_start3A_30 = arith.constant 0 : i32
    %dma_start3A_31 = tpu.memref_slice %arg4[%add3A_29, %dma_start3A_30] : memref<2560x128xi32, #tpu.memory_space<hbm>> -> memref<1x128xi32, #tpu.memory_space<hbm>>
    %dma_start3A_32 = tpu.memref_squeeze %dma_start3A_31 : memref<1x128xi32, #tpu.memory_space<hbm>> -> memref<128xi32, #tpu.memory_space<hbm>>
    %dma_start3A_33 = arith.constant 0 : i32
    %dma_start3A_34 = tpu.memref_slice %arg4[%add3A_29, %dma_start3A_33] : memref<2560x128xi32, #tpu.memory_space<hbm>> -> memref<1x128xi32, #tpu.memory_space<hbm>>
    %dma_start3A_35 = tpu.memref_squeeze %dma_start3A_34 : memref<1x128xi32, #tpu.memory_space<hbm>> -> memref<128xi32, #tpu.memory_space<hbm>>
    tpu.enqueue_dma source(%dma_start3A_35 : memref<128xi32, #tpu.memory_space<hbm>>) target(%arg13 : memref<128xi32, #tpu.memory_space<vmem>>) target_semaphore(%arg20 : memref<!tpu.dma_semaphore, #tpu.memory_space<semaphore_mem>>)
    %add3A_36 = arith.constant 0 : i32
    %add3A_37 = arith.addi %mul3A_2, %add3A_36 : i32
    "tpu.region"() ({
      %run_scoped3A = tpu.sem_alloc : memref<!tpu.dma_semaphore, #tpu.memory_space<semaphore_mem>>
      %dma_start3A_104 = arith.constant 0 : i32
      %dma_start3A_105 = tpu.memref_slice %arg2[%add3A_37, %dma_start3A_104] : memref<10240x128xf32, #tpu.memory_space<hbm>> -> memref<128x128xf32, #tpu.memory_space<hbm>>
      %dma_start3A_106 = arith.constant 0 : i32
      %dma_start3A_107 = tpu.memref_slice %arg2[%add3A_37, %dma_start3A_106] : memref<10240x128xf32, #tpu.memory_space<hbm>> -> memref<128x128xf32, #tpu.memory_space<hbm>>
      tpu.enqueue_dma source(%dma_start3A_107 : memref<128x128xf32, #tpu.memory_space<hbm>>) target(%arg6 : memref<128x128xf32, #tpu.memory_space<vmem>>) target_semaphore(%run_scoped3A : memref<!tpu.dma_semaphore, #tpu.memory_space<semaphore_mem>>)
      %dma_wait3A_108 = arith.constant 0 : i32
      %dma_wait3A_109 = tpu.memref_slice %arg2[%add3A_37, %dma_wait3A_108] : memref<10240x128xf32, #tpu.memory_space<hbm>> -> memref<128x128xf32, #tpu.memory_space<hbm>>
      %dma_wait3A_110 = arith.constant 0 : i32
      %dma_wait3A_111 = tpu.memref_slice %arg2[%add3A_37, %dma_wait3A_110] : memref<10240x128xf32, #tpu.memory_space<hbm>> -> memref<128x128xf32, #tpu.memory_space<hbm>>
      tpu.wait_dma2 semaphore(%run_scoped3A : memref<!tpu.dma_semaphore, #tpu.memory_space<semaphore_mem>>) src(%dma_wait3A_111 : memref<128x128xf32, #tpu.memory_space<hbm>>) dst(%arg6 : memref<128x128xf32, #tpu.memory_space<vmem>>)
      tpu.yield
    }) : () -> ()
    %add3A_38 = arith.constant 0 : i32
    %add3A_39 = arith.addi %mul3A_2, %add3A_38 : i32
    "tpu.region"() ({
      %run_scoped3A = tpu.sem_alloc : memref<!tpu.dma_semaphore, #tpu.memory_space<semaphore_mem>>
      %dma_start3A_104 = arith.constant 0 : i32
      %dma_start3A_105 = tpu.memref_slice %arg16[%add3A_39, %dma_start3A_104] : memref<10240x128xf32, #tpu.memory_space<vmem_shared>> -> memref<128x128xf32, #tpu.memory_space<vmem_shared>>
      %dma_start3A_106 = arith.constant 0 : i32
      %dma_start3A_107 = tpu.memref_slice %arg16[%add3A_39, %dma_start3A_106] : memref<10240x128xf32, #tpu.memory_space<vmem_shared>> -> memref<128x128xf32, #tpu.memory_space<vmem_shared>>
      tpu.enqueue_dma source(%arg6 : memref<128x128xf32, #tpu.memory_space<vmem>>) target(%dma_start3A_107 : memref<128x128xf32, #tpu.memory_space<vmem_shared>>) target_semaphore(%run_scoped3A : memref<!tpu.dma_semaphore, #tpu.memory_space<semaphore_mem>>)
      %dma_wait3A_108 = arith.constant 0 : i32
      %dma_wait3A_109 = tpu.memref_slice %arg16[%add3A_39, %dma_wait3A_108] : memref<10240x128xf32, #tpu.memory_space<vmem_shared>> -> memref<128x128xf32, #tpu.memory_space<vmem_shared>>
      %dma_wait3A_110 = arith.constant 0 : i32
      %dma_wait3A_111 = tpu.memref_slice %arg16[%add3A_39, %dma_wait3A_110] : memref<10240x128xf32, #tpu.memory_space<vmem_shared>> -> memref<128x128xf32, #tpu.memory_space<vmem_shared>>
      tpu.wait_dma2 semaphore(%run_scoped3A : memref<!tpu.dma_semaphore, #tpu.memory_space<semaphore_mem>>) src(%arg6 : memref<128x128xf32, #tpu.memory_space<vmem>>) dst(%dma_wait3A_111 : memref<128x128xf32, #tpu.memory_space<vmem_shared>>)
      tpu.yield
    }) : () -> ()
    %add3A_40 = arith.constant 128 : i32
    %add3A_41 = arith.addi %mul3A_2, %add3A_40 : i32
    "tpu.region"() ({
      %run_scoped3A = tpu.sem_alloc : memref<!tpu.dma_semaphore, #tpu.memory_space<semaphore_mem>>
      %dma_start3A_104 = arith.constant 0 : i32
      %dma_start3A_105 = tpu.memref_slice %arg2[%add3A_41, %dma_start3A_104] : memref<10240x128xf32, #tpu.memory_space<hbm>> -> memref<128x128xf32, #tpu.memory_space<hbm>>
      %dma_start3A_106 = arith.constant 0 : i32
      %dma_start3A_107 = tpu.memref_slice %arg2[%add3A_41, %dma_start3A_106] : memref<10240x128xf32, #tpu.memory_space<hbm>> -> memref<128x128xf32, #tpu.memory_space<hbm>>
      tpu.enqueue_dma source(%dma_start3A_107 : memref<128x128xf32, #tpu.memory_space<hbm>>) target(%arg7 : memref<128x128xf32, #tpu.memory_space<vmem>>) target_semaphore(%run_scoped3A : memref<!tpu.dma_semaphore, #tpu.memory_space<semaphore_mem>>)
      %dma_wait3A_108 = arith.constant 0 : i32
      %dma_wait3A_109 = tpu.memref_slice %arg2[%add3A_41, %dma_wait3A_108] : memref<10240x128xf32, #tpu.memory_space<hbm>> -> memref<128x128xf32, #tpu.memory_space<hbm>>
      %dma_wait3A_110 = arith.constant 0 : i32
      %dma_wait3A_111 = tpu.memref_slice %arg2[%add3A_41, %dma_wait3A_110] : memref<10240x128xf32, #tpu.memory_space<hbm>> -> memref<128x128xf32, #tpu.memory_space<hbm>>
      tpu.wait_dma2 semaphore(%run_scoped3A : memref<!tpu.dma_semaphore, #tpu.memory_space<semaphore_mem>>) src(%dma_wait3A_111 : memref<128x128xf32, #tpu.memory_space<hbm>>) dst(%arg7 : memref<128x128xf32, #tpu.memory_space<vmem>>)
      tpu.yield
    }) : () -> ()
    %add3A_42 = arith.constant 128 : i32
    %add3A_43 = arith.addi %mul3A_2, %add3A_42 : i32
    "tpu.region"() ({
      %run_scoped3A = tpu.sem_alloc : memref<!tpu.dma_semaphore, #tpu.memory_space<semaphore_mem>>
      %dma_start3A_104 = arith.constant 0 : i32
      %dma_start3A_105 = tpu.memref_slice %arg16[%add3A_43, %dma_start3A_104] : memref<10240x128xf32, #tpu.memory_space<vmem_shared>> -> memref<128x128xf32, #tpu.memory_space<vmem_shared>>
      %dma_start3A_106 = arith.constant 0 : i32
      %dma_start3A_107 = tpu.memref_slice %arg16[%add3A_43, %dma_start3A_106] : memref<10240x128xf32, #tpu.memory_space<vmem_shared>> -> memref<128x128xf32, #tpu.memory_space<vmem_shared>>
      tpu.enqueue_dma source(%arg7 : memref<128x128xf32, #tpu.memory_space<vmem>>) target(%dma_start3A_107 : memref<128x128xf32, #tpu.memory_space<vmem_shared>>) target_semaphore(%run_scoped3A : memref<!tpu.dma_semaphore, #tpu.memory_space<semaphore_mem>>)
      %dma_wait3A_108 = arith.constant 0 : i32
      %dma_wait3A_109 = tpu.memref_slice %arg16[%add3A_43, %dma_wait3A_108] : memref<10240x128xf32, #tpu.memory_space<vmem_shared>> -> memref<128x128xf32, #tpu.memory_space<vmem_shared>>
      %dma_wait3A_110 = arith.constant 0 : i32
      %dma_wait3A_111 = tpu.memref_slice %arg16[%add3A_43, %dma_wait3A_110] : memref<10240x128xf32, #tpu.memory_space<vmem_shared>> -> memref<128x128xf32, #tpu.memory_space<vmem_shared>>
      tpu.wait_dma2 semaphore(%run_scoped3A : memref<!tpu.dma_semaphore, #tpu.memory_space<semaphore_mem>>) src(%arg7 : memref<128x128xf32, #tpu.memory_space<vmem>>) dst(%dma_wait3A_111 : memref<128x128xf32, #tpu.memory_space<vmem_shared>>)
      tpu.yield
    }) : () -> ()
    %add3A_44 = arith.constant 256 : i32
    %add3A_45 = arith.addi %mul3A_2, %add3A_44 : i32
    "tpu.region"() ({
      %run_scoped3A = tpu.sem_alloc : memref<!tpu.dma_semaphore, #tpu.memory_space<semaphore_mem>>
      %dma_start3A_104 = arith.constant 0 : i32
      %dma_start3A_105 = tpu.memref_slice %arg2[%add3A_45, %dma_start3A_104] : memref<10240x128xf32, #tpu.memory_space<hbm>> -> memref<128x128xf32, #tpu.memory_space<hbm>>
      %dma_start3A_106 = arith.constant 0 : i32
      %dma_start3A_107 = tpu.memref_slice %arg2[%add3A_45, %dma_start3A_106] : memref<10240x128xf32, #tpu.memory_space<hbm>> -> memref<128x128xf32, #tpu.memory_space<hbm>>
      tpu.enqueue_dma source(%dma_start3A_107 : memref<128x128xf32, #tpu.memory_space<hbm>>) target(%arg6 : memref<128x128xf32, #tpu.memory_space<vmem>>) target_semaphore(%run_scoped3A : memref<!tpu.dma_semaphore, #tpu.memory_space<semaphore_mem>>)
      %dma_wait3A_108 = arith.constant 0 : i32
      %dma_wait3A_109 = tpu.memref_slice %arg2[%add3A_45, %dma_wait3A_108] : memref<10240x128xf32, #tpu.memory_space<hbm>> -> memref<128x128xf32, #tpu.memory_space<hbm>>
      %dma_wait3A_110 = arith.constant 0 : i32
      %dma_wait3A_111 = tpu.memref_slice %arg2[%add3A_45, %dma_wait3A_110] : memref<10240x128xf32, #tpu.memory_space<hbm>> -> memref<128x128xf32, #tpu.memory_space<hbm>>
      tpu.wait_dma2 semaphore(%run_scoped3A : memref<!tpu.dma_semaphore, #tpu.memory_space<semaphore_mem>>) src(%dma_wait3A_111 : memref<128x128xf32, #tpu.memory_space<hbm>>) dst(%arg6 : memref<128x128xf32, #tpu.memory_space<vmem>>)
      tpu.yield
    }) : () -> ()
    %add3A_46 = arith.constant 256 : i32
    %add3A_47 = arith.addi %mul3A_2, %add3A_46 : i32
    "tpu.region"() ({
      %run_scoped3A = tpu.sem_alloc : memref<!tpu.dma_semaphore, #tpu.memory_space<semaphore_mem>>
      %dma_start3A_104 = arith.constant 0 : i32
      %dma_start3A_105 = tpu.memref_slice %arg16[%add3A_47, %dma_start3A_104] : memref<10240x128xf32, #tpu.memory_space<vmem_shared>> -> memref<128x128xf32, #tpu.memory_space<vmem_shared>>
      %dma_start3A_106 = arith.constant 0 : i32
      %dma_start3A_107 = tpu.memref_slice %arg16[%add3A_47, %dma_start3A_106] : memref<10240x128xf32, #tpu.memory_space<vmem_shared>> -> memref<128x128xf32, #tpu.memory_space<vmem_shared>>
      tpu.enqueue_dma source(%arg6 : memref<128x128xf32, #tpu.memory_space<vmem>>) target(%dma_start3A_107 : memref<128x128xf32, #tpu.memory_space<vmem_shared>>) target_semaphore(%run_scoped3A : memref<!tpu.dma_semaphore, #tpu.memory_space<semaphore_mem>>)
      %dma_wait3A_108 = arith.constant 0 : i32
      %dma_wait3A_109 = tpu.memref_slice %arg16[%add3A_47, %dma_wait3A_108] : memref<10240x128xf32, #tpu.memory_space<vmem_shared>> -> memref<128x128xf32, #tpu.memory_space<vmem_shared>>
      %dma_wait3A_110 = arith.constant 0 : i32
      %dma_wait3A_111 = tpu.memref_slice %arg16[%add3A_47, %dma_wait3A_110] : memref<10240x128xf32, #tpu.memory_space<vmem_shared>> -> memref<128x128xf32, #tpu.memory_space<vmem_shared>>
      tpu.wait_dma2 semaphore(%run_scoped3A : memref<!tpu.dma_semaphore, #tpu.memory_space<semaphore_mem>>) src(%arg6 : memref<128x128xf32, #tpu.memory_space<vmem>>) dst(%dma_wait3A_111 : memref<128x128xf32, #tpu.memory_space<vmem_shared>>)
      tpu.yield
    }) : () -> ()
    %add3A_48 = arith.constant 384 : i32
    %add3A_49 = arith.addi %mul3A_2, %add3A_48 : i32
    "tpu.region"() ({
      %run_scoped3A = tpu.sem_alloc : memref<!tpu.dma_semaphore, #tpu.memory_space<semaphore_mem>>
      %dma_start3A_104 = arith.constant 0 : i32
      %dma_start3A_105 = tpu.memref_slice %arg2[%add3A_49, %dma_start3A_104] : memref<10240x128xf32, #tpu.memory_space<hbm>> -> memref<128x128xf32, #tpu.memory_space<hbm>>
      %dma_start3A_106 = arith.constant 0 : i32
      %dma_start3A_107 = tpu.memref_slice %arg2[%add3A_49, %dma_start3A_106] : memref<10240x128xf32, #tpu.memory_space<hbm>> -> memref<128x128xf32, #tpu.memory_space<hbm>>
      tpu.enqueue_dma source(%dma_start3A_107 : memref<128x128xf32, #tpu.memory_space<hbm>>) target(%arg7 : memref<128x128xf32, #tpu.memory_space<vmem>>) target_semaphore(%run_scoped3A : memref<!tpu.dma_semaphore, #tpu.memory_space<semaphore_mem>>)
      %dma_wait3A_108 = arith.constant 0 : i32
      %dma_wait3A_109 = tpu.memref_slice %arg2[%add3A_49, %dma_wait3A_108] : memref<10240x128xf32, #tpu.memory_space<hbm>> -> memref<128x128xf32, #tpu.memory_space<hbm>>
      %dma_wait3A_110 = arith.constant 0 : i32
      %dma_wait3A_111 = tpu.memref_slice %arg2[%add3A_49, %dma_wait3A_110] : memref<10240x128xf32, #tpu.memory_space<hbm>> -> memref<128x128xf32, #tpu.memory_space<hbm>>
      tpu.wait_dma2 semaphore(%run_scoped3A : memref<!tpu.dma_semaphore, #tpu.memory_space<semaphore_mem>>) src(%dma_wait3A_111 : memref<128x128xf32, #tpu.memory_space<hbm>>) dst(%arg7 : memref<128x128xf32, #tpu.memory_space<vmem>>)
      tpu.yield
    }) : () -> ()
    %add3A_50 = arith.constant 384 : i32
    %add3A_51 = arith.addi %mul3A_2, %add3A_50 : i32
    "tpu.region"() ({
      %run_scoped3A = tpu.sem_alloc : memref<!tpu.dma_semaphore, #tpu.memory_space<semaphore_mem>>
      %dma_start3A_104 = arith.constant 0 : i32
      %dma_start3A_105 = tpu.memref_slice %arg16[%add3A_51, %dma_start3A_104] : memref<10240x128xf32, #tpu.memory_space<vmem_shared>> -> memref<128x128xf32, #tpu.memory_space<vmem_shared>>
      %dma_start3A_106 = arith.constant 0 : i32
      %dma_start3A_107 = tpu.memref_slice %arg16[%add3A_51, %dma_start3A_106] : memref<10240x128xf32, #tpu.memory_space<vmem_shared>> -> memref<128x128xf32, #tpu.memory_space<vmem_shared>>
      tpu.enqueue_dma source(%arg7 : memref<128x128xf32, #tpu.memory_space<vmem>>) target(%dma_start3A_107 : memref<128x128xf32, #tpu.memory_space<vmem_shared>>) target_semaphore(%run_scoped3A : memref<!tpu.dma_semaphore, #tpu.memory_space<semaphore_mem>>)
      %dma_wait3A_108 = arith.constant 0 : i32
      %dma_wait3A_109 = tpu.memref_slice %arg16[%add3A_51, %dma_wait3A_108] : memref<10240x128xf32, #tpu.memory_space<vmem_shared>> -> memref<128x128xf32, #tpu.memory_space<vmem_shared>>
      %dma_wait3A_110 = arith.constant 0 : i32
      %dma_wait3A_111 = tpu.memref_slice %arg16[%add3A_51, %dma_wait3A_110] : memref<10240x128xf32, #tpu.memory_space<vmem_shared>> -> memref<128x128xf32, #tpu.memory_space<vmem_shared>>
      tpu.wait_dma2 semaphore(%run_scoped3A : memref<!tpu.dma_semaphore, #tpu.memory_space<semaphore_mem>>) src(%arg7 : memref<128x128xf32, #tpu.memory_space<vmem>>) dst(%dma_wait3A_111 : memref<128x128xf32, #tpu.memory_space<vmem_shared>>)
      tpu.yield
    }) : () -> ()
    %add3A_52 = arith.constant 512 : i32
    %add3A_53 = arith.addi %mul3A_2, %add3A_52 : i32
    "tpu.region"() ({
      %run_scoped3A = tpu.sem_alloc : memref<!tpu.dma_semaphore, #tpu.memory_space<semaphore_mem>>
      %dma_start3A_104 = arith.constant 0 : i32
      %dma_start3A_105 = tpu.memref_slice %arg2[%add3A_53, %dma_start3A_104] : memref<10240x128xf32, #tpu.memory_space<hbm>> -> memref<128x128xf32, #tpu.memory_space<hbm>>
      %dma_start3A_106 = arith.constant 0 : i32
      %dma_start3A_107 = tpu.memref_slice %arg2[%add3A_53, %dma_start3A_106] : memref<10240x128xf32, #tpu.memory_space<hbm>> -> memref<128x128xf32, #tpu.memory_space<hbm>>
      tpu.enqueue_dma source(%dma_start3A_107 : memref<128x128xf32, #tpu.memory_space<hbm>>) target(%arg6 : memref<128x128xf32, #tpu.memory_space<vmem>>) target_semaphore(%run_scoped3A : memref<!tpu.dma_semaphore, #tpu.memory_space<semaphore_mem>>)
      %dma_wait3A_108 = arith.constant 0 : i32
      %dma_wait3A_109 = tpu.memref_slice %arg2[%add3A_53, %dma_wait3A_108] : memref<10240x128xf32, #tpu.memory_space<hbm>> -> memref<128x128xf32, #tpu.memory_space<hbm>>
      %dma_wait3A_110 = arith.constant 0 : i32
      %dma_wait3A_111 = tpu.memref_slice %arg2[%add3A_53, %dma_wait3A_110] : memref<10240x128xf32, #tpu.memory_space<hbm>> -> memref<128x128xf32, #tpu.memory_space<hbm>>
      tpu.wait_dma2 semaphore(%run_scoped3A : memref<!tpu.dma_semaphore, #tpu.memory_space<semaphore_mem>>) src(%dma_wait3A_111 : memref<128x128xf32, #tpu.memory_space<hbm>>) dst(%arg6 : memref<128x128xf32, #tpu.memory_space<vmem>>)
      tpu.yield
    }) : () -> ()
    %add3A_54 = arith.constant 512 : i32
    %add3A_55 = arith.addi %mul3A_2, %add3A_54 : i32
    "tpu.region"() ({
      %run_scoped3A = tpu.sem_alloc : memref<!tpu.dma_semaphore, #tpu.memory_space<semaphore_mem>>
      %dma_start3A_104 = arith.constant 0 : i32
      %dma_start3A_105 = tpu.memref_slice %arg16[%add3A_55, %dma_start3A_104] : memref<10240x128xf32, #tpu.memory_space<vmem_shared>> -> memref<128x128xf32, #tpu.memory_space<vmem_shared>>
      %dma_start3A_106 = arith.constant 0 : i32
      %dma_start3A_107 = tpu.memref_slice %arg16[%add3A_55, %dma_start3A_106] : memref<10240x128xf32, #tpu.memory_space<vmem_shared>> -> memref<128x128xf32, #tpu.memory_space<vmem_shared>>
      tpu.enqueue_dma source(%arg6 : memref<128x128xf32, #tpu.memory_space<vmem>>) target(%dma_start3A_107 : memref<128x128xf32, #tpu.memory_space<vmem_shared>>) target_semaphore(%run_scoped3A : memref<!tpu.dma_semaphore, #tpu.memory_space<semaphore_mem>>)
      %dma_wait3A_108 = arith.constant 0 : i32
      %dma_wait3A_109 = tpu.memref_slice %arg16[%add3A_55, %dma_wait3A_108] : memref<10240x128xf32, #tpu.memory_space<vmem_shared>> -> memref<128x128xf32, #tpu.memory_space<vmem_shared>>
      %dma_wait3A_110 = arith.constant 0 : i32
      %dma_wait3A_111 = tpu.memref_slice %arg16[%add3A_55, %dma_wait3A_110] : memref<10240x128xf32, #tpu.memory_space<vmem_shared>> -> memref<128x128xf32, #tpu.memory_space<vmem_shared>>
      tpu.wait_dma2 semaphore(%run_scoped3A : memref<!tpu.dma_semaphore, #tpu.memory_space<semaphore_mem>>) src(%arg6 : memref<128x128xf32, #tpu.memory_space<vmem>>) dst(%dma_wait3A_111 : memref<128x128xf32, #tpu.memory_space<vmem_shared>>)
      tpu.yield
    }) : () -> ()
    %dma_wait3A = arith.constant 0 : i32
    %dma_wait3A_56 = arith.constant 0 : i32
    %dma_wait3A_57 = tpu.memref_slice %arg3[%dma_wait3A, %dma_wait3A_56] : memref<2560x128xi32, #tpu.memory_space<hbm>> -> memref<1x128xi32, #tpu.memory_space<hbm>>
    %dma_wait3A_58 = tpu.memref_squeeze %dma_wait3A_57 : memref<1x128xi32, #tpu.memory_space<hbm>> -> memref<128xi32, #tpu.memory_space<hbm>>
    %dma_wait3A_59 = arith.constant 0 : i32
    %dma_wait3A_60 = tpu.memref_slice %arg3[%dma_wait3A, %dma_wait3A_59] : memref<2560x128xi32, #tpu.memory_space<hbm>> -> memref<1x128xi32, #tpu.memory_space<hbm>>
    %dma_wait3A_61 = tpu.memref_squeeze %dma_wait3A_60 : memref<1x128xi32, #tpu.memory_space<hbm>> -> memref<128xi32, #tpu.memory_space<hbm>>
    tpu.wait_dma2 semaphore(%arg19 : memref<!tpu.dma_semaphore, #tpu.memory_space<semaphore_mem>>) src(%dma_wait3A_61 : memref<128xi32, #tpu.memory_space<hbm>>) dst(%arg8 : memref<128xi32, #tpu.memory_space<vmem>>)
    %dma_wait3A_62 = arith.constant 0 : i32
    %dma_wait3A_63 = arith.constant 0 : i32
    %dma_wait3A_64 = tpu.memref_slice %arg4[%dma_wait3A_62, %dma_wait3A_63] : memref<2560x128xi32, #tpu.memory_space<hbm>> -> memref<1x128xi32, #tpu.memory_space<hbm>>
    %dma_wait3A_65 = tpu.memref_squeeze %dma_wait3A_64 : memref<1x128xi32, #tpu.memory_space<hbm>> -> memref<128xi32, #tpu.memory_space<hbm>>
    %dma_wait3A_66 = arith.constant 0 : i32
    %dma_wait3A_67 = tpu.memref_slice %arg4[%dma_wait3A_62, %dma_wait3A_66] : memref<2560x128xi32, #tpu.memory_space<hbm>> -> memref<1x128xi32, #tpu.memory_space<hbm>>
    %dma_wait3A_68 = tpu.memref_squeeze %dma_wait3A_67 : memref<1x128xi32, #tpu.memory_space<hbm>> -> memref<128xi32, #tpu.memory_space<hbm>>
    tpu.wait_dma2 semaphore(%arg19 : memref<!tpu.dma_semaphore, #tpu.memory_space<semaphore_mem>>) src(%dma_wait3A_68 : memref<128xi32, #tpu.memory_space<hbm>>) dst(%arg12 : memref<128xi32, #tpu.memory_space<vmem>>)
    %barrier3A = arith.constant 0 : index
    tpu.barrier barrier_id(%barrier3A)
    %dma_start3A_69 = arith.constant 0 : i32
    %dma_start3A_70 = arith.constant 0 : i32
    %dma_start3A_71 = tpu.memref_slice %arg2[%dma_start3A_69, %dma_start3A_70] : memref<10240x128xf32, #tpu.memory_space<hbm>> -> memref<10240x128xf32, #tpu.memory_space<hbm>>
    tpu.enqueue_indirect_dma source(%dma_start3A_71 : memref<10240x128xf32, #tpu.memory_space<hbm>>) target(%arg6 : memref<128x128xf32, #tpu.memory_space<vmem>>) offsets(%arg8 : memref<128xi32, #tpu.memory_space<vmem>>) semaphore(%arg17 : memref<!tpu.dma_semaphore, #tpu.memory_space<semaphore_mem>>)
    %scan3A = arith.constant 0 : i32
    %scan3A_72 = arith.constant 0 : i32
    %scan3A_73 = arith.constant 20 : i32
    %scan3A_74 = arith.addi %scan3A_72, %scan3A_73 : i32
    %scan3A_75 = arith.constant 1 : i32
    scf.for %scan3A_104 = %scan3A_72 to %scan3A_74 step %scan3A_75  : i32 {
      %mul3A_105 = arith.constant 4 : i32
      %mul3A_106 = arith.muli %mul3A_105, %scan3A_104 : i32
      %add3A_107 = arith.constant 0 : i32
      %add3A_108 = arith.addi %mul3A_106, %add3A_107 : i32
      %gt3A = arith.constant 0 : i32
      %gt3A_109 = arith.cmpi sgt, %add3A_108, %gt3A : i32
      %convert_element_type3A = arith.extui %gt3A_109 : i1 to i32
      %cond3A = arith.constant 0 : i32
      %cond3A_110 = arith.cmpi ne, %convert_element_type3A, %cond3A : i32
      scf.if %cond3A_110 {
        %dma_wait3A_217 = arith.constant 0 : i32
        %dma_wait3A_218 = arith.constant 0 : i32
        %dma_wait3A_219 = tpu.memref_slice %arg2[%dma_wait3A_217, %dma_wait3A_218] : memref<10240x128xf32, #tpu.memory_space<hbm>> -> memref<128x128xf32, #tpu.memory_space<hbm>>
        %dma_wait3A_220 = arith.constant 0 : i32
        %dma_wait3A_221 = arith.constant 0 : i32
        %dma_wait3A_222 = tpu.memref_slice %arg2[%dma_wait3A_220, %dma_wait3A_221] : memref<10240x128xf32, #tpu.memory_space<hbm>> -> memref<128x128xf32, #tpu.memory_space<hbm>>
        tpu.wait_dma2 semaphore(%arg24 : memref<!tpu.dma_semaphore, #tpu.memory_space<semaphore_mem>>) src(%dma_wait3A_222 : memref<128x128xf32, #tpu.memory_space<hbm>>) dst(%arg7 : memref<128x128xf32, #tpu.memory_space<vmem>>)
      } else {
      }
      %add3A_111 = arith.constant 2 : i32
      %add3A_112 = arith.addi %add3A_108, %add3A_111 : i32
      %lt3A = arith.constant 80 : i32
      %lt3A_113 = arith.cmpi slt, %add3A_112, %lt3A : i32
      %convert_element_type3A_114 = arith.extui %lt3A_113 : i1 to i32
      %cond3A_115 = arith.constant 0 : i32
      %cond3A_116 = arith.cmpi ne, %convert_element_type3A_114, %cond3A_115 : i32
      scf.if %cond3A_116 {
        %add3A_217 = arith.constant 2 : i32
        %add3A_218 = arith.addi %add3A_108, %add3A_217 : i32
        %add3A_219 = arith.addi %mul3A_4, %add3A_218 : i32
        %dma_start3A_220 = arith.constant 0 : i32
        %dma_start3A_221 = tpu.memref_slice %arg3[%add3A_219, %dma_start3A_220] : memref<2560x128xi32, #tpu.memory_space<hbm>> -> memref<1x128xi32, #tpu.memory_space<hbm>>
        %dma_start3A_222 = tpu.memref_squeeze %dma_start3A_221 : memref<1x128xi32, #tpu.memory_space<hbm>> -> memref<128xi32, #tpu.memory_space<hbm>>
        %dma_start3A_223 = arith.constant 0 : i32
        %dma_start3A_224 = tpu.memref_slice %arg3[%add3A_219, %dma_start3A_223] : memref<2560x128xi32, #tpu.memory_space<hbm>> -> memref<1x128xi32, #tpu.memory_space<hbm>>
        %dma_start3A_225 = tpu.memref_squeeze %dma_start3A_224 : memref<1x128xi32, #tpu.memory_space<hbm>> -> memref<128xi32, #tpu.memory_space<hbm>>
        tpu.enqueue_dma source(%dma_start3A_225 : memref<128xi32, #tpu.memory_space<hbm>>) target(%arg10 : memref<128xi32, #tpu.memory_space<vmem>>) target_semaphore(%arg21 : memref<!tpu.dma_semaphore, #tpu.memory_space<semaphore_mem>>)
        %add3A_226 = arith.addi %mul3A_4, %add3A_218 : i32
        %dma_start3A_227 = arith.constant 0 : i32
        %dma_start3A_228 = tpu.memref_slice %arg4[%add3A_226, %dma_start3A_227] : memref<2560x128xi32, #tpu.memory_space<hbm>> -> memref<1x128xi32, #tpu.memory_space<hbm>>
        %dma_start3A_229 = tpu.memref_squeeze %dma_start3A_228 : memref<1x128xi32, #tpu.memory_space<hbm>> -> memref<128xi32, #tpu.memory_space<hbm>>
        %dma_start3A_230 = arith.constant 0 : i32
        %dma_start3A_231 = tpu.memref_slice %arg4[%add3A_226, %dma_start3A_230] : memref<2560x128xi32, #tpu.memory_space<hbm>> -> memref<1x128xi32, #tpu.memory_space<hbm>>
        %dma_start3A_232 = tpu.memref_squeeze %dma_start3A_231 : memref<1x128xi32, #tpu.memory_space<hbm>> -> memref<128xi32, #tpu.memory_space<hbm>>
        tpu.enqueue_dma source(%dma_start3A_232 : memref<128xi32, #tpu.memory_space<hbm>>) target(%arg14 : memref<128xi32, #tpu.memory_space<vmem>>) target_semaphore(%arg21 : memref<!tpu.dma_semaphore, #tpu.memory_space<semaphore_mem>>)
      } else {
      }
      %add3A_117 = arith.constant 1 : i32
      %add3A_118 = arith.addi %add3A_108, %add3A_117 : i32
      %lt3A_119 = arith.constant 80 : i32
      %lt3A_120 = arith.cmpi slt, %add3A_118, %lt3A_119 : i32
      %convert_element_type3A_121 = arith.extui %lt3A_120 : i1 to i32
      %cond3A_122 = arith.constant 0 : i32
      %cond3A_123 = arith.cmpi ne, %convert_element_type3A_121, %cond3A_122 : i32
      scf.if %cond3A_123 {
        %dma_wait3A_217 = arith.constant 0 : i32
        %dma_wait3A_218 = arith.constant 0 : i32
        %dma_wait3A_219 = tpu.memref_slice %arg3[%dma_wait3A_217, %dma_wait3A_218] : memref<2560x128xi32, #tpu.memory_space<hbm>> -> memref<1x128xi32, #tpu.memory_space<hbm>>
        %dma_wait3A_220 = tpu.memref_squeeze %dma_wait3A_219 : memref<1x128xi32, #tpu.memory_space<hbm>> -> memref<128xi32, #tpu.memory_space<hbm>>
        %dma_wait3A_221 = arith.constant 0 : i32
        %dma_wait3A_222 = tpu.memref_slice %arg3[%dma_wait3A_217, %dma_wait3A_221] : memref<2560x128xi32, #tpu.memory_space<hbm>> -> memref<1x128xi32, #tpu.memory_space<hbm>>
        %dma_wait3A_223 = tpu.memref_squeeze %dma_wait3A_222 : memref<1x128xi32, #tpu.memory_space<hbm>> -> memref<128xi32, #tpu.memory_space<hbm>>
        tpu.wait_dma2 semaphore(%arg20 : memref<!tpu.dma_semaphore, #tpu.memory_space<semaphore_mem>>) src(%dma_wait3A_223 : memref<128xi32, #tpu.memory_space<hbm>>) dst(%arg9 : memref<128xi32, #tpu.memory_space<vmem>>)
        %dma_wait3A_224 = arith.constant 0 : i32
        %dma_wait3A_225 = arith.constant 0 : i32
        %dma_wait3A_226 = tpu.memref_slice %arg4[%dma_wait3A_224, %dma_wait3A_225] : memref<2560x128xi32, #tpu.memory_space<hbm>> -> memref<1x128xi32, #tpu.memory_space<hbm>>
        %dma_wait3A_227 = tpu.memref_squeeze %dma_wait3A_226 : memref<1x128xi32, #tpu.memory_space<hbm>> -> memref<128xi32, #tpu.memory_space<hbm>>
        %dma_wait3A_228 = arith.constant 0 : i32
        %dma_wait3A_229 = tpu.memref_slice %arg4[%dma_wait3A_224, %dma_wait3A_228] : memref<2560x128xi32, #tpu.memory_space<hbm>> -> memref<1x128xi32, #tpu.memory_space<hbm>>
        %dma_wait3A_230 = tpu.memref_squeeze %dma_wait3A_229 : memref<1x128xi32, #tpu.memory_space<hbm>> -> memref<128xi32, #tpu.memory_space<hbm>>
        tpu.wait_dma2 semaphore(%arg20 : memref<!tpu.dma_semaphore, #tpu.memory_space<semaphore_mem>>) src(%dma_wait3A_230 : memref<128xi32, #tpu.memory_space<hbm>>) dst(%arg13 : memref<128xi32, #tpu.memory_space<vmem>>)
        %dma_start3A_231 = arith.constant 0 : i32
        %dma_start3A_232 = arith.constant 0 : i32
        %dma_start3A_233 = tpu.memref_slice %arg2[%dma_start3A_231, %dma_start3A_232] : memref<10240x128xf32, #tpu.memory_space<hbm>> -> memref<10240x128xf32, #tpu.memory_space<hbm>>
        tpu.enqueue_indirect_dma source(%dma_start3A_233 : memref<10240x128xf32, #tpu.memory_space<hbm>>) target(%arg7 : memref<128x128xf32, #tpu.memory_space<vmem>>) offsets(%arg9 : memref<128xi32, #tpu.memory_space<vmem>>) semaphore(%arg18 : memref<!tpu.dma_semaphore, #tpu.memory_space<semaphore_mem>>)
      } else {
      }
      %dma_wait3A_124 = arith.constant 0 : i32
      %dma_wait3A_125 = arith.constant 0 : i32
      %dma_wait3A_126 = tpu.memref_slice %arg2[%dma_wait3A_124, %dma_wait3A_125] : memref<10240x128xf32, #tpu.memory_space<hbm>> -> memref<10240x128xf32, #tpu.memory_space<hbm>>
      tpu.wait_indirect_dma semaphore(%arg17 : memref<!tpu.dma_semaphore, #tpu.memory_space<semaphore_mem>>) src(%dma_wait3A_126 : memref<10240x128xf32, #tpu.memory_space<hbm>>) dst(%arg6 : memref<128x128xf32, #tpu.memory_space<vmem>>)
      %dma_start3A_127 = arith.constant 0 : i32
      %dma_start3A_128 = arith.constant 0 : i32
      %dma_start3A_129 = tpu.memref_slice %arg16[%dma_start3A_127, %dma_start3A_128] : memref<10240x128xf32, #tpu.memory_space<vmem_shared>> -> memref<10240x128xf32, #tpu.memory_space<vmem_shared>>
      tpu.enqueue_indirect_dma source(%arg6 : memref<128x128xf32, #tpu.memory_space<vmem>>) target(%dma_start3A_129 : memref<10240x128xf32, #tpu.memory_space<vmem_shared>>) offsets(%arg12 : memref<128xi32, #tpu.memory_space<vmem>>) semaphore(%arg23 : memref<!tpu.dma_semaphore, #tpu.memory_space<semaphore_mem>>) {add = true}
      %mul3A_130 = arith.constant 4 : i32
      %mul3A_131 = arith.muli %mul3A_130, %scan3A_104 : i32
      %add3A_132 = arith.constant 1 : i32
      %add3A_133 = arith.addi %mul3A_131, %add3A_132 : i32
      %gt3A_134 = arith.constant 0 : i32
      %gt3A_135 = arith.cmpi sgt, %add3A_133, %gt3A_134 : i32
      %convert_element_type3A_136 = arith.extui %gt3A_135 : i1 to i32
      %cond3A_137 = arith.constant 0 : i32
      %cond3A_138 = arith.cmpi ne, %convert_element_type3A_136, %cond3A_137 : i32
      scf.if %cond3A_138 {
        %dma_wait3A_217 = arith.constant 0 : i32
        %dma_wait3A_218 = arith.constant 0 : i32
        %dma_wait3A_219 = tpu.memref_slice %arg2[%dma_wait3A_217, %dma_wait3A_218] : memref<10240x128xf32, #tpu.memory_space<hbm>> -> memref<128x128xf32, #tpu.memory_space<hbm>>
        %dma_wait3A_220 = arith.constant 0 : i32
        %dma_wait3A_221 = arith.constant 0 : i32
        %dma_wait3A_222 = tpu.memref_slice %arg2[%dma_wait3A_220, %dma_wait3A_221] : memref<10240x128xf32, #tpu.memory_space<hbm>> -> memref<128x128xf32, #tpu.memory_space<hbm>>
        tpu.wait_dma2 semaphore(%arg23 : memref<!tpu.dma_semaphore, #tpu.memory_space<semaphore_mem>>) src(%dma_wait3A_222 : memref<128x128xf32, #tpu.memory_space<hbm>>) dst(%arg6 : memref<128x128xf32, #tpu.memory_space<vmem>>)
      } else {
      }
      %add3A_139 = arith.constant 2 : i32
      %add3A_140 = arith.addi %add3A_133, %add3A_139 : i32
      %lt3A_141 = arith.constant 80 : i32
      %lt3A_142 = arith.cmpi slt, %add3A_140, %lt3A_141 : i32
      %convert_element_type3A_143 = arith.extui %lt3A_142 : i1 to i32
      %cond3A_144 = arith.constant 0 : i32
      %cond3A_145 = arith.cmpi ne, %convert_element_type3A_143, %cond3A_144 : i32
      scf.if %cond3A_145 {
        %add3A_217 = arith.constant 2 : i32
        %add3A_218 = arith.addi %add3A_133, %add3A_217 : i32
        %add3A_219 = arith.addi %mul3A_4, %add3A_218 : i32
        %dma_start3A_220 = arith.constant 0 : i32
        %dma_start3A_221 = tpu.memref_slice %arg3[%add3A_219, %dma_start3A_220] : memref<2560x128xi32, #tpu.memory_space<hbm>> -> memref<1x128xi32, #tpu.memory_space<hbm>>
        %dma_start3A_222 = tpu.memref_squeeze %dma_start3A_221 : memref<1x128xi32, #tpu.memory_space<hbm>> -> memref<128xi32, #tpu.memory_space<hbm>>
        %dma_start3A_223 = arith.constant 0 : i32
        %dma_start3A_224 = tpu.memref_slice %arg3[%add3A_219, %dma_start3A_223] : memref<2560x128xi32, #tpu.memory_space<hbm>> -> memref<1x128xi32, #tpu.memory_space<hbm>>
        %dma_start3A_225 = tpu.memref_squeeze %dma_start3A_224 : memref<1x128xi32, #tpu.memory_space<hbm>> -> memref<128xi32, #tpu.memory_space<hbm>>
        tpu.enqueue_dma source(%dma_start3A_225 : memref<128xi32, #tpu.memory_space<hbm>>) target(%arg11 : memref<128xi32, #tpu.memory_space<vmem>>) target_semaphore(%arg22 : memref<!tpu.dma_semaphore, #tpu.memory_space<semaphore_mem>>)
        %add3A_226 = arith.addi %mul3A_4, %add3A_218 : i32
        %dma_start3A_227 = arith.constant 0 : i32
        %dma_start3A_228 = tpu.memref_slice %arg4[%add3A_226, %dma_start3A_227] : memref<2560x128xi32, #tpu.memory_space<hbm>> -> memref<1x128xi32, #tpu.memory_space<hbm>>
        %dma_start3A_229 = tpu.memref_squeeze %dma_start3A_228 : memref<1x128xi32, #tpu.memory_space<hbm>> -> memref<128xi32, #tpu.memory_space<hbm>>
        %dma_start3A_230 = arith.constant 0 : i32
        %dma_start3A_231 = tpu.memref_slice %arg4[%add3A_226, %dma_start3A_230] : memref<2560x128xi32, #tpu.memory_space<hbm>> -> memref<1x128xi32, #tpu.memory_space<hbm>>
        %dma_start3A_232 = tpu.memref_squeeze %dma_start3A_231 : memref<1x128xi32, #tpu.memory_space<hbm>> -> memref<128xi32, #tpu.memory_space<hbm>>
        tpu.enqueue_dma source(%dma_start3A_232 : memref<128xi32, #tpu.memory_space<hbm>>) target(%arg15 : memref<128xi32, #tpu.memory_space<vmem>>) target_semaphore(%arg22 : memref<!tpu.dma_semaphore, #tpu.memory_space<semaphore_mem>>)
      } else {
      }
      %add3A_146 = arith.constant 1 : i32
      %add3A_147 = arith.addi %add3A_133, %add3A_146 : i32
      %lt3A_148 = arith.constant 80 : i32
      %lt3A_149 = arith.cmpi slt, %add3A_147, %lt3A_148 : i32
      %convert_element_type3A_150 = arith.extui %lt3A_149 : i1 to i32
      %cond3A_151 = arith.constant 0 : i32
      %cond3A_152 = arith.cmpi ne, %convert_element_type3A_150, %cond3A_151 : i32
      scf.if %cond3A_152 {
        %dma_wait3A_217 = arith.constant 0 : i32
        %dma_wait3A_218 = arith.constant 0 : i32
        %dma_wait3A_219 = tpu.memref_slice %arg3[%dma_wait3A_217, %dma_wait3A_218] : memref<2560x128xi32, #tpu.memory_space<hbm>> -> memref<1x128xi32, #tpu.memory_space<hbm>>
        %dma_wait3A_220 = tpu.memref_squeeze %dma_wait3A_219 : memref<1x128xi32, #tpu.memory_space<hbm>> -> memref<128xi32, #tpu.memory_space<hbm>>
        %dma_wait3A_221 = arith.constant 0 : i32
        %dma_wait3A_222 = tpu.memref_slice %arg3[%dma_wait3A_217, %dma_wait3A_221] : memref<2560x128xi32, #tpu.memory_space<hbm>> -> memref<1x128xi32, #tpu.memory_space<hbm>>
        %dma_wait3A_223 = tpu.memref_squeeze %dma_wait3A_222 : memref<1x128xi32, #tpu.memory_space<hbm>> -> memref<128xi32, #tpu.memory_space<hbm>>
        tpu.wait_dma2 semaphore(%arg21 : memref<!tpu.dma_semaphore, #tpu.memory_space<semaphore_mem>>) src(%dma_wait3A_223 : memref<128xi32, #tpu.memory_space<hbm>>) dst(%arg10 : memref<128xi32, #tpu.memory_space<vmem>>)
        %dma_wait3A_224 = arith.constant 0 : i32
        %dma_wait3A_225 = arith.constant 0 : i32
        %dma_wait3A_226 = tpu.memref_slice %arg4[%dma_wait3A_224, %dma_wait3A_225] : memref<2560x128xi32, #tpu.memory_space<hbm>> -> memref<1x128xi32, #tpu.memory_space<hbm>>
        %dma_wait3A_227 = tpu.memref_squeeze %dma_wait3A_226 : memref<1x128xi32, #tpu.memory_space<hbm>> -> memref<128xi32, #tpu.memory_space<hbm>>
        %dma_wait3A_228 = arith.constant 0 : i32
        %dma_wait3A_229 = tpu.memref_slice %arg4[%dma_wait3A_224, %dma_wait3A_228] : memref<2560x128xi32, #tpu.memory_space<hbm>> -> memref<1x128xi32, #tpu.memory_space<hbm>>
        %dma_wait3A_230 = tpu.memref_squeeze %dma_wait3A_229 : memref<1x128xi32, #tpu.memory_space<hbm>> -> memref<128xi32, #tpu.memory_space<hbm>>
        tpu.wait_dma2 semaphore(%arg21 : memref<!tpu.dma_semaphore, #tpu.memory_space<semaphore_mem>>) src(%dma_wait3A_230 : memref<128xi32, #tpu.memory_space<hbm>>) dst(%arg14 : memref<128xi32, #tpu.memory_space<vmem>>)
        %dma_start3A_231 = arith.constant 0 : i32
        %dma_start3A_232 = arith.constant 0 : i32
        %dma_start3A_233 = tpu.memref_slice %arg2[%dma_start3A_231, %dma_start3A_232] : memref<10240x128xf32, #tpu.memory_space<hbm>> -> memref<10240x128xf32, #tpu.memory_space<hbm>>
        tpu.enqueue_indirect_dma source(%dma_start3A_233 : memref<10240x128xf32, #tpu.memory_space<hbm>>) target(%arg6 : memref<128x128xf32, #tpu.memory_space<vmem>>) offsets(%arg10 : memref<128xi32, #tpu.memory_space<vmem>>) semaphore(%arg17 : memref<!tpu.dma_semaphore, #tpu.memory_space<semaphore_mem>>)
      } else {
      }
      %dma_wait3A_153 = arith.constant 0 : i32
      %dma_wait3A_154 = arith.constant 0 : i32
      %dma_wait3A_155 = tpu.memref_slice %arg2[%dma_wait3A_153, %dma_wait3A_154] : memref<10240x128xf32, #tpu.memory_space<hbm>> -> memref<10240x128xf32, #tpu.memory_space<hbm>>
      tpu.wait_indirect_dma semaphore(%arg18 : memref<!tpu.dma_semaphore, #tpu.memory_space<semaphore_mem>>) src(%dma_wait3A_155 : memref<10240x128xf32, #tpu.memory_space<hbm>>) dst(%arg7 : memref<128x128xf32, #tpu.memory_space<vmem>>)
      %dma_start3A_156 = arith.constant 0 : i32
      %dma_start3A_157 = arith.constant 0 : i32
      %dma_start3A_158 = tpu.memref_slice %arg16[%dma_start3A_156, %dma_start3A_157] : memref<10240x128xf32, #tpu.memory_space<vmem_shared>> -> memref<10240x128xf32, #tpu.memory_space<vmem_shared>>
      tpu.enqueue_indirect_dma source(%arg7 : memref<128x128xf32, #tpu.memory_space<vmem>>) target(%dma_start3A_158 : memref<10240x128xf32, #tpu.memory_space<vmem_shared>>) offsets(%arg13 : memref<128xi32, #tpu.memory_space<vmem>>) semaphore(%arg24 : memref<!tpu.dma_semaphore, #tpu.memory_space<semaphore_mem>>) {add = true}
      %mul3A_159 = arith.constant 4 : i32
      %mul3A_160 = arith.muli %mul3A_159, %scan3A_104 : i32
      %add3A_161 = arith.constant 2 : i32
      %add3A_162 = arith.addi %mul3A_160, %add3A_161 : i32
      %gt3A_163 = arith.constant 0 : i32
      %gt3A_164 = arith.cmpi sgt, %add3A_162, %gt3A_163 : i32
      %convert_element_type3A_165 = arith.extui %gt3A_164 : i1 to i32
      %cond3A_166 = arith.constant 0 : i32
      %cond3A_167 = arith.cmpi ne, %convert_element_type3A_165, %cond3A_166 : i32
      scf.if %cond3A_167 {
        %dma_wait3A_217 = arith.constant 0 : i32
        %dma_wait3A_218 = arith.constant 0 : i32
        %dma_wait3A_219 = tpu.memref_slice %arg2[%dma_wait3A_217, %dma_wait3A_218] : memref<10240x128xf32, #tpu.memory_space<hbm>> -> memref<128x128xf32, #tpu.memory_space<hbm>>
        %dma_wait3A_220 = arith.constant 0 : i32
        %dma_wait3A_221 = arith.constant 0 : i32
        %dma_wait3A_222 = tpu.memref_slice %arg2[%dma_wait3A_220, %dma_wait3A_221] : memref<10240x128xf32, #tpu.memory_space<hbm>> -> memref<128x128xf32, #tpu.memory_space<hbm>>
        tpu.wait_dma2 semaphore(%arg24 : memref<!tpu.dma_semaphore, #tpu.memory_space<semaphore_mem>>) src(%dma_wait3A_222 : memref<128x128xf32, #tpu.memory_space<hbm>>) dst(%arg7 : memref<128x128xf32, #tpu.memory_space<vmem>>)
      } else {
      }
      %add3A_168 = arith.constant 2 : i32
      %add3A_169 = arith.addi %add3A_162, %add3A_168 : i32
      %lt3A_170 = arith.constant 80 : i32
      %lt3A_171 = arith.cmpi slt, %add3A_169, %lt3A_170 : i32
      %convert_element_type3A_172 = arith.extui %lt3A_171 : i1 to i32
      %cond3A_173 = arith.constant 0 : i32
      %cond3A_174 = arith.cmpi ne, %convert_element_type3A_172, %cond3A_173 : i32
      scf.if %cond3A_174 {
        %add3A_217 = arith.constant 2 : i32
        %add3A_218 = arith.addi %add3A_162, %add3A_217 : i32
        %add3A_219 = arith.addi %mul3A_4, %add3A_218 : i32
        %dma_start3A_220 = arith.constant 0 : i32
        %dma_start3A_221 = tpu.memref_slice %arg3[%add3A_219, %dma_start3A_220] : memref<2560x128xi32, #tpu.memory_space<hbm>> -> memref<1x128xi32, #tpu.memory_space<hbm>>
        %dma_start3A_222 = tpu.memref_squeeze %dma_start3A_221 : memref<1x128xi32, #tpu.memory_space<hbm>> -> memref<128xi32, #tpu.memory_space<hbm>>
        %dma_start3A_223 = arith.constant 0 : i32
        %dma_start3A_224 = tpu.memref_slice %arg3[%add3A_219, %dma_start3A_223] : memref<2560x128xi32, #tpu.memory_space<hbm>> -> memref<1x128xi32, #tpu.memory_space<hbm>>
        %dma_start3A_225 = tpu.memref_squeeze %dma_start3A_224 : memref<1x128xi32, #tpu.memory_space<hbm>> -> memref<128xi32, #tpu.memory_space<hbm>>
        tpu.enqueue_dma source(%dma_start3A_225 : memref<128xi32, #tpu.memory_space<hbm>>) target(%arg8 : memref<128xi32, #tpu.memory_space<vmem>>) target_semaphore(%arg19 : memref<!tpu.dma_semaphore, #tpu.memory_space<semaphore_mem>>)
        %add3A_226 = arith.addi %mul3A_4, %add3A_218 : i32
        %dma_start3A_227 = arith.constant 0 : i32
        %dma_start3A_228 = tpu.memref_slice %arg4[%add3A_226, %dma_start3A_227] : memref<2560x128xi32, #tpu.memory_space<hbm>> -> memref<1x128xi32, #tpu.memory_space<hbm>>
        %dma_start3A_229 = tpu.memref_squeeze %dma_start3A_228 : memref<1x128xi32, #tpu.memory_space<hbm>> -> memref<128xi32, #tpu.memory_space<hbm>>
        %dma_start3A_230 = arith.constant 0 : i32
        %dma_start3A_231 = tpu.memref_slice %arg4[%add3A_226, %dma_start3A_230] : memref<2560x128xi32, #tpu.memory_space<hbm>> -> memref<1x128xi32, #tpu.memory_space<hbm>>
        %dma_start3A_232 = tpu.memref_squeeze %dma_start3A_231 : memref<1x128xi32, #tpu.memory_space<hbm>> -> memref<128xi32, #tpu.memory_space<hbm>>
        tpu.enqueue_dma source(%dma_start3A_232 : memref<128xi32, #tpu.memory_space<hbm>>) target(%arg12 : memref<128xi32, #tpu.memory_space<vmem>>) target_semaphore(%arg19 : memref<!tpu.dma_semaphore, #tpu.memory_space<semaphore_mem>>)
      } else {
      }
      %add3A_175 = arith.constant 1 : i32
      %add3A_176 = arith.addi %add3A_162, %add3A_175 : i32
      %lt3A_177 = arith.constant 80 : i32
      %lt3A_178 = arith.cmpi slt, %add3A_176, %lt3A_177 : i32
      %convert_element_type3A_179 = arith.extui %lt3A_178 : i1 to i32
      %cond3A_180 = arith.constant 0 : i32
      %cond3A_181 = arith.cmpi ne, %convert_element_type3A_179, %cond3A_180 : i32
      scf.if %cond3A_181 {
        %dma_wait3A_217 = arith.constant 0 : i32
        %dma_wait3A_218 = arith.constant 0 : i32
        %dma_wait3A_219 = tpu.memref_slice %arg3[%dma_wait3A_217, %dma_wait3A_218] : memref<2560x128xi32, #tpu.memory_space<hbm>> -> memref<1x128xi32, #tpu.memory_space<hbm>>
        %dma_wait3A_220 = tpu.memref_squeeze %dma_wait3A_219 : memref<1x128xi32, #tpu.memory_space<hbm>> -> memref<128xi32, #tpu.memory_space<hbm>>
        %dma_wait3A_221 = arith.constant 0 : i32
        %dma_wait3A_222 = tpu.memref_slice %arg3[%dma_wait3A_217, %dma_wait3A_221] : memref<2560x128xi32, #tpu.memory_space<hbm>> -> memref<1x128xi32, #tpu.memory_space<hbm>>
        %dma_wait3A_223 = tpu.memref_squeeze %dma_wait3A_222 : memref<1x128xi32, #tpu.memory_space<hbm>> -> memref<128xi32, #tpu.memory_space<hbm>>
        tpu.wait_dma2 semaphore(%arg22 : memref<!tpu.dma_semaphore, #tpu.memory_space<semaphore_mem>>) src(%dma_wait3A_223 : memref<128xi32, #tpu.memory_space<hbm>>) dst(%arg11 : memref<128xi32, #tpu.memory_space<vmem>>)
        %dma_wait3A_224 = arith.constant 0 : i32
        %dma_wait3A_225 = arith.constant 0 : i32
        %dma_wait3A_226 = tpu.memref_slice %arg4[%dma_wait3A_224, %dma_wait3A_225] : memref<2560x128xi32, #tpu.memory_space<hbm>> -> memref<1x128xi32, #tpu.memory_space<hbm>>
        %dma_wait3A_227 = tpu.memref_squeeze %dma_wait3A_226 : memref<1x128xi32, #tpu.memory_space<hbm>> -> memref<128xi32, #tpu.memory_space<hbm>>
        %dma_wait3A_228 = arith.constant 0 : i32
        %dma_wait3A_229 = tpu.memref_slice %arg4[%dma_wait3A_224, %dma_wait3A_228] : memref<2560x128xi32, #tpu.memory_space<hbm>> -> memref<1x128xi32, #tpu.memory_space<hbm>>
        %dma_wait3A_230 = tpu.memref_squeeze %dma_wait3A_229 : memref<1x128xi32, #tpu.memory_space<hbm>> -> memref<128xi32, #tpu.memory_space<hbm>>
        tpu.wait_dma2 semaphore(%arg22 : memref<!tpu.dma_semaphore, #tpu.memory_space<semaphore_mem>>) src(%dma_wait3A_230 : memref<128xi32, #tpu.memory_space<hbm>>) dst(%arg15 : memref<128xi32, #tpu.memory_space<vmem>>)
        %dma_start3A_231 = arith.constant 0 : i32
        %dma_start3A_232 = arith.constant 0 : i32
        %dma_start3A_233 = tpu.memref_slice %arg2[%dma_start3A_231, %dma_start3A_232] : memref<10240x128xf32, #tpu.memory_space<hbm>> -> memref<10240x128xf32, #tpu.memory_space<hbm>>
        tpu.enqueue_indirect_dma source(%dma_start3A_233 : memref<10240x128xf32, #tpu.memory_space<hbm>>) target(%arg7 : memref<128x128xf32, #tpu.memory_space<vmem>>) offsets(%arg11 : memref<128xi32, #tpu.memory_space<vmem>>) semaphore(%arg18 : memref<!tpu.dma_semaphore, #tpu.memory_space<semaphore_mem>>)
      } else {
      }
      %dma_wait3A_182 = arith.constant 0 : i32
      %dma_wait3A_183 = arith.constant 0 : i32
      %dma_wait3A_184 = tpu.memref_slice %arg2[%dma_wait3A_182, %dma_wait3A_183] : memref<10240x128xf32, #tpu.memory_space<hbm>> -> memref<10240x128xf32, #tpu.memory_space<hbm>>
      tpu.wait_indirect_dma semaphore(%arg17 : memref<!tpu.dma_semaphore, #tpu.memory_space<semaphore_mem>>) src(%dma_wait3A_184 : memref<10240x128xf32, #tpu.memory_space<hbm>>) dst(%arg6 : memref<128x128xf32, #tpu.memory_space<vmem>>)
      %dma_start3A_185 = arith.constant 0 : i32
      %dma_start3A_186 = arith.constant 0 : i32
      %dma_start3A_187 = tpu.memref_slice %arg16[%dma_start3A_185, %dma_start3A_186] : memref<10240x128xf32, #tpu.memory_space<vmem_shared>> -> memref<10240x128xf32, #tpu.memory_space<vmem_shared>>
      tpu.enqueue_indirect_dma source(%arg6 : memref<128x128xf32, #tpu.memory_space<vmem>>) target(%dma_start3A_187 : memref<10240x128xf32, #tpu.memory_space<vmem_shared>>) offsets(%arg14 : memref<128xi32, #tpu.memory_space<vmem>>) semaphore(%arg23 : memref<!tpu.dma_semaphore, #tpu.memory_space<semaphore_mem>>) {add = true}
      %mul3A_188 = arith.constant 4 : i32
      %mul3A_189 = arith.muli %mul3A_188, %scan3A_104 : i32
      %add3A_190 = arith.constant 3 : i32
      %add3A_191 = arith.addi %mul3A_189, %add3A_190 : i32
      %gt3A_192 = arith.constant 0 : i32
      %gt3A_193 = arith.cmpi sgt, %add3A_191, %gt3A_192 : i32
      %convert_element_type3A_194 = arith.extui %gt3A_193 : i1 to i32
      %cond3A_195 = arith.constant 0 : i32
      %cond3A_196 = arith.cmpi ne, %convert_element_type3A_194, %cond3A_195 : i32
      scf.if %cond3A_196 {
        %dma_wait3A_217 = arith.constant 0 : i32
        %dma_wait3A_218 = arith.constant 0 : i32
        %dma_wait3A_219 = tpu.memref_slice %arg2[%dma_wait3A_217, %dma_wait3A_218] : memref<10240x128xf32, #tpu.memory_space<hbm>> -> memref<128x128xf32, #tpu.memory_space<hbm>>
        %dma_wait3A_220 = arith.constant 0 : i32
        %dma_wait3A_221 = arith.constant 0 : i32
        %dma_wait3A_222 = tpu.memref_slice %arg2[%dma_wait3A_220, %dma_wait3A_221] : memref<10240x128xf32, #tpu.memory_space<hbm>> -> memref<128x128xf32, #tpu.memory_space<hbm>>
        tpu.wait_dma2 semaphore(%arg23 : memref<!tpu.dma_semaphore, #tpu.memory_space<semaphore_mem>>) src(%dma_wait3A_222 : memref<128x128xf32, #tpu.memory_space<hbm>>) dst(%arg6 : memref<128x128xf32, #tpu.memory_space<vmem>>)
      } else {
      }
      %add3A_197 = arith.constant 2 : i32
      %add3A_198 = arith.addi %add3A_191, %add3A_197 : i32
      %lt3A_199 = arith.constant 80 : i32
      %lt3A_200 = arith.cmpi slt, %add3A_198, %lt3A_199 : i32
      %convert_element_type3A_201 = arith.extui %lt3A_200 : i1 to i32
      %cond3A_202 = arith.constant 0 : i32
      %cond3A_203 = arith.cmpi ne, %convert_element_type3A_201, %cond3A_202 : i32
      scf.if %cond3A_203 {
        %add3A_217 = arith.constant 2 : i32
        %add3A_218 = arith.addi %add3A_191, %add3A_217 : i32
        %add3A_219 = arith.addi %mul3A_4, %add3A_218 : i32
        %dma_start3A_220 = arith.constant 0 : i32
        %dma_start3A_221 = tpu.memref_slice %arg3[%add3A_219, %dma_start3A_220] : memref<2560x128xi32, #tpu.memory_space<hbm>> -> memref<1x128xi32, #tpu.memory_space<hbm>>
        %dma_start3A_222 = tpu.memref_squeeze %dma_start3A_221 : memref<1x128xi32, #tpu.memory_space<hbm>> -> memref<128xi32, #tpu.memory_space<hbm>>
        %dma_start3A_223 = arith.constant 0 : i32
        %dma_start3A_224 = tpu.memref_slice %arg3[%add3A_219, %dma_start3A_223] : memref<2560x128xi32, #tpu.memory_space<hbm>> -> memref<1x128xi32, #tpu.memory_space<hbm>>
        %dma_start3A_225 = tpu.memref_squeeze %dma_start3A_224 : memref<1x128xi32, #tpu.memory_space<hbm>> -> memref<128xi32, #tpu.memory_space<hbm>>
        tpu.enqueue_dma source(%dma_start3A_225 : memref<128xi32, #tpu.memory_space<hbm>>) target(%arg9 : memref<128xi32, #tpu.memory_space<vmem>>) target_semaphore(%arg20 : memref<!tpu.dma_semaphore, #tpu.memory_space<semaphore_mem>>)
        %add3A_226 = arith.addi %mul3A_4, %add3A_218 : i32
        %dma_start3A_227 = arith.constant 0 : i32
        %dma_start3A_228 = tpu.memref_slice %arg4[%add3A_226, %dma_start3A_227] : memref<2560x128xi32, #tpu.memory_space<hbm>> -> memref<1x128xi32, #tpu.memory_space<hbm>>
        %dma_start3A_229 = tpu.memref_squeeze %dma_start3A_228 : memref<1x128xi32, #tpu.memory_space<hbm>> -> memref<128xi32, #tpu.memory_space<hbm>>
        %dma_start3A_230 = arith.constant 0 : i32
        %dma_start3A_231 = tpu.memref_slice %arg4[%add3A_226, %dma_start3A_230] : memref<2560x128xi32, #tpu.memory_space<hbm>> -> memref<1x128xi32, #tpu.memory_space<hbm>>
        %dma_start3A_232 = tpu.memref_squeeze %dma_start3A_231 : memref<1x128xi32, #tpu.memory_space<hbm>> -> memref<128xi32, #tpu.memory_space<hbm>>
        tpu.enqueue_dma source(%dma_start3A_232 : memref<128xi32, #tpu.memory_space<hbm>>) target(%arg13 : memref<128xi32, #tpu.memory_space<vmem>>) target_semaphore(%arg20 : memref<!tpu.dma_semaphore, #tpu.memory_space<semaphore_mem>>)
      } else {
      }
      %add3A_204 = arith.constant 1 : i32
      %add3A_205 = arith.addi %add3A_191, %add3A_204 : i32
      %lt3A_206 = arith.constant 80 : i32
      %lt3A_207 = arith.cmpi slt, %add3A_205, %lt3A_206 : i32
      %convert_element_type3A_208 = arith.extui %lt3A_207 : i1 to i32
      %cond3A_209 = arith.constant 0 : i32
      %cond3A_210 = arith.cmpi ne, %convert_element_type3A_208, %cond3A_209 : i32
      scf.if %cond3A_210 {
        %dma_wait3A_217 = arith.constant 0 : i32
        %dma_wait3A_218 = arith.constant 0 : i32
        %dma_wait3A_219 = tpu.memref_slice %arg3[%dma_wait3A_217, %dma_wait3A_218] : memref<2560x128xi32, #tpu.memory_space<hbm>> -> memref<1x128xi32, #tpu.memory_space<hbm>>
        %dma_wait3A_220 = tpu.memref_squeeze %dma_wait3A_219 : memref<1x128xi32, #tpu.memory_space<hbm>> -> memref<128xi32, #tpu.memory_space<hbm>>
        %dma_wait3A_221 = arith.constant 0 : i32
        %dma_wait3A_222 = tpu.memref_slice %arg3[%dma_wait3A_217, %dma_wait3A_221] : memref<2560x128xi32, #tpu.memory_space<hbm>> -> memref<1x128xi32, #tpu.memory_space<hbm>>
        %dma_wait3A_223 = tpu.memref_squeeze %dma_wait3A_222 : memref<1x128xi32, #tpu.memory_space<hbm>> -> memref<128xi32, #tpu.memory_space<hbm>>
        tpu.wait_dma2 semaphore(%arg19 : memref<!tpu.dma_semaphore, #tpu.memory_space<semaphore_mem>>) src(%dma_wait3A_223 : memref<128xi32, #tpu.memory_space<hbm>>) dst(%arg8 : memref<128xi32, #tpu.memory_space<vmem>>)
        %dma_wait3A_224 = arith.constant 0 : i32
        %dma_wait3A_225 = arith.constant 0 : i32
        %dma_wait3A_226 = tpu.memref_slice %arg4[%dma_wait3A_224, %dma_wait3A_225] : memref<2560x128xi32, #tpu.memory_space<hbm>> -> memref<1x128xi32, #tpu.memory_space<hbm>>
        %dma_wait3A_227 = tpu.memref_squeeze %dma_wait3A_226 : memref<1x128xi32, #tpu.memory_space<hbm>> -> memref<128xi32, #tpu.memory_space<hbm>>
        %dma_wait3A_228 = arith.constant 0 : i32
        %dma_wait3A_229 = tpu.memref_slice %arg4[%dma_wait3A_224, %dma_wait3A_228] : memref<2560x128xi32, #tpu.memory_space<hbm>> -> memref<1x128xi32, #tpu.memory_space<hbm>>
        %dma_wait3A_230 = tpu.memref_squeeze %dma_wait3A_229 : memref<1x128xi32, #tpu.memory_space<hbm>> -> memref<128xi32, #tpu.memory_space<hbm>>
        tpu.wait_dma2 semaphore(%arg19 : memref<!tpu.dma_semaphore, #tpu.memory_space<semaphore_mem>>) src(%dma_wait3A_230 : memref<128xi32, #tpu.memory_space<hbm>>) dst(%arg12 : memref<128xi32, #tpu.memory_space<vmem>>)
        %dma_start3A_231 = arith.constant 0 : i32
        %dma_start3A_232 = arith.constant 0 : i32
        %dma_start3A_233 = tpu.memref_slice %arg2[%dma_start3A_231, %dma_start3A_232] : memref<10240x128xf32, #tpu.memory_space<hbm>> -> memref<10240x128xf32, #tpu.memory_space<hbm>>
        tpu.enqueue_indirect_dma source(%dma_start3A_233 : memref<10240x128xf32, #tpu.memory_space<hbm>>) target(%arg6 : memref<128x128xf32, #tpu.memory_space<vmem>>) offsets(%arg8 : memref<128xi32, #tpu.memory_space<vmem>>) semaphore(%arg17 : memref<!tpu.dma_semaphore, #tpu.memory_space<semaphore_mem>>)
      } else {
      }
      %dma_wait3A_211 = arith.constant 0 : i32
      %dma_wait3A_212 = arith.constant 0 : i32
      %dma_wait3A_213 = tpu.memref_slice %arg2[%dma_wait3A_211, %dma_wait3A_212] : memref<10240x128xf32, #tpu.memory_space<hbm>> -> memref<10240x128xf32, #tpu.memory_space<hbm>>
      tpu.wait_indirect_dma semaphore(%arg18 : memref<!tpu.dma_semaphore, #tpu.memory_space<semaphore_mem>>) src(%dma_wait3A_213 : memref<10240x128xf32, #tpu.memory_space<hbm>>) dst(%arg7 : memref<128x128xf32, #tpu.memory_space<vmem>>)
      %dma_start3A_214 = arith.constant 0 : i32
      %dma_start3A_215 = arith.constant 0 : i32
      %dma_start3A_216 = tpu.memref_slice %arg16[%dma_start3A_214, %dma_start3A_215] : memref<10240x128xf32, #tpu.memory_space<vmem_shared>> -> memref<10240x128xf32, #tpu.memory_space<vmem_shared>>
      tpu.enqueue_indirect_dma source(%arg7 : memref<128x128xf32, #tpu.memory_space<vmem>>) target(%dma_start3A_216 : memref<10240x128xf32, #tpu.memory_space<vmem_shared>>) offsets(%arg15 : memref<128xi32, #tpu.memory_space<vmem>>) semaphore(%arg24 : memref<!tpu.dma_semaphore, #tpu.memory_space<semaphore_mem>>) {add = true}
    }
    %scan3A_76 = arith.constant 20 : i32
    %dma_wait3A_77 = arith.constant 0 : i32
    %dma_wait3A_78 = arith.constant 0 : i32
    %dma_wait3A_79 = tpu.memref_slice %arg2[%dma_wait3A_77, %dma_wait3A_78] : memref<10240x128xf32, #tpu.memory_space<hbm>> -> memref<128x128xf32, #tpu.memory_space<hbm>>
    %dma_wait3A_80 = arith.constant 0 : i32
    %dma_wait3A_81 = arith.constant 0 : i32
    %dma_wait3A_82 = tpu.memref_slice %arg2[%dma_wait3A_80, %dma_wait3A_81] : memref<10240x128xf32, #tpu.memory_space<hbm>> -> memref<128x128xf32, #tpu.memory_space<hbm>>
    tpu.wait_dma2 semaphore(%arg24 : memref<!tpu.dma_semaphore, #tpu.memory_space<semaphore_mem>>) src(%dma_wait3A_82 : memref<128x128xf32, #tpu.memory_space<hbm>>) dst(%arg7 : memref<128x128xf32, #tpu.memory_space<vmem>>)
    %barrier3A_83 = arith.constant 0 : index
    tpu.barrier barrier_id(%barrier3A_83)
    %add3A_84 = arith.constant 0 : i32
    %add3A_85 = arith.addi %mul3A_2, %add3A_84 : i32
    "tpu.region"() ({
      %run_scoped3A = tpu.sem_alloc : memref<!tpu.dma_semaphore, #tpu.memory_space<semaphore_mem>>
      %dma_start3A_104 = arith.constant 0 : i32
      %dma_start3A_105 = tpu.memref_slice %arg16[%add3A_85, %dma_start3A_104] : memref<10240x128xf32, #tpu.memory_space<vmem_shared>> -> memref<128x128xf32, #tpu.memory_space<vmem_shared>>
      %dma_start3A_106 = arith.constant 0 : i32
      %dma_start3A_107 = tpu.memref_slice %arg16[%add3A_85, %dma_start3A_106] : memref<10240x128xf32, #tpu.memory_space<vmem_shared>> -> memref<128x128xf32, #tpu.memory_space<vmem_shared>>
      tpu.enqueue_dma source(%dma_start3A_107 : memref<128x128xf32, #tpu.memory_space<vmem_shared>>) target(%arg6 : memref<128x128xf32, #tpu.memory_space<vmem>>) target_semaphore(%run_scoped3A : memref<!tpu.dma_semaphore, #tpu.memory_space<semaphore_mem>>)
      %dma_wait3A_108 = arith.constant 0 : i32
      %dma_wait3A_109 = tpu.memref_slice %arg16[%add3A_85, %dma_wait3A_108] : memref<10240x128xf32, #tpu.memory_space<vmem_shared>> -> memref<128x128xf32, #tpu.memory_space<vmem_shared>>
      %dma_wait3A_110 = arith.constant 0 : i32
      %dma_wait3A_111 = tpu.memref_slice %arg16[%add3A_85, %dma_wait3A_110] : memref<10240x128xf32, #tpu.memory_space<vmem_shared>> -> memref<128x128xf32, #tpu.memory_space<vmem_shared>>
      tpu.wait_dma2 semaphore(%run_scoped3A : memref<!tpu.dma_semaphore, #tpu.memory_space<semaphore_mem>>) src(%dma_wait3A_111 : memref<128x128xf32, #tpu.memory_space<vmem_shared>>) dst(%arg6 : memref<128x128xf32, #tpu.memory_space<vmem>>)
      tpu.yield
    }) : () -> ()
    %add3A_86 = arith.constant 0 : i32
    %add3A_87 = arith.addi %mul3A_2, %add3A_86 : i32
    "tpu.region"() ({
      %run_scoped3A = tpu.sem_alloc : memref<!tpu.dma_semaphore, #tpu.memory_space<semaphore_mem>>
      %dma_start3A_104 = arith.constant 0 : i32
      %dma_start3A_105 = tpu.memref_slice %arg5[%arg0, %add3A_87, %dma_start3A_104] : memref<2x10240x128xf32, #tpu.memory_space<hbm>> -> memref<1x128x128xf32, #tpu.memory_space<hbm>>
      %dma_start3A_106 = tpu.memref_squeeze %dma_start3A_105 : memref<1x128x128xf32, #tpu.memory_space<hbm>> -> memref<128x128xf32, #tpu.memory_space<hbm>>
      %dma_start3A_107 = arith.constant 0 : i32
      %dma_start3A_108 = tpu.memref_slice %arg5[%arg0, %add3A_87, %dma_start3A_107] : memref<2x10240x128xf32, #tpu.memory_space<hbm>> -> memref<1x128x128xf32, #tpu.memory_space<hbm>>
      %dma_start3A_109 = tpu.memref_squeeze %dma_start3A_108 : memref<1x128x128xf32, #tpu.memory_space<hbm>> -> memref<128x128xf32, #tpu.memory_space<hbm>>
      tpu.enqueue_dma source(%arg6 : memref<128x128xf32, #tpu.memory_space<vmem>>) target(%dma_start3A_109 : memref<128x128xf32, #tpu.memory_space<hbm>>) target_semaphore(%run_scoped3A : memref<!tpu.dma_semaphore, #tpu.memory_space<semaphore_mem>>)
      %dma_wait3A_110 = arith.constant 0 : i32
      %dma_wait3A_111 = tpu.memref_slice %arg5[%arg0, %add3A_87, %dma_wait3A_110] : memref<2x10240x128xf32, #tpu.memory_space<hbm>> -> memref<1x128x128xf32, #tpu.memory_space<hbm>>
      %dma_wait3A_112 = tpu.memref_squeeze %dma_wait3A_111 : memref<1x128x128xf32, #tpu.memory_space<hbm>> -> memref<128x128xf32, #tpu.memory_space<hbm>>
      %dma_wait3A_113 = arith.constant 0 : i32
      %dma_wait3A_114 = tpu.memref_slice %arg5[%arg0, %add3A_87, %dma_wait3A_113] : memref<2x10240x128xf32, #tpu.memory_space<hbm>> -> memref<1x128x128xf32, #tpu.memory_space<hbm>>
      %dma_wait3A_115 = tpu.memref_squeeze %dma_wait3A_114 : memref<1x128x128xf32, #tpu.memory_space<hbm>> -> memref<128x128xf32, #tpu.memory_space<hbm>>
      tpu.wait_dma2 semaphore(%run_scoped3A : memref<!tpu.dma_semaphore, #tpu.memory_space<semaphore_mem>>) src(%arg6 : memref<128x128xf32, #tpu.memory_space<vmem>>) dst(%dma_wait3A_115 : memref<128x128xf32, #tpu.memory_space<hbm>>)
      tpu.yield
    }) : () -> ()
    %add3A_88 = arith.constant 128 : i32
    %add3A_89 = arith.addi %mul3A_2, %add3A_88 : i32
    "tpu.region"() ({
      %run_scoped3A = tpu.sem_alloc : memref<!tpu.dma_semaphore, #tpu.memory_space<semaphore_mem>>
      %dma_start3A_104 = arith.constant 0 : i32
      %dma_start3A_105 = tpu.memref_slice %arg16[%add3A_89, %dma_start3A_104] : memref<10240x128xf32, #tpu.memory_space<vmem_shared>> -> memref<128x128xf32, #tpu.memory_space<vmem_shared>>
      %dma_start3A_106 = arith.constant 0 : i32
      %dma_start3A_107 = tpu.memref_slice %arg16[%add3A_89, %dma_start3A_106] : memref<10240x128xf32, #tpu.memory_space<vmem_shared>> -> memref<128x128xf32, #tpu.memory_space<vmem_shared>>
      tpu.enqueue_dma source(%dma_start3A_107 : memref<128x128xf32, #tpu.memory_space<vmem_shared>>) target(%arg7 : memref<128x128xf32, #tpu.memory_space<vmem>>) target_semaphore(%run_scoped3A : memref<!tpu.dma_semaphore, #tpu.memory_space<semaphore_mem>>)
      %dma_wait3A_108 = arith.constant 0 : i32
      %dma_wait3A_109 = tpu.memref_slice %arg16[%add3A_89, %dma_wait3A_108] : memref<10240x128xf32, #tpu.memory_space<vmem_shared>> -> memref<128x128xf32, #tpu.memory_space<vmem_shared>>
      %dma_wait3A_110 = arith.constant 0 : i32
      %dma_wait3A_111 = tpu.memref_slice %arg16[%add3A_89, %dma_wait3A_110] : memref<10240x128xf32, #tpu.memory_space<vmem_shared>> -> memref<128x128xf32, #tpu.memory_space<vmem_shared>>
      tpu.wait_dma2 semaphore(%run_scoped3A : memref<!tpu.dma_semaphore, #tpu.memory_space<semaphore_mem>>) src(%dma_wait3A_111 : memref<128x128xf32, #tpu.memory_space<vmem_shared>>) dst(%arg7 : memref<128x128xf32, #tpu.memory_space<vmem>>)
      tpu.yield
    }) : () -> ()
    %add3A_90 = arith.constant 128 : i32
    %add3A_91 = arith.addi %mul3A_2, %add3A_90 : i32
    "tpu.region"() ({
      %run_scoped3A = tpu.sem_alloc : memref<!tpu.dma_semaphore, #tpu.memory_space<semaphore_mem>>
      %dma_start3A_104 = arith.constant 0 : i32
      %dma_start3A_105 = tpu.memref_slice %arg5[%arg0, %add3A_91, %dma_start3A_104] : memref<2x10240x128xf32, #tpu.memory_space<hbm>> -> memref<1x128x128xf32, #tpu.memory_space<hbm>>
      %dma_start3A_106 = tpu.memref_squeeze %dma_start3A_105 : memref<1x128x128xf32, #tpu.memory_space<hbm>> -> memref<128x128xf32, #tpu.memory_space<hbm>>
      %dma_start3A_107 = arith.constant 0 : i32
      %dma_start3A_108 = tpu.memref_slice %arg5[%arg0, %add3A_91, %dma_start3A_107] : memref<2x10240x128xf32, #tpu.memory_space<hbm>> -> memref<1x128x128xf32, #tpu.memory_space<hbm>>
      %dma_start3A_109 = tpu.memref_squeeze %dma_start3A_108 : memref<1x128x128xf32, #tpu.memory_space<hbm>> -> memref<128x128xf32, #tpu.memory_space<hbm>>
      tpu.enqueue_dma source(%arg7 : memref<128x128xf32, #tpu.memory_space<vmem>>) target(%dma_start3A_109 : memref<128x128xf32, #tpu.memory_space<hbm>>) target_semaphore(%run_scoped3A : memref<!tpu.dma_semaphore, #tpu.memory_space<semaphore_mem>>)
      %dma_wait3A_110 = arith.constant 0 : i32
      %dma_wait3A_111 = tpu.memref_slice %arg5[%arg0, %add3A_91, %dma_wait3A_110] : memref<2x10240x128xf32, #tpu.memory_space<hbm>> -> memref<1x128x128xf32, #tpu.memory_space<hbm>>
      %dma_wait3A_112 = tpu.memref_squeeze %dma_wait3A_111 : memref<1x128x128xf32, #tpu.memory_space<hbm>> -> memref<128x128xf32, #tpu.memory_space<hbm>>
      %dma_wait3A_113 = arith.constant 0 : i32
      %dma_wait3A_114 = tpu.memref_slice %arg5[%arg0, %add3A_91, %dma_wait3A_113] : memref<2x10240x128xf32, #tpu.memory_space<hbm>> -> memref<1x128x128xf32, #tpu.memory_space<hbm>>
      %dma_wait3A_115 = tpu.memref_squeeze %dma_wait3A_114 : memref<1x128x128xf32, #tpu.memory_space<hbm>> -> memref<128x128xf32, #tpu.memory_space<hbm>>
      tpu.wait_dma2 semaphore(%run_scoped3A : memref<!tpu.dma_semaphore, #tpu.memory_space<semaphore_mem>>) src(%arg7 : memref<128x128xf32, #tpu.memory_space<vmem>>) dst(%dma_wait3A_115 : memref<128x128xf32, #tpu.memory_space<hbm>>)
      tpu.yield
    }) : () -> ()
    %add3A_92 = arith.constant 256 : i32
    %add3A_93 = arith.addi %mul3A_2, %add3A_92 : i32
    "tpu.region"() ({
      %run_scoped3A = tpu.sem_alloc : memref<!tpu.dma_semaphore, #tpu.memory_space<semaphore_mem>>
      %dma_start3A_104 = arith.constant 0 : i32
      %dma_start3A_105 = tpu.memref_slice %arg16[%add3A_93, %dma_start3A_104] : memref<10240x128xf32, #tpu.memory_space<vmem_shared>> -> memref<128x128xf32, #tpu.memory_space<vmem_shared>>
      %dma_start3A_106 = arith.constant 0 : i32
      %dma_start3A_107 = tpu.memref_slice %arg16[%add3A_93, %dma_start3A_106] : memref<10240x128xf32, #tpu.memory_space<vmem_shared>> -> memref<128x128xf32, #tpu.memory_space<vmem_shared>>
      tpu.enqueue_dma source(%dma_start3A_107 : memref<128x128xf32, #tpu.memory_space<vmem_shared>>) target(%arg6 : memref<128x128xf32, #tpu.memory_space<vmem>>) target_semaphore(%run_scoped3A : memref<!tpu.dma_semaphore, #tpu.memory_space<semaphore_mem>>)
      %dma_wait3A_108 = arith.constant 0 : i32
      %dma_wait3A_109 = tpu.memref_slice %arg16[%add3A_93, %dma_wait3A_108] : memref<10240x128xf32, #tpu.memory_space<vmem_shared>> -> memref<128x128xf32, #tpu.memory_space<vmem_shared>>
      %dma_wait3A_110 = arith.constant 0 : i32
      %dma_wait3A_111 = tpu.memref_slice %arg16[%add3A_93, %dma_wait3A_110] : memref<10240x128xf32, #tpu.memory_space<vmem_shared>> -> memref<128x128xf32, #tpu.memory_space<vmem_shared>>
      tpu.wait_dma2 semaphore(%run_scoped3A : memref<!tpu.dma_semaphore, #tpu.memory_space<semaphore_mem>>) src(%dma_wait3A_111 : memref<128x128xf32, #tpu.memory_space<vmem_shared>>) dst(%arg6 : memref<128x128xf32, #tpu.memory_space<vmem>>)
      tpu.yield
    }) : () -> ()
    %add3A_94 = arith.constant 256 : i32
    %add3A_95 = arith.addi %mul3A_2, %add3A_94 : i32
    "tpu.region"() ({
      %run_scoped3A = tpu.sem_alloc : memref<!tpu.dma_semaphore, #tpu.memory_space<semaphore_mem>>
      %dma_start3A_104 = arith.constant 0 : i32
      %dma_start3A_105 = tpu.memref_slice %arg5[%arg0, %add3A_95, %dma_start3A_104] : memref<2x10240x128xf32, #tpu.memory_space<hbm>> -> memref<1x128x128xf32, #tpu.memory_space<hbm>>
      %dma_start3A_106 = tpu.memref_squeeze %dma_start3A_105 : memref<1x128x128xf32, #tpu.memory_space<hbm>> -> memref<128x128xf32, #tpu.memory_space<hbm>>
      %dma_start3A_107 = arith.constant 0 : i32
      %dma_start3A_108 = tpu.memref_slice %arg5[%arg0, %add3A_95, %dma_start3A_107] : memref<2x10240x128xf32, #tpu.memory_space<hbm>> -> memref<1x128x128xf32, #tpu.memory_space<hbm>>
      %dma_start3A_109 = tpu.memref_squeeze %dma_start3A_108 : memref<1x128x128xf32, #tpu.memory_space<hbm>> -> memref<128x128xf32, #tpu.memory_space<hbm>>
      tpu.enqueue_dma source(%arg6 : memref<128x128xf32, #tpu.memory_space<vmem>>) target(%dma_start3A_109 : memref<128x128xf32, #tpu.memory_space<hbm>>) target_semaphore(%run_scoped3A : memref<!tpu.dma_semaphore, #tpu.memory_space<semaphore_mem>>)
      %dma_wait3A_110 = arith.constant 0 : i32
      %dma_wait3A_111 = tpu.memref_slice %arg5[%arg0, %add3A_95, %dma_wait3A_110] : memref<2x10240x128xf32, #tpu.memory_space<hbm>> -> memref<1x128x128xf32, #tpu.memory_space<hbm>>
      %dma_wait3A_112 = tpu.memref_squeeze %dma_wait3A_111 : memref<1x128x128xf32, #tpu.memory_space<hbm>> -> memref<128x128xf32, #tpu.memory_space<hbm>>
      %dma_wait3A_113 = arith.constant 0 : i32
      %dma_wait3A_114 = tpu.memref_slice %arg5[%arg0, %add3A_95, %dma_wait3A_113] : memref<2x10240x128xf32, #tpu.memory_space<hbm>> -> memref<1x128x128xf32, #tpu.memory_space<hbm>>
      %dma_wait3A_115 = tpu.memref_squeeze %dma_wait3A_114 : memref<1x128x128xf32, #tpu.memory_space<hbm>> -> memref<128x128xf32, #tpu.memory_space<hbm>>
      tpu.wait_dma2 semaphore(%run_scoped3A : memref<!tpu.dma_semaphore, #tpu.memory_space<semaphore_mem>>) src(%arg6 : memref<128x128xf32, #tpu.memory_space<vmem>>) dst(%dma_wait3A_115 : memref<128x128xf32, #tpu.memory_space<hbm>>)
      tpu.yield
    }) : () -> ()
    %add3A_96 = arith.constant 384 : i32
    %add3A_97 = arith.addi %mul3A_2, %add3A_96 : i32
    "tpu.region"() ({
      %run_scoped3A = tpu.sem_alloc : memref<!tpu.dma_semaphore, #tpu.memory_space<semaphore_mem>>
      %dma_start3A_104 = arith.constant 0 : i32
      %dma_start3A_105 = tpu.memref_slice %arg16[%add3A_97, %dma_start3A_104] : memref<10240x128xf32, #tpu.memory_space<vmem_shared>> -> memref<128x128xf32, #tpu.memory_space<vmem_shared>>
      %dma_start3A_106 = arith.constant 0 : i32
      %dma_start3A_107 = tpu.memref_slice %arg16[%add3A_97, %dma_start3A_106] : memref<10240x128xf32, #tpu.memory_space<vmem_shared>> -> memref<128x128xf32, #tpu.memory_space<vmem_shared>>
      tpu.enqueue_dma source(%dma_start3A_107 : memref<128x128xf32, #tpu.memory_space<vmem_shared>>) target(%arg7 : memref<128x128xf32, #tpu.memory_space<vmem>>) target_semaphore(%run_scoped3A : memref<!tpu.dma_semaphore, #tpu.memory_space<semaphore_mem>>)
      %dma_wait3A_108 = arith.constant 0 : i32
      %dma_wait3A_109 = tpu.memref_slice %arg16[%add3A_97, %dma_wait3A_108] : memref<10240x128xf32, #tpu.memory_space<vmem_shared>> -> memref<128x128xf32, #tpu.memory_space<vmem_shared>>
      %dma_wait3A_110 = arith.constant 0 : i32
      %dma_wait3A_111 = tpu.memref_slice %arg16[%add3A_97, %dma_wait3A_110] : memref<10240x128xf32, #tpu.memory_space<vmem_shared>> -> memref<128x128xf32, #tpu.memory_space<vmem_shared>>
      tpu.wait_dma2 semaphore(%run_scoped3A : memref<!tpu.dma_semaphore, #tpu.memory_space<semaphore_mem>>) src(%dma_wait3A_111 : memref<128x128xf32, #tpu.memory_space<vmem_shared>>) dst(%arg7 : memref<128x128xf32, #tpu.memory_space<vmem>>)
      tpu.yield
    }) : () -> ()
    %add3A_98 = arith.constant 384 : i32
    %add3A_99 = arith.addi %mul3A_2, %add3A_98 : i32
    "tpu.region"() ({
      %run_scoped3A = tpu.sem_alloc : memref<!tpu.dma_semaphore, #tpu.memory_space<semaphore_mem>>
      %dma_start3A_104 = arith.constant 0 : i32
      %dma_start3A_105 = tpu.memref_slice %arg5[%arg0, %add3A_99, %dma_start3A_104] : memref<2x10240x128xf32, #tpu.memory_space<hbm>> -> memref<1x128x128xf32, #tpu.memory_space<hbm>>
      %dma_start3A_106 = tpu.memref_squeeze %dma_start3A_105 : memref<1x128x128xf32, #tpu.memory_space<hbm>> -> memref<128x128xf32, #tpu.memory_space<hbm>>
      %dma_start3A_107 = arith.constant 0 : i32
      %dma_start3A_108 = tpu.memref_slice %arg5[%arg0, %add3A_99, %dma_start3A_107] : memref<2x10240x128xf32, #tpu.memory_space<hbm>> -> memref<1x128x128xf32, #tpu.memory_space<hbm>>
      %dma_start3A_109 = tpu.memref_squeeze %dma_start3A_108 : memref<1x128x128xf32, #tpu.memory_space<hbm>> -> memref<128x128xf32, #tpu.memory_space<hbm>>
      tpu.enqueue_dma source(%arg7 : memref<128x128xf32, #tpu.memory_space<vmem>>) target(%dma_start3A_109 : memref<128x128xf32, #tpu.memory_space<hbm>>) target_semaphore(%run_scoped3A : memref<!tpu.dma_semaphore, #tpu.memory_space<semaphore_mem>>)
      %dma_wait3A_110 = arith.constant 0 : i32
      %dma_wait3A_111 = tpu.memref_slice %arg5[%arg0, %add3A_99, %dma_wait3A_110] : memref<2x10240x128xf32, #tpu.memory_space<hbm>> -> memref<1x128x128xf32, #tpu.memory_space<hbm>>
      %dma_wait3A_112 = tpu.memref_squeeze %dma_wait3A_111 : memref<1x128x128xf32, #tpu.memory_space<hbm>> -> memref<128x128xf32, #tpu.memory_space<hbm>>
      %dma_wait3A_113 = arith.constant 0 : i32
      %dma_wait3A_114 = tpu.memref_slice %arg5[%arg0, %add3A_99, %dma_wait3A_113] : memref<2x10240x128xf32, #tpu.memory_space<hbm>> -> memref<1x128x128xf32, #tpu.memory_space<hbm>>
      %dma_wait3A_115 = tpu.memref_squeeze %dma_wait3A_114 : memref<1x128x128xf32, #tpu.memory_space<hbm>> -> memref<128x128xf32, #tpu.memory_space<hbm>>
      tpu.wait_dma2 semaphore(%run_scoped3A : memref<!tpu.dma_semaphore, #tpu.memory_space<semaphore_mem>>) src(%arg7 : memref<128x128xf32, #tpu.memory_space<vmem>>) dst(%dma_wait3A_115 : memref<128x128xf32, #tpu.memory_space<hbm>>)
      tpu.yield
    }) : () -> ()
    %add3A_100 = arith.constant 512 : i32
    %add3A_101 = arith.addi %mul3A_2, %add3A_100 : i32
    "tpu.region"() ({
      %run_scoped3A = tpu.sem_alloc : memref<!tpu.dma_semaphore, #tpu.memory_space<semaphore_mem>>
      %dma_start3A_104 = arith.constant 0 : i32
      %dma_start3A_105 = tpu.memref_slice %arg16[%add3A_101, %dma_start3A_104] : memref<10240x128xf32, #tpu.memory_space<vmem_shared>> -> memref<128x128xf32, #tpu.memory_space<vmem_shared>>
      %dma_start3A_106 = arith.constant 0 : i32
      %dma_start3A_107 = tpu.memref_slice %arg16[%add3A_101, %dma_start3A_106] : memref<10240x128xf32, #tpu.memory_space<vmem_shared>> -> memref<128x128xf32, #tpu.memory_space<vmem_shared>>
      tpu.enqueue_dma source(%dma_start3A_107 : memref<128x128xf32, #tpu.memory_space<vmem_shared>>) target(%arg6 : memref<128x128xf32, #tpu.memory_space<vmem>>) target_semaphore(%run_scoped3A : memref<!tpu.dma_semaphore, #tpu.memory_space<semaphore_mem>>)
      %dma_wait3A_108 = arith.constant 0 : i32
      %dma_wait3A_109 = tpu.memref_slice %arg16[%add3A_101, %dma_wait3A_108] : memref<10240x128xf32, #tpu.memory_space<vmem_shared>> -> memref<128x128xf32, #tpu.memory_space<vmem_shared>>
      %dma_wait3A_110 = arith.constant 0 : i32
      %dma_wait3A_111 = tpu.memref_slice %arg16[%add3A_101, %dma_wait3A_110] : memref<10240x128xf32, #tpu.memory_space<vmem_shared>> -> memref<128x128xf32, #tpu.memory_space<vmem_shared>>
      tpu.wait_dma2 semaphore(%run_scoped3A : memref<!tpu.dma_semaphore, #tpu.memory_space<semaphore_mem>>) src(%dma_wait3A_111 : memref<128x128xf32, #tpu.memory_space<vmem_shared>>) dst(%arg6 : memref<128x128xf32, #tpu.memory_space<vmem>>)
      tpu.yield
    }) : () -> ()
    %add3A_102 = arith.constant 512 : i32
    %add3A_103 = arith.addi %mul3A_2, %add3A_102 : i32
    "tpu.region"() ({
      %run_scoped3A = tpu.sem_alloc : memref<!tpu.dma_semaphore, #tpu.memory_space<semaphore_mem>>
      %dma_start3A_104 = arith.constant 0 : i32
      %dma_start3A_105 = tpu.memref_slice %arg5[%arg0, %add3A_103, %dma_start3A_104] : memref<2x10240x128xf32, #tpu.memory_space<hbm>> -> memref<1x128x128xf32, #tpu.memory_space<hbm>>
      %dma_start3A_106 = tpu.memref_squeeze %dma_start3A_105 : memref<1x128x128xf32, #tpu.memory_space<hbm>> -> memref<128x128xf32, #tpu.memory_space<hbm>>
      %dma_start3A_107 = arith.constant 0 : i32
      %dma_start3A_108 = tpu.memref_slice %arg5[%arg0, %add3A_103, %dma_start3A_107] : memref<2x10240x128xf32, #tpu.memory_space<hbm>> -> memref<1x128x128xf32, #tpu.memory_space<hbm>>
      %dma_start3A_109 = tpu.memref_squeeze %dma_start3A_108 : memref<1x128x128xf32, #tpu.memory_space<hbm>> -> memref<128x128xf32, #tpu.memory_space<hbm>>
      tpu.enqueue_dma source(%arg6 : memref<128x128xf32, #tpu.memory_space<vmem>>) target(%dma_start3A_109 : memref<128x128xf32, #tpu.memory_space<hbm>>) target_semaphore(%run_scoped3A : memref<!tpu.dma_semaphore, #tpu.memory_space<semaphore_mem>>)
      %dma_wait3A_110 = arith.constant 0 : i32
      %dma_wait3A_111 = tpu.memref_slice %arg5[%arg0, %add3A_103, %dma_wait3A_110] : memref<2x10240x128xf32, #tpu.memory_space<hbm>> -> memref<1x128x128xf32, #tpu.memory_space<hbm>>
      %dma_wait3A_112 = tpu.memref_squeeze %dma_wait3A_111 : memref<1x128x128xf32, #tpu.memory_space<hbm>> -> memref<128x128xf32, #tpu.memory_space<hbm>>
      %dma_wait3A_113 = arith.constant 0 : i32
      %dma_wait3A_114 = tpu.memref_slice %arg5[%arg0, %add3A_103, %dma_wait3A_113] : memref<2x10240x128xf32, #tpu.memory_space<hbm>> -> memref<1x128x128xf32, #tpu.memory_space<hbm>>
      %dma_wait3A_115 = tpu.memref_squeeze %dma_wait3A_114 : memref<1x128x128xf32, #tpu.memory_space<hbm>> -> memref<128x128xf32, #tpu.memory_space<hbm>>
      tpu.wait_dma2 semaphore(%run_scoped3A : memref<!tpu.dma_semaphore, #tpu.memory_space<semaphore_mem>>) src(%arg6 : memref<128x128xf32, #tpu.memory_space<vmem>>) dst(%dma_wait3A_115 : memref<128x128xf32, #tpu.memory_space<hbm>>)
      tpu.yield
    }) : () -> ()
    return
  }
}

#map = affine_map<(d0, d1) -> (0, 0)>
#map1 = affine_map<(d0, d1) -> (0, 0, 0)>
module attributes {stable_mosaic.version = 14 : i64} {
  func.func @_scat_body(%arg0: i32, %arg1: i32, %arg2: memref<10240x128xf32, #tpu.memory_space<hbm>>, %arg3: memref<2560x128xi32, #tpu.memory_space<hbm>>, %arg4: memref<2560x128xi32, #tpu.memory_space<hbm>>, %arg5: memref<2x10240x128xf32, #tpu.memory_space<hbm>>, %arg6: memref<128x128xf32, #tpu.memory_space<vmem>>, %arg7: memref<128x128xf32, #tpu.memory_space<vmem>>, %arg8: memref<128xi32, #tpu.memory_space<vmem>>, %arg9: memref<128xi32, #tpu.memory_space<vmem>>, %arg10: memref<128xi32, #tpu.memory_space<vmem>>, %arg11: memref<128xi32, #tpu.memory_space<vmem>>, %arg12: memref<128xi32, #tpu.memory_space<vmem>>, %arg13: memref<128xi32, #tpu.memory_space<vmem>>, %arg14: memref<128xi32, #tpu.memory_space<vmem>>, %arg15: memref<128xi32, #tpu.memory_space<vmem>>, %arg16: memref<10240x128xf32, #tpu.memory_space<vmem_shared>>, %arg17: memref<!tpu.dma_semaphore, #tpu.memory_space<semaphore_mem>>, %arg18: memref<!tpu.dma_semaphore, #tpu.memory_space<semaphore_mem>>, %arg19: memref<!tpu.dma_semaphore, #tpu.memory_space<semaphore_mem>>, %arg20: memref<!tpu.dma_semaphore, #tpu.memory_space<semaphore_mem>>, %arg21: memref<!tpu.dma_semaphore, #tpu.memory_space<semaphore_mem>>, %arg22: memref<!tpu.dma_semaphore, #tpu.memory_space<semaphore_mem>>, %arg23: memref<!tpu.dma_semaphore, #tpu.memory_space<semaphore_mem>>, %arg24: memref<!tpu.dma_semaphore, #tpu.memory_space<semaphore_mem>>) attributes {dimension_semantics = [#tpu.dimension_semantics<core_parallel>, #tpu.dimension_semantics<subcore_parallel>], iteration_bounds = array<i64: 2, 16>, scalar_prefetch = 0 : i64, scratch_operands = 19 : i64, tpu.core_type = #tpu.core_type<sc_vector_subcore>, window_params = [{transform_indices = #map}, {transform_indices = #map}, {transform_indices = #map}, {transform_indices = #map1}]} {
    %mul3A = arith.constant 2 : i32
    %mul3A_0 = arith.muli %arg1, %mul3A : i32
    %add3A = arith.addi %mul3A_0, %arg0 : i32
    %mul3A_1 = arith.constant 640 : i32
    %mul3A_2 = arith.muli %arg1, %mul3A_1 : i32
    %mul3A_3 = arith.constant 80 : i32
    %mul3A_4 = arith.muli %add3A, %mul3A_3 : i32
    %add3A_5 = arith.constant 0 : i32
    %add3A_6 = arith.addi %mul3A_4, %add3A_5 : i32
    %dma_start3A = arith.constant 0 : i32
    %dma_start3A_7 = tpu.memref_slice %arg3[%add3A_6, %dma_start3A] : memref<2560x128xi32, #tpu.memory_space<hbm>> -> memref<1x128xi32, #tpu.memory_space<hbm>>
    %dma_start3A_8 = tpu.memref_squeeze %dma_start3A_7 : memref<1x128xi32, #tpu.memory_space<hbm>> -> memref<128xi32, #tpu.memory_space<hbm>>
    %dma_start3A_9 = arith.constant 0 : i32
    %dma_start3A_10 = tpu.memref_slice %arg3[%add3A_6, %dma_start3A_9] : memref<2560x128xi32, #tpu.memory_space<hbm>> -> memref<1x128xi32, #tpu.memory_space<hbm>>
    %dma_start3A_11 = tpu.memref_squeeze %dma_start3A_10 : memref<1x128xi32, #tpu.memory_space<hbm>> -> memref<128xi32, #tpu.memory_space<hbm>>
    tpu.enqueue_dma source(%dma_start3A_11 : memref<128xi32, #tpu.memory_space<hbm>>) target(%arg8 : memref<128xi32, #tpu.memory_space<vmem>>) target_semaphore(%arg19 : memref<!tpu.dma_semaphore, #tpu.memory_space<semaphore_mem>>)
    %add3A_12 = arith.constant 0 : i32
    %add3A_13 = arith.addi %mul3A_4, %add3A_12 : i32
    %dma_start3A_14 = arith.constant 0 : i32
    %dma_start3A_15 = tpu.memref_slice %arg4[%add3A_13, %dma_start3A_14] : memref<2560x128xi32, #tpu.memory_space<hbm>> -> memref<1x128xi32, #tpu.memory_space<hbm>>
    %dma_start3A_16 = tpu.memref_squeeze %dma_start3A_15 : memref<1x128xi32, #tpu.memory_space<hbm>> -> memref<128xi32, #tpu.memory_space<hbm>>
    %dma_start3A_17 = arith.constant 0 : i32
    %dma_start3A_18 = tpu.memref_slice %arg4[%add3A_13, %dma_start3A_17] : memref<2560x128xi32, #tpu.memory_space<hbm>> -> memref<1x128xi32, #tpu.memory_space<hbm>>
    %dma_start3A_19 = tpu.memref_squeeze %dma_start3A_18 : memref<1x128xi32, #tpu.memory_space<hbm>> -> memref<128xi32, #tpu.memory_space<hbm>>
    tpu.enqueue_dma source(%dma_start3A_19 : memref<128xi32, #tpu.memory_space<hbm>>) target(%arg12 : memref<128xi32, #tpu.memory_space<vmem>>) target_semaphore(%arg19 : memref<!tpu.dma_semaphore, #tpu.memory_space<semaphore_mem>>)
    %add3A_20 = arith.constant 1 : i32
    %add3A_21 = arith.addi %mul3A_4, %add3A_20 : i32
    %dma_start3A_22 = arith.constant 0 : i32
    %dma_start3A_23 = tpu.memref_slice %arg3[%add3A_21, %dma_start3A_22] : memref<2560x128xi32, #tpu.memory_space<hbm>> -> memref<1x128xi32, #tpu.memory_space<hbm>>
    %dma_start3A_24 = tpu.memref_squeeze %dma_start3A_23 : memref<1x128xi32, #tpu.memory_space<hbm>> -> memref<128xi32, #tpu.memory_space<hbm>>
    %dma_start3A_25 = arith.constant 0 : i32
    %dma_start3A_26 = tpu.memref_slice %arg3[%add3A_21, %dma_start3A_25] : memref<2560x128xi32, #tpu.memory_space<hbm>> -> memref<1x128xi32, #tpu.memory_space<hbm>>
    %dma_start3A_27 = tpu.memref_squeeze %dma_start3A_26 : memref<1x128xi32, #tpu.memory_space<hbm>> -> memref<128xi32, #tpu.memory_space<hbm>>
    tpu.enqueue_dma source(%dma_start3A_27 : memref<128xi32, #tpu.memory_space<hbm>>) target(%arg9 : memref<128xi32, #tpu.memory_space<vmem>>) target_semaphore(%arg20 : memref<!tpu.dma_semaphore, #tpu.memory_space<semaphore_mem>>)
    %add3A_28 = arith.constant 1 : i32
    %add3A_29 = arith.addi %mul3A_4, %add3A_28 : i32
    %dma_start3A_30 = arith.constant 0 : i32
    %dma_start3A_31 = tpu.memref_slice %arg4[%add3A_29, %dma_start3A_30] : memref<2560x128xi32, #tpu.memory_space<hbm>> -> memref<1x128xi32, #tpu.memory_space<hbm>>
    %dma_start3A_32 = tpu.memref_squeeze %dma_start3A_31 : memref<1x128xi32, #tpu.memory_space<hbm>> -> memref<128xi32, #tpu.memory_space<hbm>>
    %dma_start3A_33 = arith.constant 0 : i32
    %dma_start3A_34 = tpu.memref_slice %arg4[%add3A_29, %dma_start3A_33] : memref<2560x128xi32, #tpu.memory_space<hbm>> -> memref<1x128xi32, #tpu.memory_space<hbm>>
    %dma_start3A_35 = tpu.memref_squeeze %dma_start3A_34 : memref<1x128xi32, #tpu.memory_space<hbm>> -> memref<128xi32, #tpu.memory_space<hbm>>
    tpu.enqueue_dma source(%dma_start3A_35 : memref<128xi32, #tpu.memory_space<hbm>>) target(%arg13 : memref<128xi32, #tpu.memory_space<vmem>>) target_semaphore(%arg20 : memref<!tpu.dma_semaphore, #tpu.memory_space<semaphore_mem>>)
    %add3A_36 = arith.constant 0 : i32
    %add3A_37 = arith.addi %mul3A_2, %add3A_36 : i32
    "tpu.region"() ({
      %run_scoped3A = tpu.sem_alloc : memref<!tpu.dma_semaphore, #tpu.memory_space<semaphore_mem>>
      %dma_start3A_104 = arith.constant 0 : i32
      %dma_start3A_105 = tpu.memref_slice %arg2[%add3A_37, %dma_start3A_104] : memref<10240x128xf32, #tpu.memory_space<hbm>> -> memref<128x128xf32, #tpu.memory_space<hbm>>
      %dma_start3A_106 = arith.constant 0 : i32
      %dma_start3A_107 = tpu.memref_slice %arg2[%add3A_37, %dma_start3A_106] : memref<10240x128xf32, #tpu.memory_space<hbm>> -> memref<128x128xf32, #tpu.memory_space<hbm>>
      tpu.enqueue_dma source(%dma_start3A_107 : memref<128x128xf32, #tpu.memory_space<hbm>>) target(%arg6 : memref<128x128xf32, #tpu.memory_space<vmem>>) target_semaphore(%run_scoped3A : memref<!tpu.dma_semaphore, #tpu.memory_space<semaphore_mem>>)
      %dma_wait3A_108 = arith.constant 0 : i32
      %dma_wait3A_109 = tpu.memref_slice %arg2[%add3A_37, %dma_wait3A_108] : memref<10240x128xf32, #tpu.memory_space<hbm>> -> memref<128x128xf32, #tpu.memory_space<hbm>>
      %dma_wait3A_110 = arith.constant 0 : i32
      %dma_wait3A_111 = tpu.memref_slice %arg2[%add3A_37, %dma_wait3A_110] : memref<10240x128xf32, #tpu.memory_space<hbm>> -> memref<128x128xf32, #tpu.memory_space<hbm>>
      tpu.wait_dma2 semaphore(%run_scoped3A : memref<!tpu.dma_semaphore, #tpu.memory_space<semaphore_mem>>) src(%dma_wait3A_111 : memref<128x128xf32, #tpu.memory_space<hbm>>) dst(%arg6 : memref<128x128xf32, #tpu.memory_space<vmem>>)
      tpu.yield
    }) : () -> ()
    %add3A_38 = arith.constant 0 : i32
    %add3A_39 = arith.addi %mul3A_2, %add3A_38 : i32
    "tpu.region"() ({
      %run_scoped3A = tpu.sem_alloc : memref<!tpu.dma_semaphore, #tpu.memory_space<semaphore_mem>>
      %dma_start3A_104 = arith.constant 0 : i32
      %dma_start3A_105 = tpu.memref_slice %arg16[%add3A_39, %dma_start3A_104] : memref<10240x128xf32, #tpu.memory_space<vmem_shared>> -> memref<128x128xf32, #tpu.memory_space<vmem_shared>>
      %dma_start3A_106 = arith.constant 0 : i32
      %dma_start3A_107 = tpu.memref_slice %arg16[%add3A_39, %dma_start3A_106] : memref<10240x128xf32, #tpu.memory_space<vmem_shared>> -> memref<128x128xf32, #tpu.memory_space<vmem_shared>>
      tpu.enqueue_dma source(%arg6 : memref<128x128xf32, #tpu.memory_space<vmem>>) target(%dma_start3A_107 : memref<128x128xf32, #tpu.memory_space<vmem_shared>>) target_semaphore(%run_scoped3A : memref<!tpu.dma_semaphore, #tpu.memory_space<semaphore_mem>>)
      %dma_wait3A_108 = arith.constant 0 : i32
      %dma_wait3A_109 = tpu.memref_slice %arg16[%add3A_39, %dma_wait3A_108] : memref<10240x128xf32, #tpu.memory_space<vmem_shared>> -> memref<128x128xf32, #tpu.memory_space<vmem_shared>>
      %dma_wait3A_110 = arith.constant 0 : i32
      %dma_wait3A_111 = tpu.memref_slice %arg16[%add3A_39, %dma_wait3A_110] : memref<10240x128xf32, #tpu.memory_space<vmem_shared>> -> memref<128x128xf32, #tpu.memory_space<vmem_shared>>
      tpu.wait_dma2 semaphore(%run_scoped3A : memref<!tpu.dma_semaphore, #tpu.memory_space<semaphore_mem>>) src(%arg6 : memref<128x128xf32, #tpu.memory_space<vmem>>) dst(%dma_wait3A_111 : memref<128x128xf32, #tpu.memory_space<vmem_shared>>)
      tpu.yield
    }) : () -> ()
    %add3A_40 = arith.constant 128 : i32
    %add3A_41 = arith.addi %mul3A_2, %add3A_40 : i32
    "tpu.region"() ({
      %run_scoped3A = tpu.sem_alloc : memref<!tpu.dma_semaphore, #tpu.memory_space<semaphore_mem>>
      %dma_start3A_104 = arith.constant 0 : i32
      %dma_start3A_105 = tpu.memref_slice %arg2[%add3A_41, %dma_start3A_104] : memref<10240x128xf32, #tpu.memory_space<hbm>> -> memref<128x128xf32, #tpu.memory_space<hbm>>
      %dma_start3A_106 = arith.constant 0 : i32
      %dma_start3A_107 = tpu.memref_slice %arg2[%add3A_41, %dma_start3A_106] : memref<10240x128xf32, #tpu.memory_space<hbm>> -> memref<128x128xf32, #tpu.memory_space<hbm>>
      tpu.enqueue_dma source(%dma_start3A_107 : memref<128x128xf32, #tpu.memory_space<hbm>>) target(%arg7 : memref<128x128xf32, #tpu.memory_space<vmem>>) target_semaphore(%run_scoped3A : memref<!tpu.dma_semaphore, #tpu.memory_space<semaphore_mem>>)
      %dma_wait3A_108 = arith.constant 0 : i32
      %dma_wait3A_109 = tpu.memref_slice %arg2[%add3A_41, %dma_wait3A_108] : memref<10240x128xf32, #tpu.memory_space<hbm>> -> memref<128x128xf32, #tpu.memory_space<hbm>>
      %dma_wait3A_110 = arith.constant 0 : i32
      %dma_wait3A_111 = tpu.memref_slice %arg2[%add3A_41, %dma_wait3A_110] : memref<10240x128xf32, #tpu.memory_space<hbm>> -> memref<128x128xf32, #tpu.memory_space<hbm>>
      tpu.wait_dma2 semaphore(%run_scoped3A : memref<!tpu.dma_semaphore, #tpu.memory_space<semaphore_mem>>) src(%dma_wait3A_111 : memref<128x128xf32, #tpu.memory_space<hbm>>) dst(%arg7 : memref<128x128xf32, #tpu.memory_space<vmem>>)
      tpu.yield
    }) : () -> ()
    %add3A_42 = arith.constant 128 : i32
    %add3A_43 = arith.addi %mul3A_2, %add3A_42 : i32
    "tpu.region"() ({
      %run_scoped3A = tpu.sem_alloc : memref<!tpu.dma_semaphore, #tpu.memory_space<semaphore_mem>>
      %dma_start3A_104 = arith.constant 0 : i32
      %dma_start3A_105 = tpu.memref_slice %arg16[%add3A_43, %dma_start3A_104] : memref<10240x128xf32, #tpu.memory_space<vmem_shared>> -> memref<128x128xf32, #tpu.memory_space<vmem_shared>>
      %dma_start3A_106 = arith.constant 0 : i32
      %dma_start3A_107 = tpu.memref_slice %arg16[%add3A_43, %dma_start3A_106] : memref<10240x128xf32, #tpu.memory_space<vmem_shared>> -> memref<128x128xf32, #tpu.memory_space<vmem_shared>>
      tpu.enqueue_dma source(%arg7 : memref<128x128xf32, #tpu.memory_space<vmem>>) target(%dma_start3A_107 : memref<128x128xf32, #tpu.memory_space<vmem_shared>>) target_semaphore(%run_scoped3A : memref<!tpu.dma_semaphore, #tpu.memory_space<semaphore_mem>>)
      %dma_wait3A_108 = arith.constant 0 : i32
      %dma_wait3A_109 = tpu.memref_slice %arg16[%add3A_43, %dma_wait3A_108] : memref<10240x128xf32, #tpu.memory_space<vmem_shared>> -> memref<128x128xf32, #tpu.memory_space<vmem_shared>>
      %dma_wait3A_110 = arith.constant 0 : i32
      %dma_wait3A_111 = tpu.memref_slice %arg16[%add3A_43, %dma_wait3A_110] : memref<10240x128xf32, #tpu.memory_space<vmem_shared>> -> memref<128x128xf32, #tpu.memory_space<vmem_shared>>
      tpu.wait_dma2 semaphore(%run_scoped3A : memref<!tpu.dma_semaphore, #tpu.memory_space<semaphore_mem>>) src(%arg7 : memref<128x128xf32, #tpu.memory_space<vmem>>) dst(%dma_wait3A_111 : memref<128x128xf32, #tpu.memory_space<vmem_shared>>)
      tpu.yield
    }) : () -> ()
    %add3A_44 = arith.constant 256 : i32
    %add3A_45 = arith.addi %mul3A_2, %add3A_44 : i32
    "tpu.region"() ({
      %run_scoped3A = tpu.sem_alloc : memref<!tpu.dma_semaphore, #tpu.memory_space<semaphore_mem>>
      %dma_start3A_104 = arith.constant 0 : i32
      %dma_start3A_105 = tpu.memref_slice %arg2[%add3A_45, %dma_start3A_104] : memref<10240x128xf32, #tpu.memory_space<hbm>> -> memref<128x128xf32, #tpu.memory_space<hbm>>
      %dma_start3A_106 = arith.constant 0 : i32
      %dma_start3A_107 = tpu.memref_slice %arg2[%add3A_45, %dma_start3A_106] : memref<10240x128xf32, #tpu.memory_space<hbm>> -> memref<128x128xf32, #tpu.memory_space<hbm>>
      tpu.enqueue_dma source(%dma_start3A_107 : memref<128x128xf32, #tpu.memory_space<hbm>>) target(%arg6 : memref<128x128xf32, #tpu.memory_space<vmem>>) target_semaphore(%run_scoped3A : memref<!tpu.dma_semaphore, #tpu.memory_space<semaphore_mem>>)
      %dma_wait3A_108 = arith.constant 0 : i32
      %dma_wait3A_109 = tpu.memref_slice %arg2[%add3A_45, %dma_wait3A_108] : memref<10240x128xf32, #tpu.memory_space<hbm>> -> memref<128x128xf32, #tpu.memory_space<hbm>>
      %dma_wait3A_110 = arith.constant 0 : i32
      %dma_wait3A_111 = tpu.memref_slice %arg2[%add3A_45, %dma_wait3A_110] : memref<10240x128xf32, #tpu.memory_space<hbm>> -> memref<128x128xf32, #tpu.memory_space<hbm>>
      tpu.wait_dma2 semaphore(%run_scoped3A : memref<!tpu.dma_semaphore, #tpu.memory_space<semaphore_mem>>) src(%dma_wait3A_111 : memref<128x128xf32, #tpu.memory_space<hbm>>) dst(%arg6 : memref<128x128xf32, #tpu.memory_space<vmem>>)
      tpu.yield
    }) : () -> ()
    %add3A_46 = arith.constant 256 : i32
    %add3A_47 = arith.addi %mul3A_2, %add3A_46 : i32
    "tpu.region"() ({
      %run_scoped3A = tpu.sem_alloc : memref<!tpu.dma_semaphore, #tpu.memory_space<semaphore_mem>>
      %dma_start3A_104 = arith.constant 0 : i32
      %dma_start3A_105 = tpu.memref_slice %arg16[%add3A_47, %dma_start3A_104] : memref<10240x128xf32, #tpu.memory_space<vmem_shared>> -> memref<128x128xf32, #tpu.memory_space<vmem_shared>>
      %dma_start3A_106 = arith.constant 0 : i32
      %dma_start3A_107 = tpu.memref_slice %arg16[%add3A_47, %dma_start3A_106] : memref<10240x128xf32, #tpu.memory_space<vmem_shared>> -> memref<128x128xf32, #tpu.memory_space<vmem_shared>>
      tpu.enqueue_dma source(%arg6 : memref<128x128xf32, #tpu.memory_space<vmem>>) target(%dma_start3A_107 : memref<128x128xf32, #tpu.memory_space<vmem_shared>>) target_semaphore(%run_scoped3A : memref<!tpu.dma_semaphore, #tpu.memory_space<semaphore_mem>>)
      %dma_wait3A_108 = arith.constant 0 : i32
      %dma_wait3A_109 = tpu.memref_slice %arg16[%add3A_47, %dma_wait3A_108] : memref<10240x128xf32, #tpu.memory_space<vmem_shared>> -> memref<128x128xf32, #tpu.memory_space<vmem_shared>>
      %dma_wait3A_110 = arith.constant 0 : i32
      %dma_wait3A_111 = tpu.memref_slice %arg16[%add3A_47, %dma_wait3A_110] : memref<10240x128xf32, #tpu.memory_space<vmem_shared>> -> memref<128x128xf32, #tpu.memory_space<vmem_shared>>
      tpu.wait_dma2 semaphore(%run_scoped3A : memref<!tpu.dma_semaphore, #tpu.memory_space<semaphore_mem>>) src(%arg6 : memref<128x128xf32, #tpu.memory_space<vmem>>) dst(%dma_wait3A_111 : memref<128x128xf32, #tpu.memory_space<vmem_shared>>)
      tpu.yield
    }) : () -> ()
    %add3A_48 = arith.constant 384 : i32
    %add3A_49 = arith.addi %mul3A_2, %add3A_48 : i32
    "tpu.region"() ({
      %run_scoped3A = tpu.sem_alloc : memref<!tpu.dma_semaphore, #tpu.memory_space<semaphore_mem>>
      %dma_start3A_104 = arith.constant 0 : i32
      %dma_start3A_105 = tpu.memref_slice %arg2[%add3A_49, %dma_start3A_104] : memref<10240x128xf32, #tpu.memory_space<hbm>> -> memref<128x128xf32, #tpu.memory_space<hbm>>
      %dma_start3A_106 = arith.constant 0 : i32
      %dma_start3A_107 = tpu.memref_slice %arg2[%add3A_49, %dma_start3A_106] : memref<10240x128xf32, #tpu.memory_space<hbm>> -> memref<128x128xf32, #tpu.memory_space<hbm>>
      tpu.enqueue_dma source(%dma_start3A_107 : memref<128x128xf32, #tpu.memory_space<hbm>>) target(%arg7 : memref<128x128xf32, #tpu.memory_space<vmem>>) target_semaphore(%run_scoped3A : memref<!tpu.dma_semaphore, #tpu.memory_space<semaphore_mem>>)
      %dma_wait3A_108 = arith.constant 0 : i32
      %dma_wait3A_109 = tpu.memref_slice %arg2[%add3A_49, %dma_wait3A_108] : memref<10240x128xf32, #tpu.memory_space<hbm>> -> memref<128x128xf32, #tpu.memory_space<hbm>>
      %dma_wait3A_110 = arith.constant 0 : i32
      %dma_wait3A_111 = tpu.memref_slice %arg2[%add3A_49, %dma_wait3A_110] : memref<10240x128xf32, #tpu.memory_space<hbm>> -> memref<128x128xf32, #tpu.memory_space<hbm>>
      tpu.wait_dma2 semaphore(%run_scoped3A : memref<!tpu.dma_semaphore, #tpu.memory_space<semaphore_mem>>) src(%dma_wait3A_111 : memref<128x128xf32, #tpu.memory_space<hbm>>) dst(%arg7 : memref<128x128xf32, #tpu.memory_space<vmem>>)
      tpu.yield
    }) : () -> ()
    %add3A_50 = arith.constant 384 : i32
    %add3A_51 = arith.addi %mul3A_2, %add3A_50 : i32
    "tpu.region"() ({
      %run_scoped3A = tpu.sem_alloc : memref<!tpu.dma_semaphore, #tpu.memory_space<semaphore_mem>>
      %dma_start3A_104 = arith.constant 0 : i32
      %dma_start3A_105 = tpu.memref_slice %arg16[%add3A_51, %dma_start3A_104] : memref<10240x128xf32, #tpu.memory_space<vmem_shared>> -> memref<128x128xf32, #tpu.memory_space<vmem_shared>>
      %dma_start3A_106 = arith.constant 0 : i32
      %dma_start3A_107 = tpu.memref_slice %arg16[%add3A_51, %dma_start3A_106] : memref<10240x128xf32, #tpu.memory_space<vmem_shared>> -> memref<128x128xf32, #tpu.memory_space<vmem_shared>>
      tpu.enqueue_dma source(%arg7 : memref<128x128xf32, #tpu.memory_space<vmem>>) target(%dma_start3A_107 : memref<128x128xf32, #tpu.memory_space<vmem_shared>>) target_semaphore(%run_scoped3A : memref<!tpu.dma_semaphore, #tpu.memory_space<semaphore_mem>>)
      %dma_wait3A_108 = arith.constant 0 : i32
      %dma_wait3A_109 = tpu.memref_slice %arg16[%add3A_51, %dma_wait3A_108] : memref<10240x128xf32, #tpu.memory_space<vmem_shared>> -> memref<128x128xf32, #tpu.memory_space<vmem_shared>>
      %dma_wait3A_110 = arith.constant 0 : i32
      %dma_wait3A_111 = tpu.memref_slice %arg16[%add3A_51, %dma_wait3A_110] : memref<10240x128xf32, #tpu.memory_space<vmem_shared>> -> memref<128x128xf32, #tpu.memory_space<vmem_shared>>
      tpu.wait_dma2 semaphore(%run_scoped3A : memref<!tpu.dma_semaphore, #tpu.memory_space<semaphore_mem>>) src(%arg7 : memref<128x128xf32, #tpu.memory_space<vmem>>) dst(%dma_wait3A_111 : memref<128x128xf32, #tpu.memory_space<vmem_shared>>)
      tpu.yield
    }) : () -> ()
    %add3A_52 = arith.constant 512 : i32
    %add3A_53 = arith.addi %mul3A_2, %add3A_52 : i32
    "tpu.region"() ({
      %run_scoped3A = tpu.sem_alloc : memref<!tpu.dma_semaphore, #tpu.memory_space<semaphore_mem>>
      %dma_start3A_104 = arith.constant 0 : i32
      %dma_start3A_105 = tpu.memref_slice %arg2[%add3A_53, %dma_start3A_104] : memref<10240x128xf32, #tpu.memory_space<hbm>> -> memref<128x128xf32, #tpu.memory_space<hbm>>
      %dma_start3A_106 = arith.constant 0 : i32
      %dma_start3A_107 = tpu.memref_slice %arg2[%add3A_53, %dma_start3A_106] : memref<10240x128xf32, #tpu.memory_space<hbm>> -> memref<128x128xf32, #tpu.memory_space<hbm>>
      tpu.enqueue_dma source(%dma_start3A_107 : memref<128x128xf32, #tpu.memory_space<hbm>>) target(%arg6 : memref<128x128xf32, #tpu.memory_space<vmem>>) target_semaphore(%run_scoped3A : memref<!tpu.dma_semaphore, #tpu.memory_space<semaphore_mem>>)
      %dma_wait3A_108 = arith.constant 0 : i32
      %dma_wait3A_109 = tpu.memref_slice %arg2[%add3A_53, %dma_wait3A_108] : memref<10240x128xf32, #tpu.memory_space<hbm>> -> memref<128x128xf32, #tpu.memory_space<hbm>>
      %dma_wait3A_110 = arith.constant 0 : i32
      %dma_wait3A_111 = tpu.memref_slice %arg2[%add3A_53, %dma_wait3A_110] : memref<10240x128xf32, #tpu.memory_space<hbm>> -> memref<128x128xf32, #tpu.memory_space<hbm>>
      tpu.wait_dma2 semaphore(%run_scoped3A : memref<!tpu.dma_semaphore, #tpu.memory_space<semaphore_mem>>) src(%dma_wait3A_111 : memref<128x128xf32, #tpu.memory_space<hbm>>) dst(%arg6 : memref<128x128xf32, #tpu.memory_space<vmem>>)
      tpu.yield
    }) : () -> ()
    %add3A_54 = arith.constant 512 : i32
    %add3A_55 = arith.addi %mul3A_2, %add3A_54 : i32
    "tpu.region"() ({
      %run_scoped3A = tpu.sem_alloc : memref<!tpu.dma_semaphore, #tpu.memory_space<semaphore_mem>>
      %dma_start3A_104 = arith.constant 0 : i32
      %dma_start3A_105 = tpu.memref_slice %arg16[%add3A_55, %dma_start3A_104] : memref<10240x128xf32, #tpu.memory_space<vmem_shared>> -> memref<128x128xf32, #tpu.memory_space<vmem_shared>>
      %dma_start3A_106 = arith.constant 0 : i32
      %dma_start3A_107 = tpu.memref_slice %arg16[%add3A_55, %dma_start3A_106] : memref<10240x128xf32, #tpu.memory_space<vmem_shared>> -> memref<128x128xf32, #tpu.memory_space<vmem_shared>>
      tpu.enqueue_dma source(%arg6 : memref<128x128xf32, #tpu.memory_space<vmem>>) target(%dma_start3A_107 : memref<128x128xf32, #tpu.memory_space<vmem_shared>>) target_semaphore(%run_scoped3A : memref<!tpu.dma_semaphore, #tpu.memory_space<semaphore_mem>>)
      %dma_wait3A_108 = arith.constant 0 : i32
      %dma_wait3A_109 = tpu.memref_slice %arg16[%add3A_55, %dma_wait3A_108] : memref<10240x128xf32, #tpu.memory_space<vmem_shared>> -> memref<128x128xf32, #tpu.memory_space<vmem_shared>>
      %dma_wait3A_110 = arith.constant 0 : i32
      %dma_wait3A_111 = tpu.memref_slice %arg16[%add3A_55, %dma_wait3A_110] : memref<10240x128xf32, #tpu.memory_space<vmem_shared>> -> memref<128x128xf32, #tpu.memory_space<vmem_shared>>
      tpu.wait_dma2 semaphore(%run_scoped3A : memref<!tpu.dma_semaphore, #tpu.memory_space<semaphore_mem>>) src(%arg6 : memref<128x128xf32, #tpu.memory_space<vmem>>) dst(%dma_wait3A_111 : memref<128x128xf32, #tpu.memory_space<vmem_shared>>)
      tpu.yield
    }) : () -> ()
    %dma_wait3A = arith.constant 0 : i32
    %dma_wait3A_56 = arith.constant 0 : i32
    %dma_wait3A_57 = tpu.memref_slice %arg3[%dma_wait3A, %dma_wait3A_56] : memref<2560x128xi32, #tpu.memory_space<hbm>> -> memref<1x128xi32, #tpu.memory_space<hbm>>
    %dma_wait3A_58 = tpu.memref_squeeze %dma_wait3A_57 : memref<1x128xi32, #tpu.memory_space<hbm>> -> memref<128xi32, #tpu.memory_space<hbm>>
    %dma_wait3A_59 = arith.constant 0 : i32
    %dma_wait3A_60 = tpu.memref_slice %arg3[%dma_wait3A, %dma_wait3A_59] : memref<2560x128xi32, #tpu.memory_space<hbm>> -> memref<1x128xi32, #tpu.memory_space<hbm>>
    %dma_wait3A_61 = tpu.memref_squeeze %dma_wait3A_60 : memref<1x128xi32, #tpu.memory_space<hbm>> -> memref<128xi32, #tpu.memory_space<hbm>>
    tpu.wait_dma2 semaphore(%arg19 : memref<!tpu.dma_semaphore, #tpu.memory_space<semaphore_mem>>) src(%dma_wait3A_61 : memref<128xi32, #tpu.memory_space<hbm>>) dst(%arg8 : memref<128xi32, #tpu.memory_space<vmem>>)
    %dma_wait3A_62 = arith.constant 0 : i32
    %dma_wait3A_63 = arith.constant 0 : i32
    %dma_wait3A_64 = tpu.memref_slice %arg4[%dma_wait3A_62, %dma_wait3A_63] : memref<2560x128xi32, #tpu.memory_space<hbm>> -> memref<1x128xi32, #tpu.memory_space<hbm>>
    %dma_wait3A_65 = tpu.memref_squeeze %dma_wait3A_64 : memref<1x128xi32, #tpu.memory_space<hbm>> -> memref<128xi32, #tpu.memory_space<hbm>>
    %dma_wait3A_66 = arith.constant 0 : i32
    %dma_wait3A_67 = tpu.memref_slice %arg4[%dma_wait3A_62, %dma_wait3A_66] : memref<2560x128xi32, #tpu.memory_space<hbm>> -> memref<1x128xi32, #tpu.memory_space<hbm>>
    %dma_wait3A_68 = tpu.memref_squeeze %dma_wait3A_67 : memref<1x128xi32, #tpu.memory_space<hbm>> -> memref<128xi32, #tpu.memory_space<hbm>>
    tpu.wait_dma2 semaphore(%arg19 : memref<!tpu.dma_semaphore, #tpu.memory_space<semaphore_mem>>) src(%dma_wait3A_68 : memref<128xi32, #tpu.memory_space<hbm>>) dst(%arg12 : memref<128xi32, #tpu.memory_space<vmem>>)
    %barrier3A = arith.constant 0 : index
    tpu.barrier barrier_id(%barrier3A)
    %dma_start3A_69 = arith.constant 0 : i32
    %dma_start3A_70 = arith.constant 0 : i32
    %dma_start3A_71 = tpu.memref_slice %arg2[%dma_start3A_69, %dma_start3A_70] : memref<10240x128xf32, #tpu.memory_space<hbm>> -> memref<10240x128xf32, #tpu.memory_space<hbm>>
    tpu.enqueue_indirect_dma source(%dma_start3A_71 : memref<10240x128xf32, #tpu.memory_space<hbm>>) target(%arg6 : memref<128x128xf32, #tpu.memory_space<vmem>>) offsets(%arg8 : memref<128xi32, #tpu.memory_space<vmem>>) semaphore(%arg17 : memref<!tpu.dma_semaphore, #tpu.memory_space<semaphore_mem>>)
    %scan3A = arith.constant 0 : i32
    %scan3A_72 = arith.constant 0 : i32
    %scan3A_73 = arith.constant 20 : i32
    %scan3A_74 = arith.addi %scan3A_72, %scan3A_73 : i32
    %scan3A_75 = arith.constant 1 : i32
    scf.for %scan3A_104 = %scan3A_72 to %scan3A_74 step %scan3A_75  : i32 {
      %mul3A_105 = arith.constant 4 : i32
      %mul3A_106 = arith.muli %mul3A_105, %scan3A_104 : i32
      %add3A_107 = arith.constant 0 : i32
      %add3A_108 = arith.addi %mul3A_106, %add3A_107 : i32
      %gt3A = arith.constant 0 : i32
      %gt3A_109 = arith.cmpi sgt, %add3A_108, %gt3A : i32
      %convert_element_type3A = arith.extui %gt3A_109 : i1 to i32
      %cond3A = arith.constant 0 : i32
      %cond3A_110 = arith.cmpi ne, %convert_element_type3A, %cond3A : i32
      scf.if %cond3A_110 {
        %dma_wait3A_217 = arith.constant 0 : i32
        %dma_wait3A_218 = arith.constant 0 : i32
        %dma_wait3A_219 = tpu.memref_slice %arg2[%dma_wait3A_217, %dma_wait3A_218] : memref<10240x128xf32, #tpu.memory_space<hbm>> -> memref<128x128xf32, #tpu.memory_space<hbm>>
        %dma_wait3A_220 = arith.constant 0 : i32
        %dma_wait3A_221 = arith.constant 0 : i32
        %dma_wait3A_222 = tpu.memref_slice %arg2[%dma_wait3A_220, %dma_wait3A_221] : memref<10240x128xf32, #tpu.memory_space<hbm>> -> memref<128x128xf32, #tpu.memory_space<hbm>>
        tpu.wait_dma2 semaphore(%arg24 : memref<!tpu.dma_semaphore, #tpu.memory_space<semaphore_mem>>) src(%dma_wait3A_222 : memref<128x128xf32, #tpu.memory_space<hbm>>) dst(%arg7 : memref<128x128xf32, #tpu.memory_space<vmem>>)
      } else {
      }
      %add3A_111 = arith.constant 2 : i32
      %add3A_112 = arith.addi %add3A_108, %add3A_111 : i32
      %lt3A = arith.constant 80 : i32
      %lt3A_113 = arith.cmpi slt, %add3A_112, %lt3A : i32
      %convert_element_type3A_114 = arith.extui %lt3A_113 : i1 to i32
      %cond3A_115 = arith.constant 0 : i32
      %cond3A_116 = arith.cmpi ne, %convert_element_type3A_114, %cond3A_115 : i32
      scf.if %cond3A_116 {
        %add3A_217 = arith.constant 2 : i32
        %add3A_218 = arith.addi %add3A_108, %add3A_217 : i32
        %add3A_219 = arith.addi %mul3A_4, %add3A_218 : i32
        %dma_start3A_220 = arith.constant 0 : i32
        %dma_start3A_221 = tpu.memref_slice %arg3[%add3A_219, %dma_start3A_220] : memref<2560x128xi32, #tpu.memory_space<hbm>> -> memref<1x128xi32, #tpu.memory_space<hbm>>
        %dma_start3A_222 = tpu.memref_squeeze %dma_start3A_221 : memref<1x128xi32, #tpu.memory_space<hbm>> -> memref<128xi32, #tpu.memory_space<hbm>>
        %dma_start3A_223 = arith.constant 0 : i32
        %dma_start3A_224 = tpu.memref_slice %arg3[%add3A_219, %dma_start3A_223] : memref<2560x128xi32, #tpu.memory_space<hbm>> -> memref<1x128xi32, #tpu.memory_space<hbm>>
        %dma_start3A_225 = tpu.memref_squeeze %dma_start3A_224 : memref<1x128xi32, #tpu.memory_space<hbm>> -> memref<128xi32, #tpu.memory_space<hbm>>
        tpu.enqueue_dma source(%dma_start3A_225 : memref<128xi32, #tpu.memory_space<hbm>>) target(%arg10 : memref<128xi32, #tpu.memory_space<vmem>>) target_semaphore(%arg21 : memref<!tpu.dma_semaphore, #tpu.memory_space<semaphore_mem>>)
        %add3A_226 = arith.addi %mul3A_4, %add3A_218 : i32
        %dma_start3A_227 = arith.constant 0 : i32
        %dma_start3A_228 = tpu.memref_slice %arg4[%add3A_226, %dma_start3A_227] : memref<2560x128xi32, #tpu.memory_space<hbm>> -> memref<1x128xi32, #tpu.memory_space<hbm>>
        %dma_start3A_229 = tpu.memref_squeeze %dma_start3A_228 : memref<1x128xi32, #tpu.memory_space<hbm>> -> memref<128xi32, #tpu.memory_space<hbm>>
        %dma_start3A_230 = arith.constant 0 : i32
        %dma_start3A_231 = tpu.memref_slice %arg4[%add3A_226, %dma_start3A_230] : memref<2560x128xi32, #tpu.memory_space<hbm>> -> memref<1x128xi32, #tpu.memory_space<hbm>>
        %dma_start3A_232 = tpu.memref_squeeze %dma_start3A_231 : memref<1x128xi32, #tpu.memory_space<hbm>> -> memref<128xi32, #tpu.memory_space<hbm>>
        tpu.enqueue_dma source(%dma_start3A_232 : memref<128xi32, #tpu.memory_space<hbm>>) target(%arg14 : memref<128xi32, #tpu.memory_space<vmem>>) target_semaphore(%arg21 : memref<!tpu.dma_semaphore, #tpu.memory_space<semaphore_mem>>)
      } else {
      }
      %add3A_117 = arith.constant 1 : i32
      %add3A_118 = arith.addi %add3A_108, %add3A_117 : i32
      %lt3A_119 = arith.constant 80 : i32
      %lt3A_120 = arith.cmpi slt, %add3A_118, %lt3A_119 : i32
      %convert_element_type3A_121 = arith.extui %lt3A_120 : i1 to i32
      %cond3A_122 = arith.constant 0 : i32
      %cond3A_123 = arith.cmpi ne, %convert_element_type3A_121, %cond3A_122 : i32
      scf.if %cond3A_123 {
        %dma_wait3A_217 = arith.constant 0 : i32
        %dma_wait3A_218 = arith.constant 0 : i32
        %dma_wait3A_219 = tpu.memref_slice %arg3[%dma_wait3A_217, %dma_wait3A_218] : memref<2560x128xi32, #tpu.memory_space<hbm>> -> memref<1x128xi32, #tpu.memory_space<hbm>>
        %dma_wait3A_220 = tpu.memref_squeeze %dma_wait3A_219 : memref<1x128xi32, #tpu.memory_space<hbm>> -> memref<128xi32, #tpu.memory_space<hbm>>
        %dma_wait3A_221 = arith.constant 0 : i32
        %dma_wait3A_222 = tpu.memref_slice %arg3[%dma_wait3A_217, %dma_wait3A_221] : memref<2560x128xi32, #tpu.memory_space<hbm>> -> memref<1x128xi32, #tpu.memory_space<hbm>>
        %dma_wait3A_223 = tpu.memref_squeeze %dma_wait3A_222 : memref<1x128xi32, #tpu.memory_space<hbm>> -> memref<128xi32, #tpu.memory_space<hbm>>
        tpu.wait_dma2 semaphore(%arg20 : memref<!tpu.dma_semaphore, #tpu.memory_space<semaphore_mem>>) src(%dma_wait3A_223 : memref<128xi32, #tpu.memory_space<hbm>>) dst(%arg9 : memref<128xi32, #tpu.memory_space<vmem>>)
        %dma_wait3A_224 = arith.constant 0 : i32
        %dma_wait3A_225 = arith.constant 0 : i32
        %dma_wait3A_226 = tpu.memref_slice %arg4[%dma_wait3A_224, %dma_wait3A_225] : memref<2560x128xi32, #tpu.memory_space<hbm>> -> memref<1x128xi32, #tpu.memory_space<hbm>>
        %dma_wait3A_227 = tpu.memref_squeeze %dma_wait3A_226 : memref<1x128xi32, #tpu.memory_space<hbm>> -> memref<128xi32, #tpu.memory_space<hbm>>
        %dma_wait3A_228 = arith.constant 0 : i32
        %dma_wait3A_229 = tpu.memref_slice %arg4[%dma_wait3A_224, %dma_wait3A_228] : memref<2560x128xi32, #tpu.memory_space<hbm>> -> memref<1x128xi32, #tpu.memory_space<hbm>>
        %dma_wait3A_230 = tpu.memref_squeeze %dma_wait3A_229 : memref<1x128xi32, #tpu.memory_space<hbm>> -> memref<128xi32, #tpu.memory_space<hbm>>
        tpu.wait_dma2 semaphore(%arg20 : memref<!tpu.dma_semaphore, #tpu.memory_space<semaphore_mem>>) src(%dma_wait3A_230 : memref<128xi32, #tpu.memory_space<hbm>>) dst(%arg13 : memref<128xi32, #tpu.memory_space<vmem>>)
        %dma_start3A_231 = arith.constant 0 : i32
        %dma_start3A_232 = arith.constant 0 : i32
        %dma_start3A_233 = tpu.memref_slice %arg2[%dma_start3A_231, %dma_start3A_232] : memref<10240x128xf32, #tpu.memory_space<hbm>> -> memref<10240x128xf32, #tpu.memory_space<hbm>>
        tpu.enqueue_indirect_dma source(%dma_start3A_233 : memref<10240x128xf32, #tpu.memory_space<hbm>>) target(%arg7 : memref<128x128xf32, #tpu.memory_space<vmem>>) offsets(%arg9 : memref<128xi32, #tpu.memory_space<vmem>>) semaphore(%arg18 : memref<!tpu.dma_semaphore, #tpu.memory_space<semaphore_mem>>)
      } else {
      }
      %dma_wait3A_124 = arith.constant 0 : i32
      %dma_wait3A_125 = arith.constant 0 : i32
      %dma_wait3A_126 = tpu.memref_slice %arg2[%dma_wait3A_124, %dma_wait3A_125] : memref<10240x128xf32, #tpu.memory_space<hbm>> -> memref<10240x128xf32, #tpu.memory_space<hbm>>
      tpu.wait_indirect_dma semaphore(%arg17 : memref<!tpu.dma_semaphore, #tpu.memory_space<semaphore_mem>>) src(%dma_wait3A_126 : memref<10240x128xf32, #tpu.memory_space<hbm>>) dst(%arg6 : memref<128x128xf32, #tpu.memory_space<vmem>>)
      %dma_start3A_127 = arith.constant 0 : i32
      %dma_start3A_128 = arith.constant 0 : i32
      %dma_start3A_129 = tpu.memref_slice %arg16[%dma_start3A_127, %dma_start3A_128] : memref<10240x128xf32, #tpu.memory_space<vmem_shared>> -> memref<10240x128xf32, #tpu.memory_space<vmem_shared>>
      tpu.enqueue_indirect_dma source(%arg6 : memref<128x128xf32, #tpu.memory_space<vmem>>) target(%dma_start3A_129 : memref<10240x128xf32, #tpu.memory_space<vmem_shared>>) offsets(%arg12 : memref<128xi32, #tpu.memory_space<vmem>>) semaphore(%arg23 : memref<!tpu.dma_semaphore, #tpu.memory_space<semaphore_mem>>) {add = true}
      %mul3A_130 = arith.constant 4 : i32
      %mul3A_131 = arith.muli %mul3A_130, %scan3A_104 : i32
      %add3A_132 = arith.constant 1 : i32
      %add3A_133 = arith.addi %mul3A_131, %add3A_132 : i32
      %gt3A_134 = arith.constant 0 : i32
      %gt3A_135 = arith.cmpi sgt, %add3A_133, %gt3A_134 : i32
      %convert_element_type3A_136 = arith.extui %gt3A_135 : i1 to i32
      %cond3A_137 = arith.constant 0 : i32
      %cond3A_138 = arith.cmpi ne, %convert_element_type3A_136, %cond3A_137 : i32
      scf.if %cond3A_138 {
        %dma_wait3A_217 = arith.constant 0 : i32
        %dma_wait3A_218 = arith.constant 0 : i32
        %dma_wait3A_219 = tpu.memref_slice %arg2[%dma_wait3A_217, %dma_wait3A_218] : memref<10240x128xf32, #tpu.memory_space<hbm>> -> memref<128x128xf32, #tpu.memory_space<hbm>>
        %dma_wait3A_220 = arith.constant 0 : i32
        %dma_wait3A_221 = arith.constant 0 : i32
        %dma_wait3A_222 = tpu.memref_slice %arg2[%dma_wait3A_220, %dma_wait3A_221] : memref<10240x128xf32, #tpu.memory_space<hbm>> -> memref<128x128xf32, #tpu.memory_space<hbm>>
        tpu.wait_dma2 semaphore(%arg23 : memref<!tpu.dma_semaphore, #tpu.memory_space<semaphore_mem>>) src(%dma_wait3A_222 : memref<128x128xf32, #tpu.memory_space<hbm>>) dst(%arg6 : memref<128x128xf32, #tpu.memory_space<vmem>>)
      } else {
      }
      %add3A_139 = arith.constant 2 : i32
      %add3A_140 = arith.addi %add3A_133, %add3A_139 : i32
      %lt3A_141 = arith.constant 80 : i32
      %lt3A_142 = arith.cmpi slt, %add3A_140, %lt3A_141 : i32
      %convert_element_type3A_143 = arith.extui %lt3A_142 : i1 to i32
      %cond3A_144 = arith.constant 0 : i32
      %cond3A_145 = arith.cmpi ne, %convert_element_type3A_143, %cond3A_144 : i32
      scf.if %cond3A_145 {
        %add3A_217 = arith.constant 2 : i32
        %add3A_218 = arith.addi %add3A_133, %add3A_217 : i32
        %add3A_219 = arith.addi %mul3A_4, %add3A_218 : i32
        %dma_start3A_220 = arith.constant 0 : i32
        %dma_start3A_221 = tpu.memref_slice %arg3[%add3A_219, %dma_start3A_220] : memref<2560x128xi32, #tpu.memory_space<hbm>> -> memref<1x128xi32, #tpu.memory_space<hbm>>
        %dma_start3A_222 = tpu.memref_squeeze %dma_start3A_221 : memref<1x128xi32, #tpu.memory_space<hbm>> -> memref<128xi32, #tpu.memory_space<hbm>>
        %dma_start3A_223 = arith.constant 0 : i32
        %dma_start3A_224 = tpu.memref_slice %arg3[%add3A_219, %dma_start3A_223] : memref<2560x128xi32, #tpu.memory_space<hbm>> -> memref<1x128xi32, #tpu.memory_space<hbm>>
        %dma_start3A_225 = tpu.memref_squeeze %dma_start3A_224 : memref<1x128xi32, #tpu.memory_space<hbm>> -> memref<128xi32, #tpu.memory_space<hbm>>
        tpu.enqueue_dma source(%dma_start3A_225 : memref<128xi32, #tpu.memory_space<hbm>>) target(%arg11 : memref<128xi32, #tpu.memory_space<vmem>>) target_semaphore(%arg22 : memref<!tpu.dma_semaphore, #tpu.memory_space<semaphore_mem>>)
        %add3A_226 = arith.addi %mul3A_4, %add3A_218 : i32
        %dma_start3A_227 = arith.constant 0 : i32
        %dma_start3A_228 = tpu.memref_slice %arg4[%add3A_226, %dma_start3A_227] : memref<2560x128xi32, #tpu.memory_space<hbm>> -> memref<1x128xi32, #tpu.memory_space<hbm>>
        %dma_start3A_229 = tpu.memref_squeeze %dma_start3A_228 : memref<1x128xi32, #tpu.memory_space<hbm>> -> memref<128xi32, #tpu.memory_space<hbm>>
        %dma_start3A_230 = arith.constant 0 : i32
        %dma_start3A_231 = tpu.memref_slice %arg4[%add3A_226, %dma_start3A_230] : memref<2560x128xi32, #tpu.memory_space<hbm>> -> memref<1x128xi32, #tpu.memory_space<hbm>>
        %dma_start3A_232 = tpu.memref_squeeze %dma_start3A_231 : memref<1x128xi32, #tpu.memory_space<hbm>> -> memref<128xi32, #tpu.memory_space<hbm>>
        tpu.enqueue_dma source(%dma_start3A_232 : memref<128xi32, #tpu.memory_space<hbm>>) target(%arg15 : memref<128xi32, #tpu.memory_space<vmem>>) target_semaphore(%arg22 : memref<!tpu.dma_semaphore, #tpu.memory_space<semaphore_mem>>)
      } else {
      }
      %add3A_146 = arith.constant 1 : i32
      %add3A_147 = arith.addi %add3A_133, %add3A_146 : i32
      %lt3A_148 = arith.constant 80 : i32
      %lt3A_149 = arith.cmpi slt, %add3A_147, %lt3A_148 : i32
      %convert_element_type3A_150 = arith.extui %lt3A_149 : i1 to i32
      %cond3A_151 = arith.constant 0 : i32
      %cond3A_152 = arith.cmpi ne, %convert_element_type3A_150, %cond3A_151 : i32
      scf.if %cond3A_152 {
        %dma_wait3A_217 = arith.constant 0 : i32
        %dma_wait3A_218 = arith.constant 0 : i32
        %dma_wait3A_219 = tpu.memref_slice %arg3[%dma_wait3A_217, %dma_wait3A_218] : memref<2560x128xi32, #tpu.memory_space<hbm>> -> memref<1x128xi32, #tpu.memory_space<hbm>>
        %dma_wait3A_220 = tpu.memref_squeeze %dma_wait3A_219 : memref<1x128xi32, #tpu.memory_space<hbm>> -> memref<128xi32, #tpu.memory_space<hbm>>
        %dma_wait3A_221 = arith.constant 0 : i32
        %dma_wait3A_222 = tpu.memref_slice %arg3[%dma_wait3A_217, %dma_wait3A_221] : memref<2560x128xi32, #tpu.memory_space<hbm>> -> memref<1x128xi32, #tpu.memory_space<hbm>>
        %dma_wait3A_223 = tpu.memref_squeeze %dma_wait3A_222 : memref<1x128xi32, #tpu.memory_space<hbm>> -> memref<128xi32, #tpu.memory_space<hbm>>
        tpu.wait_dma2 semaphore(%arg21 : memref<!tpu.dma_semaphore, #tpu.memory_space<semaphore_mem>>) src(%dma_wait3A_223 : memref<128xi32, #tpu.memory_space<hbm>>) dst(%arg10 : memref<128xi32, #tpu.memory_space<vmem>>)
        %dma_wait3A_224 = arith.constant 0 : i32
        %dma_wait3A_225 = arith.constant 0 : i32
        %dma_wait3A_226 = tpu.memref_slice %arg4[%dma_wait3A_224, %dma_wait3A_225] : memref<2560x128xi32, #tpu.memory_space<hbm>> -> memref<1x128xi32, #tpu.memory_space<hbm>>
        %dma_wait3A_227 = tpu.memref_squeeze %dma_wait3A_226 : memref<1x128xi32, #tpu.memory_space<hbm>> -> memref<128xi32, #tpu.memory_space<hbm>>
        %dma_wait3A_228 = arith.constant 0 : i32
        %dma_wait3A_229 = tpu.memref_slice %arg4[%dma_wait3A_224, %dma_wait3A_228] : memref<2560x128xi32, #tpu.memory_space<hbm>> -> memref<1x128xi32, #tpu.memory_space<hbm>>
        %dma_wait3A_230 = tpu.memref_squeeze %dma_wait3A_229 : memref<1x128xi32, #tpu.memory_space<hbm>> -> memref<128xi32, #tpu.memory_space<hbm>>
        tpu.wait_dma2 semaphore(%arg21 : memref<!tpu.dma_semaphore, #tpu.memory_space<semaphore_mem>>) src(%dma_wait3A_230 : memref<128xi32, #tpu.memory_space<hbm>>) dst(%arg14 : memref<128xi32, #tpu.memory_space<vmem>>)
        %dma_start3A_231 = arith.constant 0 : i32
        %dma_start3A_232 = arith.constant 0 : i32
        %dma_start3A_233 = tpu.memref_slice %arg2[%dma_start3A_231, %dma_start3A_232] : memref<10240x128xf32, #tpu.memory_space<hbm>> -> memref<10240x128xf32, #tpu.memory_space<hbm>>
        tpu.enqueue_indirect_dma source(%dma_start3A_233 : memref<10240x128xf32, #tpu.memory_space<hbm>>) target(%arg6 : memref<128x128xf32, #tpu.memory_space<vmem>>) offsets(%arg10 : memref<128xi32, #tpu.memory_space<vmem>>) semaphore(%arg17 : memref<!tpu.dma_semaphore, #tpu.memory_space<semaphore_mem>>)
      } else {
      }
      %dma_wait3A_153 = arith.constant 0 : i32
      %dma_wait3A_154 = arith.constant 0 : i32
      %dma_wait3A_155 = tpu.memref_slice %arg2[%dma_wait3A_153, %dma_wait3A_154] : memref<10240x128xf32, #tpu.memory_space<hbm>> -> memref<10240x128xf32, #tpu.memory_space<hbm>>
      tpu.wait_indirect_dma semaphore(%arg18 : memref<!tpu.dma_semaphore, #tpu.memory_space<semaphore_mem>>) src(%dma_wait3A_155 : memref<10240x128xf32, #tpu.memory_space<hbm>>) dst(%arg7 : memref<128x128xf32, #tpu.memory_space<vmem>>)
      %dma_start3A_156 = arith.constant 0 : i32
      %dma_start3A_157 = arith.constant 0 : i32
      %dma_start3A_158 = tpu.memref_slice %arg16[%dma_start3A_156, %dma_start3A_157] : memref<10240x128xf32, #tpu.memory_space<vmem_shared>> -> memref<10240x128xf32, #tpu.memory_space<vmem_shared>>
      tpu.enqueue_indirect_dma source(%arg7 : memref<128x128xf32, #tpu.memory_space<vmem>>) target(%dma_start3A_158 : memref<10240x128xf32, #tpu.memory_space<vmem_shared>>) offsets(%arg13 : memref<128xi32, #tpu.memory_space<vmem>>) semaphore(%arg24 : memref<!tpu.dma_semaphore, #tpu.memory_space<semaphore_mem>>) {add = true}
      %mul3A_159 = arith.constant 4 : i32
      %mul3A_160 = arith.muli %mul3A_159, %scan3A_104 : i32
      %add3A_161 = arith.constant 2 : i32
      %add3A_162 = arith.addi %mul3A_160, %add3A_161 : i32
      %gt3A_163 = arith.constant 0 : i32
      %gt3A_164 = arith.cmpi sgt, %add3A_162, %gt3A_163 : i32
      %convert_element_type3A_165 = arith.extui %gt3A_164 : i1 to i32
      %cond3A_166 = arith.constant 0 : i32
      %cond3A_167 = arith.cmpi ne, %convert_element_type3A_165, %cond3A_166 : i32
      scf.if %cond3A_167 {
        %dma_wait3A_217 = arith.constant 0 : i32
        %dma_wait3A_218 = arith.constant 0 : i32
        %dma_wait3A_219 = tpu.memref_slice %arg2[%dma_wait3A_217, %dma_wait3A_218] : memref<10240x128xf32, #tpu.memory_space<hbm>> -> memref<128x128xf32, #tpu.memory_space<hbm>>
        %dma_wait3A_220 = arith.constant 0 : i32
        %dma_wait3A_221 = arith.constant 0 : i32
        %dma_wait3A_222 = tpu.memref_slice %arg2[%dma_wait3A_220, %dma_wait3A_221] : memref<10240x128xf32, #tpu.memory_space<hbm>> -> memref<128x128xf32, #tpu.memory_space<hbm>>
        tpu.wait_dma2 semaphore(%arg24 : memref<!tpu.dma_semaphore, #tpu.memory_space<semaphore_mem>>) src(%dma_wait3A_222 : memref<128x128xf32, #tpu.memory_space<hbm>>) dst(%arg7 : memref<128x128xf32, #tpu.memory_space<vmem>>)
      } else {
      }
      %add3A_168 = arith.constant 2 : i32
      %add3A_169 = arith.addi %add3A_162, %add3A_168 : i32
      %lt3A_170 = arith.constant 80 : i32
      %lt3A_171 = arith.cmpi slt, %add3A_169, %lt3A_170 : i32
      %convert_element_type3A_172 = arith.extui %lt3A_171 : i1 to i32
      %cond3A_173 = arith.constant 0 : i32
      %cond3A_174 = arith.cmpi ne, %convert_element_type3A_172, %cond3A_173 : i32
      scf.if %cond3A_174 {
        %add3A_217 = arith.constant 2 : i32
        %add3A_218 = arith.addi %add3A_162, %add3A_217 : i32
        %add3A_219 = arith.addi %mul3A_4, %add3A_218 : i32
        %dma_start3A_220 = arith.constant 0 : i32
        %dma_start3A_221 = tpu.memref_slice %arg3[%add3A_219, %dma_start3A_220] : memref<2560x128xi32, #tpu.memory_space<hbm>> -> memref<1x128xi32, #tpu.memory_space<hbm>>
        %dma_start3A_222 = tpu.memref_squeeze %dma_start3A_221 : memref<1x128xi32, #tpu.memory_space<hbm>> -> memref<128xi32, #tpu.memory_space<hbm>>
        %dma_start3A_223 = arith.constant 0 : i32
        %dma_start3A_224 = tpu.memref_slice %arg3[%add3A_219, %dma_start3A_223] : memref<2560x128xi32, #tpu.memory_space<hbm>> -> memref<1x128xi32, #tpu.memory_space<hbm>>
        %dma_start3A_225 = tpu.memref_squeeze %dma_start3A_224 : memref<1x128xi32, #tpu.memory_space<hbm>> -> memref<128xi32, #tpu.memory_space<hbm>>
        tpu.enqueue_dma source(%dma_start3A_225 : memref<128xi32, #tpu.memory_space<hbm>>) target(%arg8 : memref<128xi32, #tpu.memory_space<vmem>>) target_semaphore(%arg19 : memref<!tpu.dma_semaphore, #tpu.memory_space<semaphore_mem>>)
        %add3A_226 = arith.addi %mul3A_4, %add3A_218 : i32
        %dma_start3A_227 = arith.constant 0 : i32
        %dma_start3A_228 = tpu.memref_slice %arg4[%add3A_226, %dma_start3A_227] : memref<2560x128xi32, #tpu.memory_space<hbm>> -> memref<1x128xi32, #tpu.memory_space<hbm>>
        %dma_start3A_229 = tpu.memref_squeeze %dma_start3A_228 : memref<1x128xi32, #tpu.memory_space<hbm>> -> memref<128xi32, #tpu.memory_space<hbm>>
        %dma_start3A_230 = arith.constant 0 : i32
        %dma_start3A_231 = tpu.memref_slice %arg4[%add3A_226, %dma_start3A_230] : memref<2560x128xi32, #tpu.memory_space<hbm>> -> memref<1x128xi32, #tpu.memory_space<hbm>>
        %dma_start3A_232 = tpu.memref_squeeze %dma_start3A_231 : memref<1x128xi32, #tpu.memory_space<hbm>> -> memref<128xi32, #tpu.memory_space<hbm>>
        tpu.enqueue_dma source(%dma_start3A_232 : memref<128xi32, #tpu.memory_space<hbm>>) target(%arg12 : memref<128xi32, #tpu.memory_space<vmem>>) target_semaphore(%arg19 : memref<!tpu.dma_semaphore, #tpu.memory_space<semaphore_mem>>)
      } else {
      }
      %add3A_175 = arith.constant 1 : i32
      %add3A_176 = arith.addi %add3A_162, %add3A_175 : i32
      %lt3A_177 = arith.constant 80 : i32
      %lt3A_178 = arith.cmpi slt, %add3A_176, %lt3A_177 : i32
      %convert_element_type3A_179 = arith.extui %lt3A_178 : i1 to i32
      %cond3A_180 = arith.constant 0 : i32
      %cond3A_181 = arith.cmpi ne, %convert_element_type3A_179, %cond3A_180 : i32
      scf.if %cond3A_181 {
        %dma_wait3A_217 = arith.constant 0 : i32
        %dma_wait3A_218 = arith.constant 0 : i32
        %dma_wait3A_219 = tpu.memref_slice %arg3[%dma_wait3A_217, %dma_wait3A_218] : memref<2560x128xi32, #tpu.memory_space<hbm>> -> memref<1x128xi32, #tpu.memory_space<hbm>>
        %dma_wait3A_220 = tpu.memref_squeeze %dma_wait3A_219 : memref<1x128xi32, #tpu.memory_space<hbm>> -> memref<128xi32, #tpu.memory_space<hbm>>
        %dma_wait3A_221 = arith.constant 0 : i32
        %dma_wait3A_222 = tpu.memref_slice %arg3[%dma_wait3A_217, %dma_wait3A_221] : memref<2560x128xi32, #tpu.memory_space<hbm>> -> memref<1x128xi32, #tpu.memory_space<hbm>>
        %dma_wait3A_223 = tpu.memref_squeeze %dma_wait3A_222 : memref<1x128xi32, #tpu.memory_space<hbm>> -> memref<128xi32, #tpu.memory_space<hbm>>
        tpu.wait_dma2 semaphore(%arg22 : memref<!tpu.dma_semaphore, #tpu.memory_space<semaphore_mem>>) src(%dma_wait3A_223 : memref<128xi32, #tpu.memory_space<hbm>>) dst(%arg11 : memref<128xi32, #tpu.memory_space<vmem>>)
        %dma_wait3A_224 = arith.constant 0 : i32
        %dma_wait3A_225 = arith.constant 0 : i32
        %dma_wait3A_226 = tpu.memref_slice %arg4[%dma_wait3A_224, %dma_wait3A_225] : memref<2560x128xi32, #tpu.memory_space<hbm>> -> memref<1x128xi32, #tpu.memory_space<hbm>>
        %dma_wait3A_227 = tpu.memref_squeeze %dma_wait3A_226 : memref<1x128xi32, #tpu.memory_space<hbm>> -> memref<128xi32, #tpu.memory_space<hbm>>
        %dma_wait3A_228 = arith.constant 0 : i32
        %dma_wait3A_229 = tpu.memref_slice %arg4[%dma_wait3A_224, %dma_wait3A_228] : memref<2560x128xi32, #tpu.memory_space<hbm>> -> memref<1x128xi32, #tpu.memory_space<hbm>>
        %dma_wait3A_230 = tpu.memref_squeeze %dma_wait3A_229 : memref<1x128xi32, #tpu.memory_space<hbm>> -> memref<128xi32, #tpu.memory_space<hbm>>
        tpu.wait_dma2 semaphore(%arg22 : memref<!tpu.dma_semaphore, #tpu.memory_space<semaphore_mem>>) src(%dma_wait3A_230 : memref<128xi32, #tpu.memory_space<hbm>>) dst(%arg15 : memref<128xi32, #tpu.memory_space<vmem>>)
        %dma_start3A_231 = arith.constant 0 : i32
        %dma_start3A_232 = arith.constant 0 : i32
        %dma_start3A_233 = tpu.memref_slice %arg2[%dma_start3A_231, %dma_start3A_232] : memref<10240x128xf32, #tpu.memory_space<hbm>> -> memref<10240x128xf32, #tpu.memory_space<hbm>>
        tpu.enqueue_indirect_dma source(%dma_start3A_233 : memref<10240x128xf32, #tpu.memory_space<hbm>>) target(%arg7 : memref<128x128xf32, #tpu.memory_space<vmem>>) offsets(%arg11 : memref<128xi32, #tpu.memory_space<vmem>>) semaphore(%arg18 : memref<!tpu.dma_semaphore, #tpu.memory_space<semaphore_mem>>)
      } else {
      }
      %dma_wait3A_182 = arith.constant 0 : i32
      %dma_wait3A_183 = arith.constant 0 : i32
      %dma_wait3A_184 = tpu.memref_slice %arg2[%dma_wait3A_182, %dma_wait3A_183] : memref<10240x128xf32, #tpu.memory_space<hbm>> -> memref<10240x128xf32, #tpu.memory_space<hbm>>
      tpu.wait_indirect_dma semaphore(%arg17 : memref<!tpu.dma_semaphore, #tpu.memory_space<semaphore_mem>>) src(%dma_wait3A_184 : memref<10240x128xf32, #tpu.memory_space<hbm>>) dst(%arg6 : memref<128x128xf32, #tpu.memory_space<vmem>>)
      %dma_start3A_185 = arith.constant 0 : i32
      %dma_start3A_186 = arith.constant 0 : i32
      %dma_start3A_187 = tpu.memref_slice %arg16[%dma_start3A_185, %dma_start3A_186] : memref<10240x128xf32, #tpu.memory_space<vmem_shared>> -> memref<10240x128xf32, #tpu.memory_space<vmem_shared>>
      tpu.enqueue_indirect_dma source(%arg6 : memref<128x128xf32, #tpu.memory_space<vmem>>) target(%dma_start3A_187 : memref<10240x128xf32, #tpu.memory_space<vmem_shared>>) offsets(%arg14 : memref<128xi32, #tpu.memory_space<vmem>>) semaphore(%arg23 : memref<!tpu.dma_semaphore, #tpu.memory_space<semaphore_mem>>) {add = true}
      %mul3A_188 = arith.constant 4 : i32
      %mul3A_189 = arith.muli %mul3A_188, %scan3A_104 : i32
      %add3A_190 = arith.constant 3 : i32
      %add3A_191 = arith.addi %mul3A_189, %add3A_190 : i32
      %gt3A_192 = arith.constant 0 : i32
      %gt3A_193 = arith.cmpi sgt, %add3A_191, %gt3A_192 : i32
      %convert_element_type3A_194 = arith.extui %gt3A_193 : i1 to i32
      %cond3A_195 = arith.constant 0 : i32
      %cond3A_196 = arith.cmpi ne, %convert_element_type3A_194, %cond3A_195 : i32
      scf.if %cond3A_196 {
        %dma_wait3A_217 = arith.constant 0 : i32
        %dma_wait3A_218 = arith.constant 0 : i32
        %dma_wait3A_219 = tpu.memref_slice %arg2[%dma_wait3A_217, %dma_wait3A_218] : memref<10240x128xf32, #tpu.memory_space<hbm>> -> memref<128x128xf32, #tpu.memory_space<hbm>>
        %dma_wait3A_220 = arith.constant 0 : i32
        %dma_wait3A_221 = arith.constant 0 : i32
        %dma_wait3A_222 = tpu.memref_slice %arg2[%dma_wait3A_220, %dma_wait3A_221] : memref<10240x128xf32, #tpu.memory_space<hbm>> -> memref<128x128xf32, #tpu.memory_space<hbm>>
        tpu.wait_dma2 semaphore(%arg23 : memref<!tpu.dma_semaphore, #tpu.memory_space<semaphore_mem>>) src(%dma_wait3A_222 : memref<128x128xf32, #tpu.memory_space<hbm>>) dst(%arg6 : memref<128x128xf32, #tpu.memory_space<vmem>>)
      } else {
      }
      %add3A_197 = arith.constant 2 : i32
      %add3A_198 = arith.addi %add3A_191, %add3A_197 : i32
      %lt3A_199 = arith.constant 80 : i32
      %lt3A_200 = arith.cmpi slt, %add3A_198, %lt3A_199 : i32
      %convert_element_type3A_201 = arith.extui %lt3A_200 : i1 to i32
      %cond3A_202 = arith.constant 0 : i32
      %cond3A_203 = arith.cmpi ne, %convert_element_type3A_201, %cond3A_202 : i32
      scf.if %cond3A_203 {
        %add3A_217 = arith.constant 2 : i32
        %add3A_218 = arith.addi %add3A_191, %add3A_217 : i32
        %add3A_219 = arith.addi %mul3A_4, %add3A_218 : i32
        %dma_start3A_220 = arith.constant 0 : i32
        %dma_start3A_221 = tpu.memref_slice %arg3[%add3A_219, %dma_start3A_220] : memref<2560x128xi32, #tpu.memory_space<hbm>> -> memref<1x128xi32, #tpu.memory_space<hbm>>
        %dma_start3A_222 = tpu.memref_squeeze %dma_start3A_221 : memref<1x128xi32, #tpu.memory_space<hbm>> -> memref<128xi32, #tpu.memory_space<hbm>>
        %dma_start3A_223 = arith.constant 0 : i32
        %dma_start3A_224 = tpu.memref_slice %arg3[%add3A_219, %dma_start3A_223] : memref<2560x128xi32, #tpu.memory_space<hbm>> -> memref<1x128xi32, #tpu.memory_space<hbm>>
        %dma_start3A_225 = tpu.memref_squeeze %dma_start3A_224 : memref<1x128xi32, #tpu.memory_space<hbm>> -> memref<128xi32, #tpu.memory_space<hbm>>
        tpu.enqueue_dma source(%dma_start3A_225 : memref<128xi32, #tpu.memory_space<hbm>>) target(%arg9 : memref<128xi32, #tpu.memory_space<vmem>>) target_semaphore(%arg20 : memref<!tpu.dma_semaphore, #tpu.memory_space<semaphore_mem>>)
        %add3A_226 = arith.addi %mul3A_4, %add3A_218 : i32
        %dma_start3A_227 = arith.constant 0 : i32
        %dma_start3A_228 = tpu.memref_slice %arg4[%add3A_226, %dma_start3A_227] : memref<2560x128xi32, #tpu.memory_space<hbm>> -> memref<1x128xi32, #tpu.memory_space<hbm>>
        %dma_start3A_229 = tpu.memref_squeeze %dma_start3A_228 : memref<1x128xi32, #tpu.memory_space<hbm>> -> memref<128xi32, #tpu.memory_space<hbm>>
        %dma_start3A_230 = arith.constant 0 : i32
        %dma_start3A_231 = tpu.memref_slice %arg4[%add3A_226, %dma_start3A_230] : memref<2560x128xi32, #tpu.memory_space<hbm>> -> memref<1x128xi32, #tpu.memory_space<hbm>>
        %dma_start3A_232 = tpu.memref_squeeze %dma_start3A_231 : memref<1x128xi32, #tpu.memory_space<hbm>> -> memref<128xi32, #tpu.memory_space<hbm>>
        tpu.enqueue_dma source(%dma_start3A_232 : memref<128xi32, #tpu.memory_space<hbm>>) target(%arg13 : memref<128xi32, #tpu.memory_space<vmem>>) target_semaphore(%arg20 : memref<!tpu.dma_semaphore, #tpu.memory_space<semaphore_mem>>)
      } else {
      }
      %add3A_204 = arith.constant 1 : i32
      %add3A_205 = arith.addi %add3A_191, %add3A_204 : i32
      %lt3A_206 = arith.constant 80 : i32
      %lt3A_207 = arith.cmpi slt, %add3A_205, %lt3A_206 : i32
      %convert_element_type3A_208 = arith.extui %lt3A_207 : i1 to i32
      %cond3A_209 = arith.constant 0 : i32
      %cond3A_210 = arith.cmpi ne, %convert_element_type3A_208, %cond3A_209 : i32
      scf.if %cond3A_210 {
        %dma_wait3A_217 = arith.constant 0 : i32
        %dma_wait3A_218 = arith.constant 0 : i32
        %dma_wait3A_219 = tpu.memref_slice %arg3[%dma_wait3A_217, %dma_wait3A_218] : memref<2560x128xi32, #tpu.memory_space<hbm>> -> memref<1x128xi32, #tpu.memory_space<hbm>>
        %dma_wait3A_220 = tpu.memref_squeeze %dma_wait3A_219 : memref<1x128xi32, #tpu.memory_space<hbm>> -> memref<128xi32, #tpu.memory_space<hbm>>
        %dma_wait3A_221 = arith.constant 0 : i32
        %dma_wait3A_222 = tpu.memref_slice %arg3[%dma_wait3A_217, %dma_wait3A_221] : memref<2560x128xi32, #tpu.memory_space<hbm>> -> memref<1x128xi32, #tpu.memory_space<hbm>>
        %dma_wait3A_223 = tpu.memref_squeeze %dma_wait3A_222 : memref<1x128xi32, #tpu.memory_space<hbm>> -> memref<128xi32, #tpu.memory_space<hbm>>
        tpu.wait_dma2 semaphore(%arg19 : memref<!tpu.dma_semaphore, #tpu.memory_space<semaphore_mem>>) src(%dma_wait3A_223 : memref<128xi32, #tpu.memory_space<hbm>>) dst(%arg8 : memref<128xi32, #tpu.memory_space<vmem>>)
        %dma_wait3A_224 = arith.constant 0 : i32
        %dma_wait3A_225 = arith.constant 0 : i32
        %dma_wait3A_226 = tpu.memref_slice %arg4[%dma_wait3A_224, %dma_wait3A_225] : memref<2560x128xi32, #tpu.memory_space<hbm>> -> memref<1x128xi32, #tpu.memory_space<hbm>>
        %dma_wait3A_227 = tpu.memref_squeeze %dma_wait3A_226 : memref<1x128xi32, #tpu.memory_space<hbm>> -> memref<128xi32, #tpu.memory_space<hbm>>
        %dma_wait3A_228 = arith.constant 0 : i32
        %dma_wait3A_229 = tpu.memref_slice %arg4[%dma_wait3A_224, %dma_wait3A_228] : memref<2560x128xi32, #tpu.memory_space<hbm>> -> memref<1x128xi32, #tpu.memory_space<hbm>>
        %dma_wait3A_230 = tpu.memref_squeeze %dma_wait3A_229 : memref<1x128xi32, #tpu.memory_space<hbm>> -> memref<128xi32, #tpu.memory_space<hbm>>
        tpu.wait_dma2 semaphore(%arg19 : memref<!tpu.dma_semaphore, #tpu.memory_space<semaphore_mem>>) src(%dma_wait3A_230 : memref<128xi32, #tpu.memory_space<hbm>>) dst(%arg12 : memref<128xi32, #tpu.memory_space<vmem>>)
        %dma_start3A_231 = arith.constant 0 : i32
        %dma_start3A_232 = arith.constant 0 : i32
        %dma_start3A_233 = tpu.memref_slice %arg2[%dma_start3A_231, %dma_start3A_232] : memref<10240x128xf32, #tpu.memory_space<hbm>> -> memref<10240x128xf32, #tpu.memory_space<hbm>>
        tpu.enqueue_indirect_dma source(%dma_start3A_233 : memref<10240x128xf32, #tpu.memory_space<hbm>>) target(%arg6 : memref<128x128xf32, #tpu.memory_space<vmem>>) offsets(%arg8 : memref<128xi32, #tpu.memory_space<vmem>>) semaphore(%arg17 : memref<!tpu.dma_semaphore, #tpu.memory_space<semaphore_mem>>)
      } else {
      }
      %dma_wait3A_211 = arith.constant 0 : i32
      %dma_wait3A_212 = arith.constant 0 : i32
      %dma_wait3A_213 = tpu.memref_slice %arg2[%dma_wait3A_211, %dma_wait3A_212] : memref<10240x128xf32, #tpu.memory_space<hbm>> -> memref<10240x128xf32, #tpu.memory_space<hbm>>
      tpu.wait_indirect_dma semaphore(%arg18 : memref<!tpu.dma_semaphore, #tpu.memory_space<semaphore_mem>>) src(%dma_wait3A_213 : memref<10240x128xf32, #tpu.memory_space<hbm>>) dst(%arg7 : memref<128x128xf32, #tpu.memory_space<vmem>>)
      %dma_start3A_214 = arith.constant 0 : i32
      %dma_start3A_215 = arith.constant 0 : i32
      %dma_start3A_216 = tpu.memref_slice %arg16[%dma_start3A_214, %dma_start3A_215] : memref<10240x128xf32, #tpu.memory_space<vmem_shared>> -> memref<10240x128xf32, #tpu.memory_space<vmem_shared>>
      tpu.enqueue_indirect_dma source(%arg7 : memref<128x128xf32, #tpu.memory_space<vmem>>) target(%dma_start3A_216 : memref<10240x128xf32, #tpu.memory_space<vmem_shared>>) offsets(%arg15 : memref<128xi32, #tpu.memory_space<vmem>>) semaphore(%arg24 : memref<!tpu.dma_semaphore, #tpu.memory_space<semaphore_mem>>) {add = true}
    }
    %scan3A_76 = arith.constant 20 : i32
    %dma_wait3A_77 = arith.constant 0 : i32
    %dma_wait3A_78 = arith.constant 0 : i32
    %dma_wait3A_79 = tpu.memref_slice %arg2[%dma_wait3A_77, %dma_wait3A_78] : memref<10240x128xf32, #tpu.memory_space<hbm>> -> memref<128x128xf32, #tpu.memory_space<hbm>>
    %dma_wait3A_80 = arith.constant 0 : i32
    %dma_wait3A_81 = arith.constant 0 : i32
    %dma_wait3A_82 = tpu.memref_slice %arg2[%dma_wait3A_80, %dma_wait3A_81] : memref<10240x128xf32, #tpu.memory_space<hbm>> -> memref<128x128xf32, #tpu.memory_space<hbm>>
    tpu.wait_dma2 semaphore(%arg24 : memref<!tpu.dma_semaphore, #tpu.memory_space<semaphore_mem>>) src(%dma_wait3A_82 : memref<128x128xf32, #tpu.memory_space<hbm>>) dst(%arg7 : memref<128x128xf32, #tpu.memory_space<vmem>>)
    %barrier3A_83 = arith.constant 0 : index
    tpu.barrier barrier_id(%barrier3A_83)
    %add3A_84 = arith.constant 0 : i32
    %add3A_85 = arith.addi %mul3A_2, %add3A_84 : i32
    "tpu.region"() ({
      %run_scoped3A = tpu.sem_alloc : memref<!tpu.dma_semaphore, #tpu.memory_space<semaphore_mem>>
      %dma_start3A_104 = arith.constant 0 : i32
      %dma_start3A_105 = tpu.memref_slice %arg16[%add3A_85, %dma_start3A_104] : memref<10240x128xf32, #tpu.memory_space<vmem_shared>> -> memref<128x128xf32, #tpu.memory_space<vmem_shared>>
      %dma_start3A_106 = arith.constant 0 : i32
      %dma_start3A_107 = tpu.memref_slice %arg16[%add3A_85, %dma_start3A_106] : memref<10240x128xf32, #tpu.memory_space<vmem_shared>> -> memref<128x128xf32, #tpu.memory_space<vmem_shared>>
      tpu.enqueue_dma source(%dma_start3A_107 : memref<128x128xf32, #tpu.memory_space<vmem_shared>>) target(%arg6 : memref<128x128xf32, #tpu.memory_space<vmem>>) target_semaphore(%run_scoped3A : memref<!tpu.dma_semaphore, #tpu.memory_space<semaphore_mem>>)
      %dma_wait3A_108 = arith.constant 0 : i32
      %dma_wait3A_109 = tpu.memref_slice %arg16[%add3A_85, %dma_wait3A_108] : memref<10240x128xf32, #tpu.memory_space<vmem_shared>> -> memref<128x128xf32, #tpu.memory_space<vmem_shared>>
      %dma_wait3A_110 = arith.constant 0 : i32
      %dma_wait3A_111 = tpu.memref_slice %arg16[%add3A_85, %dma_wait3A_110] : memref<10240x128xf32, #tpu.memory_space<vmem_shared>> -> memref<128x128xf32, #tpu.memory_space<vmem_shared>>
      tpu.wait_dma2 semaphore(%run_scoped3A : memref<!tpu.dma_semaphore, #tpu.memory_space<semaphore_mem>>) src(%dma_wait3A_111 : memref<128x128xf32, #tpu.memory_space<vmem_shared>>) dst(%arg6 : memref<128x128xf32, #tpu.memory_space<vmem>>)
      tpu.yield
    }) : () -> ()
    %add3A_86 = arith.constant 0 : i32
    %add3A_87 = arith.addi %mul3A_2, %add3A_86 : i32
    "tpu.region"() ({
      %run_scoped3A = tpu.sem_alloc : memref<!tpu.dma_semaphore, #tpu.memory_space<semaphore_mem>>
      %dma_start3A_104 = arith.constant 0 : i32
      %dma_start3A_105 = tpu.memref_slice %arg5[%arg0, %add3A_87, %dma_start3A_104] : memref<2x10240x128xf32, #tpu.memory_space<hbm>> -> memref<1x128x128xf32, #tpu.memory_space<hbm>>
      %dma_start3A_106 = tpu.memref_squeeze %dma_start3A_105 : memref<1x128x128xf32, #tpu.memory_space<hbm>> -> memref<128x128xf32, #tpu.memory_space<hbm>>
      %dma_start3A_107 = arith.constant 0 : i32
      %dma_start3A_108 = tpu.memref_slice %arg5[%arg0, %add3A_87, %dma_start3A_107] : memref<2x10240x128xf32, #tpu.memory_space<hbm>> -> memref<1x128x128xf32, #tpu.memory_space<hbm>>
      %dma_start3A_109 = tpu.memref_squeeze %dma_start3A_108 : memref<1x128x128xf32, #tpu.memory_space<hbm>> -> memref<128x128xf32, #tpu.memory_space<hbm>>
      tpu.enqueue_dma source(%arg6 : memref<128x128xf32, #tpu.memory_space<vmem>>) target(%dma_start3A_109 : memref<128x128xf32, #tpu.memory_space<hbm>>) target_semaphore(%run_scoped3A : memref<!tpu.dma_semaphore, #tpu.memory_space<semaphore_mem>>)
      %dma_wait3A_110 = arith.constant 0 : i32
      %dma_wait3A_111 = tpu.memref_slice %arg5[%arg0, %add3A_87, %dma_wait3A_110] : memref<2x10240x128xf32, #tpu.memory_space<hbm>> -> memref<1x128x128xf32, #tpu.memory_space<hbm>>
      %dma_wait3A_112 = tpu.memref_squeeze %dma_wait3A_111 : memref<1x128x128xf32, #tpu.memory_space<hbm>> -> memref<128x128xf32, #tpu.memory_space<hbm>>
      %dma_wait3A_113 = arith.constant 0 : i32
      %dma_wait3A_114 = tpu.memref_slice %arg5[%arg0, %add3A_87, %dma_wait3A_113] : memref<2x10240x128xf32, #tpu.memory_space<hbm>> -> memref<1x128x128xf32, #tpu.memory_space<hbm>>
      %dma_wait3A_115 = tpu.memref_squeeze %dma_wait3A_114 : memref<1x128x128xf32, #tpu.memory_space<hbm>> -> memref<128x128xf32, #tpu.memory_space<hbm>>
      tpu.wait_dma2 semaphore(%run_scoped3A : memref<!tpu.dma_semaphore, #tpu.memory_space<semaphore_mem>>) src(%arg6 : memref<128x128xf32, #tpu.memory_space<vmem>>) dst(%dma_wait3A_115 : memref<128x128xf32, #tpu.memory_space<hbm>>)
      tpu.yield
    }) : () -> ()
    %add3A_88 = arith.constant 128 : i32
    %add3A_89 = arith.addi %mul3A_2, %add3A_88 : i32
    "tpu.region"() ({
      %run_scoped3A = tpu.sem_alloc : memref<!tpu.dma_semaphore, #tpu.memory_space<semaphore_mem>>
      %dma_start3A_104 = arith.constant 0 : i32
      %dma_start3A_105 = tpu.memref_slice %arg16[%add3A_89, %dma_start3A_104] : memref<10240x128xf32, #tpu.memory_space<vmem_shared>> -> memref<128x128xf32, #tpu.memory_space<vmem_shared>>
      %dma_start3A_106 = arith.constant 0 : i32
      %dma_start3A_107 = tpu.memref_slice %arg16[%add3A_89, %dma_start3A_106] : memref<10240x128xf32, #tpu.memory_space<vmem_shared>> -> memref<128x128xf32, #tpu.memory_space<vmem_shared>>
      tpu.enqueue_dma source(%dma_start3A_107 : memref<128x128xf32, #tpu.memory_space<vmem_shared>>) target(%arg7 : memref<128x128xf32, #tpu.memory_space<vmem>>) target_semaphore(%run_scoped3A : memref<!tpu.dma_semaphore, #tpu.memory_space<semaphore_mem>>)
      %dma_wait3A_108 = arith.constant 0 : i32
      %dma_wait3A_109 = tpu.memref_slice %arg16[%add3A_89, %dma_wait3A_108] : memref<10240x128xf32, #tpu.memory_space<vmem_shared>> -> memref<128x128xf32, #tpu.memory_space<vmem_shared>>
      %dma_wait3A_110 = arith.constant 0 : i32
      %dma_wait3A_111 = tpu.memref_slice %arg16[%add3A_89, %dma_wait3A_110] : memref<10240x128xf32, #tpu.memory_space<vmem_shared>> -> memref<128x128xf32, #tpu.memory_space<vmem_shared>>
      tpu.wait_dma2 semaphore(%run_scoped3A : memref<!tpu.dma_semaphore, #tpu.memory_space<semaphore_mem>>) src(%dma_wait3A_111 : memref<128x128xf32, #tpu.memory_space<vmem_shared>>) dst(%arg7 : memref<128x128xf32, #tpu.memory_space<vmem>>)
      tpu.yield
    }) : () -> ()
    %add3A_90 = arith.constant 128 : i32
    %add3A_91 = arith.addi %mul3A_2, %add3A_90 : i32
    "tpu.region"() ({
      %run_scoped3A = tpu.sem_alloc : memref<!tpu.dma_semaphore, #tpu.memory_space<semaphore_mem>>
      %dma_start3A_104 = arith.constant 0 : i32
      %dma_start3A_105 = tpu.memref_slice %arg5[%arg0, %add3A_91, %dma_start3A_104] : memref<2x10240x128xf32, #tpu.memory_space<hbm>> -> memref<1x128x128xf32, #tpu.memory_space<hbm>>
      %dma_start3A_106 = tpu.memref_squeeze %dma_start3A_105 : memref<1x128x128xf32, #tpu.memory_space<hbm>> -> memref<128x128xf32, #tpu.memory_space<hbm>>
      %dma_start3A_107 = arith.constant 0 : i32
      %dma_start3A_108 = tpu.memref_slice %arg5[%arg0, %add3A_91, %dma_start3A_107] : memref<2x10240x128xf32, #tpu.memory_space<hbm>> -> memref<1x128x128xf32, #tpu.memory_space<hbm>>
      %dma_start3A_109 = tpu.memref_squeeze %dma_start3A_108 : memref<1x128x128xf32, #tpu.memory_space<hbm>> -> memref<128x128xf32, #tpu.memory_space<hbm>>
      tpu.enqueue_dma source(%arg7 : memref<128x128xf32, #tpu.memory_space<vmem>>) target(%dma_start3A_109 : memref<128x128xf32, #tpu.memory_space<hbm>>) target_semaphore(%run_scoped3A : memref<!tpu.dma_semaphore, #tpu.memory_space<semaphore_mem>>)
      %dma_wait3A_110 = arith.constant 0 : i32
      %dma_wait3A_111 = tpu.memref_slice %arg5[%arg0, %add3A_91, %dma_wait3A_110] : memref<2x10240x128xf32, #tpu.memory_space<hbm>> -> memref<1x128x128xf32, #tpu.memory_space<hbm>>
      %dma_wait3A_112 = tpu.memref_squeeze %dma_wait3A_111 : memref<1x128x128xf32, #tpu.memory_space<hbm>> -> memref<128x128xf32, #tpu.memory_space<hbm>>
      %dma_wait3A_113 = arith.constant 0 : i32
      %dma_wait3A_114 = tpu.memref_slice %arg5[%arg0, %add3A_91, %dma_wait3A_113] : memref<2x10240x128xf32, #tpu.memory_space<hbm>> -> memref<1x128x128xf32, #tpu.memory_space<hbm>>
      %dma_wait3A_115 = tpu.memref_squeeze %dma_wait3A_114 : memref<1x128x128xf32, #tpu.memory_space<hbm>> -> memref<128x128xf32, #tpu.memory_space<hbm>>
      tpu.wait_dma2 semaphore(%run_scoped3A : memref<!tpu.dma_semaphore, #tpu.memory_space<semaphore_mem>>) src(%arg7 : memref<128x128xf32, #tpu.memory_space<vmem>>) dst(%dma_wait3A_115 : memref<128x128xf32, #tpu.memory_space<hbm>>)
      tpu.yield
    }) : () -> ()
    %add3A_92 = arith.constant 256 : i32
    %add3A_93 = arith.addi %mul3A_2, %add3A_92 : i32
    "tpu.region"() ({
      %run_scoped3A = tpu.sem_alloc : memref<!tpu.dma_semaphore, #tpu.memory_space<semaphore_mem>>
      %dma_start3A_104 = arith.constant 0 : i32
      %dma_start3A_105 = tpu.memref_slice %arg16[%add3A_93, %dma_start3A_104] : memref<10240x128xf32, #tpu.memory_space<vmem_shared>> -> memref<128x128xf32, #tpu.memory_space<vmem_shared>>
      %dma_start3A_106 = arith.constant 0 : i32
      %dma_start3A_107 = tpu.memref_slice %arg16[%add3A_93, %dma_start3A_106] : memref<10240x128xf32, #tpu.memory_space<vmem_shared>> -> memref<128x128xf32, #tpu.memory_space<vmem_shared>>
      tpu.enqueue_dma source(%dma_start3A_107 : memref<128x128xf32, #tpu.memory_space<vmem_shared>>) target(%arg6 : memref<128x128xf32, #tpu.memory_space<vmem>>) target_semaphore(%run_scoped3A : memref<!tpu.dma_semaphore, #tpu.memory_space<semaphore_mem>>)
      %dma_wait3A_108 = arith.constant 0 : i32
      %dma_wait3A_109 = tpu.memref_slice %arg16[%add3A_93, %dma_wait3A_108] : memref<10240x128xf32, #tpu.memory_space<vmem_shared>> -> memref<128x128xf32, #tpu.memory_space<vmem_shared>>
      %dma_wait3A_110 = arith.constant 0 : i32
      %dma_wait3A_111 = tpu.memref_slice %arg16[%add3A_93, %dma_wait3A_110] : memref<10240x128xf32, #tpu.memory_space<vmem_shared>> -> memref<128x128xf32, #tpu.memory_space<vmem_shared>>
      tpu.wait_dma2 semaphore(%run_scoped3A : memref<!tpu.dma_semaphore, #tpu.memory_space<semaphore_mem>>) src(%dma_wait3A_111 : memref<128x128xf32, #tpu.memory_space<vmem_shared>>) dst(%arg6 : memref<128x128xf32, #tpu.memory_space<vmem>>)
      tpu.yield
    }) : () -> ()
    %add3A_94 = arith.constant 256 : i32
    %add3A_95 = arith.addi %mul3A_2, %add3A_94 : i32
    "tpu.region"() ({
      %run_scoped3A = tpu.sem_alloc : memref<!tpu.dma_semaphore, #tpu.memory_space<semaphore_mem>>
      %dma_start3A_104 = arith.constant 0 : i32
      %dma_start3A_105 = tpu.memref_slice %arg5[%arg0, %add3A_95, %dma_start3A_104] : memref<2x10240x128xf32, #tpu.memory_space<hbm>> -> memref<1x128x128xf32, #tpu.memory_space<hbm>>
      %dma_start3A_106 = tpu.memref_squeeze %dma_start3A_105 : memref<1x128x128xf32, #tpu.memory_space<hbm>> -> memref<128x128xf32, #tpu.memory_space<hbm>>
      %dma_start3A_107 = arith.constant 0 : i32
      %dma_start3A_108 = tpu.memref_slice %arg5[%arg0, %add3A_95, %dma_start3A_107] : memref<2x10240x128xf32, #tpu.memory_space<hbm>> -> memref<1x128x128xf32, #tpu.memory_space<hbm>>
      %dma_start3A_109 = tpu.memref_squeeze %dma_start3A_108 : memref<1x128x128xf32, #tpu.memory_space<hbm>> -> memref<128x128xf32, #tpu.memory_space<hbm>>
      tpu.enqueue_dma source(%arg6 : memref<128x128xf32, #tpu.memory_space<vmem>>) target(%dma_start3A_109 : memref<128x128xf32, #tpu.memory_space<hbm>>) target_semaphore(%run_scoped3A : memref<!tpu.dma_semaphore, #tpu.memory_space<semaphore_mem>>)
      %dma_wait3A_110 = arith.constant 0 : i32
      %dma_wait3A_111 = tpu.memref_slice %arg5[%arg0, %add3A_95, %dma_wait3A_110] : memref<2x10240x128xf32, #tpu.memory_space<hbm>> -> memref<1x128x128xf32, #tpu.memory_space<hbm>>
      %dma_wait3A_112 = tpu.memref_squeeze %dma_wait3A_111 : memref<1x128x128xf32, #tpu.memory_space<hbm>> -> memref<128x128xf32, #tpu.memory_space<hbm>>
      %dma_wait3A_113 = arith.constant 0 : i32
      %dma_wait3A_114 = tpu.memref_slice %arg5[%arg0, %add3A_95, %dma_wait3A_113] : memref<2x10240x128xf32, #tpu.memory_space<hbm>> -> memref<1x128x128xf32, #tpu.memory_space<hbm>>
      %dma_wait3A_115 = tpu.memref_squeeze %dma_wait3A_114 : memref<1x128x128xf32, #tpu.memory_space<hbm>> -> memref<128x128xf32, #tpu.memory_space<hbm>>
      tpu.wait_dma2 semaphore(%run_scoped3A : memref<!tpu.dma_semaphore, #tpu.memory_space<semaphore_mem>>) src(%arg6 : memref<128x128xf32, #tpu.memory_space<vmem>>) dst(%dma_wait3A_115 : memref<128x128xf32, #tpu.memory_space<hbm>>)
      tpu.yield
    }) : () -> ()
    %add3A_96 = arith.constant 384 : i32
    %add3A_97 = arith.addi %mul3A_2, %add3A_96 : i32
    "tpu.region"() ({
      %run_scoped3A = tpu.sem_alloc : memref<!tpu.dma_semaphore, #tpu.memory_space<semaphore_mem>>
      %dma_start3A_104 = arith.constant 0 : i32
      %dma_start3A_105 = tpu.memref_slice %arg16[%add3A_97, %dma_start3A_104] : memref<10240x128xf32, #tpu.memory_space<vmem_shared>> -> memref<128x128xf32, #tpu.memory_space<vmem_shared>>
      %dma_start3A_106 = arith.constant 0 : i32
      %dma_start3A_107 = tpu.memref_slice %arg16[%add3A_97, %dma_start3A_106] : memref<10240x128xf32, #tpu.memory_space<vmem_shared>> -> memref<128x128xf32, #tpu.memory_space<vmem_shared>>
      tpu.enqueue_dma source(%dma_start3A_107 : memref<128x128xf32, #tpu.memory_space<vmem_shared>>) target(%arg7 : memref<128x128xf32, #tpu.memory_space<vmem>>) target_semaphore(%run_scoped3A : memref<!tpu.dma_semaphore, #tpu.memory_space<semaphore_mem>>)
      %dma_wait3A_108 = arith.constant 0 : i32
      %dma_wait3A_109 = tpu.memref_slice %arg16[%add3A_97, %dma_wait3A_108] : memref<10240x128xf32, #tpu.memory_space<vmem_shared>> -> memref<128x128xf32, #tpu.memory_space<vmem_shared>>
      %dma_wait3A_110 = arith.constant 0 : i32
      %dma_wait3A_111 = tpu.memref_slice %arg16[%add3A_97, %dma_wait3A_110] : memref<10240x128xf32, #tpu.memory_space<vmem_shared>> -> memref<128x128xf32, #tpu.memory_space<vmem_shared>>
      tpu.wait_dma2 semaphore(%run_scoped3A : memref<!tpu.dma_semaphore, #tpu.memory_space<semaphore_mem>>) src(%dma_wait3A_111 : memref<128x128xf32, #tpu.memory_space<vmem_shared>>) dst(%arg7 : memref<128x128xf32, #tpu.memory_space<vmem>>)
      tpu.yield
    }) : () -> ()
    %add3A_98 = arith.constant 384 : i32
    %add3A_99 = arith.addi %mul3A_2, %add3A_98 : i32
    "tpu.region"() ({
      %run_scoped3A = tpu.sem_alloc : memref<!tpu.dma_semaphore, #tpu.memory_space<semaphore_mem>>
      %dma_start3A_104 = arith.constant 0 : i32
      %dma_start3A_105 = tpu.memref_slice %arg5[%arg0, %add3A_99, %dma_start3A_104] : memref<2x10240x128xf32, #tpu.memory_space<hbm>> -> memref<1x128x128xf32, #tpu.memory_space<hbm>>
      %dma_start3A_106 = tpu.memref_squeeze %dma_start3A_105 : memref<1x128x128xf32, #tpu.memory_space<hbm>> -> memref<128x128xf32, #tpu.memory_space<hbm>>
      %dma_start3A_107 = arith.constant 0 : i32
      %dma_start3A_108 = tpu.memref_slice %arg5[%arg0, %add3A_99, %dma_start3A_107] : memref<2x10240x128xf32, #tpu.memory_space<hbm>> -> memref<1x128x128xf32, #tpu.memory_space<hbm>>
      %dma_start3A_109 = tpu.memref_squeeze %dma_start3A_108 : memref<1x128x128xf32, #tpu.memory_space<hbm>> -> memref<128x128xf32, #tpu.memory_space<hbm>>
      tpu.enqueue_dma source(%arg7 : memref<128x128xf32, #tpu.memory_space<vmem>>) target(%dma_start3A_109 : memref<128x128xf32, #tpu.memory_space<hbm>>) target_semaphore(%run_scoped3A : memref<!tpu.dma_semaphore, #tpu.memory_space<semaphore_mem>>)
      %dma_wait3A_110 = arith.constant 0 : i32
      %dma_wait3A_111 = tpu.memref_slice %arg5[%arg0, %add3A_99, %dma_wait3A_110] : memref<2x10240x128xf32, #tpu.memory_space<hbm>> -> memref<1x128x128xf32, #tpu.memory_space<hbm>>
      %dma_wait3A_112 = tpu.memref_squeeze %dma_wait3A_111 : memref<1x128x128xf32, #tpu.memory_space<hbm>> -> memref<128x128xf32, #tpu.memory_space<hbm>>
      %dma_wait3A_113 = arith.constant 0 : i32
      %dma_wait3A_114 = tpu.memref_slice %arg5[%arg0, %add3A_99, %dma_wait3A_113] : memref<2x10240x128xf32, #tpu.memory_space<hbm>> -> memref<1x128x128xf32, #tpu.memory_space<hbm>>
      %dma_wait3A_115 = tpu.memref_squeeze %dma_wait3A_114 : memref<1x128x128xf32, #tpu.memory_space<hbm>> -> memref<128x128xf32, #tpu.memory_space<hbm>>
      tpu.wait_dma2 semaphore(%run_scoped3A : memref<!tpu.dma_semaphore, #tpu.memory_space<semaphore_mem>>) src(%arg7 : memref<128x128xf32, #tpu.memory_space<vmem>>) dst(%dma_wait3A_115 : memref<128x128xf32, #tpu.memory_space<hbm>>)
      tpu.yield
    }) : () -> ()
    %add3A_100 = arith.constant 512 : i32
    %add3A_101 = arith.addi %mul3A_2, %add3A_100 : i32
    "tpu.region"() ({
      %run_scoped3A = tpu.sem_alloc : memref<!tpu.dma_semaphore, #tpu.memory_space<semaphore_mem>>
      %dma_start3A_104 = arith.constant 0 : i32
      %dma_start3A_105 = tpu.memref_slice %arg16[%add3A_101, %dma_start3A_104] : memref<10240x128xf32, #tpu.memory_space<vmem_shared>> -> memref<128x128xf32, #tpu.memory_space<vmem_shared>>
      %dma_start3A_106 = arith.constant 0 : i32
      %dma_start3A_107 = tpu.memref_slice %arg16[%add3A_101, %dma_start3A_106] : memref<10240x128xf32, #tpu.memory_space<vmem_shared>> -> memref<128x128xf32, #tpu.memory_space<vmem_shared>>
      tpu.enqueue_dma source(%dma_start3A_107 : memref<128x128xf32, #tpu.memory_space<vmem_shared>>) target(%arg6 : memref<128x128xf32, #tpu.memory_space<vmem>>) target_semaphore(%run_scoped3A : memref<!tpu.dma_semaphore, #tpu.memory_space<semaphore_mem>>)
      %dma_wait3A_108 = arith.constant 0 : i32
      %dma_wait3A_109 = tpu.memref_slice %arg16[%add3A_101, %dma_wait3A_108] : memref<10240x128xf32, #tpu.memory_space<vmem_shared>> -> memref<128x128xf32, #tpu.memory_space<vmem_shared>>
      %dma_wait3A_110 = arith.constant 0 : i32
      %dma_wait3A_111 = tpu.memref_slice %arg16[%add3A_101, %dma_wait3A_110] : memref<10240x128xf32, #tpu.memory_space<vmem_shared>> -> memref<128x128xf32, #tpu.memory_space<vmem_shared>>
      tpu.wait_dma2 semaphore(%run_scoped3A : memref<!tpu.dma_semaphore, #tpu.memory_space<semaphore_mem>>) src(%dma_wait3A_111 : memref<128x128xf32, #tpu.memory_space<vmem_shared>>) dst(%arg6 : memref<128x128xf32, #tpu.memory_space<vmem>>)
      tpu.yield
    }) : () -> ()
    %add3A_102 = arith.constant 512 : i32
    %add3A_103 = arith.addi %mul3A_2, %add3A_102 : i32
    "tpu.region"() ({
      %run_scoped3A = tpu.sem_alloc : memref<!tpu.dma_semaphore, #tpu.memory_space<semaphore_mem>>
      %dma_start3A_104 = arith.constant 0 : i32
      %dma_start3A_105 = tpu.memref_slice %arg5[%arg0, %add3A_103, %dma_start3A_104] : memref<2x10240x128xf32, #tpu.memory_space<hbm>> -> memref<1x128x128xf32, #tpu.memory_space<hbm>>
      %dma_start3A_106 = tpu.memref_squeeze %dma_start3A_105 : memref<1x128x128xf32, #tpu.memory_space<hbm>> -> memref<128x128xf32, #tpu.memory_space<hbm>>
      %dma_start3A_107 = arith.constant 0 : i32
      %dma_start3A_108 = tpu.memref_slice %arg5[%arg0, %add3A_103, %dma_start3A_107] : memref<2x10240x128xf32, #tpu.memory_space<hbm>> -> memref<1x128x128xf32, #tpu.memory_space<hbm>>
      %dma_start3A_109 = tpu.memref_squeeze %dma_start3A_108 : memref<1x128x128xf32, #tpu.memory_space<hbm>> -> memref<128x128xf32, #tpu.memory_space<hbm>>
      tpu.enqueue_dma source(%arg6 : memref<128x128xf32, #tpu.memory_space<vmem>>) target(%dma_start3A_109 : memref<128x128xf32, #tpu.memory_space<hbm>>) target_semaphore(%run_scoped3A : memref<!tpu.dma_semaphore, #tpu.memory_space<semaphore_mem>>)
      %dma_wait3A_110 = arith.constant 0 : i32
      %dma_wait3A_111 = tpu.memref_slice %arg5[%arg0, %add3A_103, %dma_wait3A_110] : memref<2x10240x128xf32, #tpu.memory_space<hbm>> -> memref<1x128x128xf32, #tpu.memory_space<hbm>>
      %dma_wait3A_112 = tpu.memref_squeeze %dma_wait3A_111 : memref<1x128x128xf32, #tpu.memory_space<hbm>> -> memref<128x128xf32, #tpu.memory_space<hbm>>
      %dma_wait3A_113 = arith.constant 0 : i32
      %dma_wait3A_114 = tpu.memref_slice %arg5[%arg0, %add3A_103, %dma_wait3A_113] : memref<2x10240x128xf32, #tpu.memory_space<hbm>> -> memref<1x128x128xf32, #tpu.memory_space<hbm>>
      %dma_wait3A_115 = tpu.memref_squeeze %dma_wait3A_114 : memref<1x128x128xf32, #tpu.memory_space<hbm>> -> memref<128x128xf32, #tpu.memory_space<hbm>>
      tpu.wait_dma2 semaphore(%run_scoped3A : memref<!tpu.dma_semaphore, #tpu.memory_space<semaphore_mem>>) src(%arg6 : memref<128x128xf32, #tpu.memory_space<vmem>>) dst(%dma_wait3A_115 : memref<128x128xf32, #tpu.memory_space<hbm>>)
      tpu.yield
    }) : () -> ()
    return
  }
}

module attributes {stable_mosaic.version = 14 : i64} {
  func.func @_tc_pre_body(%arg0: i32, %arg1: memref<1024x128xf32, #tpu.memory_space<vmem>>, %arg2: memref<1024xf32, #tpu.memory_space<vmem>>, %arg3: memref<1024xf32, #tpu.memory_space<vmem>>, %arg4: memref<128x128xf32, #tpu.memory_space<vmem>>, %arg5: memref<128xf32, #tpu.memory_space<vmem>>, %arg6: memref<128x128xf32, #tpu.memory_space<vmem>>, %arg7: memref<1024x128xf32, #tpu.memory_space<vmem>>, %arg8: memref<1024x128xf32, #tpu.memory_space<vmem>>, %arg9: memref<1024xf32, #tpu.memory_space<vmem>>) attributes {dimension_semantics = [#tpu.dimension_semantics<arbitrary>], iteration_bounds = array<i64: 10>, scalar_prefetch = 0 : i64, scratch_operands = 0 : i64, tpu.core_type = #tpu.core_type<tc>, window_params = [{transform_indices = @transform_0, window_bounds = array<i64: 1024, 128>}, {transform_indices = @transform_1, window_bounds = array<i64: 1024>}, {transform_indices = @transform_2, window_bounds = array<i64: 1024>}, {pipeline_mode = #tpu.pipeline_mode<synchronous>, transform_indices = @transform_3, window_bounds = array<i64: 128, 128>}, {pipeline_mode = #tpu.pipeline_mode<synchronous>, transform_indices = @transform_4, window_bounds = array<i64: 128>}, {pipeline_mode = #tpu.pipeline_mode<synchronous>, transform_indices = @transform_5, window_bounds = array<i64: 128, 128>}, {transform_indices = @transform_6, window_bounds = array<i64: 1024, 128>}, {transform_indices = @transform_7, window_bounds = array<i64: 1024, 128>}, {transform_indices = @transform_8, window_bounds = array<i64: 1024>}]} {
    %get3A = arith.constant 0 : index
    %get3A_0 = vector.load %arg2[%get3A] : memref<1024xf32, #tpu.memory_space<vmem>>, vector<1024xf32>
    %get3A_1 = arith.constant 0 : index
    %get3A_2 = vector.load %arg3[%get3A_1] : memref<1024xf32, #tpu.memory_space<vmem>>, vector<1024xf32>
    %add3A = arith.addf %get3A_0, %get3A_2 : vector<1024xf32>
    %add3A_3 = arith.constant 1.000000e+00 : f32
    %add3A_4 = vector.broadcast %add3A_3 : f32 to vector<1024xf32>
    %add3A_5 = arith.addf %add3A, %add3A_4 : vector<1024xf32>
    %rsqrt3A = math.rsqrt %add3A_5 : vector<1024xf32>
    %get3A_6 = arith.constant 0 : index
    %get3A_7 = arith.constant 0 : index
    %get3A_8 = vector.load %arg1[%get3A_6, %get3A_7] : memref<1024x128xf32, #tpu.memory_space<vmem>>, vector<1024x128xf32>
    %get3A_9 = arith.constant 0 : index
    %get3A_10 = arith.constant 0 : index
    %get3A_11 = vector.load %arg4[%get3A_9, %get3A_10] : memref<128x128xf32, #tpu.memory_space<vmem>>, vector<128x128xf32>
    %dot_general3A = arith.constant dense<0.000000e+00> : vector<1024x128xf32>
    %dot_general3A_12 = tpu.matmul %get3A_8, %get3A_11, %dot_general3A {dimension_numbers = #tpu.dot_dimension_numbers<[1], [0], [0], [1], [0, 0, 1, 1], [], []>, transpose_lhs_hint = false} : vector<1024x128xf32>, vector<128x128xf32>, vector<1024x128xf32> -> vector<1024x128xf32>
    %get3A_13 = arith.constant 0 : index
    %get3A_14 = vector.load %arg5[%get3A_13] : memref<128xf32, #tpu.memory_space<vmem>>, vector<128xf32>
    %broadcast_in_dim3A = vector.shape_cast %get3A_14 : vector<128xf32> to vector<1x128xf32>
    %add3A_15 = vector.broadcast %broadcast_in_dim3A : vector<1x128xf32> to vector<1024x128xf32>
    %add3A_16 = arith.addf %dot_general3A_12, %add3A_15 : vector<1024x128xf32>
    %swap3A = arith.constant 0 : index
    %swap3A_17 = arith.constant 0 : index
    %swap3A_18 = vector.load %arg7[%swap3A, %swap3A_17] : memref<1024x128xf32, #tpu.memory_space<vmem>>, vector<1024x128xf32>
    tpu.vector_store %arg7[%swap3A, %swap3A_17], %add3A_16 {strides = array<i32>} : memref<1024x128xf32, #tpu.memory_space<vmem>>, vector<1024x128xf32>,
    %broadcast_in_dim3A_19 = vector.shape_cast %rsqrt3A : vector<1024xf32> to vector<1024x1xf32>
    %get3A_20 = arith.constant 0 : index
    %get3A_21 = arith.constant 0 : index
    %get3A_22 = vector.load %arg6[%get3A_20, %get3A_21] : memref<128x128xf32, #tpu.memory_space<vmem>>, vector<128x128xf32>
    %dot_general3A_23 = arith.constant dense<0.000000e+00> : vector<1024x128xf32>
    %dot_general3A_24 = tpu.matmul %get3A_8, %get3A_22, %dot_general3A_23 {dimension_numbers = #tpu.dot_dimension_numbers<[1], [0], [0], [1], [0, 0, 1, 1], [], []>, transpose_lhs_hint = false} : vector<1024x128xf32>, vector<128x128xf32>, vector<1024x128xf32> -> vector<1024x128xf32>
    %mul3A = vector.broadcast %broadcast_in_dim3A_19 : vector<1024x1xf32> to vector<1024x128xf32>
    %mul3A_25 = arith.mulf %mul3A, %dot_general3A_24 : vector<1024x128xf32>
    %swap3A_26 = arith.constant 0 : index
    %swap3A_27 = arith.constant 0 : index
    %swap3A_28 = vector.load %arg8[%swap3A_26, %swap3A_27] : memref<1024x128xf32, #tpu.memory_space<vmem>>, vector<1024x128xf32>
    tpu.vector_store %arg8[%swap3A_26, %swap3A_27], %mul3A_25 {strides = array<i32>} : memref<1024x128xf32, #tpu.memory_space<vmem>>, vector<1024x128xf32>,
    %swap3A_29 = arith.constant 0 : index
    %swap3A_30 = vector.load %arg9[%swap3A_29] : memref<1024xf32, #tpu.memory_space<vmem>>, vector<1024xf32>
    tpu.vector_store %arg9[%swap3A_29], %rsqrt3A {strides = array<i32>} : memref<1024xf32, #tpu.memory_space<vmem>>, vector<1024xf32>,
    return
  }
  func.func @transform_0(%arg0: i32) -> (i32, i32) {
    %c0_i32 = arith.constant 0 : i32
    %c0_i32_0 = arith.constant 0 : i32
    return %arg0, %c0_i32 : i32, i32
  }
  func.func @transform_1(%arg0: i32) -> i32 {
    %c0_i32 = arith.constant 0 : i32
    return %arg0 : i32
  }
  func.func @transform_2(%arg0: i32) -> i32 {
    %c0_i32 = arith.constant 0 : i32
    return %arg0 : i32
  }
  func.func @transform_3(%arg0: i32) -> (i32, i32) {
    %c0_i32 = arith.constant 0 : i32
    %c0_i32_0 = arith.constant 0 : i32
    %c0_i32_1 = arith.constant 0 : i32
    return %c0_i32, %c0_i32_0 : i32, i32
  }
  func.func @transform_4(%arg0: i32) -> i32 {
    %c0_i32 = arith.constant 0 : i32
    %c0_i32_0 = arith.constant 0 : i32
    return %c0_i32 : i32
  }
  func.func @transform_5(%arg0: i32) -> (i32, i32) {
    %c0_i32 = arith.constant 0 : i32
    %c0_i32_0 = arith.constant 0 : i32
    %c0_i32_1 = arith.constant 0 : i32
    return %c0_i32, %c0_i32_0 : i32, i32
  }
  func.func @transform_6(%arg0: i32) -> (i32, i32) {
    %c0_i32 = arith.constant 0 : i32
    %c0_i32_0 = arith.constant 0 : i32
    return %arg0, %c0_i32 : i32, i32
  }
  func.func @transform_7(%arg0: i32) -> (i32, i32) {
    %c0_i32 = arith.constant 0 : i32
    %c0_i32_0 = arith.constant 0 : i32
    return %arg0, %c0_i32 : i32, i32
  }
  func.func @transform_8(%arg0: i32) -> i32 {
    %c0_i32 = arith.constant 0 : i32
    return %arg0 : i32
  }
}

module attributes {stable_mosaic.version = 14 : i64} {
  func.func @_tc_layer_body(%arg0: i32, %arg1: memref<1024x128xf32, #tpu.memory_space<vmem>>, %arg2: memref<1024x128xf32, #tpu.memory_space<vmem>>, %arg3: memref<2x1024x128xf32, #tpu.memory_space<vmem>>, %arg4: memref<1024xf32, #tpu.memory_space<vmem>>, %arg5: memref<128xf32, #tpu.memory_space<vmem>>, %arg6: memref<128x128xf32, #tpu.memory_space<vmem>>, %arg7: memref<128xf32, #tpu.memory_space<vmem>>, %arg8: memref<128x128xf32, #tpu.memory_space<vmem>>, %arg9: memref<1024x128xf32, #tpu.memory_space<vmem>>, %arg10: memref<1024x128xf32, #tpu.memory_space<vmem>>) attributes {dimension_semantics = [#tpu.dimension_semantics<arbitrary>], iteration_bounds = array<i64: 10>, scalar_prefetch = 0 : i64, scratch_operands = 0 : i64, tpu.core_type = #tpu.core_type<tc>, window_params = [{transform_indices = @transform_0, window_bounds = array<i64: 1024, 128>}, {transform_indices = @transform_1, window_bounds = array<i64: 1024, 128>}, {transform_indices = @transform_2, window_bounds = array<i64: 2, 1024, 128>}, {transform_indices = @transform_3, window_bounds = array<i64: 1024>}, {pipeline_mode = #tpu.pipeline_mode<synchronous>, transform_indices = @transform_4, window_bounds = array<i64: 128>}, {pipeline_mode = #tpu.pipeline_mode<synchronous>, transform_indices = @transform_5, window_bounds = array<i64: 128, 128>}, {pipeline_mode = #tpu.pipeline_mode<synchronous>, transform_indices = @transform_6, window_bounds = array<i64: 128>}, {pipeline_mode = #tpu.pipeline_mode<synchronous>, transform_indices = @transform_7, window_bounds = array<i64: 128, 128>}, {transform_indices = @transform_8, window_bounds = array<i64: 1024, 128>}, {transform_indices = @transform_9, window_bounds = array<i64: 1024, 128>}]} {
    %get3A = arith.constant 0 : index
    %get3A_0 = vector.load %arg4[%get3A] : memref<1024xf32, #tpu.memory_space<vmem>>, vector<1024xf32>
    %get3A_1 = arith.constant 0 : index
    %get3A_2 = arith.constant 0 : index
    %get3A_3 = vector.load %arg2[%get3A_1, %get3A_2] : memref<1024x128xf32, #tpu.memory_space<vmem>>, vector<1024x128xf32>
    %get3A_4 = arith.constant 0 : index
    %get3A_5 = arith.constant 0 : index
    %get3A_6 = arith.constant 0 : index
    %get3A_7 = vector.load %arg3[%get3A_4, %get3A_5, %get3A_6] : memref<2x1024x128xf32, #tpu.memory_space<vmem>>, vector<1x1024x128xf32>
    %get3A_8 = vector.shape_cast %get3A_7 : vector<1x1024x128xf32> to vector<1024x128xf32>
    %get3A_9 = arith.constant 1 : index
    %get3A_10 = arith.constant 0 : index
    %get3A_11 = arith.constant 0 : index
    %get3A_12 = vector.load %arg3[%get3A_9, %get3A_10, %get3A_11] : memref<2x1024x128xf32, #tpu.memory_space<vmem>>, vector<1x1024x128xf32>
    %get3A_13 = vector.shape_cast %get3A_12 : vector<1x1024x128xf32> to vector<1024x128xf32>
    %add3A = arith.addf %get3A_8, %get3A_13 : vector<1024x128xf32>
    %sub3A = arith.subf %add3A, %get3A_3 : vector<1024x128xf32>
    %broadcast_in_dim3A = vector.shape_cast %get3A_0 : vector<1024xf32> to vector<1024x1xf32>
    %mul3A = vector.broadcast %broadcast_in_dim3A : vector<1024x1xf32> to vector<1024x128xf32>
    %mul3A_14 = arith.mulf %mul3A, %sub3A : vector<1024x128xf32>
    %get3A_15 = arith.constant 0 : index
    %get3A_16 = vector.load %arg5[%get3A_15] : memref<128xf32, #tpu.memory_space<vmem>>, vector<128xf32>
    %broadcast_in_dim3A_17 = vector.shape_cast %get3A_16 : vector<128xf32> to vector<1x128xf32>
    %add3A_18 = vector.broadcast %broadcast_in_dim3A_17 : vector<1x128xf32> to vector<1024x128xf32>
    %add3A_19 = arith.addf %mul3A_14, %add3A_18 : vector<1024x128xf32>
    %get3A_20 = arith.constant 0 : index
    %get3A_21 = arith.constant 0 : index
    %get3A_22 = vector.load %arg1[%get3A_20, %get3A_21] : memref<1024x128xf32, #tpu.memory_space<vmem>>, vector<1024x128xf32>
    %add3A_23 = arith.addf %get3A_22, %add3A_19 : vector<1024x128xf32>
    %max3A = arith.constant 0.000000e+00 : f32
    %max3A_24 = vector.broadcast %max3A : f32 to vector<1024x128xf32>
    %max3A_25 = arith.maximumf %add3A_23, %max3A_24 : vector<1024x128xf32>
    %reduce_sum3A = arith.constant dense<0.000000e+00> : vector<1024xf32>
    %reduce_sum3A_26 = vector.multi_reduction <add>, %max3A_25, %reduce_sum3A [1] : vector<1024x128xf32> to vector<1024xf32>
    %broadcast_in_dim3A_27 = vector.shape_cast %reduce_sum3A_26 : vector<1024xf32> to vector<1024x1xf32>
    %div3A = arith.constant 1.280000e+02 : f32
    %div3A_28 = vector.broadcast %div3A : f32 to vector<1024x1xf32>
    %div3A_29 = arith.divf %broadcast_in_dim3A_27, %div3A_28 : vector<1024x1xf32>
    %sub3A_30 = vector.broadcast %div3A_29 : vector<1024x1xf32> to vector<1024x128xf32>
    %sub3A_31 = arith.subf %max3A_25, %sub3A_30 : vector<1024x128xf32>
    %mul3A_32 = arith.mulf %sub3A_31, %sub3A_31 : vector<1024x128xf32>
    %reduce_sum3A_33 = arith.constant dense<0.000000e+00> : vector<1024xf32>
    %reduce_sum3A_34 = vector.multi_reduction <add>, %mul3A_32, %reduce_sum3A_33 [1] : vector<1024x128xf32> to vector<1024xf32>
    %broadcast_in_dim3A_35 = vector.shape_cast %reduce_sum3A_34 : vector<1024xf32> to vector<1024x1xf32>
    %mul3A_36 = arith.constant 0.00787401571 : f32
    %mul3A_37 = vector.broadcast %mul3A_36 : f32 to vector<1024x1xf32>
    %mul3A_38 = arith.mulf %broadcast_in_dim3A_35, %mul3A_37 : vector<1024x1xf32>
    %sqrt3A = math.sqrt %mul3A_38 : vector<1024x1xf32>
    %add3A_39 = arith.constant 9.99999974E-6 : f32
    %add3A_40 = vector.broadcast %add3A_39 : f32 to vector<1024x1xf32>
    %add3A_41 = arith.addf %sqrt3A, %add3A_40 : vector<1024x1xf32>
    %div3A_42 = vector.broadcast %add3A_41 : vector<1024x1xf32> to vector<1024x128xf32>
    %div3A_43 = arith.divf %sub3A_31, %div3A_42 : vector<1024x128xf32>
    %get3A_44 = arith.constant 0 : index
    %get3A_45 = arith.constant 0 : index
    %get3A_46 = vector.load %arg6[%get3A_44, %get3A_45] : memref<128x128xf32, #tpu.memory_space<vmem>>, vector<128x128xf32>
    %dot_general3A = arith.constant dense<0.000000e+00> : vector<1024x128xf32>
    %dot_general3A_47 = tpu.matmul %div3A_43, %get3A_46, %dot_general3A {dimension_numbers = #tpu.dot_dimension_numbers<[1], [0], [0], [1], [0, 0, 1, 1], [], []>, transpose_lhs_hint = false} : vector<1024x128xf32>, vector<128x128xf32>, vector<1024x128xf32> -> vector<1024x128xf32>
    %get3A_48 = arith.constant 0 : index
    %get3A_49 = vector.load %arg7[%get3A_48] : memref<128xf32, #tpu.memory_space<vmem>>, vector<128xf32>
    %broadcast_in_dim3A_50 = vector.shape_cast %get3A_49 : vector<128xf32> to vector<1x128xf32>
    %add3A_51 = vector.broadcast %broadcast_in_dim3A_50 : vector<1x128xf32> to vector<1024x128xf32>
    %add3A_52 = arith.addf %dot_general3A_47, %add3A_51 : vector<1024x128xf32>
    %swap3A = arith.constant 0 : index
    %swap3A_53 = arith.constant 0 : index
    %swap3A_54 = vector.load %arg9[%swap3A, %swap3A_53] : memref<1024x128xf32, #tpu.memory_space<vmem>>, vector<1024x128xf32>
    tpu.vector_store %arg9[%swap3A, %swap3A_53], %add3A_52 {strides = array<i32>} : memref<1024x128xf32, #tpu.memory_space<vmem>>, vector<1024x128xf32>,
    %broadcast_in_dim3A_55 = vector.shape_cast %get3A_0 : vector<1024xf32> to vector<1024x1xf32>
    %get3A_56 = arith.constant 0 : index
    %get3A_57 = arith.constant 0 : index
    %get3A_58 = vector.load %arg8[%get3A_56, %get3A_57] : memref<128x128xf32, #tpu.memory_space<vmem>>, vector<128x128xf32>
    %dot_general3A_59 = arith.constant dense<0.000000e+00> : vector<1024x128xf32>
    %dot_general3A_60 = tpu.matmul %div3A_43, %get3A_58, %dot_general3A_59 {dimension_numbers = #tpu.dot_dimension_numbers<[1], [0], [0], [1], [0, 0, 1, 1], [], []>, transpose_lhs_hint = false} : vector<1024x128xf32>, vector<128x128xf32>, vector<1024x128xf32> -> vector<1024x128xf32>
    %mul3A_61 = vector.broadcast %broadcast_in_dim3A_55 : vector<1024x1xf32> to vector<1024x128xf32>
    %mul3A_62 = arith.mulf %mul3A_61, %dot_general3A_60 : vector<1024x128xf32>
    %swap3A_63 = arith.constant 0 : index
    %swap3A_64 = arith.constant 0 : index
    %swap3A_65 = vector.load %arg10[%swap3A_63, %swap3A_64] : memref<1024x128xf32, #tpu.memory_space<vmem>>, vector<1024x128xf32>
    tpu.vector_store %arg10[%swap3A_63, %swap3A_64], %mul3A_62 {strides = array<i32>} : memref<1024x128xf32, #tpu.memory_space<vmem>>, vector<1024x128xf32>,
    return
  }
  func.func @transform_0(%arg0: i32) -> (i32, i32) {
    %c0_i32 = arith.constant 0 : i32
    %c0_i32_0 = arith.constant 0 : i32
    return %arg0, %c0_i32 : i32, i32
  }
  func.func @transform_1(%arg0: i32) -> (i32, i32) {
    %c0_i32 = arith.constant 0 : i32
    %c0_i32_0 = arith.constant 0 : i32
    return %arg0, %c0_i32 : i32, i32
  }
  func.func @transform_2(%arg0: i32) -> (i32, i32, i32) {
    %c0_i32 = arith.constant 0 : i32
    %c0_i32_0 = arith.constant 0 : i32
    %c0_i32_1 = arith.constant 0 : i32
    return %c0_i32, %arg0, %c0_i32_0 : i32, i32, i32
  }
  func.func @transform_3(%arg0: i32) -> i32 {
    %c0_i32 = arith.constant 0 : i32
    return %arg0 : i32
  }
  func.func @transform_4(%arg0: i32) -> i32 {
    %c0_i32 = arith.constant 0 : i32
    %c0_i32_0 = arith.constant 0 : i32
    return %c0_i32 : i32
  }
  func.func @transform_5(%arg0: i32) -> (i32, i32) {
    %c0_i32 = arith.constant 0 : i32
    %c0_i32_0 = arith.constant 0 : i32
    %c0_i32_1 = arith.constant 0 : i32
    return %c0_i32, %c0_i32_0 : i32, i32
  }
  func.func @transform_6(%arg0: i32) -> i32 {
    %c0_i32 = arith.constant 0 : i32
    %c0_i32_0 = arith.constant 0 : i32
    return %c0_i32 : i32
  }
  func.func @transform_7(%arg0: i32) -> (i32, i32) {
    %c0_i32 = arith.constant 0 : i32
    %c0_i32_0 = arith.constant 0 : i32
    %c0_i32_1 = arith.constant 0 : i32
    return %c0_i32, %c0_i32_0 : i32, i32
  }
  func.func @transform_8(%arg0: i32) -> (i32, i32) {
    %c0_i32 = arith.constant 0 : i32
    %c0_i32_0 = arith.constant 0 : i32
    return %arg0, %c0_i32 : i32, i32
  }
  func.func @transform_9(%arg0: i32) -> (i32, i32) {
    %c0_i32 = arith.constant 0 : i32
    %c0_i32_0 = arith.constant 0 : i32
    return %arg0, %c0_i32 : i32, i32
  }
}

module attributes {stable_mosaic.version = 14 : i64} {
  func.func @_tc_layer_body(%arg0: i32, %arg1: memref<1024x128xf32, #tpu.memory_space<vmem>>, %arg2: memref<1024x128xf32, #tpu.memory_space<vmem>>, %arg3: memref<2x1024x128xf32, #tpu.memory_space<vmem>>, %arg4: memref<1024xf32, #tpu.memory_space<vmem>>, %arg5: memref<128xf32, #tpu.memory_space<vmem>>, %arg6: memref<128x128xf32, #tpu.memory_space<vmem>>, %arg7: memref<128xf32, #tpu.memory_space<vmem>>, %arg8: memref<128x128xf32, #tpu.memory_space<vmem>>, %arg9: memref<1024x128xf32, #tpu.memory_space<vmem>>, %arg10: memref<1024x128xf32, #tpu.memory_space<vmem>>, %arg11: memref<1024x128xf32, #tpu.memory_space<vmem>>) attributes {dimension_semantics = [#tpu.dimension_semantics<arbitrary>], iteration_bounds = array<i64: 10>, scalar_prefetch = 0 : i64, scratch_operands = 0 : i64, tpu.core_type = #tpu.core_type<tc>, window_params = [{transform_indices = @transform_0, window_bounds = array<i64: 1024, 128>}, {transform_indices = @transform_1, window_bounds = array<i64: 1024, 128>}, {transform_indices = @transform_2, window_bounds = array<i64: 2, 1024, 128>}, {transform_indices = @transform_3, window_bounds = array<i64: 1024>}, {pipeline_mode = #tpu.pipeline_mode<synchronous>, transform_indices = @transform_4, window_bounds = array<i64: 128>}, {pipeline_mode = #tpu.pipeline_mode<synchronous>, transform_indices = @transform_5, window_bounds = array<i64: 128, 128>}, {pipeline_mode = #tpu.pipeline_mode<synchronous>, transform_indices = @transform_6, window_bounds = array<i64: 128>}, {pipeline_mode = #tpu.pipeline_mode<synchronous>, transform_indices = @transform_7, window_bounds = array<i64: 128, 128>}, {transform_indices = @transform_8, window_bounds = array<i64: 1024, 128>}, {transform_indices = @transform_9, window_bounds = array<i64: 1024, 128>}, {transform_indices = @transform_10, window_bounds = array<i64: 1024, 128>}]} {
    %get3A = arith.constant 0 : index
    %get3A_0 = vector.load %arg4[%get3A] : memref<1024xf32, #tpu.memory_space<vmem>>, vector<1024xf32>
    %get3A_1 = arith.constant 0 : index
    %get3A_2 = arith.constant 0 : index
    %get3A_3 = vector.load %arg2[%get3A_1, %get3A_2] : memref<1024x128xf32, #tpu.memory_space<vmem>>, vector<1024x128xf32>
    %get3A_4 = arith.constant 0 : index
    %get3A_5 = arith.constant 0 : index
    %get3A_6 = arith.constant 0 : index
    %get3A_7 = vector.load %arg3[%get3A_4, %get3A_5, %get3A_6] : memref<2x1024x128xf32, #tpu.memory_space<vmem>>, vector<1x1024x128xf32>
    %get3A_8 = vector.shape_cast %get3A_7 : vector<1x1024x128xf32> to vector<1024x128xf32>
    %get3A_9 = arith.constant 1 : index
    %get3A_10 = arith.constant 0 : index
    %get3A_11 = arith.constant 0 : index
    %get3A_12 = vector.load %arg3[%get3A_9, %get3A_10, %get3A_11] : memref<2x1024x128xf32, #tpu.memory_space<vmem>>, vector<1x1024x128xf32>
    %get3A_13 = vector.shape_cast %get3A_12 : vector<1x1024x128xf32> to vector<1024x128xf32>
    %add3A = arith.addf %get3A_8, %get3A_13 : vector<1024x128xf32>
    %sub3A = arith.subf %add3A, %get3A_3 : vector<1024x128xf32>
    %broadcast_in_dim3A = vector.shape_cast %get3A_0 : vector<1024xf32> to vector<1024x1xf32>
    %mul3A = vector.broadcast %broadcast_in_dim3A : vector<1024x1xf32> to vector<1024x128xf32>
    %mul3A_14 = arith.mulf %mul3A, %sub3A : vector<1024x128xf32>
    %get3A_15 = arith.constant 0 : index
    %get3A_16 = vector.load %arg5[%get3A_15] : memref<128xf32, #tpu.memory_space<vmem>>, vector<128xf32>
    %broadcast_in_dim3A_17 = vector.shape_cast %get3A_16 : vector<128xf32> to vector<1x128xf32>
    %add3A_18 = vector.broadcast %broadcast_in_dim3A_17 : vector<1x128xf32> to vector<1024x128xf32>
    %add3A_19 = arith.addf %mul3A_14, %add3A_18 : vector<1024x128xf32>
    %get3A_20 = arith.constant 0 : index
    %get3A_21 = arith.constant 0 : index
    %get3A_22 = vector.load %arg1[%get3A_20, %get3A_21] : memref<1024x128xf32, #tpu.memory_space<vmem>>, vector<1024x128xf32>
    %add3A_23 = arith.addf %get3A_22, %add3A_19 : vector<1024x128xf32>
    %max3A = arith.constant 0.000000e+00 : f32
    %max3A_24 = vector.broadcast %max3A : f32 to vector<1024x128xf32>
    %max3A_25 = arith.maximumf %add3A_23, %max3A_24 : vector<1024x128xf32>
    %reduce_sum3A = arith.constant dense<0.000000e+00> : vector<1024xf32>
    %reduce_sum3A_26 = vector.multi_reduction <add>, %max3A_25, %reduce_sum3A [1] : vector<1024x128xf32> to vector<1024xf32>
    %broadcast_in_dim3A_27 = vector.shape_cast %reduce_sum3A_26 : vector<1024xf32> to vector<1024x1xf32>
    %div3A = arith.constant 1.280000e+02 : f32
    %div3A_28 = vector.broadcast %div3A : f32 to vector<1024x1xf32>
    %div3A_29 = arith.divf %broadcast_in_dim3A_27, %div3A_28 : vector<1024x1xf32>
    %sub3A_30 = vector.broadcast %div3A_29 : vector<1024x1xf32> to vector<1024x128xf32>
    %sub3A_31 = arith.subf %max3A_25, %sub3A_30 : vector<1024x128xf32>
    %mul3A_32 = arith.mulf %sub3A_31, %sub3A_31 : vector<1024x128xf32>
    %reduce_sum3A_33 = arith.constant dense<0.000000e+00> : vector<1024xf32>
    %reduce_sum3A_34 = vector.multi_reduction <add>, %mul3A_32, %reduce_sum3A_33 [1] : vector<1024x128xf32> to vector<1024xf32>
    %broadcast_in_dim3A_35 = vector.shape_cast %reduce_sum3A_34 : vector<1024xf32> to vector<1024x1xf32>
    %mul3A_36 = arith.constant 0.00787401571 : f32
    %mul3A_37 = vector.broadcast %mul3A_36 : f32 to vector<1024x1xf32>
    %mul3A_38 = arith.mulf %broadcast_in_dim3A_35, %mul3A_37 : vector<1024x1xf32>
    %sqrt3A = math.sqrt %mul3A_38 : vector<1024x1xf32>
    %add3A_39 = arith.constant 9.99999974E-6 : f32
    %add3A_40 = vector.broadcast %add3A_39 : f32 to vector<1024x1xf32>
    %add3A_41 = arith.addf %sqrt3A, %add3A_40 : vector<1024x1xf32>
    %div3A_42 = vector.broadcast %add3A_41 : vector<1024x1xf32> to vector<1024x128xf32>
    %div3A_43 = arith.divf %sub3A_31, %div3A_42 : vector<1024x128xf32>
    %get3A_44 = arith.constant 0 : index
    %get3A_45 = arith.constant 0 : index
    %get3A_46 = vector.load %arg6[%get3A_44, %get3A_45] : memref<128x128xf32, #tpu.memory_space<vmem>>, vector<128x128xf32>
    %dot_general3A = arith.constant dense<0.000000e+00> : vector<1024x128xf32>
    %dot_general3A_47 = tpu.matmul %div3A_43, %get3A_46, %dot_general3A {dimension_numbers = #tpu.dot_dimension_numbers<[1], [0], [0], [1], [0, 0, 1, 1], [], []>, transpose_lhs_hint = false} : vector<1024x128xf32>, vector<128x128xf32>, vector<1024x128xf32> -> vector<1024x128xf32>
    %get3A_48 = arith.constant 0 : index
    %get3A_49 = vector.load %arg7[%get3A_48] : memref<128xf32, #tpu.memory_space<vmem>>, vector<128xf32>
    %broadcast_in_dim3A_50 = vector.shape_cast %get3A_49 : vector<128xf32> to vector<1x128xf32>
    %add3A_51 = vector.broadcast %broadcast_in_dim3A_50 : vector<1x128xf32> to vector<1024x128xf32>
    %add3A_52 = arith.addf %dot_general3A_47, %add3A_51 : vector<1024x128xf32>
    %swap3A = arith.constant 0 : index
    %swap3A_53 = arith.constant 0 : index
    %swap3A_54 = vector.load %arg9[%swap3A, %swap3A_53] : memref<1024x128xf32, #tpu.memory_space<vmem>>, vector<1024x128xf32>
    tpu.vector_store %arg9[%swap3A, %swap3A_53], %add3A_52 {strides = array<i32>} : memref<1024x128xf32, #tpu.memory_space<vmem>>, vector<1024x128xf32>,
    %broadcast_in_dim3A_55 = vector.shape_cast %get3A_0 : vector<1024xf32> to vector<1024x1xf32>
    %get3A_56 = arith.constant 0 : index
    %get3A_57 = arith.constant 0 : index
    %get3A_58 = vector.load %arg8[%get3A_56, %get3A_57] : memref<128x128xf32, #tpu.memory_space<vmem>>, vector<128x128xf32>
    %dot_general3A_59 = arith.constant dense<0.000000e+00> : vector<1024x128xf32>
    %dot_general3A_60 = tpu.matmul %div3A_43, %get3A_58, %dot_general3A_59 {dimension_numbers = #tpu.dot_dimension_numbers<[1], [0], [0], [1], [0, 0, 1, 1], [], []>, transpose_lhs_hint = false} : vector<1024x128xf32>, vector<128x128xf32>, vector<1024x128xf32> -> vector<1024x128xf32>
    %mul3A_61 = vector.broadcast %broadcast_in_dim3A_55 : vector<1024x1xf32> to vector<1024x128xf32>
    %mul3A_62 = arith.mulf %mul3A_61, %dot_general3A_60 : vector<1024x128xf32>
    %swap3A_63 = arith.constant 0 : index
    %swap3A_64 = arith.constant 0 : index
    %swap3A_65 = vector.load %arg10[%swap3A_63, %swap3A_64] : memref<1024x128xf32, #tpu.memory_space<vmem>>, vector<1024x128xf32>
    tpu.vector_store %arg10[%swap3A_63, %swap3A_64], %mul3A_62 {strides = array<i32>} : memref<1024x128xf32, #tpu.memory_space<vmem>>, vector<1024x128xf32>,
    %swap3A_66 = arith.constant 0 : index
    %swap3A_67 = arith.constant 0 : index
    %swap3A_68 = vector.load %arg11[%swap3A_66, %swap3A_67] : memref<1024x128xf32, #tpu.memory_space<vmem>>, vector<1024x128xf32>
    tpu.vector_store %arg11[%swap3A_66, %swap3A_67], %div3A_43 {strides = array<i32>} : memref<1024x128xf32, #tpu.memory_space<vmem>>, vector<1024x128xf32>,
    return
  }
  func.func @transform_0(%arg0: i32) -> (i32, i32) {
    %c0_i32 = arith.constant 0 : i32
    %c0_i32_0 = arith.constant 0 : i32
    return %arg0, %c0_i32 : i32, i32
  }
  func.func @transform_1(%arg0: i32) -> (i32, i32) {
    %c0_i32 = arith.constant 0 : i32
    %c0_i32_0 = arith.constant 0 : i32
    return %arg0, %c0_i32 : i32, i32
  }
  func.func @transform_2(%arg0: i32) -> (i32, i32, i32) {
    %c0_i32 = arith.constant 0 : i32
    %c0_i32_0 = arith.constant 0 : i32
    %c0_i32_1 = arith.constant 0 : i32
    return %c0_i32, %arg0, %c0_i32_0 : i32, i32, i32
  }
  func.func @transform_3(%arg0: i32) -> i32 {
    %c0_i32 = arith.constant 0 : i32
    return %arg0 : i32
  }
  func.func @transform_4(%arg0: i32) -> i32 {
    %c0_i32 = arith.constant 0 : i32
    %c0_i32_0 = arith.constant 0 : i32
    return %c0_i32 : i32
  }
  func.func @transform_5(%arg0: i32) -> (i32, i32) {
    %c0_i32 = arith.constant 0 : i32
    %c0_i32_0 = arith.constant 0 : i32
    %c0_i32_1 = arith.constant 0 : i32
    return %c0_i32, %c0_i32_0 : i32, i32
  }
  func.func @transform_6(%arg0: i32) -> i32 {
    %c0_i32 = arith.constant 0 : i32
    %c0_i32_0 = arith.constant 0 : i32
    return %c0_i32 : i32
  }
  func.func @transform_7(%arg0: i32) -> (i32, i32) {
    %c0_i32 = arith.constant 0 : i32
    %c0_i32_0 = arith.constant 0 : i32
    %c0_i32_1 = arith.constant 0 : i32
    return %c0_i32, %c0_i32_0 : i32, i32
  }
  func.func @transform_8(%arg0: i32) -> (i32, i32) {
    %c0_i32 = arith.constant 0 : i32
    %c0_i32_0 = arith.constant 0 : i32
    return %arg0, %c0_i32 : i32, i32
  }
  func.func @transform_9(%arg0: i32) -> (i32, i32) {
    %c0_i32 = arith.constant 0 : i32
    %c0_i32_0 = arith.constant 0 : i32
    return %arg0, %c0_i32 : i32, i32
  }
  func.func @transform_10(%arg0: i32) -> (i32, i32) {
    %c0_i32 = arith.constant 0 : i32
    %c0_i32_0 = arith.constant 0 : i32
    return %arg0, %c0_i32 : i32, i32
  }
}

module attributes {stable_mosaic.version = 14 : i64} {
  func.func @_tc_fin_body(%arg0: i32, %arg1: memref<1024x128xf32, #tpu.memory_space<vmem>>, %arg2: memref<1024x128xf32, #tpu.memory_space<vmem>>, %arg3: memref<2x1024x128xf32, #tpu.memory_space<vmem>>, %arg4: memref<1024xf32, #tpu.memory_space<vmem>>, %arg5: memref<128xf32, #tpu.memory_space<vmem>>, %arg6: memref<1024x128xf32, #tpu.memory_space<vmem>>) attributes {dimension_semantics = [#tpu.dimension_semantics<arbitrary>], iteration_bounds = array<i64: 10>, scalar_prefetch = 0 : i64, scratch_operands = 0 : i64, tpu.core_type = #tpu.core_type<tc>, window_params = [{transform_indices = @transform_0, window_bounds = array<i64: 1024, 128>}, {transform_indices = @transform_1, window_bounds = array<i64: 1024, 128>}, {transform_indices = @transform_2, window_bounds = array<i64: 2, 1024, 128>}, {transform_indices = @transform_3, window_bounds = array<i64: 1024>}, {pipeline_mode = #tpu.pipeline_mode<synchronous>, transform_indices = @transform_4, window_bounds = array<i64: 128>}, {transform_indices = @transform_5, window_bounds = array<i64: 1024, 128>}]} {
    %get3A = arith.constant 0 : index
    %get3A_0 = arith.constant 0 : index
    %get3A_1 = arith.constant 0 : index
    %get3A_2 = vector.load %arg3[%get3A, %get3A_0, %get3A_1] : memref<2x1024x128xf32, #tpu.memory_space<vmem>>, vector<1x1024x128xf32>
    %get3A_3 = vector.shape_cast %get3A_2 : vector<1x1024x128xf32> to vector<1024x128xf32>
    %get3A_4 = arith.constant 1 : index
    %get3A_5 = arith.constant 0 : index
    %get3A_6 = arith.constant 0 : index
    %get3A_7 = vector.load %arg3[%get3A_4, %get3A_5, %get3A_6] : memref<2x1024x128xf32, #tpu.memory_space<vmem>>, vector<1x1024x128xf32>
    %get3A_8 = vector.shape_cast %get3A_7 : vector<1x1024x128xf32> to vector<1024x128xf32>
    %add3A = arith.addf %get3A_3, %get3A_8 : vector<1024x128xf32>
    %get3A_9 = arith.constant 0 : index
    %get3A_10 = arith.constant 0 : index
    %get3A_11 = vector.load %arg2[%get3A_9, %get3A_10] : memref<1024x128xf32, #tpu.memory_space<vmem>>, vector<1024x128xf32>
    %sub3A = arith.subf %add3A, %get3A_11 : vector<1024x128xf32>
    %get3A_12 = arith.constant 0 : index
    %get3A_13 = arith.constant 0 : index
    %get3A_14 = vector.load %arg1[%get3A_12, %get3A_13] : memref<1024x128xf32, #tpu.memory_space<vmem>>, vector<1024x128xf32>
    %get3A_15 = arith.constant 0 : index
    %get3A_16 = vector.load %arg4[%get3A_15] : memref<1024xf32, #tpu.memory_space<vmem>>, vector<1024xf32>
    %broadcast_in_dim3A = vector.shape_cast %get3A_16 : vector<1024xf32> to vector<1024x1xf32>
    %mul3A = vector.broadcast %broadcast_in_dim3A : vector<1024x1xf32> to vector<1024x128xf32>
    %mul3A_17 = arith.mulf %mul3A, %sub3A : vector<1024x128xf32>
    %add3A_18 = arith.addf %get3A_14, %mul3A_17 : vector<1024x128xf32>
    %get3A_19 = arith.constant 0 : index
    %get3A_20 = vector.load %arg5[%get3A_19] : memref<128xf32, #tpu.memory_space<vmem>>, vector<128xf32>
    %broadcast_in_dim3A_21 = vector.shape_cast %get3A_20 : vector<128xf32> to vector<1x128xf32>
    %add3A_22 = vector.broadcast %broadcast_in_dim3A_21 : vector<1x128xf32> to vector<1024x128xf32>
    %add3A_23 = arith.addf %add3A_18, %add3A_22 : vector<1024x128xf32>
    %swap3A = arith.constant 0 : index
    %swap3A_24 = arith.constant 0 : index
    %swap3A_25 = vector.load %arg6[%swap3A, %swap3A_24] : memref<1024x128xf32, #tpu.memory_space<vmem>>, vector<1024x128xf32>
    tpu.vector_store %arg6[%swap3A, %swap3A_24], %add3A_23 {strides = array<i32>} : memref<1024x128xf32, #tpu.memory_space<vmem>>, vector<1024x128xf32>,
    return
  }
  func.func @transform_0(%arg0: i32) -> (i32, i32) {
    %c0_i32 = arith.constant 0 : i32
    %c0_i32_0 = arith.constant 0 : i32
    return %arg0, %c0_i32 : i32, i32
  }
  func.func @transform_1(%arg0: i32) -> (i32, i32) {
    %c0_i32 = arith.constant 0 : i32
    %c0_i32_0 = arith.constant 0 : i32
    return %arg0, %c0_i32 : i32, i32
  }
  func.func @transform_2(%arg0: i32) -> (i32, i32, i32) {
    %c0_i32 = arith.constant 0 : i32
    %c0_i32_0 = arith.constant 0 : i32
    %c0_i32_1 = arith.constant 0 : i32
    return %c0_i32, %arg0, %c0_i32_0 : i32, i32, i32
  }
  func.func @transform_3(%arg0: i32) -> i32 {
    %c0_i32 = arith.constant 0 : i32
    return %arg0 : i32
  }
  func.func @transform_4(%arg0: i32) -> i32 {
    %c0_i32 = arith.constant 0 : i32
    %c0_i32_0 = arith.constant 0 : i32
    return %c0_i32 : i32
  }
  func.func @transform_5(%arg0: i32) -> (i32, i32) {
    %c0_i32 = arith.constant 0 : i32
    %c0_i32_0 = arith.constant 0 : i32
    return %arg0, %c0_i32 : i32, i32
  }
}

</mosaic_0001>

<sc_bundles>
// kernel: kernel.10.cloned.1.call-start
scs
__scs_entry_jumppad:
0x0: {  	(pc) =	sbr.rel $0x88, $3  }
0x1: {  	(tag) =	ssettag $0x0;
	lr =	simm.s32 $0x1  }
0x2: {  	[smem:$0x3F93] =	sst lr;
	_ =	strace $0xD0000000  }
0x3: {  	_ = 	snop  }
0x4: {  	_ = 	snop  }
0x5: {  	_ = 	snop  }
0x6: {  	_ = 	snop  }
0x7: {  	_ = 	snop  }
__scs_overlays_trampoline_lowered:
0x8: {  	[smem:$0x3FA2] =	sst s0  }
0x9: {  	[smem:$0x3FA3] =	sst s1  }
0xa: {  	[smem:$0x3FA4] =	sst s2  }
0xb: {  	[smem:$0x3FA5] =	sst s3  }
0xc: {  	[smem:$0x3FA6] =	sst s4  }
0xd: {  	[smem:$0x3FA7] =	sst s5  }
0xe: {  	[smem:$0x3FA8] =	sst s6  }
0xf: {  	[smem:$0x3FA9] =	sst s7  }
0x10: {  	[smem:$0x3FAA] =	sst s8  }
0x11: {  	[smem:$0x3FAB] =	sst s9;
	s0 =	simm.s32 @!p0 $0x0  }
0x12: {  	s1 =	sld [smem:$0x3F91];
	s0 =	simm.s32 @p0 $0x1  }
0x13: {  	[smem:$0x3FAC] =	sst s0;
	s0 =	simm.s32 @!p1 $0x0  }
0x14: {  	s2 =	sld [smem:$0x3F90];
	s0 =	simm.s32 @p1 $0x1  }
0x15: {  	[smem:$0x3FAD] =	sst s0;
	s0 =	simm.s32 @!p2 $0x0  }
0x16: {  	s3 =	sld [smem:$0x3FDB];
	s0 =	simm.s32 @p2 $0x1  }
0x17: {  	s4 =	simm.s32 $0x1BF5;
	[smem:$0x3FAF] =	sst s0  }
0x18: {  	s0 =	sld [smem:$0x3F92];
	_ =	swait.ge [sflag:s4], $0x0  }
0x19: {  	s7 =	sld [smem:$0x3F93]  }
0x1a: {  	s8 =	sadd.s32 $0xFFFFE003, lr  }
0x1b: {  	s9 =	sadd.s32 $0xFFFFFEF7, lr;
	s5 =	simm.s32 $0xFFFFFFFF;
	p2 =	slt.u32 s8, $0xFFFFF086  }
0x1c: {  	p1 =	slt.u32 s9, $0xF7A;
	s5 =	simm.s32 @!p2 $0x0  }
0x1d: {  	s5 =	simm.s32 @p1 $0x1;
	p0 =	seq.s32 s7, s2  }
0x1e: {  	s7 =	smul.u32 @!p0 $0xF7A, s2;
	p2 =	seq.s32 @!p0 s5, $0x0  }
0x1f: {  	s9 =	smul.u32 $0xF7A, s1;
	s8 =	simm.s32 @!p0 $0x1BF5;
	p2 =	por !p2, p0  }
0x20: {  	[sflag:s8] =	ssyncset.s32 @!p0 $0xFFFFF086;
	s6 =	sadd.s32 @!p0 s3, s7;
	s7 =	simm.s32 @!p0 $0x108  }
0x21: {  	s3 =	sadd.s32 s3, s9;
	s6 =	sadd.s32 @!p0 $0x88, s6;
	s7 =	simm.s32 @p2 $0x1082  }
0x22: {  	[simem:s7], [sflag:s8] =	dma.local @!p0 [hbm:s6], $0xF7A  }
0x23: {  	s9 =	sor.u32 $0xD0000000, s2;
	s6 =	simm.s32 $0x108;
	_ =	swait.ge @!p0 [sflag:s8], $0x0  }
0x24: {  	s3 =	sadd.s32 $0x88, s3;
	s6 =	simm.s32 @!p1 $0x1082;
	[sflag:s4] =	ssyncset.s32 $0xFFFFF086  }
0x25: {  	[simem:s6], [sflag:s4] =	dma.local [hbm:s3], $0xF7A  }
0x26: {  	[smem:$0x3F93] =	sst s1;
	(tag) =	ssettag s2;
	_ =	strace s9  }
0x27: {  	s1 =	sld [smem:$0x3FA3]  }
0x28: {  	s2 =	sld [smem:$0x3FA4]  }
0x29: {  	s4 =	sld [smem:$0x3FA6]  }
0x2a: {  	p0 =	seq.s32 s5, $0x0;
	s5 =	sld [smem:$0x3FA7]  }
0x2b: {  	s6 =	sld [smem:$0x3FA8]  }
0x2c: {  	s7 =	sld [smem:$0x3FA9]  }
0x2d: {  	s3 =	simm.s32 $0x108;
	s8 =	sld [smem:$0x3FAA]  }
0x2e: {  	s3 =	simm.s32 @!p0 $0x1082;
	s9 =	sld [smem:$0x3FAB]  }
0x2f: {  	lr =	sadd.s32 s0, s3;
	s0 =	sld [smem:$0x3FA2]  }
0x30: {  	s3 =	sld [smem:$0x3FA5]  }
0x31: {  	[smem:$0x3FAE] =	sst s10  }
0x32: {  	s10 =	sld [smem:$0x3FAC];
	_ =	sdelay $0x3  }
0x33: {  	p0 =	seq.s32 s10, $0x1;
	s10 =	sld [smem:$0x3FAE];
	_ =	sdelay $0x3  }
0x34: {  	[smem:$0x3FAE] =	sst s10  }
0x35: {  	s10 =	sld [smem:$0x3FAD];
	_ =	sdelay $0x3  }
0x36: {  	p1 =	seq.s32 s10, $0x1;
	s10 =	sld [smem:$0x3FAE];
	_ =	sdelay $0x3  }
0x37: {  	[smem:$0x3FAE] =	sst s10  }
0x38: {  	s10 =	sld [smem:$0x3FAF]  }
0x39: {  	_ = 	snop;
	(pc) =	sbr.ind lr, $3  }
0x3a: {  	_ = 	snop  }
0x3b: {  	_ = 	snop  }
0x3c: {  	p2 =	seq.s32 s10, $0x1;
	s10 =	sld [smem:$0x3FAE]  }
0x3d: {  	_ =	shalt  }
0x3e: {  	_ =	shalt  }
0x3f: {  	_ =	shalt  }
0x40: {  	_ =	shalt  }
0x41: {  	_ =	shalt  }
0x42: {  	_ =	shalt  }
0x43: {  	_ =	shalt  }
0x44: {  	_ =	shalt  }
0x45: {  	_ =	shalt  }
0x46: {  	_ =	shalt  }
0x47: {  	_ =	shalt  }
0x48: {  	_ =	shalt  }
0x49: {  	_ =	shalt  }
0x4a: {  	_ =	shalt  }
0x4b: {  	_ =	shalt  }
0x4c: {  	_ =	shalt  }
0x4d: {  	_ =	shalt  }
0x4e: {  	_ =	shalt  }
0x4f: {  	_ =	shalt  }
0x50: {  	_ =	shalt  }
0x51: {  	_ =	shalt  }
0x52: {  	_ =	shalt  }
0x53: {  	_ =	shalt  }
0x54: {  	_ =	shalt  }
0x55: {  	_ =	shalt  }
0x56: {  	_ =	shalt  }
0x57: {  	_ =	shalt  }
0x58: {  	_ =	shalt  }
0x59: {  	_ =	shalt  }
0x5a: {  	_ =	shalt  }
0x5b: {  	_ =	shalt  }
0x5c: {  	_ =	shalt  }
0x5d: {  	_ =	shalt  }
0x5e: {  	_ =	shalt  }
0x5f: {  	_ =	shalt  }
0x60: {  	_ =	shalt  }
0x61: {  	_ =	shalt  }
0x62: {  	_ =	shalt  }
0x63: {  	_ =	shalt  }
0x64: {  	_ =	shalt  }
0x65: {  	_ =	shalt  }
0x66: {  	_ =	shalt  }
0x67: {  	_ =	shalt  }
0x68: {  	_ =	shalt  }
0x69: {  	_ =	shalt  }
0x6a: {  	_ =	shalt  }
0x6b: {  	_ =	shalt  }
0x6c: {  	_ =	shalt  }
0x6d: {  	_ =	shalt  }
0x6e: {  	_ =	shalt  }
0x6f: {  	_ =	shalt  }
0x70: {  	_ =	shalt  }
0x71: {  	_ =	shalt  }
0x72: {  	_ =	shalt  }
0x73: {  	_ =	shalt  }
0x74: {  	_ =	shalt  }
0x75: {  	_ =	shalt  }
0x76: {  	_ =	shalt  }
0x77: {  	_ =	shalt  }
0x78: {  	_ =	shalt  }
0x79: {  	_ =	shalt  }
0x7a: {  	_ =	shalt  }
0x7b: {  	_ =	shalt  }
0x7c: {  	_ =	shalt  }
0x7d: {  	_ =	shalt  }
0x7e: {  	_ =	shalt  }
0x7f: {  	_ =	shalt  }
0x80: {  	_ =	shalt  }
0x81: {  	_ =	shalt  }
0x82: {  	_ =	shalt  }
0x83: {  	_ =	shalt  }
0x84: {  	_ =	shalt  }
0x85: {  	_ =	shalt  }
0x86: {  	_ =	shalt  }
0x87: {  	_ =	shalt  }
.Lfunc_end0:
.L_simem_size_0:
called_computation_lowered:
.L_overlay_start_0:
0x88: {  	s2 =	sld [smem:$0x3FD9]  }
0x89: {  	s3 =	sld [smem:$0x3FFE];
	_ =	sdelay $0x1  }
0x8a: {  	s1 =	srdreg.scid  }
0x8b: {  	s0 =	sand.u32 $0x1, s1  }
0x8c: {  	s15 =	sshll.u32 s0, $0xA;
	s2 =	sadd.s32 s3, s2  }
0x8d: {  	s2 =	sadd.s32 s2, s15  }
0x8e: {  	[smem:$0x3FBA] =	sst s2  }
0x8f: {  	_ = 	snop  }
0x90: {  	s2 =	sld [smem:$0x3FD0];
	_ =	sdelay $0x2  }
0x91: {  	s16 =	simm.s32 $0xA;
	s4 =	simm.s32 $0x10  }
0x92: {  	[smem:s4], [sflag:s16] =	dma.local [hbm:s2], $0x1  }
0x93: {  	_ =	swait.eq [sflag:s16], $0x1  }
0x94: {  	[sflag:s16] =	ssyncset.done $0x0  }
0x95: {  	s17 =	sld [smem:$0x10];
	[sflag:s16] =	ssyncadd.s32 $0xFFFFFFFF  }
0x96: {  	s18 =	sld [smem:$0x11];
	(tm) =	ssettm $0x1  }
0x97: {  	s19 =	sld [smem:$0x3FFB];
	_ =	sdelay $0x3  }
0x98: {  	_ =	strace s19  }
0x99: {  	s4 =	sld [smem:$0x3FFC];
	_ =	sdelay $0x3  }
0x9a: {  	_ =	strace s4  }
0x9b: {  	s4 =	sld [smem:$0x3FFD];
	_ =	sdelay $0x3  }
0x9c: {  	_ =	strace s4  }
0x9d: {  	_ =	strace $0x8FFFFFFF  }
0x9e: {  	s20 =	sld [smem:$0x3FDB];
	_ =	sdelay $0x1  }
0x9f: {  	s5 =	simm.s32 $_scs_section_size  }
0xa0: {  	s6 =	simm.s32 $_size__tile_overlayer_lowered;
	s7 =	simm.s32 $_tile_overlayer_lowered  }
0xa1: {  	s23 =	simm.s32 $0x1BFF;
	s22 =	sshll.u32 s7, $0x1;
	s4 =	sadd.s32 s5, s20  }
0xa2: {  	s8 =	simm.s32 $0x0;
	s21 =	sshll.u32 s6, $0x1;
	s6 =	sadd.s32 s22, s4  }
0xa3: {  	[timem:s8], [sflag:s23] =	dma.local [hbm:s6], s21  }
0xa4: {  	_ =	swait.ge [sflag:s23], s21  }
0xa5: {  	s5 =	ssub.s32 $0x0, s21;
	[sflag:s23] =	ssyncset.done $0x0  }
0xa6: {  	[sflag:s23] =	ssyncadd.s32 s5;
	_ =	sdelay $0x1  }
0xa7: {  	s24 =	simm.s32 $0x1B8B  }
0xa8: {  	_ =	swait.ge [sflag:s24], $0x1  }
0xa9: {  	[sflag:s24] =	ssyncset.done $0x0  }
0xaa: {  	s25 =	simm.s32 $0x1B8E;
	[sflag:s24] =	ssyncadd.s32 $0xFFFFFFFF  }
0xab: {  	s26 =	simm.s32 $execute0_lowered;
	[smem:$0x3FD2] =	sst s25  }
0xac: {  	s5 =	sshll.u32 s26, $0x1;
	_ =	strace $0x80000046;
	[dreg:$0x1] =	wrdreg $0xFFFFFFFF  }
0xad: {  	s28 =	simm.s32 $_size_execute0_lowered;
	s4 =	sadd.s32 s4, s5;
	[dreg:$0x0] =	wrdreg $0x0  }
0xae: {  	s5 =	sshll.u32 s28, $0x1;
	[dreg:$0x2] =	wrdreg s4  }
0xaf: {  	[dreg:$0x3] =	wrdreg s5  }
0xb0: {  	[dreg:$0x4] =	wrdreg $0xC0  }
0xb1: {  	_ =	task [dreg:s8], $0x5FFFF  }
0xb2: {  	[dreg:$0x1] =	wrdreg $0xFFFFFFFF  }
0xb3: {  	[dreg:$0x0] =	wrdreg $0x60  }
0xb4: {  	[dreg:$0x2] =	wrdreg s17  }
0xb5: {  	[dreg:$0x3] =	wrdreg s18  }
0xb6: {  	[dreg:$0x4] =	wrdreg $0x2B000  }
0xb7: {  	[dreg:$0x5] =	wrdreg $0x9  }
0xb8: {  	_ =	task.clear_ibuf [dreg:s8], $0x6FFFF;
	_ =	strace $0x90000046  }
0xb9: {  	s29 =	simm.s32 $0x9;
	_ =	strace $0x80000048  }
0xba: {  	_ =	swait.ge [sflag:s29], $0x1  }
0xbb: {  	[sflag:s29] =	ssyncadd.s32 $0xFFFFFFFF  }
0xbc: {  	_ =	strace $0x90000048  }
0xbd: {  	_ =	sfence  }
0xbe: {  	s30 =	sld [smem:$0x0];
	_ =	sdelay $0x2  }
0xbf: {  	s31 =	sshll.u32 s1, $0xD;
	s1 =	sshrl.u32 s1, $0x2  }
0xc0: {  	s3 =	sand.u32 $0x4000, s31;
	s1 =	sadd.s32 s1, s30  }
0xc1: {  	s0 =	sor.u32 s3, s0;
	s1 =	sshll.u32 s1, $0x11  }
0xc2: {  	s0 =	sor.u32 s1, s0  }
0xc3: {  	s0 =	sadd.s32 $0x8F2B, s0  }
0xc4: {  	[sflag:s0] =	ssyncadd.remote.s32 $0x1  }
0xc5: {  	_ =	sfence.sel $0xFFFF  }
0xc6: {  	[dreg:$0x0] =	wrdreg $0xFFFFFFFF;
	(pc) =	sbr.abs _section_cstart, $3  }
0xc7: {  	[dreg:$0x1] =	wrdreg $0xFFFFFFFF  }
0xc8: {  	_ =	task.clear_ibuf [dreg:s8], $0x2FFFF;
	_ =	strace $0x9FFFFFFF  }
0xc9: {  	(tm) =	ssettm $0x7FFFFFFF  }
tec
execute0_lowered:
.L_overlay_start_1:
0x0: {  	(tag) =	ssettag $0x1  }
0x1: {  	s4 =	rddreg [dreg:$0x0]  }
0x2: {  	s6 =	rddreg [dreg:$0x1]  }
0x3: {  	s1 =	rddreg [dreg:$0x2]  }
0x4: {  	s0 =	rddreg [dreg:$0x3]  }
0x5: {  	s3 =	simm.s32 $0x0;
	s5 =	srdreg.scid;
	s2 =	stileid.u32  }
0x6: {  	s12 =	simm.s32 $0x280;
	s13 =	simm.s32 $0x1;
	s14 =	simm.s32 $0x100  }
0x7: {  	s15 =	simm.s32 $0x0;
	[smem:$0x7FF] =	sst s3;
	s9 =	smul.u32 $0x500, s2  }
0x8: {  	s5 =	sand.u32 $0x1, s5;
	s8 =	sshll.u32 s2, $0x1;
	s10 =	smul.u32 $0xA00, s2  }
0x9: {  	_ =	strace $0x80000047;
	s7 =	ssub.s32 $0x2, s5;
	s8 =	sor.u32 s5, s8  }
0xa: {  	s5 =	sshll.u32 s5, $0x7;
	s11 =	sshrl.u32 s7, $0x1;
	s8 =	smul.u32 $0x500, s8  }
0xb: {  	s5 =	sor.u32 s5, s9;
	s30 =	sshrl.u32 s10, $0x2;
	s9 =	simm.s32 $0x3  }
0xc: {  	s10 =	simm.s32 $0x2;
	s7 =	ssub.s32 s7, s11;
	s31 =	sshrl.u32 s5, $0x3  }
0xd: {  	s5 =	sadd.s32 s30, s1;
	s11 =	simm.s32 $0x80;
	s4 =	sadd.s32 s4, s8  }
0xe: {  	v0 =	vimm.f32 $0.0e+00;
	v1 =	vimm.f32 $1.000000000e+00;
	s6 =	sadd.s32 s6, s31;
	s7 =	smax.u32 s7, $0x1;
	s8 =	simm.s32 $0x300  }
.LBB2_1:
0xf: {  	[tilespmem:s8], [sflag:$0x2] =	stream.linear.gather [hbm4b:s4+s3], $0x2800, $0x38;
	[tilespmem:$0x2D80] =	vst v63  }
0x10: {  	[tilespmem:$0x0] =	vst v0  }
0x11: {  	[tilespmem:$0x10] =	vst v0  }
0x12: {  	[tilespmem:$0x20] =	vst v0  }
0x13: {  	[tilespmem:$0x30] =	vst v0  }
0x14: {  	[tilespmem:$0x40] =	vst v0  }
0x15: {  	[tilespmem:$0x50] =	vst v0  }
0x16: {  	[tilespmem:$0x60] =	vst v0  }
0x17: {  	[tilespmem:$0x70] =	vst v0  }
0x18: {  	[tilespmem:$0x80] =	vst v0  }
0x19: {  	[tilespmem:$0x90] =	vst v0  }
0x1a: {  	[tilespmem:$0xA0] =	vst v0  }
0x1b: {  	[tilespmem:$0xB0] =	vst v0  }
0x1c: {  	[tilespmem:$0xC0] =	vst v0  }
0x1d: {  	[tilespmem:$0xD0] =	vst v0  }
0x1e: {  	[tilespmem:$0xE0] =	vst v0  }
0x1f: {  	[tilespmem:$0xF0] =	vst v0  }
0x20: {  	[tilespmem:$0x100] =	vst v0  }
0x21: {  	[tilespmem:$0x110] =	vst v0  }
0x22: {  	[tilespmem:$0x120] =	vst v0  }
0x23: {  	[tilespmem:$0x130] =	vst v0  }
0x24: {  	[tilespmem:$0x140] =	vst v0  }
0x25: {  	[tilespmem:$0x150] =	vst v0  }
0x26: {  	[tilespmem:$0x160] =	vst v0  }
0x27: {  	[tilespmem:$0x170] =	vst v0  }
0x28: {  	[tilespmem:$0x180] =	vst v0  }
0x29: {  	[tilespmem:$0x190] =	vst v0  }
0x2a: {  	[tilespmem:$0x1A0] =	vst v0  }
0x2b: {  	[tilespmem:$0x1B0] =	vst v0  }
0x2c: {  	[tilespmem:$0x1C0] =	vst v0  }
0x2d: {  	[tilespmem:$0x1D0] =	vst v0  }
0x2e: {  	[tilespmem:$0x1E0] =	vst v0  }
0x2f: {  	[tilespmem:$0x1F0] =	vst v0  }
0x30: {  	[tilespmem:$0x200] =	vst v0  }
0x31: {  	[tilespmem:$0x210] =	vst v0  }
0x32: {  	[tilespmem:$0x220] =	vst v0  }
0x33: {  	[tilespmem:$0x230] =	vst v0  }
0x34: {  	[tilespmem:$0x240] =	vst v0  }
0x35: {  	[tilespmem:$0x250] =	vst v0  }
0x36: {  	[tilespmem:$0x260] =	vst v0  }
0x37: {  	[tilespmem:$0x270] =	vst v0  }
0x38: {  	[tilespmem:$0x280] =	vst v1  }
0x39: {  	[tilespmem:$0x290] =	vst v1  }
0x3a: {  	[tilespmem:$0x2A0] =	vst v1  }
0x3b: {  	[tilespmem:$0x2B0] =	vst v1  }
0x3c: {  	[tilespmem:$0x2C0] =	vst v1  }
0x3d: {  	[tilespmem:$0x2D0] =	vst v1  }
0x3e: {  	[tilespmem:$0x2E0] =	vst v1  }
0x3f: {  	[tilespmem:$0x2F0] =	vst v1  }
0x40: {  	[spmem:s5] =	stream.linear.scatter [tilespmem:s3], [sflag:$0x3], $0x280, $0x38;
	[tilespmem:$0x2D80] =	vst v63  }
0x41: {  	_ =	swait.ge [sflag:s9], $0x280  }
0x42: {  	[sflag:s9] =	ssyncset.done $0x0  }
0x43: {  	[sflag:s9] =	ssyncadd.s32 $0xFFFFFD80  }
0x44: {  	_ =	swait.ge [sflag:s10], $0x2800  }
0x45: {  	[sflag:s10] =	ssyncset.done $0x0  }
0x46: {  	[sflag:s10] =	ssyncadd.s32 $0xFFFFD800  }
0x47: {  	s16 =	simm.s32 $0x300;
	[bflag:$0x0] =	sbarrier.arrive $0xFFFF  }
0x48: {  	[spmem:s1] =	stream.indirect.scatter.add.f32 [tilespmem:s12], [sflag:$0x1], $0x1, s16, s11, $0xb8;
	[tilespmem:$0x2D80] =	vst v63  }
0x49: {  	s29 =	simm.s32 $0x380  }
0x4a: {  	[spmem:s1] =	stream.indirect.scatter.add.f32 [tilespmem:s12], [sflag:$0x1], $0x1, s29, s11, $0xb8;
	[tilespmem:$0x2D80] =	vst v63  }
0x4b: {  	s30 =	simm.s32 $0x400  }
0x4c: {  	[spmem:s1] =	stream.indirect.scatter.add.f32 [tilespmem:s12], [sflag:$0x1], $0x1, s30, s11, $0xb8;
	[tilespmem:$0x2D80] =	vst v63  }
0x4d: {  	s31 =	simm.s32 $0x480  }
0x4e: {  	[spmem:s1] =	stream.indirect.scatter.add.f32 [tilespmem:s12], [sflag:$0x1], $0x1, s31, s11, $0xb8;
	[tilespmem:$0x2D80] =	vst v63  }
0x4f: {  	_ =	swait.ge [sflag:s13], $0x80  }
0x50: {  	[sflag:s13] =	ssyncset.done $0x0  }
0x51: {  	[sflag:s13] =	ssyncadd.s32 $0xFFFFFF80  }
0x52: {  	_ =	swait.ge [sflag:s13], $0x80  }
0x53: {  	[sflag:s13] =	ssyncset.done $0x0  }
0x54: {  	[sflag:s13] =	ssyncadd.s32 $0xFFFFFF80  }
0x55: {  	_ =	swait.ge [sflag:s13], $0x80  }
0x56: {  	[sflag:s13] =	ssyncset.done $0x0  }
0x57: {  	[sflag:s13] =	ssyncadd.s32 $0xFFFFFF80  }
0x58: {  	_ =	swait.ge [sflag:s13], $0x80  }
0x59: {  	s17 =	simm.s32 $0x1000;
	s16 =	simm.s32 $0x200;
	[sflag:s13] =	ssyncset.done $0x0  }
.LBB2_2:
0x5a: {  	s18 =	sadd.s32 $0x300, s16  }
0x5b: {  	[sflag:s13] =	ssyncadd.s32 $0xFFFFFF80;
	s19 =	smov.u32 s17;
	s20 =	sadd.s32 $0x800, s17  }
0x5c: {  	[spmem:s1] =	stream.indirect.scatter.add.f32 [tilespmem:s12], [sflag:$0x1], $0x1, s18, s11, $0xb8;
	[tilespmem:$0x2D80] =	vst v63  }
0x5d: {  	p0 =	sne.s32 s17, $0x9800;
	s17 =	sadd.s32 $0x380, s16  }
0x5e: {  	[spmem:s1] =	stream.indirect.scatter.add.f32 [tilespmem:s12], [sflag:$0x1], $0x1, s17, s11, $0xb8;
	[tilespmem:$0x2D80] =	vst v63  }
0x5f: {  	s17 =	sadd.s32 $0x400, s16  }
0x60: {  	[spmem:s1] =	stream.indirect.scatter.add.f32 [tilespmem:s12], [sflag:$0x1], $0x1, s17, s11, $0xb8;
	[tilespmem:$0x2D80] =	vst v63  }
0x61: {  	s16 =	sadd.s32 $0x480, s16  }
0x62: {  	[spmem:s1] =	stream.indirect.scatter.add.f32 [tilespmem:s12], [sflag:$0x1], $0x1, s16, s11, $0xb8;
	[tilespmem:$0x2D80] =	vst v63  }
0x63: {  	_ =	swait.ge [sflag:s13], $0x80  }
0x64: {  	[sflag:s13] =	ssyncset.done $0x0  }
0x65: {  	[sflag:s13] =	ssyncadd.s32 $0xFFFFFF80  }
0x66: {  	_ =	swait.ge [sflag:s13], $0x80  }
0x67: {  	[sflag:s13] =	ssyncset.done $0x0  }
0x68: {  	[sflag:s13] =	ssyncadd.s32 $0xFFFFFF80  }
.Ltmp0:
0x69: {  	_ =	swait.ge [sflag:s13], $0x80;
	(pc) =	sbr.rel @p0 .LBB2_2-.Ltmp0, $4  }
0x6a: {  	[sflag:s13] =	ssyncset.done $0x0  }
0x6b: {  	[sflag:s13] =	ssyncadd.s32 $0xFFFFFF80  }
0x6c: {  	_ =	swait.ge [sflag:s13], $0x80  }
0x6d: {  	s17 =	smov.u32 s20;
	s16 =	sshra.s32 s19, $0x2;
	[sflag:s13] =	ssyncset.done $0x0  }
0x6e: {  	s17 =	sadd.s32 $0x300, s16;
	[sflag:s13] =	ssyncadd.s32 $0xFFFFFF80  }
0x6f: {  	[spmem:s1] =	stream.indirect.scatter.add.f32 [tilespmem:s12], [sflag:$0x1], $0x1, s17, s11, $0xb8;
	[tilespmem:$0x2D80] =	vst v63  }
0x70: {  	s29 =	sadd.s32 $0x380, s16  }
0x71: {  	[spmem:s1] =	stream.indirect.scatter.add.f32 [tilespmem:s12], [sflag:$0x1], $0x1, s29, s11, $0xb8;
	[tilespmem:$0x2D80] =	vst v63  }
0x72: {  	s30 =	sadd.s32 $0x400, s16  }
0x73: {  	[spmem:s1] =	stream.indirect.scatter.add.f32 [tilespmem:s12], [sflag:$0x1], $0x1, s30, s11, $0xb8;
	[tilespmem:$0x2D80] =	vst v63  }
0x74: {  	s31 =	sadd.s32 $0x480, s16  }
0x75: {  	[spmem:s1] =	stream.indirect.scatter.add.f32 [tilespmem:s12], [sflag:$0x1], $0x1, s31, s11, $0xb8;
	[tilespmem:$0x2D80] =	vst v63  }
0x76: {  	_ =	swait.ge [sflag:s13], $0x80  }
0x77: {  	[sflag:s13] =	ssyncset.done $0x0  }
0x78: {  	[sflag:s13] =	ssyncadd.s32 $0xFFFFFF80  }
0x79: {  	_ =	swait.ge [sflag:s13], $0x80  }
0x7a: {  	[sflag:s13] =	ssyncset.done $0x0  }
0x7b: {  	[sflag:s13] =	ssyncadd.s32 $0xFFFFFF80  }
0x7c: {  	_ =	swait.ge [sflag:s13], $0x80  }
0x7d: {  	[sflag:s13] =	ssyncset.done $0x0  }
0x7e: {  	[sflag:s13] =	ssyncadd.s32 $0xFFFFFF80  }
0x7f: {  	_ =	swait.ge [sflag:s13], $0x80  }
0x80: {  	[sflag:s13] =	ssyncset.done $0x0  }
0x81: {  	[sflag:s13] =	ssyncadd.s32 $0xFFFFFF80  }
0x82: {  	[bflag:$0x0] =	sbarrier.arrive $0xFFFF  }
0x83: {  	[tilespmem:s3], [sflag:$0x3] =	stream.linear.gather [spmem:s5], $0x280, $0x38;
	[tilespmem:$0x2D80] =	vst v63  }
0x84: {  	s15 =	sadd.s32 $0x1, s15;
	_ =	swait.ge [sflag:s9], $0x280  }
0x85: {  	p0 =	sne.s32 s15, s7;
	[sflag:s9] =	ssyncset.done $0x0  }
.Ltmp1:
0x86: {  	[sflag:s9] =	ssyncadd.s32 $0xFFFFFD80;
	(pc) =	sbr.rel @p0 .LBB2_1-.Ltmp1, $4  }
0x87: {  	[hbm4b:s6+s11] =	stream.strided.scatter [tilespmem:s3], [sflag:$0x3], $0x280, s14, s11, $0x38;
	[tilespmem:$0x2D80] =	vst v63  }
0x88: {  	_ =	swait.ge [sflag:s9], $0x280  }
0x89: {  	[sflag:s9] =	ssyncset.done $0x0  }
0x8a: {  	[sflag:s9] =	ssyncadd.s32 $0xFFFFFD80  }
0x8b: {  	_ =	sfence.sel $0x180000  }
0x8c: {  	[bflag:$0x0] =	sbarrier.arrive $0xFFFF  }
0x8d: {  	p0 =	sne.s32 s2, $0x0;
	_ =	strace $0x90000047  }
0x8e: {  	s0 =	sadd.s32 @!p0 $0x100000, s0;
	[bflag:$0x2] =	sbarrier.arrive $0xFFFF  }
0x8f: {  	[sflag:s0] =	ssyncadd.tile.s32 @!p0 $0x1;
	_ =	shalt  }
.Lfunc_end2:
_tile_overlayer_lowered:
.L_overlay_start_2:
0x90: {  	(tag) =	ssettag $0x2  }
0x91: {  	s0 =	rddreg [dreg:$0x0];
	s2 =	stileid.u32  }
0x92: {  	s1 =	rddreg [dreg:$0x1];
	p0 =	sne.s32 s2, $0x0  }
0x93: {  	s3 =	rddreg [dreg:$0x2];
	[bflag:$0x3] =	sbarrier.arrive $0xFFFF;
	s2 =	simm.s32 @!p0 $0x1C03  }
0x94: {  	[timem:s3], [sflag:s2] =	dma.local @!p0 [hbm:s0], s1  }
0x95: {  	s0 =	simm.s32 @!p0 $0x3  }
0x96: {  	_ =	swait.ge @!p0 [sflag:s0], s1  }
0x97: {  	s1 =	ssub.s32 @!p0 $0x0, s1;
	[sflag:s0] =	ssyncset.done @!p0 $0x0  }
0x98: {  	[sflag:s0] =	ssyncadd.s32 @!p0 s1  }
0x99: {  	[bflag:$0x3] =	sbarrier.arrive $0xFFFF  }
0x9a: {  	_ =	shalt  }

// kernel: kernel.13.cloned.1.call-start
scs
__scs_entry_jumppad:
0x0: {  	(pc) =	sbr.rel $0x88, $3  }
0x1: {  	(tag) =	ssettag $0x0;
	lr =	simm.s32 $0x1  }
0x2: {  	[smem:$0x3F93] =	sst lr;
	_ =	strace $0xD0000000  }
0x3: {  	_ = 	snop  }
0x4: {  	_ = 	snop  }
0x5: {  	_ = 	snop  }
0x6: {  	_ = 	snop  }
0x7: {  	_ = 	snop  }
__scs_overlays_trampoline_lowered:
0x8: {  	[smem:$0x3FA2] =	sst s0  }
0x9: {  	[smem:$0x3FA3] =	sst s1  }
0xa: {  	[smem:$0x3FA4] =	sst s2  }
0xb: {  	[smem:$0x3FA5] =	sst s3  }
0xc: {  	[smem:$0x3FA6] =	sst s4  }
0xd: {  	[smem:$0x3FA7] =	sst s5  }
0xe: {  	[smem:$0x3FA8] =	sst s6  }
0xf: {  	[smem:$0x3FA9] =	sst s7  }
0x10: {  	[smem:$0x3FAA] =	sst s8  }
0x11: {  	[smem:$0x3FAB] =	sst s9;
	s0 =	simm.s32 @!p0 $0x0  }
0x12: {  	s1 =	sld [smem:$0x3F91];
	s0 =	simm.s32 @p0 $0x1  }
0x13: {  	[smem:$0x3FAC] =	sst s0;
	s0 =	simm.s32 @!p1 $0x0  }
0x14: {  	s2 =	sld [smem:$0x3F90];
	s0 =	simm.s32 @p1 $0x1  }
0x15: {  	[smem:$0x3FAD] =	sst s0;
	s0 =	simm.s32 @!p2 $0x0  }
0x16: {  	s3 =	sld [smem:$0x3FDB];
	s0 =	simm.s32 @p2 $0x1  }
0x17: {  	s4 =	simm.s32 $0x1BF5;
	[smem:$0x3FAF] =	sst s0  }
0x18: {  	s0 =	sld [smem:$0x3F92];
	_ =	swait.ge [sflag:s4], $0x0  }
0x19: {  	s7 =	sld [smem:$0x3F93]  }
0x1a: {  	s8 =	sadd.s32 $0xFFFFE003, lr  }
0x1b: {  	s9 =	sadd.s32 $0xFFFFFEF7, lr;
	s5 =	simm.s32 $0xFFFFFFFF;
	p2 =	slt.u32 s8, $0xFFFFF086  }
0x1c: {  	p1 =	slt.u32 s9, $0xF7A;
	s5 =	simm.s32 @!p2 $0x0  }
0x1d: {  	s5 =	simm.s32 @p1 $0x1;
	p0 =	seq.s32 s7, s2  }
0x1e: {  	s7 =	smul.u32 @!p0 $0xF7A, s2;
	p2 =	seq.s32 @!p0 s5, $0x0  }
0x1f: {  	s9 =	smul.u32 $0xF7A, s1;
	s8 =	simm.s32 @!p0 $0x1BF5;
	p2 =	por !p2, p0  }
0x20: {  	[sflag:s8] =	ssyncset.s32 @!p0 $0xFFFFF086;
	s6 =	sadd.s32 @!p0 s3, s7;
	s7 =	simm.s32 @!p0 $0x108  }
0x21: {  	s3 =	sadd.s32 s3, s9;
	s6 =	sadd.s32 @!p0 $0x88, s6;
	s7 =	simm.s32 @p2 $0x1082  }
0x22: {  	[simem:s7], [sflag:s8] =	dma.local @!p0 [hbm:s6], $0xF7A  }
0x23: {  	s9 =	sor.u32 $0xD0000000, s2;
	s6 =	simm.s32 $0x108;
	_ =	swait.ge @!p0 [sflag:s8], $0x0  }
0x24: {  	s3 =	sadd.s32 $0x88, s3;
	s6 =	simm.s32 @!p1 $0x1082;
	[sflag:s4] =	ssyncset.s32 $0xFFFFF086  }
0x25: {  	[simem:s6], [sflag:s4] =	dma.local [hbm:s3], $0xF7A  }
0x26: {  	[smem:$0x3F93] =	sst s1;
	(tag) =	ssettag s2;
	_ =	strace s9  }
0x27: {  	s1 =	sld [smem:$0x3FA3]  }
0x28: {  	s2 =	sld [smem:$0x3FA4]  }
0x29: {  	s4 =	sld [smem:$0x3FA6]  }
0x2a: {  	p0 =	seq.s32 s5, $0x0;
	s5 =	sld [smem:$0x3FA7]  }
0x2b: {  	s6 =	sld [smem:$0x3FA8]  }
0x2c: {  	s7 =	sld [smem:$0x3FA9]  }
0x2d: {  	s3 =	simm.s32 $0x108;
	s8 =	sld [smem:$0x3FAA]  }
0x2e: {  	s3 =	simm.s32 @!p0 $0x1082;
	s9 =	sld [smem:$0x3FAB]  }
0x2f: {  	lr =	sadd.s32 s0, s3;
	s0 =	sld [smem:$0x3FA2]  }
0x30: {  	s3 =	sld [smem:$0x3FA5]  }
0x31: {  	[smem:$0x3FAE] =	sst s10  }
0x32: {  	s10 =	sld [smem:$0x3FAC];
	_ =	sdelay $0x3  }
0x33: {  	p0 =	seq.s32 s10, $0x1;
	s10 =	sld [smem:$0x3FAE];
	_ =	sdelay $0x3  }
0x34: {  	[smem:$0x3FAE] =	sst s10  }
0x35: {  	s10 =	sld [smem:$0x3FAD];
	_ =	sdelay $0x3  }
0x36: {  	p1 =	seq.s32 s10, $0x1;
	s10 =	sld [smem:$0x3FAE];
	_ =	sdelay $0x3  }
0x37: {  	[smem:$0x3FAE] =	sst s10  }
0x38: {  	s10 =	sld [smem:$0x3FAF]  }
0x39: {  	_ = 	snop;
	(pc) =	sbr.ind lr, $3  }
0x3a: {  	_ = 	snop  }
0x3b: {  	_ = 	snop  }
0x3c: {  	p2 =	seq.s32 s10, $0x1;
	s10 =	sld [smem:$0x3FAE]  }
0x3d: {  	_ =	shalt  }
0x3e: {  	_ =	shalt  }
0x3f: {  	_ =	shalt  }
0x40: {  	_ =	shalt  }
0x41: {  	_ =	shalt  }
0x42: {  	_ =	shalt  }
0x43: {  	_ =	shalt  }
0x44: {  	_ =	shalt  }
0x45: {  	_ =	shalt  }
0x46: {  	_ =	shalt  }
0x47: {  	_ =	shalt  }
0x48: {  	_ =	shalt  }
0x49: {  	_ =	shalt  }
0x4a: {  	_ =	shalt  }
0x4b: {  	_ =	shalt  }
0x4c: {  	_ =	shalt  }
0x4d: {  	_ =	shalt  }
0x4e: {  	_ =	shalt  }
0x4f: {  	_ =	shalt  }
0x50: {  	_ =	shalt  }
0x51: {  	_ =	shalt  }
0x52: {  	_ =	shalt  }
0x53: {  	_ =	shalt  }
0x54: {  	_ =	shalt  }
0x55: {  	_ =	shalt  }
0x56: {  	_ =	shalt  }
0x57: {  	_ =	shalt  }
0x58: {  	_ =	shalt  }
0x59: {  	_ =	shalt  }
0x5a: {  	_ =	shalt  }
0x5b: {  	_ =	shalt  }
0x5c: {  	_ =	shalt  }
0x5d: {  	_ =	shalt  }
0x5e: {  	_ =	shalt  }
0x5f: {  	_ =	shalt  }
0x60: {  	_ =	shalt  }
0x61: {  	_ =	shalt  }
0x62: {  	_ =	shalt  }
0x63: {  	_ =	shalt  }
0x64: {  	_ =	shalt  }
0x65: {  	_ =	shalt  }
0x66: {  	_ =	shalt  }
0x67: {  	_ =	shalt  }
0x68: {  	_ =	shalt  }
0x69: {  	_ =	shalt  }
0x6a: {  	_ =	shalt  }
0x6b: {  	_ =	shalt  }
0x6c: {  	_ =	shalt  }
0x6d: {  	_ =	shalt  }
0x6e: {  	_ =	shalt  }
0x6f: {  	_ =	shalt  }
0x70: {  	_ =	shalt  }
0x71: {  	_ =	shalt  }
0x72: {  	_ =	shalt  }
0x73: {  	_ =	shalt  }
0x74: {  	_ =	shalt  }
0x75: {  	_ =	shalt  }
0x76: {  	_ =	shalt  }
0x77: {  	_ =	shalt  }
0x78: {  	_ =	shalt  }
0x79: {  	_ =	shalt  }
0x7a: {  	_ =	shalt  }
0x7b: {  	_ =	shalt  }
0x7c: {  	_ =	shalt  }
0x7d: {  	_ =	shalt  }
0x7e: {  	_ =	shalt  }
0x7f: {  	_ =	shalt  }
0x80: {  	_ =	shalt  }
0x81: {  	_ =	shalt  }
0x82: {  	_ =	shalt  }
0x83: {  	_ =	shalt  }
0x84: {  	_ =	shalt  }
0x85: {  	_ =	shalt  }
0x86: {  	_ =	shalt  }
0x87: {  	_ =	shalt  }
.Lfunc_end0:
.L_simem_size_0:
called_computation.1_lowered:
.L_overlay_start_0:
0x88: {  	s2 =	sld [smem:$0x3FD9]  }
0x89: {  	s3 =	sld [smem:$0x3FFE];
	_ =	sdelay $0x1  }
0x8a: {  	s1 =	srdreg.scid  }
0x8b: {  	s0 =	sand.u32 $0x1, s1  }
0x8c: {  	s14 =	sshll.u32 s0, $0xA;
	s2 =	sadd.s32 s3, s2  }
0x8d: {  	s2 =	sadd.s32 s2, s14  }
0x8e: {  	[smem:$0x3FBA] =	sst s2  }
0x8f: {  	_ = 	snop  }
0x90: {  	s2 =	sld [smem:$0x3FD0];
	_ =	sdelay $0x2  }
0x91: {  	s15 =	simm.s32 $0xA;
	s4 =	simm.s32 $0x10  }
0x92: {  	[smem:s4], [sflag:s15] =	dma.local [hbm:s2], $0x1  }
0x93: {  	_ =	swait.eq [sflag:s15], $0x1  }
0x94: {  	[sflag:s15] =	ssyncset.done $0x0  }
0x95: {  	[sflag:s15] =	ssyncadd.s32 $0xFFFFFFFF  }
0x96: {  	s16 =	sld [smem:$0x10];
	(tm) =	ssettm $0x1  }
0x97: {  	s17 =	sld [smem:$0x3FFB];
	_ =	sdelay $0x3  }
0x98: {  	_ =	strace s17  }
0x99: {  	s3 =	sld [smem:$0x3FFC];
	_ =	sdelay $0x3  }
0x9a: {  	_ =	strace s3  }
0x9b: {  	s3 =	sld [smem:$0x3FFD];
	_ =	sdelay $0x3  }
0x9c: {  	_ =	strace s3  }
0x9d: {  	_ =	strace $0x8FFFFFFF  }
0x9e: {  	s18 =	sld [smem:$0x3FDB];
	_ =	sdelay $0x1  }
0x9f: {  	s19 =	simm.s32 $_scs_section_size  }
0xa0: {  	s5 =	simm.s32 $_size__tile_overlayer_lowered;
	s6 =	simm.s32 $_tile_overlayer_lowered  }
0xa1: {  	s22 =	simm.s32 $0x1BFF;
	s21 =	sshll.u32 s6, $0x1;
	s3 =	sadd.s32 s19, s18  }
0xa2: {  	s7 =	simm.s32 $0x0;
	s20 =	sshll.u32 s5, $0x1;
	s5 =	sadd.s32 s21, s3  }
0xa3: {  	[timem:s7], [sflag:s22] =	dma.local [hbm:s5], s20  }
0xa4: {  	_ =	swait.ge [sflag:s22], s20  }
0xa5: {  	s4 =	ssub.s32 $0x0, s20;
	[sflag:s22] =	ssyncset.done $0x0  }
0xa6: {  	[sflag:s22] =	ssyncadd.s32 s4;
	_ =	sdelay $0x1  }
0xa7: {  	s23 =	simm.s32 $0x1B8B  }
0xa8: {  	_ =	swait.ge [sflag:s23], $0x1  }
0xa9: {  	[sflag:s23] =	ssyncset.done $0x0  }
0xaa: {  	s25 =	simm.s32 $0x1B8E;
	s24 =	sld [smem:$0x3FFE];
	[sflag:s23] =	ssyncadd.s32 $0xFFFFFFFF  }
0xab: {  	s26 =	simm.s32 $execute0_lowered;
	[smem:$0x3FD2] =	sst s25  }
0xac: {  	s5 =	sshll.u32 s26, $0x1;
	_ =	strace $0x80000049;
	[dreg:$0x1] =	wrdreg $0xFFFFFFFF  }
0xad: {  	s28 =	simm.s32 $_size_execute0_lowered;
	s3 =	sadd.s32 s3, s5;
	[dreg:$0x0] =	wrdreg $0x0  }
0xae: {  	s5 =	sshll.u32 s28, $0x1;
	[dreg:$0x2] =	wrdreg s3  }
0xaf: {  	[dreg:$0x3] =	wrdreg s5  }
0xb0: {  	[dreg:$0x4] =	wrdreg $0xC0  }
0xb1: {  	_ =	task [dreg:s7], $0x5FFFF  }
0xb2: {  	[dreg:$0x1] =	wrdreg $0xFFFFFFFF  }
0xb3: {  	[dreg:$0x0] =	wrdreg $0x60  }
0xb4: {  	[dreg:$0x2] =	wrdreg s24  }
0xb5: {  	[dreg:$0x3] =	wrdreg s16  }
0xb6: {  	[dreg:$0x4] =	wrdreg $0x84000  }
0xb7: {  	[dreg:$0x5] =	wrdreg $0x9  }
0xb8: {  	_ =	task.clear_ibuf [dreg:s7], $0x6FFFF;
	_ =	strace $0x90000049  }
0xb9: {  	s29 =	simm.s32 $0x9;
	_ =	strace $0x8000004B  }
0xba: {  	_ =	swait.ge [sflag:s29], $0x1  }
0xbb: {  	[sflag:s29] =	ssyncadd.s32 $0xFFFFFFFF  }
0xbc: {  	_ =	strace $0x9000004B  }
0xbd: {  	_ =	sfence  }
0xbe: {  	s30 =	sld [smem:$0x0];
	_ =	sdelay $0x2  }
0xbf: {  	s31 =	sshll.u32 s1, $0xD;
	s1 =	sshrl.u32 s1, $0x2  }
0xc0: {  	s3 =	sand.u32 $0x4000, s31;
	s1 =	sadd.s32 s1, s30  }
0xc1: {  	s0 =	sor.u32 s3, s0;
	s1 =	sshll.u32 s1, $0x11  }
0xc2: {  	s0 =	sor.u32 s1, s0  }
0xc3: {  	s0 =	sadd.s32 $0x8F2B, s0  }
0xc4: {  	[sflag:s0] =	ssyncadd.remote.s32 $0x1  }
0xc5: {  	_ =	sfence.sel $0xFFFF  }
0xc6: {  	[dreg:$0x0] =	wrdreg $0xFFFFFFFF;
	(pc) =	sbr.abs _section_cstart, $3  }
0xc7: {  	[dreg:$0x1] =	wrdreg $0xFFFFFFFF  }
0xc8: {  	_ =	task.clear_ibuf [dreg:s7], $0x2FFFF;
	_ =	strace $0x9FFFFFFF  }
0xc9: {  	(tm) =	ssettm $0x7FFFFFFF  }
tec
execute0_lowered:
.L_overlay_start_1:
0x0: {  	(tag) =	ssettag $0x1  }
0x1: {  	s0 =	rddreg [dreg:$0x0]  }
0x2: {  	s1 =	rddreg [dreg:$0x1]  }
0x3: {  	s2 =	rddreg [dreg:$0x2]  }
0x4: {  	s3 =	simm.s32 $0x0;
	s4 =	srdreg.scid;
	s22 =	stileid.u32  }
0x5: {  	s30 =	simm.s32 $0x8200;
	s31 =	simm.s32 $0x8080;
	s29 =	simm.s32 $0x8  }
0x6: {  	[smem:$0x7FF] =	sst s3;
	s5 =	sadd.s32 $0xE800, s0;
	s6 =	sadd.s32 $0x4800, s0  }
0x7: {  	s4 =	sand.u32 $0x1, s4;
	s7 =	sshll.u32 s22, $0x1;
	s9 =	smul.u32 $0x280, s22  }
0x8: {  	s0 =	sadd.s32 $0x36800, s0;
	_ =	strace $0x8000004A;
	s13 =	smul.u32 $0x140000, s4  }
0x9: {  	s8 =	ssub.s32 $0x2, s4;
	s7 =	sor.u32 s4, s7;
	s4 =	smul.u32 $0x500, s4  }
0xa: {  	s10 =	sshrl.u32 s8, $0x1;
	s7 =	smul.u32 $0x500, s7;
	s11 =	sadd.s32 $0x80, s9  }
0xb: {  	s12 =	sadd.s32 $0x100, s9;
	s14 =	sadd.s32 $0x180, s9;
	s9 =	sadd.s32 $0x200, s9  }
0xc: {  	s8 =	ssub.s32 s8, s10;
	s10 =	smul.u32 $0x14000, s22;
	s15 =	sshll.u32 s11, $0x7  }
0xd: {  	s16 =	sshll.u32 s12, $0x7;
	s17 =	sshll.u32 s14, $0x7;
	s20 =	sshll.u32 s9, $0x7  }
0xe: {  	s19 =	sadd.s32 s13, s15;
	s23 =	sadd.s32 s13, s16;
	s24 =	sadd.s32 s13, s17  }
0xf: {  	s26 =	sadd.s32 s6, s7;
	s28 =	sadd.s32 s1, s7;
	s18 =	sadd.s32 s10, s13  }
0x10: {  	s19 =	sshrl.u32 s19, $0x3;
	s13 =	sadd.s32 s13, s20;
	[dreg:$0x9] =	wrdreg s26  }
0x11: {  	[dreg:$0xa] =	wrdreg s28;
	s26 =	sshll.u32 s9, $0x4;
	s20 =	sadd.s32 s20, s2  }
0x12: {  	s28 =	smax.u32 s8, $0x1;
	s9 =	simm.s32 $0x80;
	s8 =	simm.s32 $0x0  }
0x13: {  	s18 =	sshrl.u32 s18, $0x3;
	s21 =	sadd.s32 s0, s19;
	s19 =	sshrl.u32 s24, $0x3  }
0x14: {  	s13 =	sshrl.u32 s13, $0x3;
	s24 =	sshll.u32 s12, $0x4;
	[dreg:$0x17] =	wrdreg s28  }
0x15: {  	s12 =	simm.s32 $0x4;
	[dreg:$0x16] =	wrdreg s20;
	s18 =	sadd.s32 s0, s18  }
0x16: {  	[dreg:$0x5] =	wrdreg s21;
	s21 =	smul.u32 $0xA00, s22;
	s25 =	sadd.s32 s0, s19  }
0x17: {  	s19 =	sshrl.u32 s10, $0x3;
	s10 =	simm.s32 $0x8100;
	[dreg:$0x4] =	wrdreg s18  }
0x18: {  	s18 =	sshrl.u32 s23, $0x3;
	[dreg:$0x7] =	wrdreg s25;
	s25 =	sshll.u32 s14, $0x4  }
0x19: {  	s14 =	simm.s32 $0x1;
	s18 =	sadd.s32 s0, s18;
	s0 =	sadd.s32 s0, s13  }
0x1a: {  	s13 =	sadd.s32 s4, s21;
	s4 =	sor.u32 $0x10, s7;
	[dreg:$0x6] =	wrdreg s18  }
0x1b: {  	[dreg:$0x8] =	wrdreg s0;
	s18 =	smul.u32 $0x50000, s22;
	s7 =	sadd.s32 s6, s4  }
0x1c: {  	s0 =	sadd.s32 s1, s4;
	s22 =	sshll.u32 s11, $0x4;
	[dreg:$0xb] =	wrdreg s7  }
0x1d: {  	s11 =	simm.s32 $0x8300;
	[dreg:$0xc] =	wrdreg s0;
	s0 =	sadd.s32 s5, s19  }
0x1e: {  	s23 =	sadd.s32 s5, s22;
	s22 =	sadd.s32 s15, s2;
	[dreg:$0xd] =	wrdreg s0  }
0x1f: {  	s7 =	simm.s32 $0x4000;
	s15 =	simm.s32 $0x7;
	[dreg:$0xf] =	wrdreg s23  }
0x20: {  	s19 =	simm.s32 $0x5;
	s0 =	sadd.s32 s5, s24;
	[dreg:$0x10] =	wrdreg s22  }
0x21: {  	s21 =	sshrl.u32 s18, $0x2;
	s24 =	sadd.s32 s16, s2;
	[dreg:$0x11] =	wrdreg s0  }
0x22: {  	s16 =	simm.s32 $0x8180;
	s0 =	sadd.s32 s5, s25;
	[dreg:$0x12] =	wrdreg s24  }
0x23: {  	s23 =	simm.s32 $0x6;
	s18 =	sadd.s32 s21, s2;
	[dreg:$0x13] =	wrdreg s0  }
0x24: {  	s25 =	sadd.s32 s17, s2;
	s17 =	simm.s32 $0x8380;
	[dreg:$0xe] =	wrdreg s18  }
0x25: {  	s21 =	simm.s32 $0x2;
	s0 =	sadd.s32 s5, s26;
	[dreg:$0x14] =	wrdreg s25  }
0x26: {  	s26 =	simm.s32 $0x9;
	[dreg:$0x15] =	wrdreg s0;
	s0 =	simm.s32 $0x8280  }
.LBB2_1:
0x27: {  	[dreg:$0x18] =	wrdreg s8  }
0x28: {  	s4 =	rddreg [dreg:$0x9];
	s8 =	simm.s32 $0x8000  }
0x29: {  	[tilespmem:s8], [sflag:$0x3] =	stream.linear.gather [hbm4b:s4+s3], $0x80, $0x38;
	[tilespmem:$0x1C400] =	vst v63  }
0x2a: {  	s4 =	rddreg [dreg:$0xa]  }
0x2b: {  	[tilespmem:s30], [sflag:$0x3] =	stream.linear.gather [hbm4b:s4+s3], $0x80, $0x38;
	[tilespmem:$0x1C400] =	vst v63  }
0x2c: {  	s4 =	rddreg [dreg:$0xb]  }
0x2d: {  	[tilespmem:s31], [sflag:$0x4] =	stream.linear.gather [hbm4b:s4+s3], $0x80, $0x38;
	[tilespmem:$0x1C400] =	vst v63  }
0x2e: {  	s4 =	rddreg [dreg:$0xc]  }
0x2f: {  	[tilespmem:s0], [sflag:$0x4] =	stream.linear.gather [hbm4b:s4+s3], $0x80, $0x38;
	[tilespmem:$0x1C400] =	vst v63  }
0x30: {  	s4 =	rddreg [dreg:$0xd]  }
0x31: {  	[tilespmem:s3], [sflag:$0x9] =	stream.linear.gather [hbm4b:s4+s3], $0x4000, $0x38;
	[tilespmem:$0x1C400] =	vst v63  }
0x32: {  	_ =	swait.ge [sflag:s26], $0x4000  }
0x33: {  	[sflag:s26] =	ssyncset.done $0x0  }
0x34: {  	[sflag:s26] =	ssyncadd.s32 $0xFFFFC000  }
0x35: {  	[spmem:s18] =	stream.linear.scatter [tilespmem:s3], [sflag:$0x9], $0x4000, $0x38;
	[tilespmem:$0x1C400] =	vst v63  }
0x36: {  	_ =	swait.ge [sflag:s26], $0x4000  }
0x37: {  	[sflag:s26] =	ssyncset.done $0x0  }
0x38: {  	s18 =	rddreg [dreg:$0xf];
	[sflag:s26] =	ssyncadd.s32 $0xFFFFC000  }
0x39: {  	[tilespmem:s7], [sflag:$0x9] =	stream.linear.gather [hbm4b:s18+s3], $0x4000, $0x38;
	[tilespmem:$0x1C400] =	vst v63  }
0x3a: {  	_ =	swait.ge [sflag:s26], $0x4000  }
0x3b: {  	[sflag:s26] =	ssyncset.done $0x0  }
0x3c: {  	[sflag:s26] =	ssyncadd.s32 $0xFFFFC000  }
0x3d: {  	[spmem:s22] =	stream.linear.scatter [tilespmem:s7], [sflag:$0x9], $0x4000, $0x38;
	[tilespmem:$0x1C400] =	vst v63  }
0x3e: {  	_ =	swait.ge [sflag:s26], $0x4000  }
0x3f: {  	[sflag:s26] =	ssyncset.done $0x0  }
0x40: {  	s22 =	rddreg [dreg:$0x11];
	[sflag:s26] =	ssyncadd.s32 $0xFFFFC000  }
0x41: {  	[tilespmem:s3], [sflag:$0x9] =	stream.linear.gather [hbm4b:s22+s3], $0x4000, $0x38;
	[tilespmem:$0x1C400] =	vst v63  }
0x42: {  	_ =	swait.ge [sflag:s26], $0x4000  }
0x43: {  	[sflag:s26] =	ssyncset.done $0x0  }
0x44: {  	[sflag:s26] =	ssyncadd.s32 $0xFFFFC000  }
0x45: {  	[spmem:s24] =	stream.linear.scatter [tilespmem:s3], [sflag:$0x9], $0x4000, $0x38;
	[tilespmem:$0x1C400] =	vst v63  }
0x46: {  	_ =	swait.ge [sflag:s26], $0x4000  }
0x47: {  	[sflag:s26] =	ssyncset.done $0x0  }
0x48: {  	s18 =	rddreg [dreg:$0x13];
	[sflag:s26] =	ssyncadd.s32 $0xFFFFC000  }
0x49: {  	[tilespmem:s7], [sflag:$0x9] =	stream.linear.gather [hbm4b:s18+s3], $0x4000, $0x38;
	[tilespmem:$0x1C400] =	vst v63  }
0x4a: {  	_ =	swait.ge [sflag:s26], $0x4000  }
0x4b: {  	[sflag:s26] =	ssyncset.done $0x0  }
0x4c: {  	[sflag:s26] =	ssyncadd.s32 $0xFFFFC000  }
0x4d: {  	[spmem:s25] =	stream.linear.scatter [tilespmem:s7], [sflag:$0x9], $0x4000, $0x38;
	[tilespmem:$0x1C400] =	vst v63  }
0x4e: {  	_ =	swait.ge [sflag:s26], $0x4000  }
0x4f: {  	[sflag:s26] =	ssyncset.done $0x0  }
0x50: {  	s22 =	rddreg [dreg:$0x15];
	[sflag:s26] =	ssyncadd.s32 $0xFFFFC000  }
0x51: {  	[tilespmem:s3], [sflag:$0x9] =	stream.linear.gather [hbm4b:s22+s3], $0x4000, $0x38;
	[tilespmem:$0x1C400] =	vst v63  }
0x52: {  	_ =	swait.ge [sflag:s26], $0x4000  }
0x53: {  	[sflag:s26] =	ssyncset.done $0x0  }
0x54: {  	[sflag:s26] =	ssyncadd.s32 $0xFFFFC000  }
0x55: {  	[spmem:s20] =	stream.linear.scatter [tilespmem:s3], [sflag:$0x9], $0x4000, $0x38;
	[tilespmem:$0x1C400] =	vst v63  }
0x56: {  	_ =	swait.ge [sflag:s26], $0x4000  }
0x57: {  	[sflag:s26] =	ssyncset.done $0x0  }
0x58: {  	s24 =	simm.s32 $0x3;
	[sflag:s26] =	ssyncadd.s32 $0xFFFFC000  }
0x59: {  	_ =	swait.ge [sflag:s24], $0x80  }
0x5a: {  	[sflag:s24] =	ssyncset.done $0x0  }
0x5b: {  	[sflag:s24] =	ssyncadd.s32 $0xFFFFFF80  }
0x5c: {  	_ =	swait.ge [sflag:s24], $0x80  }
0x5d: {  	[sflag:s24] =	ssyncset.done $0x0  }
0x5e: {  	[sflag:s24] =	ssyncadd.s32 $0xFFFFFF80  }
0x5f: {  	p0 =	por $0x1, $0x1;
	s25 =	sadd.s32 $0x0, s13;
	[bflag:$0x0] =	sbarrier.arrive $0xFFFF  }
0x60: {  	[tilespmem:s3], [sflag:$0x1] =	stream.indirect.gather [hbm4b:s5+s9], $0x80, s8, s9, $0xb8;
	[tilespmem:$0x1C400] =	vst v63  }
0x61: {  	s20 =	simm.s32 @!p0 $0x8;
	s26 =	sand.u32 $0x40, s3;
	s8 =	sand.u32 $0xFFFFF80, s25  }
0x62: {  	s8 =	sor.u32 s8, s26;
	_ =	swait.ge @!p0 [sflag:s20], $0x4000  }
0x63: {  	s18 =	sor.u32 $0x20, s8;
	[sflag:s20] =	ssyncset.done @!p0 $0x0  }
0x64: {  	s4 =	sadd.s32 s6, s18;
	[sflag:s20] =	ssyncadd.s32 @!p0 $0xFFFFC000  }
0x65: {  	[tilespmem:s10], [sflag:$0x5] =	stream.linear.gather [hbm4b:s4+s3], $0x80, $0x38;
	[tilespmem:$0x1C400] =	vst v63  }
0x66: {  	s18 =	sadd.s32 s1, s18  }
0x67: {  	[tilespmem:s11], [sflag:$0x5] =	stream.linear.gather [hbm4b:s18+s3], $0x80, $0x38;
	[tilespmem:$0x1C400] =	vst v63  }
0x68: {  	_ =	swait.ge [sflag:s12], $0x80  }
0x69: {  	[sflag:s12] =	ssyncset.done $0x0  }
0x6a: {  	[sflag:s12] =	ssyncadd.s32 $0xFFFFFF80  }
0x6b: {  	_ =	swait.ge [sflag:s12], $0x80  }
0x6c: {  	[sflag:s12] =	ssyncset.done $0x0  }
0x6d: {  	[sflag:s12] =	ssyncadd.s32 $0xFFFFFF80  }
0x6e: {  	[tilespmem:s7], [sflag:$0x2] =	stream.indirect.gather [hbm4b:s5+s9], $0x80, s31, s9, $0xb8;
	[tilespmem:$0x1C400] =	vst v63  }
0x6f: {  	_ =	swait.ge [sflag:s14], $0x4000  }
0x70: {  	[sflag:s14] =	ssyncset.done $0x0  }
0x71: {  	[sflag:s14] =	ssyncadd.s32 $0xFFFFC000  }
0x72: {  	[spmem:s2] =	stream.indirect.scatter.add.f32 [tilespmem:s3], [sflag:$0x7], $0x80, s30, s9, $0xb8;
	[tilespmem:$0x1C400] =	vst v63  }
0x73: {  	_ =	swait.ge [sflag:s15], $0x4000  }
0x74: {  	s8 =	sor.u32 $0x30, s8;
	[sflag:s15] =	ssyncset.done $0x0  }
0x75: {  	s24 =	sadd.s32 s6, s8;
	[sflag:s15] =	ssyncadd.s32 $0xFFFFC000  }
0x76: {  	[tilespmem:s16], [sflag:$0x6] =	stream.linear.gather [hbm4b:s24+s3], $0x80, $0x38;
	[tilespmem:$0x1C400] =	vst v63  }
0x77: {  	s8 =	sadd.s32 s1, s8  }
0x78: {  	[tilespmem:s17], [sflag:$0x6] =	stream.linear.gather [hbm4b:s8+s3], $0x80, $0x38;
	[tilespmem:$0x1C400] =	vst v63  }
0x79: {  	_ =	swait.ge [sflag:s19], $0x80  }
0x7a: {  	[sflag:s19] =	ssyncset.done $0x0  }
0x7b: {  	[sflag:s19] =	ssyncadd.s32 $0xFFFFFF80  }
0x7c: {  	_ =	swait.ge [sflag:s19], $0x80  }
0x7d: {  	[sflag:s19] =	ssyncset.done $0x0  }
0x7e: {  	[sflag:s19] =	ssyncadd.s32 $0xFFFFFF80  }
0x7f: {  	[tilespmem:s3], [sflag:$0x1] =	stream.indirect.gather [hbm4b:s5+s9], $0x80, s10, s9, $0xb8;
	[tilespmem:$0x1C400] =	vst v63  }
0x80: {  	p1 =	por $0x0, $0x0;
	_ =	swait.ge [sflag:s21], $0x4000  }
0x81: {  	s8 =	sadd.s32 @!p1 $0x0, s13;
	[sflag:s21] =	ssyncset.done $0x0  }
0x82: {  	s18 =	sxor.u32 @!p1 $0xFFFFFFFF, s3;
	s8 =	sadd.s32 @!p1 $0x40, s8;
	[sflag:s21] =	ssyncadd.s32 $0xFFFFC000  }
0x83: {  	[spmem:s2] =	stream.indirect.scatter.add.f32 [tilespmem:s7], [sflag:$0x8], $0x80, s0, s9, $0xb8;
	[tilespmem:$0x1C400] =	vst v63  }
0x84: {  	s18 =	sand.u32 @!p1 $0x40, s18;
	s8 =	sand.u32 @!p1 $0xFFFFF80, s8;
	_ =	swait.ge [sflag:s29], $0x4000  }
0x85: {  	s22 =	simm.s32 @!p1 $0x8000;
	s8 =	sor.u32 @!p1 s18, s8;
	[sflag:s29] =	ssyncset.done $0x0  }
0x86: {  	s24 =	simm.s32 @!p1 $0x0;
	s18 =	sadd.s32 @!p1 s6, s8;
	[sflag:s29] =	ssyncadd.s32 $0xFFFFC000  }
0x87: {  	[tilespmem:s22], [sflag:$0x3] =	stream.linear.gather @!p1 [hbm4b:s18+s24], $0x80, $0x38;
	[tilespmem:$0x1C400] =	vst v63  }
0x88: {  	s8 =	sadd.s32 @!p1 s1, s8;
	s18 =	simm.s32 @!p1 $0x8200  }
0x89: {  	[tilespmem:s18], [sflag:$0x3] =	stream.linear.gather @!p1 [hbm4b:s8+s24], $0x80, $0x38;
	[tilespmem:$0x1C400] =	vst v63  }
0x8a: {  	_ =	swait.ge [sflag:s23], $0x80  }
0x8b: {  	[sflag:s23] =	ssyncset.done $0x0  }
0x8c: {  	[sflag:s23] =	ssyncadd.s32 $0xFFFFFF80  }
0x8d: {  	_ =	swait.ge [sflag:s23], $0x80  }
0x8e: {  	[sflag:s23] =	ssyncset.done $0x0  }
0x8f: {  	[sflag:s23] =	ssyncadd.s32 $0xFFFFFF80  }
0x90: {  	[tilespmem:s7], [sflag:$0x2] =	stream.indirect.gather [hbm4b:s5+s9], $0x80, s16, s9, $0xb8;
	[tilespmem:$0x1C400] =	vst v63  }
0x91: {  	_ =	swait.ge [sflag:s14], $0x4000  }
0x92: {  	[sflag:s14] =	ssyncset.done $0x0  }
0x93: {  	s8 =	simm.s32 @!p1 $0x50;
	s18 =	sadd.s32 @!p1 $0x50, s13;
	[sflag:s14] =	ssyncadd.s32 $0xFFFFC000  }
0x94: {  	[spmem:s2] =	stream.indirect.scatter.add.f32 [tilespmem:s3], [sflag:$0x7], $0x80, s11, s9, $0xb8;
	[tilespmem:$0x1C400] =	vst v63  }
0x95: {  	s8 =	sand.u32 @!p1 $0x50, s8;
	s18 =	sand.u32 @!p1 $0xFFFFF80, s18;
	_ =	swait.ge [sflag:s15], $0x4000  }
0x96: {  	s8 =	sor.u32 @!p1 s8, s18;
	[sflag:s15] =	ssyncset.done $0x0  }
0x97: {  	s20 =	simm.s32 @!p1 $0x8080;
	s18 =	sadd.s32 @!p1 s6, s8;
	[sflag:s15] =	ssyncadd.s32 $0xFFFFC000  }
0x98: {  	[tilespmem:s20], [sflag:$0x4] =	stream.linear.gather @!p1 [hbm4b:s18+s24], $0x80, $0x38;
	[tilespmem:$0x1C400] =	vst v63  }
0x99: {  	s26 =	simm.s32 @!p1 $0x3;
	s8 =	sadd.s32 @!p1 s1, s8;
	s18 =	simm.s32 @!p1 $0x8280  }
0x9a: {  	[tilespmem:s18], [sflag:$0x4] =	stream.linear.gather @!p1 [hbm4b:s8+s24], $0x80, $0x38;
	[tilespmem:$0x1C400] =	vst v63  }
0x9b: {  	_ =	swait.ge @!p1 [sflag:s26], $0x80  }
0x9c: {  	[sflag:s26] =	ssyncset.done @!p1 $0x0  }
0x9d: {  	s28 =	simm.s32 $0x40;
	[sflag:s26] =	ssyncadd.s32 @!p1 $0xFFFFFF80  }
0x9e: {  	p2 =	por $0x0, $0x0;
	s25 =	sadd.s32 $0x40, s13;
	_ =	swait.ge @!p1 [sflag:s26], $0x80  }
0x9f: {  	s20 =	simm.s32 $0x80;
	s18 =	sand.u32 $0x40, s28;
	[sflag:s26] =	ssyncset.done @!p1 $0x0  }
0xa0: {  	s8 =	sand.u32 $0xFFFFF80, s25;
	[sflag:s26] =	ssyncadd.s32 @!p1 $0xFFFFFF80;
	s26 =	simm.s32 @!p1 $0x80  }
.LBB2_2:
0xa1: {  	[tilespmem:s24], [sflag:$0x1] =	stream.indirect.gather @!p1 [hbm4b:s5+s26], $0x80, s22, s26, $0xb8;
	[tilespmem:$0x1C400] =	vst v63  }
0xa2: {  	s26 =	smov.u32 s20  }
0xa3: {  	s8 =	sor.u32 s8, s18;
	s18 =	sand.u32 $0x40, s20;
	_ =	swait.ge [sflag:s21], $0x4000  }
0xa4: {  	s22 =	sor.u32 $0x20, s8;
	s8 =	sor.u32 $0x30, s8;
	[sflag:s21] =	ssyncset.done $0x0  }
0xa5: {  	s20 =	sadd.s32 $0x40, s20;
	s24 =	simm.s32 @!p2 $0x8;
	[sflag:s21] =	ssyncadd.s32 $0xFFFFC000  }
0xa6: {  	[spmem:s2] =	stream.indirect.scatter.add.f32 [tilespmem:s7], [sflag:$0x8], $0x80, s17, s9, $0xb8;
	[tilespmem:$0x1C400] =	vst v63  }
0xa7: {  	p0 =	sne.s32 s20, $0x500;
	_ =	swait.ge @!p2 [sflag:s24], $0x4000  }
0xa8: {  	s25 =	sadd.s32 s6, s22;
	[sflag:s24] =	ssyncset.done @!p2 $0x0  }
0xa9: {  	[sflag:s24] =	ssyncadd.s32 @!p2 $0xFFFFC000  }
0xaa: {  	[tilespmem:s10], [sflag:$0x5] =	stream.linear.gather [hbm4b:s25+s3], $0x80, $0x38;
	[tilespmem:$0x1C400] =	vst v63  }
0xab: {  	s22 =	sadd.s32 s1, s22  }
0xac: {  	[tilespmem:s11], [sflag:$0x5] =	stream.linear.gather [hbm4b:s22+s3], $0x80, $0x38;
	[tilespmem:$0x1C400] =	vst v63  }
0xad: {  	_ =	swait.ge [sflag:s12], $0x80  }
0xae: {  	[sflag:s12] =	ssyncset.done $0x0  }
0xaf: {  	[sflag:s12] =	ssyncadd.s32 $0xFFFFFF80  }
0xb0: {  	_ =	swait.ge [sflag:s12], $0x80  }
0xb1: {  	[sflag:s12] =	ssyncset.done $0x0  }
0xb2: {  	[sflag:s12] =	ssyncadd.s32 $0xFFFFFF80  }
0xb3: {  	[tilespmem:s7], [sflag:$0x2] =	stream.indirect.gather [hbm4b:s5+s9], $0x80, s31, s9, $0xb8;
	[tilespmem:$0x1C400] =	vst v63  }
0xb4: {  	_ =	swait.ge [sflag:s14], $0x4000  }
0xb5: {  	[sflag:s14] =	ssyncset.done $0x0  }
0xb6: {  	[sflag:s14] =	ssyncadd.s32 $0xFFFFC000  }
0xb7: {  	[spmem:s2] =	stream.indirect.scatter.add.f32 [tilespmem:s3], [sflag:$0x7], $0x80, s30, s9, $0xb8;
	[tilespmem:$0x1C400] =	vst v63  }
0xb8: {  	_ =	swait.ge [sflag:s15], $0x4000  }
0xb9: {  	s22 =	sadd.s32 s6, s8;
	[sflag:s15] =	ssyncset.done $0x0  }
0xba: {  	[sflag:s15] =	ssyncadd.s32 $0xFFFFC000  }
0xbb: {  	[tilespmem:s16], [sflag:$0x6] =	stream.linear.gather [hbm4b:s22+s3], $0x80, $0x38;
	[tilespmem:$0x1C400] =	vst v63  }
0xbc: {  	s8 =	sadd.s32 s1, s8  }
0xbd: {  	[tilespmem:s17], [sflag:$0x6] =	stream.linear.gather [hbm4b:s8+s3], $0x80, $0x38;
	[tilespmem:$0x1C400] =	vst v63  }
0xbe: {  	_ =	swait.ge [sflag:s19], $0x80  }
0xbf: {  	[sflag:s19] =	ssyncset.done $0x0  }
0xc0: {  	[sflag:s19] =	ssyncadd.s32 $0xFFFFFF80  }
0xc1: {  	_ =	swait.ge [sflag:s19], $0x80  }
0xc2: {  	[sflag:s19] =	ssyncset.done $0x0  }
0xc3: {  	[sflag:s19] =	ssyncadd.s32 $0xFFFFFF80  }
0xc4: {  	[tilespmem:s3], [sflag:$0x1] =	stream.indirect.gather [hbm4b:s5+s9], $0x80, s10, s9, $0xb8;
	[tilespmem:$0x1C400] =	vst v63  }
0xc5: {  	p1 =	seq.s32 s28, $0x4C0;
	_ =	swait.ge [sflag:s21], $0x4000  }
0xc6: {  	s22 =	sxor.u32 @!p1 $0xFFFFFFFF, s28;
	s8 =	sadd.s32 @!p1 s28, s13;
	[sflag:s21] =	ssyncset.done $0x0  }
0xc7: {  	s24 =	sand.u32 @!p1 $0x40, s22;
	s8 =	sadd.s32 @!p1 $0x40, s8;
	[sflag:s21] =	ssyncadd.s32 $0xFFFFC000  }
0xc8: {  	[spmem:s2] =	stream.indirect.scatter.add.f32 [tilespmem:s7], [sflag:$0x8], $0x80, s0, s9, $0xb8;
	[tilespmem:$0x1C400] =	vst v63  }
0xc9: {  	s22 =	simm.s32 @!p1 $0x8000;
	s8 =	sand.u32 @!p1 $0xFFFFF80, s8;
	_ =	swait.ge [sflag:s29], $0x4000  }
0xca: {  	s8 =	sor.u32 @!p1 s24, s8;
	s24 =	simm.s32 @!p1 $0x0;
	[sflag:s29] =	ssyncset.done $0x0  }
0xcb: {  	s25 =	sadd.s32 @!p1 s6, s8;
	s8 =	sadd.s32 @!p1 s1, s8;
	[sflag:s29] =	ssyncadd.s32 $0xFFFFC000  }
0xcc: {  	[tilespmem:s22], [sflag:$0x3] =	stream.linear.gather @!p1 [hbm4b:s25+s24], $0x80, $0x38;
	[tilespmem:$0x1C400] =	vst v63  }
0xcd: {  	s4 =	sadd.s32 @!p1 $0x50, s28;
	s28 =	smov.u32 s26;
	s25 =	simm.s32 @!p1 $0x8200  }
0xce: {  	[tilespmem:s25], [sflag:$0x3] =	stream.linear.gather @!p1 [hbm4b:s8+s24], $0x80, $0x38;
	[tilespmem:$0x1C400] =	vst v63  }
0xcf: {  	s8 =	sadd.s32 @!p1 s13, s4;
	s4 =	sand.u32 @!p1 $0x50, s4;
	_ =	swait.ge [sflag:s23], $0x80  }
0xd0: {  	s8 =	sand.u32 @!p1 $0xFFFFF80, s8;
	[sflag:s23] =	ssyncset.done $0x0  }
0xd1: {  	s4 =	sor.u32 @!p1 s4, s8;
	[sflag:s23] =	ssyncadd.s32 $0xFFFFFF80  }
0xd2: {  	s8 =	sadd.s32 @!p1 s6, s4;
	s4 =	sadd.s32 @!p1 s1, s4;
	_ =	swait.ge [sflag:s23], $0x80  }
0xd3: {  	[sflag:s23] =	ssyncset.done $0x0  }
0xd4: {  	[sflag:s23] =	ssyncadd.s32 $0xFFFFFF80  }
0xd5: {  	[tilespmem:s7], [sflag:$0x2] =	stream.indirect.gather [hbm4b:s5+s9], $0x80, s16, s9, $0xb8;
	[tilespmem:$0x1C400] =	vst v63  }
0xd6: {  	_ =	swait.ge [sflag:s14], $0x4000  }
0xd7: {  	[sflag:s14] =	ssyncset.done $0x0  }
0xd8: {  	[sflag:s14] =	ssyncadd.s32 $0xFFFFC000  }
0xd9: {  	[spmem:s2] =	stream.indirect.scatter.add.f32 [tilespmem:s3], [sflag:$0x7], $0x80, s11, s9, $0xb8;
	[tilespmem:$0x1C400] =	vst v63  }
0xda: {  	_ =	swait.ge [sflag:s15], $0x4000  }
0xdb: {  	s25 =	simm.s32 @!p1 $0x8080;
	[sflag:s15] =	ssyncset.done $0x0  }
0xdc: {  	s26 =	simm.s32 @!p1 $0x8280;
	[sflag:s15] =	ssyncadd.s32 $0xFFFFC000  }
0xdd: {  	[tilespmem:s25], [sflag:$0x4] =	stream.linear.gather @!p1 [hbm4b:s8+s24], $0x80, $0x38;
	[tilespmem:$0x1C400] =	vst v63  }
0xde: {  	s25 =	simm.s32 @!p1 $0x3  }
0xdf: {  	[tilespmem:s26], [sflag:$0x4] =	stream.linear.gather @!p1 [hbm4b:s4+s24], $0x80, $0x38;
	[tilespmem:$0x1C400] =	vst v63  }
0xe0: {  	_ =	swait.ge @!p1 [sflag:s25], $0x80  }
.Ltmp0:
0xe1: {  	[sflag:s25] =	ssyncset.done @!p1 $0x0;
	(pc) =	sbr.rel @p0 .LBB2_2-.Ltmp0, $4  }
0xe2: {  	[sflag:s25] =	ssyncadd.s32 @!p1 $0xFFFFFF80  }
0xe3: {  	s26 =	simm.s32 @!p1 $0x80;
	_ =	swait.ge @!p1 [sflag:s25], $0x80  }
0xe4: {  	p2 =	seq.s32 s28, $0x0;
	s4 =	sadd.s32 s28, s13;
	[sflag:s25] =	ssyncset.done @!p1 $0x0  }
0xe5: {  	s8 =	sand.u32 $0xFFFFF80, s4;
	[sflag:s25] =	ssyncadd.s32 @!p1 $0xFFFFFF80  }
0xe6: {  	[tilespmem:s24], [sflag:$0x1] =	stream.indirect.gather @!p1 [hbm4b:s5+s26], $0x80, s22, s26, $0xb8;
	[tilespmem:$0x1C400] =	vst v63  }
0xe7: {  	_ =	swait.ge [sflag:s21], $0x4000  }
0xe8: {  	[sflag:s21] =	ssyncset.done $0x0  }
0xe9: {  	s4 =	simm.s32 @!p2 $0x8;
	[sflag:s21] =	ssyncadd.s32 $0xFFFFC000  }
0xea: {  	[spmem:s2] =	stream.indirect.scatter.add.f32 [tilespmem:s7], [sflag:$0x8], $0x80, s17, s9, $0xb8;
	[tilespmem:$0x1C400] =	vst v63  }
0xeb: {  	s8 =	sor.u32 s8, s18;
	_ =	swait.ge @!p2 [sflag:s4], $0x4000  }
0xec: {  	s18 =	sor.u32 $0x20, s8;
	[sflag:s4] =	ssyncset.done @!p2 $0x0  }
0xed: {  	s20 =	sadd.s32 s6, s18;
	[sflag:s4] =	ssyncadd.s32 @!p2 $0xFFFFC000  }
0xee: {  	[tilespmem:s10], [sflag:$0x5] =	stream.linear.gather [hbm4b:s20+s3], $0x80, $0x38;
	[tilespmem:$0x1C400] =	vst v63  }
0xef: {  	s22 =	sadd.s32 s1, s18  }
0xf0: {  	[tilespmem:s11], [sflag:$0x5] =	stream.linear.gather [hbm4b:s22+s3], $0x80, $0x38;
	[tilespmem:$0x1C400] =	vst v63  }
0xf1: {  	_ =	swait.ge [sflag:s12], $0x80  }
0xf2: {  	[sflag:s12] =	ssyncset.done $0x0  }
0xf3: {  	[sflag:s12] =	ssyncadd.s32 $0xFFFFFF80  }
0xf4: {  	_ =	swait.ge [sflag:s12], $0x80  }
0xf5: {  	[sflag:s12] =	ssyncset.done $0x0  }
0xf6: {  	[sflag:s12] =	ssyncadd.s32 $0xFFFFFF80  }
0xf7: {  	[tilespmem:s7], [sflag:$0x2] =	stream.indirect.gather [hbm4b:s5+s9], $0x80, s31, s9, $0xb8;
	[tilespmem:$0x1C400] =	vst v63  }
0xf8: {  	_ =	swait.ge [sflag:s14], $0x4000  }
0xf9: {  	[sflag:s14] =	ssyncset.done $0x0  }
0xfa: {  	[sflag:s14] =	ssyncadd.s32 $0xFFFFC000  }
0xfb: {  	[spmem:s2] =	stream.indirect.scatter.add.f32 [tilespmem:s3], [sflag:$0x7], $0x80, s30, s9, $0xb8;
	[tilespmem:$0x1C400] =	vst v63  }
0xfc: {  	_ =	swait.ge [sflag:s15], $0x4000  }
0xfd: {  	s24 =	sor.u32 $0x30, s8;
	[sflag:s15] =	ssyncset.done $0x0  }
0xfe: {  	s8 =	sadd.s32 s6, s24;
	[sflag:s15] =	ssyncadd.s32 $0xFFFFC000  }
0xff: {  	[tilespmem:s16], [sflag:$0x6] =	stream.linear.gather [hbm4b:s8+s3], $0x80, $0x38;
	[tilespmem:$0x1C400] =	vst v63  }
0x100: {  	s4 =	sadd.s32 s1, s24  }
0x101: {  	[tilespmem:s17], [sflag:$0x6] =	stream.linear.gather [hbm4b:s4+s3], $0x80, $0x38;
	[tilespmem:$0x1C400] =	vst v63  }
0x102: {  	_ =	swait.ge [sflag:s19], $0x80  }
0x103: {  	[sflag:s19] =	ssyncset.done $0x0  }
0x104: {  	[sflag:s19] =	ssyncadd.s32 $0xFFFFFF80  }
0x105: {  	_ =	swait.ge [sflag:s19], $0x80  }
0x106: {  	[sflag:s19] =	ssyncset.done $0x0  }
0x107: {  	[sflag:s19] =	ssyncadd.s32 $0xFFFFFF80  }
0x108: {  	[tilespmem:s3], [sflag:$0x1] =	stream.indirect.gather [hbm4b:s5+s9], $0x80, s10, s9, $0xb8;
	[tilespmem:$0x1C400] =	vst v63  }
0x109: {  	p0 =	seq.s32 s28, $0x4C0;
	_ =	swait.ge [sflag:s21], $0x4000  }
0x10a: {  	s4 =	sadd.s32 @!p0 s28, s13;
	[sflag:s21] =	ssyncset.done $0x0  }
0x10b: {  	s8 =	sxor.u32 @!p0 $0xFFFFFFFF, s28;
	s4 =	sadd.s32 @!p0 $0x40, s4;
	[sflag:s21] =	ssyncadd.s32 $0xFFFFC000  }
0x10c: {  	[spmem:s2] =	stream.indirect.scatter.add.f32 [tilespmem:s7], [sflag:$0x8], $0x80, s0, s9, $0xb8;
	[tilespmem:$0x1C400] =	vst v63  }
0x10d: {  	s8 =	sand.u32 @!p0 $0x40, s8;
	s4 =	sand.u32 @!p0 $0xFFFFF80, s4;
	_ =	swait.ge [sflag:s29], $0x4000  }
0x10e: {  	s18 =	simm.s32 @!p0 $0x8000;
	s4 =	sor.u32 @!p0 s8, s4;
	[sflag:s29] =	ssyncset.done $0x0  }
0x10f: {  	s8 =	simm.s32 @!p0 $0x0;
	s20 =	sadd.s32 @!p0 s6, s4;
	[sflag:s29] =	ssyncadd.s32 $0xFFFFC000  }
0x110: {  	[tilespmem:s18], [sflag:$0x3] =	stream.linear.gather @!p0 [hbm4b:s20+s8], $0x80, $0x38;
	[tilespmem:$0x1C400] =	vst v63  }
0x111: {  	s4 =	sadd.s32 @!p0 s1, s4;
	s20 =	simm.s32 @!p0 $0x8200  }
0x112: {  	[tilespmem:s20], [sflag:$0x3] =	stream.linear.gather @!p0 [hbm4b:s4+s8], $0x80, $0x38;
	[tilespmem:$0x1C400] =	vst v63  }
0x113: {  	_ =	swait.ge [sflag:s23], $0x80  }
0x114: {  	[sflag:s23] =	ssyncset.done $0x0  }
0x115: {  	[sflag:s23] =	ssyncadd.s32 $0xFFFFFF80  }
0x116: {  	_ =	swait.ge [sflag:s23], $0x80  }
0x117: {  	[sflag:s23] =	ssyncset.done $0x0  }
0x118: {  	[sflag:s23] =	ssyncadd.s32 $0xFFFFFF80  }
0x119: {  	[tilespmem:s7], [sflag:$0x2] =	stream.indirect.gather [hbm4b:s5+s9], $0x80, s16, s9, $0xb8;
	[tilespmem:$0x1C400] =	vst v63  }
0x11a: {  	_ =	swait.ge [sflag:s14], $0x4000  }
0x11b: {  	s4 =	sadd.s32 @!p0 $0x50, s28;
	[sflag:s14] =	ssyncset.done $0x0  }
0x11c: {  	s20 =	sadd.s32 @!p0 s13, s4;
	[sflag:s14] =	ssyncadd.s32 $0xFFFFC000  }
0x11d: {  	[spmem:s2] =	stream.indirect.scatter.add.f32 [tilespmem:s3], [sflag:$0x7], $0x80, s11, s9, $0xb8;
	[tilespmem:$0x1C400] =	vst v63  }
0x11e: {  	s4 =	sand.u32 @!p0 $0x50, s4;
	s20 =	sand.u32 @!p0 $0xFFFFF80, s20;
	_ =	swait.ge [sflag:s15], $0x4000  }
0x11f: {  	s4 =	sor.u32 @!p0 s4, s20;
	[sflag:s15] =	ssyncset.done $0x0  }
0x120: {  	s22 =	simm.s32 @!p0 $0x8080;
	s20 =	sadd.s32 @!p0 s6, s4;
	[sflag:s15] =	ssyncadd.s32 $0xFFFFC000  }
0x121: {  	[tilespmem:s22], [sflag:$0x4] =	stream.linear.gather @!p0 [hbm4b:s20+s8], $0x80, $0x38;
	[tilespmem:$0x1C400] =	vst v63  }
0x122: {  	s4 =	sadd.s32 @!p0 s1, s4;
	s20 =	simm.s32 @!p0 $0x8280  }
0x123: {  	[tilespmem:s20], [sflag:$0x4] =	stream.linear.gather @!p0 [hbm4b:s4+s8], $0x80, $0x38;
	[tilespmem:$0x1C400] =	vst v63  }
0x124: {  	s4 =	simm.s32 @!p0 $0x3  }
0x125: {  	_ =	swait.ge @!p0 [sflag:s4], $0x80  }
0x126: {  	[sflag:s4] =	ssyncset.done @!p0 $0x0  }
0x127: {  	[sflag:s4] =	ssyncadd.s32 @!p0 $0xFFFFFF80  }
0x128: {  	_ =	swait.ge @!p0 [sflag:s4], $0x80  }
0x129: {  	[sflag:s4] =	ssyncset.done @!p0 $0x0  }
0x12a: {  	[sflag:s4] =	ssyncadd.s32 @!p0 $0xFFFFFF80;
	s4 =	simm.s32 @!p0 $0x80  }
0x12b: {  	[tilespmem:s8], [sflag:$0x1] =	stream.indirect.gather @!p0 [hbm4b:s5+s4], $0x80, s18, s4, $0xb8;
	[tilespmem:$0x1C400] =	vst v63  }
0x12c: {  	_ =	swait.ge [sflag:s21], $0x4000  }
0x12d: {  	[sflag:s21] =	ssyncset.done $0x0  }
0x12e: {  	[sflag:s21] =	ssyncadd.s32 $0xFFFFC000  }
0x12f: {  	[spmem:s2] =	stream.indirect.scatter.add.f32 [tilespmem:s7], [sflag:$0x8], $0x80, s17, s9, $0xb8;
	[tilespmem:$0x1C400] =	vst v63  }
0x130: {  	_ =	swait.ge [sflag:s29], $0x4000  }
0x131: {  	[sflag:s29] =	ssyncset.done $0x0  }
0x132: {  	[sflag:s29] =	ssyncadd.s32 $0xFFFFC000  }
0x133: {  	[bflag:$0x0] =	sbarrier.arrive $0xFFFF  }
0x134: {  	s26 =	simm.s32 $0x9;
	s18 =	rddreg [dreg:$0xe]  }
0x135: {  	[tilespmem:s3], [sflag:$0x9] =	stream.linear.gather [spmem:s18], $0x4000, $0x38;
	[tilespmem:$0x1C400] =	vst v63  }
0x136: {  	_ =	swait.ge [sflag:s26], $0x4000  }
0x137: {  	[sflag:s26] =	ssyncset.done $0x0  }
0x138: {  	s25 =	rddreg [dreg:$0x4];
	[sflag:s26] =	ssyncadd.s32 $0xFFFFC000  }
0x139: {  	[hbm4b:s25+s3] =	stream.linear.scatter [tilespmem:s3], [sflag:$0x9], $0x4000, $0x38;
	[tilespmem:$0x1C400] =	vst v63  }
0x13a: {  	_ =	swait.ge [sflag:s26], $0x4000  }
0x13b: {  	[sflag:s26] =	ssyncset.done $0x0  }
0x13c: {  	s22 =	rddreg [dreg:$0x10];
	[sflag:s26] =	ssyncadd.s32 $0xFFFFC000  }
0x13d: {  	[tilespmem:s7], [sflag:$0x9] =	stream.linear.gather [spmem:s22], $0x4000, $0x38;
	[tilespmem:$0x1C400] =	vst v63  }
0x13e: {  	_ =	swait.ge [sflag:s26], $0x4000  }
0x13f: {  	[sflag:s26] =	ssyncset.done $0x0  }
0x140: {  	s28 =	rddreg [dreg:$0x5];
	[sflag:s26] =	ssyncadd.s32 $0xFFFFC000  }
0x141: {  	[hbm4b:s28+s3] =	stream.linear.scatter [tilespmem:s7], [sflag:$0x9], $0x4000, $0x38;
	[tilespmem:$0x1C400] =	vst v63  }
0x142: {  	_ =	swait.ge [sflag:s26], $0x4000  }
0x143: {  	[sflag:s26] =	ssyncset.done $0x0  }
0x144: {  	s24 =	rddreg [dreg:$0x12];
	[sflag:s26] =	ssyncadd.s32 $0xFFFFC000  }
0x145: {  	[tilespmem:s3], [sflag:$0x9] =	stream.linear.gather [spmem:s24], $0x4000, $0x38;
	[tilespmem:$0x1C400] =	vst v63  }
0x146: {  	_ =	swait.ge [sflag:s26], $0x4000  }
0x147: {  	[sflag:s26] =	ssyncset.done $0x0  }
0x148: {  	s8 =	rddreg [dreg:$0x6];
	[sflag:s26] =	ssyncadd.s32 $0xFFFFC000  }
0x149: {  	[hbm4b:s8+s3] =	stream.linear.scatter [tilespmem:s3], [sflag:$0x9], $0x4000, $0x38;
	[tilespmem:$0x1C400] =	vst v63  }
0x14a: {  	_ =	swait.ge [sflag:s26], $0x4000  }
0x14b: {  	[sflag:s26] =	ssyncset.done $0x0  }
0x14c: {  	s25 =	rddreg [dreg:$0x14];
	[sflag:s26] =	ssyncadd.s32 $0xFFFFC000  }
0x14d: {  	[tilespmem:s7], [sflag:$0x9] =	stream.linear.gather [spmem:s25], $0x4000, $0x38;
	[tilespmem:$0x1C400] =	vst v63  }
0x14e: {  	_ =	swait.ge [sflag:s26], $0x4000  }
0x14f: {  	[sflag:s26] =	ssyncset.done $0x0  }
0x150: {  	s20 =	rddreg [dreg:$0x7];
	[sflag:s26] =	ssyncadd.s32 $0xFFFFC000  }
0x151: {  	[hbm4b:s20+s3] =	stream.linear.scatter [tilespmem:s7], [sflag:$0x9], $0x4000, $0x38;
	[tilespmem:$0x1C400] =	vst v63  }
0x152: {  	_ =	swait.ge [sflag:s26], $0x4000  }
0x153: {  	[sflag:s26] =	ssyncset.done $0x0  }
0x154: {  	s20 =	rddreg [dreg:$0x16];
	[sflag:s26] =	ssyncadd.s32 $0xFFFFC000  }
0x155: {  	[tilespmem:s3], [sflag:$0x9] =	stream.linear.gather [spmem:s20], $0x4000, $0x38;
	[tilespmem:$0x1C400] =	vst v63  }
0x156: {  	_ =	swait.ge [sflag:s26], $0x4000  }
0x157: {  	[sflag:s26] =	ssyncset.done $0x0  }
0x158: {  	s28 =	rddreg [dreg:$0x8];
	[sflag:s26] =	ssyncadd.s32 $0xFFFFC000  }
0x159: {  	[hbm4b:s28+s3] =	stream.linear.scatter [tilespmem:s3], [sflag:$0x9], $0x4000, $0x38;
	[tilespmem:$0x1C400] =	vst v63  }
0x15a: {  	_ =	swait.ge [sflag:s26], $0x4000  }
0x15b: {  	s4 =	rddreg [dreg:$0x18]  }
0x15c: {  	s28 =	rddreg [dreg:$0x17];
	s8 =	sadd.s32 $0x1, s4  }
0x15d: {  	p0 =	sne.s32 s8, s28  }
.Ltmp1:
0x15e: {  	_ = 	snop;
	(pc) =	sbr.rel @p0 .LBB2_1-.Ltmp1, $3  }
0x15f: {  	_ =	sdelay $0x1  }
0x160: {  	[sflag:s26] =	ssyncset.done $0x0  }
0x161: {  	[sflag:s26] =	ssyncadd.s32 $0xFFFFC000  }
0x162: {  	_ =	sfence.sel $0x180000  }
0x163: {  	[bflag:$0x0] =	sbarrier.arrive $0xFFFF  }
0x164: {  	_ =	strace $0x9000004A  }
0x165: {  	s0 =	stileid.u32;
	[bflag:$0x2] =	sbarrier.arrive $0xFFFF  }
0x166: {  	p0 =	sne.s32 s0, $0x0;
	s0 =	rddreg [dreg:$0x3]  }
0x167: {  	s0 =	sadd.s32 @!p0 $0x100000, s0  }
0x168: {  	[sflag:s0] =	ssyncadd.tile.s32 @!p0 $0x1;
	_ =	shalt  }
.Lfunc_end2:
_tile_overlayer_lowered:
.L_overlay_start_2:
0x169: {  	(tag) =	ssettag $0x2  }
0x16a: {  	s0 =	rddreg [dreg:$0x0];
	s2 =	stileid.u32  }
0x16b: {  	s1 =	rddreg [dreg:$0x1];
	p0 =	sne.s32 s2, $0x0  }
0x16c: {  	s3 =	rddreg [dreg:$0x2];
	[bflag:$0x3] =	sbarrier.arrive $0xFFFF;
	s2 =	simm.s32 @!p0 $0x1C09  }
0x16d: {  	[timem:s3], [sflag:s2] =	dma.local @!p0 [hbm:s0], s1  }
0x16e: {  	s0 =	simm.s32 @!p0 $0x9  }
0x16f: {  	_ =	swait.ge @!p0 [sflag:s0], s1  }
0x170: {  	s1 =	ssub.s32 @!p0 $0x0, s1;
	[sflag:s0] =	ssyncset.done @!p0 $0x0  }
0x171: {  	[sflag:s0] =	ssyncadd.s32 @!p0 s1  }
0x172: {  	[bflag:$0x3] =	sbarrier.arrive $0xFFFF  }
0x173: {  	_ =	shalt  }

// kernel: kernel.16.cloned.1.call-start
scs
__scs_entry_jumppad:
0x0: {  	(pc) =	sbr.rel $0x88, $3  }
0x1: {  	(tag) =	ssettag $0x0;
	lr =	simm.s32 $0x1  }
0x2: {  	[smem:$0x3F93] =	sst lr;
	_ =	strace $0xD0000000  }
0x3: {  	_ = 	snop  }
0x4: {  	_ = 	snop  }
0x5: {  	_ = 	snop  }
0x6: {  	_ = 	snop  }
0x7: {  	_ = 	snop  }
__scs_overlays_trampoline_lowered:
0x8: {  	[smem:$0x3FA2] =	sst s0  }
0x9: {  	[smem:$0x3FA3] =	sst s1  }
0xa: {  	[smem:$0x3FA4] =	sst s2  }
0xb: {  	[smem:$0x3FA5] =	sst s3  }
0xc: {  	[smem:$0x3FA6] =	sst s4  }
0xd: {  	[smem:$0x3FA7] =	sst s5  }
0xe: {  	[smem:$0x3FA8] =	sst s6  }
0xf: {  	[smem:$0x3FA9] =	sst s7  }
0x10: {  	[smem:$0x3FAA] =	sst s8  }
0x11: {  	[smem:$0x3FAB] =	sst s9;
	s0 =	simm.s32 @!p0 $0x0  }
0x12: {  	s1 =	sld [smem:$0x3F91];
	s0 =	simm.s32 @p0 $0x1  }
0x13: {  	[smem:$0x3FAC] =	sst s0;
	s0 =	simm.s32 @!p1 $0x0  }
0x14: {  	s2 =	sld [smem:$0x3F90];
	s0 =	simm.s32 @p1 $0x1  }
0x15: {  	[smem:$0x3FAD] =	sst s0;
	s0 =	simm.s32 @!p2 $0x0  }
0x16: {  	s3 =	sld [smem:$0x3FDB];
	s0 =	simm.s32 @p2 $0x1  }
0x17: {  	s4 =	simm.s32 $0x1BF5;
	[smem:$0x3FAF] =	sst s0  }
0x18: {  	s0 =	sld [smem:$0x3F92];
	_ =	swait.ge [sflag:s4], $0x0  }
0x19: {  	s7 =	sld [smem:$0x3F93]  }
0x1a: {  	s8 =	sadd.s32 $0xFFFFE003, lr  }
0x1b: {  	s9 =	sadd.s32 $0xFFFFFEF7, lr;
	s5 =	simm.s32 $0xFFFFFFFF;
	p2 =	slt.u32 s8, $0xFFFFF086  }
0x1c: {  	p1 =	slt.u32 s9, $0xF7A;
	s5 =	simm.s32 @!p2 $0x0  }
0x1d: {  	s5 =	simm.s32 @p1 $0x1;
	p0 =	seq.s32 s7, s2  }
0x1e: {  	s7 =	smul.u32 @!p0 $0xF7A, s2;
	p2 =	seq.s32 @!p0 s5, $0x0  }
0x1f: {  	s9 =	smul.u32 $0xF7A, s1;
	s8 =	simm.s32 @!p0 $0x1BF5;
	p2 =	por !p2, p0  }
0x20: {  	[sflag:s8] =	ssyncset.s32 @!p0 $0xFFFFF086;
	s6 =	sadd.s32 @!p0 s3, s7;
	s7 =	simm.s32 @!p0 $0x108  }
0x21: {  	s3 =	sadd.s32 s3, s9;
	s6 =	sadd.s32 @!p0 $0x88, s6;
	s7 =	simm.s32 @p2 $0x1082  }
0x22: {  	[simem:s7], [sflag:s8] =	dma.local @!p0 [hbm:s6], $0xF7A  }
0x23: {  	s9 =	sor.u32 $0xD0000000, s2;
	s6 =	simm.s32 $0x108;
	_ =	swait.ge @!p0 [sflag:s8], $0x0  }
0x24: {  	s3 =	sadd.s32 $0x88, s3;
	s6 =	simm.s32 @!p1 $0x1082;
	[sflag:s4] =	ssyncset.s32 $0xFFFFF086  }
0x25: {  	[simem:s6], [sflag:s4] =	dma.local [hbm:s3], $0xF7A  }
0x26: {  	[smem:$0x3F93] =	sst s1;
	(tag) =	ssettag s2;
	_ =	strace s9  }
0x27: {  	s1 =	sld [smem:$0x3FA3]  }
0x28: {  	s2 =	sld [smem:$0x3FA4]  }
0x29: {  	s4 =	sld [smem:$0x3FA6]  }
0x2a: {  	p0 =	seq.s32 s5, $0x0;
	s5 =	sld [smem:$0x3FA7]  }
0x2b: {  	s6 =	sld [smem:$0x3FA8]  }
0x2c: {  	s7 =	sld [smem:$0x3FA9]  }
0x2d: {  	s3 =	simm.s32 $0x108;
	s8 =	sld [smem:$0x3FAA]  }
0x2e: {  	s3 =	simm.s32 @!p0 $0x1082;
	s9 =	sld [smem:$0x3FAB]  }
0x2f: {  	lr =	sadd.s32 s0, s3;
	s0 =	sld [smem:$0x3FA2]  }
0x30: {  	s3 =	sld [smem:$0x3FA5]  }
0x31: {  	[smem:$0x3FAE] =	sst s10  }
0x32: {  	s10 =	sld [smem:$0x3FAC];
	_ =	sdelay $0x3  }
0x33: {  	p0 =	seq.s32 s10, $0x1;
	s10 =	sld [smem:$0x3FAE];
	_ =	sdelay $0x3  }
0x34: {  	[smem:$0x3FAE] =	sst s10  }
0x35: {  	s10 =	sld [smem:$0x3FAD];
	_ =	sdelay $0x3  }
0x36: {  	p1 =	seq.s32 s10, $0x1;
	s10 =	sld [smem:$0x3FAE];
	_ =	sdelay $0x3  }
0x37: {  	[smem:$0x3FAE] =	sst s10  }
0x38: {  	s10 =	sld [smem:$0x3FAF]  }
0x39: {  	_ = 	snop;
	(pc) =	sbr.ind lr, $3  }
0x3a: {  	_ = 	snop  }
0x3b: {  	_ = 	snop  }
0x3c: {  	p2 =	seq.s32 s10, $0x1;
	s10 =	sld [smem:$0x3FAE]  }
0x3d: {  	_ =	shalt  }
0x3e: {  	_ =	shalt  }
0x3f: {  	_ =	shalt  }
0x40: {  	_ =	shalt  }
0x41: {  	_ =	shalt  }
0x42: {  	_ =	shalt  }
0x43: {  	_ =	shalt  }
0x44: {  	_ =	shalt  }
0x45: {  	_ =	shalt  }
0x46: {  	_ =	shalt  }
0x47: {  	_ =	shalt  }
0x48: {  	_ =	shalt  }
0x49: {  	_ =	shalt  }
0x4a: {  	_ =	shalt  }
0x4b: {  	_ =	shalt  }
0x4c: {  	_ =	shalt  }
0x4d: {  	_ =	shalt  }
0x4e: {  	_ =	shalt  }
0x4f: {  	_ =	shalt  }
0x50: {  	_ =	shalt  }
0x51: {  	_ =	shalt  }
0x52: {  	_ =	shalt  }
0x53: {  	_ =	shalt  }
0x54: {  	_ =	shalt  }
0x55: {  	_ =	shalt  }
0x56: {  	_ =	shalt  }
0x57: {  	_ =	shalt  }
0x58: {  	_ =	shalt  }
0x59: {  	_ =	shalt  }
0x5a: {  	_ =	shalt  }
0x5b: {  	_ =	shalt  }
0x5c: {  	_ =	shalt  }
0x5d: {  	_ =	shalt  }
0x5e: {  	_ =	shalt  }
0x5f: {  	_ =	shalt  }
0x60: {  	_ =	shalt  }
0x61: {  	_ =	shalt  }
0x62: {  	_ =	shalt  }
0x63: {  	_ =	shalt  }
0x64: {  	_ =	shalt  }
0x65: {  	_ =	shalt  }
0x66: {  	_ =	shalt  }
0x67: {  	_ =	shalt  }
0x68: {  	_ =	shalt  }
0x69: {  	_ =	shalt  }
0x6a: {  	_ =	shalt  }
0x6b: {  	_ =	shalt  }
0x6c: {  	_ =	shalt  }
0x6d: {  	_ =	shalt  }
0x6e: {  	_ =	shalt  }
0x6f: {  	_ =	shalt  }
0x70: {  	_ =	shalt  }
0x71: {  	_ =	shalt  }
0x72: {  	_ =	shalt  }
0x73: {  	_ =	shalt  }
0x74: {  	_ =	shalt  }
0x75: {  	_ =	shalt  }
0x76: {  	_ =	shalt  }
0x77: {  	_ =	shalt  }
0x78: {  	_ =	shalt  }
0x79: {  	_ =	shalt  }
0x7a: {  	_ =	shalt  }
0x7b: {  	_ =	shalt  }
0x7c: {  	_ =	shalt  }
0x7d: {  	_ =	shalt  }
0x7e: {  	_ =	shalt  }
0x7f: {  	_ =	shalt  }
0x80: {  	_ =	shalt  }
0x81: {  	_ =	shalt  }
0x82: {  	_ =	shalt  }
0x83: {  	_ =	shalt  }
0x84: {  	_ =	shalt  }
0x85: {  	_ =	shalt  }
0x86: {  	_ =	shalt  }
0x87: {  	_ =	shalt  }
.Lfunc_end0:
.L_simem_size_0:
called_computation.2_lowered:
.L_overlay_start_0:
0x88: {  	s2 =	sld [smem:$0x3FD9]  }
0x89: {  	s3 =	sld [smem:$0x3FFE];
	_ =	sdelay $0x1  }
0x8a: {  	s1 =	srdreg.scid  }
0x8b: {  	s0 =	sand.u32 $0x1, s1  }
0x8c: {  	s14 =	sshll.u32 s0, $0xA;
	s2 =	sadd.s32 s3, s2  }
0x8d: {  	s2 =	sadd.s32 s2, s14  }
0x8e: {  	[smem:$0x3FBA] =	sst s2  }
0x8f: {  	_ = 	snop  }
0x90: {  	s2 =	sld [smem:$0x3FD0];
	_ =	sdelay $0x2  }
0x91: {  	s15 =	simm.s32 $0xA;
	s4 =	simm.s32 $0x10  }
0x92: {  	[smem:s4], [sflag:s15] =	dma.local [hbm:s2], $0x1  }
0x93: {  	_ =	swait.eq [sflag:s15], $0x1  }
0x94: {  	[sflag:s15] =	ssyncset.done $0x0  }
0x95: {  	[sflag:s15] =	ssyncadd.s32 $0xFFFFFFFF  }
0x96: {  	s16 =	sld [smem:$0x10];
	(tm) =	ssettm $0x1  }
0x97: {  	s17 =	sld [smem:$0x3FFB];
	_ =	sdelay $0x3  }
0x98: {  	_ =	strace s17  }
0x99: {  	s3 =	sld [smem:$0x3FFC];
	_ =	sdelay $0x3  }
0x9a: {  	_ =	strace s3  }
0x9b: {  	s3 =	sld [smem:$0x3FFD];
	_ =	sdelay $0x3  }
0x9c: {  	_ =	strace s3  }
0x9d: {  	_ =	strace $0x8FFFFFFF  }
0x9e: {  	s18 =	sld [smem:$0x3FDB];
	_ =	sdelay $0x1  }
0x9f: {  	s19 =	simm.s32 $_scs_section_size  }
0xa0: {  	s5 =	simm.s32 $_size__tile_overlayer_lowered;
	s6 =	simm.s32 $_tile_overlayer_lowered  }
0xa1: {  	s22 =	simm.s32 $0x1BFF;
	s21 =	sshll.u32 s6, $0x1;
	s3 =	sadd.s32 s19, s18  }
0xa2: {  	s7 =	simm.s32 $0x0;
	s20 =	sshll.u32 s5, $0x1;
	s5 =	sadd.s32 s21, s3  }
0xa3: {  	[timem:s7], [sflag:s22] =	dma.local [hbm:s5], s20  }
0xa4: {  	_ =	swait.ge [sflag:s22], s20  }
0xa5: {  	s4 =	ssub.s32 $0x0, s20;
	[sflag:s22] =	ssyncset.done $0x0  }
0xa6: {  	[sflag:s22] =	ssyncadd.s32 s4;
	_ =	sdelay $0x1  }
0xa7: {  	s23 =	simm.s32 $0x1B8B  }
0xa8: {  	_ =	swait.ge [sflag:s23], $0x1  }
0xa9: {  	[sflag:s23] =	ssyncset.done $0x0  }
0xaa: {  	s25 =	simm.s32 $0x1B8E;
	s24 =	sld [smem:$0x3FFE];
	[sflag:s23] =	ssyncadd.s32 $0xFFFFFFFF  }
0xab: {  	s26 =	simm.s32 $execute0_lowered;
	[smem:$0x3FD2] =	sst s25  }
0xac: {  	s5 =	sshll.u32 s26, $0x1;
	_ =	strace $0x8000004C;
	[dreg:$0x1] =	wrdreg $0xFFFFFFFF  }
0xad: {  	s28 =	simm.s32 $_size_execute0_lowered;
	s3 =	sadd.s32 s3, s5;
	[dreg:$0x0] =	wrdreg $0x0  }
0xae: {  	s5 =	sshll.u32 s28, $0x1;
	[dreg:$0x2] =	wrdreg s3  }
0xaf: {  	[dreg:$0x3] =	wrdreg s5  }
0xb0: {  	[dreg:$0x4] =	wrdreg $0xC0  }
0xb1: {  	_ =	task [dreg:s7], $0x5FFFF  }
0xb2: {  	[dreg:$0x1] =	wrdreg $0xFFFFFFFF  }
0xb3: {  	[dreg:$0x0] =	wrdreg $0x60  }
0xb4: {  	[dreg:$0x2] =	wrdreg s24  }
0xb5: {  	[dreg:$0x3] =	wrdreg s16  }
0xb6: {  	[dreg:$0x4] =	wrdreg $0x84000  }
0xb7: {  	[dreg:$0x5] =	wrdreg $0x9  }
0xb8: {  	_ =	task.clear_ibuf [dreg:s7], $0x6FFFF;
	_ =	strace $0x9000004C  }
0xb9: {  	s29 =	simm.s32 $0x9;
	_ =	strace $0x8000004E  }
0xba: {  	_ =	swait.ge [sflag:s29], $0x1  }
0xbb: {  	[sflag:s29] =	ssyncadd.s32 $0xFFFFFFFF  }
0xbc: {  	_ =	strace $0x9000004E  }
0xbd: {  	_ =	sfence  }
0xbe: {  	s30 =	sld [smem:$0x0];
	_ =	sdelay $0x2  }
0xbf: {  	s31 =	sshll.u32 s1, $0xD;
	s1 =	sshrl.u32 s1, $0x2  }
0xc0: {  	s3 =	sand.u32 $0x4000, s31;
	s1 =	sadd.s32 s1, s30  }
0xc1: {  	s0 =	sor.u32 s3, s0;
	s1 =	sshll.u32 s1, $0x11  }
0xc2: {  	s0 =	sor.u32 s1, s0  }
0xc3: {  	s0 =	sadd.s32 $0x8F2B, s0  }
0xc4: {  	[sflag:s0] =	ssyncadd.remote.s32 $0x1  }
0xc5: {  	_ =	sfence.sel $0xFFFF  }
0xc6: {  	[dreg:$0x0] =	wrdreg $0xFFFFFFFF;
	(pc) =	sbr.abs _section_cstart, $3  }
0xc7: {  	[dreg:$0x1] =	wrdreg $0xFFFFFFFF  }
0xc8: {  	_ =	task.clear_ibuf [dreg:s7], $0x2FFFF;
	_ =	strace $0x9FFFFFFF  }
0xc9: {  	(tm) =	ssettm $0x7FFFFFFF  }
tec
execute0_lowered:
.L_overlay_start_1:
0x0: {  	(tag) =	ssettag $0x1  }
0x1: {  	s0 =	rddreg [dreg:$0x0]  }
0x2: {  	s1 =	rddreg [dreg:$0x1]  }
0x3: {  	s2 =	rddreg [dreg:$0x2]  }
0x4: {  	s3 =	simm.s32 $0x0;
	s4 =	srdreg.scid;
	s22 =	stileid.u32  }
0x5: {  	s30 =	simm.s32 $0x8200;
	s31 =	simm.s32 $0x8080;
	s29 =	simm.s32 $0x8  }
0x6: {  	[smem:$0x7FF] =	sst s3;
	s5 =	sadd.s32 $0xE800, s0;
	s6 =	sadd.s32 $0x4800, s0  }
0x7: {  	s4 =	sand.u32 $0x1, s4;
	s7 =	sshll.u32 s22, $0x1;
	s9 =	smul.u32 $0x280, s22  }
0x8: {  	s0 =	sadd.s32 $0x36800, s0;
	_ =	strace $0x8000004D;
	s13 =	smul.u32 $0x140000, s4  }
0x9: {  	s8 =	ssub.s32 $0x2, s4;
	s7 =	sor.u32 s4, s7;
	s4 =	smul.u32 $0x500, s4  }
0xa: {  	s10 =	sshrl.u32 s8, $0x1;
	s7 =	smul.u32 $0x500, s7;
	s11 =	sadd.s32 $0x80, s9  }
0xb: {  	s12 =	sadd.s32 $0x100, s9;
	s14 =	sadd.s32 $0x180, s9;
	s9 =	sadd.s32 $0x200, s9  }
0xc: {  	s8 =	ssub.s32 s8, s10;
	s10 =	smul.u32 $0x14000, s22;
	s15 =	sshll.u32 s11, $0x7  }
0xd: {  	s16 =	sshll.u32 s12, $0x7;
	s17 =	sshll.u32 s14, $0x7;
	s20 =	sshll.u32 s9, $0x7  }
0xe: {  	s19 =	sadd.s32 s13, s15;
	s23 =	sadd.s32 s13, s16;
	s24 =	sadd.s32 s13, s17  }
0xf: {  	s26 =	sadd.s32 s6, s7;
	s28 =	sadd.s32 s1, s7;
	s18 =	sadd.s32 s10, s13  }
0x10: {  	s19 =	sshrl.u32 s19, $0x3;
	s13 =	sadd.s32 s13, s20;
	[dreg:$0x9] =	wrdreg s26  }
0x11: {  	[dreg:$0xa] =	wrdreg s28;
	s26 =	sshll.u32 s9, $0x4;
	s20 =	sadd.s32 s20, s2  }
0x12: {  	s28 =	smax.u32 s8, $0x1;
	s9 =	simm.s32 $0x80;
	s8 =	simm.s32 $0x0  }
0x13: {  	s18 =	sshrl.u32 s18, $0x3;
	s21 =	sadd.s32 s0, s19;
	s19 =	sshrl.u32 s24, $0x3  }
0x14: {  	s13 =	sshrl.u32 s13, $0x3;
	s24 =	sshll.u32 s12, $0x4;
	[dreg:$0x17] =	wrdreg s28  }
0x15: {  	s12 =	simm.s32 $0x4;
	[dreg:$0x16] =	wrdreg s20;
	s18 =	sadd.s32 s0, s18  }
0x16: {  	[dreg:$0x5] =	wrdreg s21;
	s21 =	smul.u32 $0xA00, s22;
	s25 =	sadd.s32 s0, s19  }
0x17: {  	s19 =	sshrl.u32 s10, $0x3;
	s10 =	simm.s32 $0x8100;
	[dreg:$0x4] =	wrdreg s18  }
0x18: {  	s18 =	sshrl.u32 s23, $0x3;
	[dreg:$0x7] =	wrdreg s25;
	s25 =	sshll.u32 s14, $0x4  }
0x19: {  	s14 =	simm.s32 $0x1;
	s18 =	sadd.s32 s0, s18;
	s0 =	sadd.s32 s0, s13  }
0x1a: {  	s13 =	sadd.s32 s4, s21;
	s4 =	sor.u32 $0x10, s7;
	[dreg:$0x6] =	wrdreg s18  }
0x1b: {  	[dreg:$0x8] =	wrdreg s0;
	s18 =	smul.u32 $0x50000, s22;
	s7 =	sadd.s32 s6, s4  }
0x1c: {  	s0 =	sadd.s32 s1, s4;
	s22 =	sshll.u32 s11, $0x4;
	[dreg:$0xb] =	wrdreg s7  }
0x1d: {  	s11 =	simm.s32 $0x8300;
	[dreg:$0xc] =	wrdreg s0;
	s0 =	sadd.s32 s5, s19  }
0x1e: {  	s23 =	sadd.s32 s5, s22;
	s22 =	sadd.s32 s15, s2;
	[dreg:$0xd] =	wrdreg s0  }
0x1f: {  	s7 =	simm.s32 $0x4000;
	s15 =	simm.s32 $0x7;
	[dreg:$0xf] =	wrdreg s23  }
0x20: {  	s19 =	simm.s32 $0x5;
	s0 =	sadd.s32 s5, s24;
	[dreg:$0x10] =	wrdreg s22  }
0x21: {  	s21 =	sshrl.u32 s18, $0x2;
	s24 =	sadd.s32 s16, s2;
	[dreg:$0x11] =	wrdreg s0  }
0x22: {  	s16 =	simm.s32 $0x8180;
	s0 =	sadd.s32 s5, s25;
	[dreg:$0x12] =	wrdreg s24  }
0x23: {  	s23 =	simm.s32 $0x6;
	s18 =	sadd.s32 s21, s2;
	[dreg:$0x13] =	wrdreg s0  }
0x24: {  	s25 =	sadd.s32 s17, s2;
	s17 =	simm.s32 $0x8380;
	[dreg:$0xe] =	wrdreg s18  }
0x25: {  	s21 =	simm.s32 $0x2;
	s0 =	sadd.s32 s5, s26;
	[dreg:$0x14] =	wrdreg s25  }
0x26: {  	s26 =	simm.s32 $0x9;
	[dreg:$0x15] =	wrdreg s0;
	s0 =	simm.s32 $0x8280  }
.LBB2_1:
0x27: {  	[dreg:$0x18] =	wrdreg s8  }
0x28: {  	s4 =	rddreg [dreg:$0x9];
	s8 =	simm.s32 $0x8000  }
0x29: {  	[tilespmem:s8], [sflag:$0x3] =	stream.linear.gather [hbm4b:s4+s3], $0x80, $0x38;
	[tilespmem:$0x1C400] =	vst v63  }
0x2a: {  	s4 =	rddreg [dreg:$0xa]  }
0x2b: {  	[tilespmem:s30], [sflag:$0x3] =	stream.linear.gather [hbm4b:s4+s3], $0x80, $0x38;
	[tilespmem:$0x1C400] =	vst v63  }
0x2c: {  	s4 =	rddreg [dreg:$0xb]  }
0x2d: {  	[tilespmem:s31], [sflag:$0x4] =	stream.linear.gather [hbm4b:s4+s3], $0x80, $0x38;
	[tilespmem:$0x1C400] =	vst v63  }
0x2e: {  	s4 =	rddreg [dreg:$0xc]  }
0x2f: {  	[tilespmem:s0], [sflag:$0x4] =	stream.linear.gather [hbm4b:s4+s3], $0x80, $0x38;
	[tilespmem:$0x1C400] =	vst v63  }
0x30: {  	s4 =	rddreg [dreg:$0xd]  }
0x31: {  	[tilespmem:s3], [sflag:$0x9] =	stream.linear.gather [hbm4b:s4+s3], $0x4000, $0x38;
	[tilespmem:$0x1C400] =	vst v63  }
0x32: {  	_ =	swait.ge [sflag:s26], $0x4000  }
0x33: {  	[sflag:s26] =	ssyncset.done $0x0  }
0x34: {  	[sflag:s26] =	ssyncadd.s32 $0xFFFFC000  }
0x35: {  	[spmem:s18] =	stream.linear.scatter [tilespmem:s3], [sflag:$0x9], $0x4000, $0x38;
	[tilespmem:$0x1C400] =	vst v63  }
0x36: {  	_ =	swait.ge [sflag:s26], $0x4000  }
0x37: {  	[sflag:s26] =	ssyncset.done $0x0  }
0x38: {  	s18 =	rddreg [dreg:$0xf];
	[sflag:s26] =	ssyncadd.s32 $0xFFFFC000  }
0x39: {  	[tilespmem:s7], [sflag:$0x9] =	stream.linear.gather [hbm4b:s18+s3], $0x4000, $0x38;
	[tilespmem:$0x1C400] =	vst v63  }
0x3a: {  	_ =	swait.ge [sflag:s26], $0x4000  }
0x3b: {  	[sflag:s26] =	ssyncset.done $0x0  }
0x3c: {  	[sflag:s26] =	ssyncadd.s32 $0xFFFFC000  }
0x3d: {  	[spmem:s22] =	stream.linear.scatter [tilespmem:s7], [sflag:$0x9], $0x4000, $0x38;
	[tilespmem:$0x1C400] =	vst v63  }
0x3e: {  	_ =	swait.ge [sflag:s26], $0x4000  }
0x3f: {  	[sflag:s26] =	ssyncset.done $0x0  }
0x40: {  	s22 =	rddreg [dreg:$0x11];
	[sflag:s26] =	ssyncadd.s32 $0xFFFFC000  }
0x41: {  	[tilespmem:s3], [sflag:$0x9] =	stream.linear.gather [hbm4b:s22+s3], $0x4000, $0x38;
	[tilespmem:$0x1C400] =	vst v63  }
0x42: {  	_ =	swait.ge [sflag:s26], $0x4000  }
0x43: {  	[sflag:s26] =	ssyncset.done $0x0  }
0x44: {  	[sflag:s26] =	ssyncadd.s32 $0xFFFFC000  }
0x45: {  	[spmem:s24] =	stream.linear.scatter [tilespmem:s3], [sflag:$0x9], $0x4000, $0x38;
	[tilespmem:$0x1C400] =	vst v63  }
0x46: {  	_ =	swait.ge [sflag:s26], $0x4000  }
0x47: {  	[sflag:s26] =	ssyncset.done $0x0  }
0x48: {  	s18 =	rddreg [dreg:$0x13];
	[sflag:s26] =	ssyncadd.s32 $0xFFFFC000  }
0x49: {  	[tilespmem:s7], [sflag:$0x9] =	stream.linear.gather [hbm4b:s18+s3], $0x4000, $0x38;
	[tilespmem:$0x1C400] =	vst v63  }
0x4a: {  	_ =	swait.ge [sflag:s26], $0x4000  }
0x4b: {  	[sflag:s26] =	ssyncset.done $0x0  }
0x4c: {  	[sflag:s26] =	ssyncadd.s32 $0xFFFFC000  }
0x4d: {  	[spmem:s25] =	stream.linear.scatter [tilespmem:s7], [sflag:$0x9], $0x4000, $0x38;
	[tilespmem:$0x1C400] =	vst v63  }
0x4e: {  	_ =	swait.ge [sflag:s26], $0x4000  }
0x4f: {  	[sflag:s26] =	ssyncset.done $0x0  }
0x50: {  	s22 =	rddreg [dreg:$0x15];
	[sflag:s26] =	ssyncadd.s32 $0xFFFFC000  }
0x51: {  	[tilespmem:s3], [sflag:$0x9] =	stream.linear.gather [hbm4b:s22+s3], $0x4000, $0x38;
	[tilespmem:$0x1C400] =	vst v63  }
0x52: {  	_ =	swait.ge [sflag:s26], $0x4000  }
0x53: {  	[sflag:s26] =	ssyncset.done $0x0  }
0x54: {  	[sflag:s26] =	ssyncadd.s32 $0xFFFFC000  }
0x55: {  	[spmem:s20] =	stream.linear.scatter [tilespmem:s3], [sflag:$0x9], $0x4000, $0x38;
	[tilespmem:$0x1C400] =	vst v63  }
0x56: {  	_ =	swait.ge [sflag:s26], $0x4000  }
0x57: {  	[sflag:s26] =	ssyncset.done $0x0  }
0x58: {  	s24 =	simm.s32 $0x3;
	[sflag:s26] =	ssyncadd.s32 $0xFFFFC000  }
0x59: {  	_ =	swait.ge [sflag:s24], $0x80  }
0x5a: {  	[sflag:s24] =	ssyncset.done $0x0  }
0x5b: {  	[sflag:s24] =	ssyncadd.s32 $0xFFFFFF80  }
0x5c: {  	_ =	swait.ge [sflag:s24], $0x80  }
0x5d: {  	[sflag:s24] =	ssyncset.done $0x0  }
0x5e: {  	[sflag:s24] =	ssyncadd.s32 $0xFFFFFF80  }
0x5f: {  	p0 =	por $0x1, $0x1;
	s25 =	sadd.s32 $0x0, s13;
	[bflag:$0x0] =	sbarrier.arrive $0xFFFF  }
0x60: {  	[tilespmem:s3], [sflag:$0x1] =	stream.indirect.gather [hbm4b:s5+s9], $0x80, s8, s9, $0xb8;
	[tilespmem:$0x1C400] =	vst v63  }
0x61: {  	s20 =	simm.s32 @!p0 $0x8;
	s26 =	sand.u32 $0x40, s3;
	s8 =	sand.u32 $0xFFFFF80, s25  }
0x62: {  	s8 =	sor.u32 s8, s26;
	_ =	swait.ge @!p0 [sflag:s20], $0x4000  }
0x63: {  	s18 =	sor.u32 $0x20, s8;
	[sflag:s20] =	ssyncset.done @!p0 $0x0  }
0x64: {  	s4 =	sadd.s32 s6, s18;
	[sflag:s20] =	ssyncadd.s32 @!p0 $0xFFFFC000  }
0x65: {  	[tilespmem:s10], [sflag:$0x5] =	stream.linear.gather [hbm4b:s4+s3], $0x80, $0x38;
	[tilespmem:$0x1C400] =	vst v63  }
0x66: {  	s18 =	sadd.s32 s1, s18  }
0x67: {  	[tilespmem:s11], [sflag:$0x5] =	stream.linear.gather [hbm4b:s18+s3], $0x80, $0x38;
	[tilespmem:$0x1C400] =	vst v63  }
0x68: {  	_ =	swait.ge [sflag:s12], $0x80  }
0x69: {  	[sflag:s12] =	ssyncset.done $0x0  }
0x6a: {  	[sflag:s12] =	ssyncadd.s32 $0xFFFFFF80  }
0x6b: {  	_ =	swait.ge [sflag:s12], $0x80  }
0x6c: {  	[sflag:s12] =	ssyncset.done $0x0  }
0x6d: {  	[sflag:s12] =	ssyncadd.s32 $0xFFFFFF80  }
0x6e: {  	[tilespmem:s7], [sflag:$0x2] =	stream.indirect.gather [hbm4b:s5+s9], $0x80, s31, s9, $0xb8;
	[tilespmem:$0x1C400] =	vst v63  }
0x6f: {  	_ =	swait.ge [sflag:s14], $0x4000  }
0x70: {  	[sflag:s14] =	ssyncset.done $0x0  }
0x71: {  	[sflag:s14] =	ssyncadd.s32 $0xFFFFC000  }
0x72: {  	[spmem:s2] =	stream.indirect.scatter.add.f32 [tilespmem:s3], [sflag:$0x7], $0x80, s30, s9, $0xb8;
	[tilespmem:$0x1C400] =	vst v63  }
0x73: {  	_ =	swait.ge [sflag:s15], $0x4000  }
0x74: {  	s8 =	sor.u32 $0x30, s8;
	[sflag:s15] =	ssyncset.done $0x0  }
0x75: {  	s24 =	sadd.s32 s6, s8;
	[sflag:s15] =	ssyncadd.s32 $0xFFFFC000  }
0x76: {  	[tilespmem:s16], [sflag:$0x6] =	stream.linear.gather [hbm4b:s24+s3], $0x80, $0x38;
	[tilespmem:$0x1C400] =	vst v63  }
0x77: {  	s8 =	sadd.s32 s1, s8  }
0x78: {  	[tilespmem:s17], [sflag:$0x6] =	stream.linear.gather [hbm4b:s8+s3], $0x80, $0x38;
	[tilespmem:$0x1C400] =	vst v63  }
0x79: {  	_ =	swait.ge [sflag:s19], $0x80  }
0x7a: {  	[sflag:s19] =	ssyncset.done $0x0  }
0x7b: {  	[sflag:s19] =	ssyncadd.s32 $0xFFFFFF80  }
0x7c: {  	_ =	swait.ge [sflag:s19], $0x80  }
0x7d: {  	[sflag:s19] =	ssyncset.done $0x0  }
0x7e: {  	[sflag:s19] =	ssyncadd.s32 $0xFFFFFF80  }
0x7f: {  	[tilespmem:s3], [sflag:$0x1] =	stream.indirect.gather [hbm4b:s5+s9], $0x80, s10, s9, $0xb8;
	[tilespmem:$0x1C400] =	vst v63  }
0x80: {  	p1 =	por $0x0, $0x0;
	_ =	swait.ge [sflag:s21], $0x4000  }
0x81: {  	s8 =	sadd.s32 @!p1 $0x0, s13;
	[sflag:s21] =	ssyncset.done $0x0  }
0x82: {  	s18 =	sxor.u32 @!p1 $0xFFFFFFFF, s3;
	s8 =	sadd.s32 @!p1 $0x40, s8;
	[sflag:s21] =	ssyncadd.s32 $0xFFFFC000  }
0x83: {  	[spmem:s2] =	stream.indirect.scatter.add.f32 [tilespmem:s7], [sflag:$0x8], $0x80, s0, s9, $0xb8;
	[tilespmem:$0x1C400] =	vst v63  }
0x84: {  	s18 =	sand.u32 @!p1 $0x40, s18;
	s8 =	sand.u32 @!p1 $0xFFFFF80, s8;
	_ =	swait.ge [sflag:s29], $0x4000  }
0x85: {  	s22 =	simm.s32 @!p1 $0x8000;
	s8 =	sor.u32 @!p1 s18, s8;
	[sflag:s29] =	ssyncset.done $0x0  }
0x86: {  	s24 =	simm.s32 @!p1 $0x0;
	s18 =	sadd.s32 @!p1 s6, s8;
	[sflag:s29] =	ssyncadd.s32 $0xFFFFC000  }
0x87: {  	[tilespmem:s22], [sflag:$0x3] =	stream.linear.gather @!p1 [hbm4b:s18+s24], $0x80, $0x38;
	[tilespmem:$0x1C400] =	vst v63  }
0x88: {  	s8 =	sadd.s32 @!p1 s1, s8;
	s18 =	simm.s32 @!p1 $0x8200  }
0x89: {  	[tilespmem:s18], [sflag:$0x3] =	stream.linear.gather @!p1 [hbm4b:s8+s24], $0x80, $0x38;
	[tilespmem:$0x1C400] =	vst v63  }
0x8a: {  	_ =	swait.ge [sflag:s23], $0x80  }
0x8b: {  	[sflag:s23] =	ssyncset.done $0x0  }
0x8c: {  	[sflag:s23] =	ssyncadd.s32 $0xFFFFFF80  }
0x8d: {  	_ =	swait.ge [sflag:s23], $0x80  }
0x8e: {  	[sflag:s23] =	ssyncset.done $0x0  }
0x8f: {  	[sflag:s23] =	ssyncadd.s32 $0xFFFFFF80  }
0x90: {  	[tilespmem:s7], [sflag:$0x2] =	stream.indirect.gather [hbm4b:s5+s9], $0x80, s16, s9, $0xb8;
	[tilespmem:$0x1C400] =	vst v63  }
0x91: {  	_ =	swait.ge [sflag:s14], $0x4000  }
0x92: {  	[sflag:s14] =	ssyncset.done $0x0  }
0x93: {  	s8 =	simm.s32 @!p1 $0x50;
	s18 =	sadd.s32 @!p1 $0x50, s13;
	[sflag:s14] =	ssyncadd.s32 $0xFFFFC000  }
0x94: {  	[spmem:s2] =	stream.indirect.scatter.add.f32 [tilespmem:s3], [sflag:$0x7], $0x80, s11, s9, $0xb8;
	[tilespmem:$0x1C400] =	vst v63  }
0x95: {  	s8 =	sand.u32 @!p1 $0x50, s8;
	s18 =	sand.u32 @!p1 $0xFFFFF80, s18;
	_ =	swait.ge [sflag:s15], $0x4000  }
0x96: {  	s8 =	sor.u32 @!p1 s8, s18;
	[sflag:s15] =	ssyncset.done $0x0  }
0x97: {  	s20 =	simm.s32 @!p1 $0x8080;
	s18 =	sadd.s32 @!p1 s6, s8;
	[sflag:s15] =	ssyncadd.s32 $0xFFFFC000  }
0x98: {  	[tilespmem:s20], [sflag:$0x4] =	stream.linear.gather @!p1 [hbm4b:s18+s24], $0x80, $0x38;
	[tilespmem:$0x1C400] =	vst v63  }
0x99: {  	s26 =	simm.s32 @!p1 $0x3;
	s8 =	sadd.s32 @!p1 s1, s8;
	s18 =	simm.s32 @!p1 $0x8280  }
0x9a: {  	[tilespmem:s18], [sflag:$0x4] =	stream.linear.gather @!p1 [hbm4b:s8+s24], $0x80, $0x38;
	[tilespmem:$0x1C400] =	vst v63  }
0x9b: {  	_ =	swait.ge @!p1 [sflag:s26], $0x80  }
0x9c: {  	[sflag:s26] =	ssyncset.done @!p1 $0x0  }
0x9d: {  	s28 =	simm.s32 $0x40;
	[sflag:s26] =	ssyncadd.s32 @!p1 $0xFFFFFF80  }
0x9e: {  	p2 =	por $0x0, $0x0;
	s25 =	sadd.s32 $0x40, s13;
	_ =	swait.ge @!p1 [sflag:s26], $0x80  }
0x9f: {  	s20 =	simm.s32 $0x80;
	s18 =	sand.u32 $0x40, s28;
	[sflag:s26] =	ssyncset.done @!p1 $0x0  }
0xa0: {  	s8 =	sand.u32 $0xFFFFF80, s25;
	[sflag:s26] =	ssyncadd.s32 @!p1 $0xFFFFFF80;
	s26 =	simm.s32 @!p1 $0x80  }
.LBB2_2:
0xa1: {  	[tilespmem:s24], [sflag:$0x1] =	stream.indirect.gather @!p1 [hbm4b:s5+s26], $0x80, s22, s26, $0xb8;
	[tilespmem:$0x1C400] =	vst v63  }
0xa2: {  	s26 =	smov.u32 s20  }
0xa3: {  	s8 =	sor.u32 s8, s18;
	s18 =	sand.u32 $0x40, s20;
	_ =	swait.ge [sflag:s21], $0x4000  }
0xa4: {  	s22 =	sor.u32 $0x20, s8;
	s8 =	sor.u32 $0x30, s8;
	[sflag:s21] =	ssyncset.done $0x0  }
0xa5: {  	s20 =	sadd.s32 $0x40, s20;
	s24 =	simm.s32 @!p2 $0x8;
	[sflag:s21] =	ssyncadd.s32 $0xFFFFC000  }
0xa6: {  	[spmem:s2] =	stream.indirect.scatter.add.f32 [tilespmem:s7], [sflag:$0x8], $0x80, s17, s9, $0xb8;
	[tilespmem:$0x1C400] =	vst v63  }
0xa7: {  	p0 =	sne.s32 s20, $0x500;
	_ =	swait.ge @!p2 [sflag:s24], $0x4000  }
0xa8: {  	s25 =	sadd.s32 s6, s22;
	[sflag:s24] =	ssyncset.done @!p2 $0x0  }
0xa9: {  	[sflag:s24] =	ssyncadd.s32 @!p2 $0xFFFFC000  }
0xaa: {  	[tilespmem:s10], [sflag:$0x5] =	stream.linear.gather [hbm4b:s25+s3], $0x80, $0x38;
	[tilespmem:$0x1C400] =	vst v63  }
0xab: {  	s22 =	sadd.s32 s1, s22  }
0xac: {  	[tilespmem:s11], [sflag:$0x5] =	stream.linear.gather [hbm4b:s22+s3], $0x80, $0x38;
	[tilespmem:$0x1C400] =	vst v63  }
0xad: {  	_ =	swait.ge [sflag:s12], $0x80  }
0xae: {  	[sflag:s12] =	ssyncset.done $0x0  }
0xaf: {  	[sflag:s12] =	ssyncadd.s32 $0xFFFFFF80  }
0xb0: {  	_ =	swait.ge [sflag:s12], $0x80  }
0xb1: {  	[sflag:s12] =	ssyncset.done $0x0  }
0xb2: {  	[sflag:s12] =	ssyncadd.s32 $0xFFFFFF80  }
0xb3: {  	[tilespmem:s7], [sflag:$0x2] =	stream.indirect.gather [hbm4b:s5+s9], $0x80, s31, s9, $0xb8;
	[tilespmem:$0x1C400] =	vst v63  }
0xb4: {  	_ =	swait.ge [sflag:s14], $0x4000  }
0xb5: {  	[sflag:s14] =	ssyncset.done $0x0  }
0xb6: {  	[sflag:s14] =	ssyncadd.s32 $0xFFFFC000  }
0xb7: {  	[spmem:s2] =	stream.indirect.scatter.add.f32 [tilespmem:s3], [sflag:$0x7], $0x80, s30, s9, $0xb8;
	[tilespmem:$0x1C400] =	vst v63  }
0xb8: {  	_ =	swait.ge [sflag:s15], $0x4000  }
0xb9: {  	s22 =	sadd.s32 s6, s8;
	[sflag:s15] =	ssyncset.done $0x0  }
0xba: {  	[sflag:s15] =	ssyncadd.s32 $0xFFFFC000  }
0xbb: {  	[tilespmem:s16], [sflag:$0x6] =	stream.linear.gather [hbm4b:s22+s3], $0x80, $0x38;
	[tilespmem:$0x1C400] =	vst v63  }
0xbc: {  	s8 =	sadd.s32 s1, s8  }
0xbd: {  	[tilespmem:s17], [sflag:$0x6] =	stream.linear.gather [hbm4b:s8+s3], $0x80, $0x38;
	[tilespmem:$0x1C400] =	vst v63  }
0xbe: {  	_ =	swait.ge [sflag:s19], $0x80  }
0xbf: {  	[sflag:s19] =	ssyncset.done $0x0  }
0xc0: {  	[sflag:s19] =	ssyncadd.s32 $0xFFFFFF80  }
0xc1: {  	_ =	swait.ge [sflag:s19], $0x80  }
0xc2: {  	[sflag:s19] =	ssyncset.done $0x0  }
0xc3: {  	[sflag:s19] =	ssyncadd.s32 $0xFFFFFF80  }
0xc4: {  	[tilespmem:s3], [sflag:$0x1] =	stream.indirect.gather [hbm4b:s5+s9], $0x80, s10, s9, $0xb8;
	[tilespmem:$0x1C400] =	vst v63  }
0xc5: {  	p1 =	seq.s32 s28, $0x4C0;
	_ =	swait.ge [sflag:s21], $0x4000  }
0xc6: {  	s22 =	sxor.u32 @!p1 $0xFFFFFFFF, s28;
	s8 =	sadd.s32 @!p1 s28, s13;
	[sflag:s21] =	ssyncset.done $0x0  }
0xc7: {  	s24 =	sand.u32 @!p1 $0x40, s22;
	s8 =	sadd.s32 @!p1 $0x40, s8;
	[sflag:s21] =	ssyncadd.s32 $0xFFFFC000  }
0xc8: {  	[spmem:s2] =	stream.indirect.scatter.add.f32 [tilespmem:s7], [sflag:$0x8], $0x80, s0, s9, $0xb8;
	[tilespmem:$0x1C400] =	vst v63  }
0xc9: {  	s22 =	simm.s32 @!p1 $0x8000;
	s8 =	sand.u32 @!p1 $0xFFFFF80, s8;
	_ =	swait.ge [sflag:s29], $0x4000  }
0xca: {  	s8 =	sor.u32 @!p1 s24, s8;
	s24 =	simm.s32 @!p1 $0x0;
	[sflag:s29] =	ssyncset.done $0x0  }
0xcb: {  	s25 =	sadd.s32 @!p1 s6, s8;
	s8 =	sadd.s32 @!p1 s1, s8;
	[sflag:s29] =	ssyncadd.s32 $0xFFFFC000  }
0xcc: {  	[tilespmem:s22], [sflag:$0x3] =	stream.linear.gather @!p1 [hbm4b:s25+s24], $0x80, $0x38;
	[tilespmem:$0x1C400] =	vst v63  }
0xcd: {  	s4 =	sadd.s32 @!p1 $0x50, s28;
	s28 =	smov.u32 s26;
	s25 =	simm.s32 @!p1 $0x8200  }
0xce: {  	[tilespmem:s25], [sflag:$0x3] =	stream.linear.gather @!p1 [hbm4b:s8+s24], $0x80, $0x38;
	[tilespmem:$0x1C400] =	vst v63  }
0xcf: {  	s8 =	sadd.s32 @!p1 s13, s4;
	s4 =	sand.u32 @!p1 $0x50, s4;
	_ =	swait.ge [sflag:s23], $0x80  }
0xd0: {  	s8 =	sand.u32 @!p1 $0xFFFFF80, s8;
	[sflag:s23] =	ssyncset.done $0x0  }
0xd1: {  	s4 =	sor.u32 @!p1 s4, s8;
	[sflag:s23] =	ssyncadd.s32 $0xFFFFFF80  }
0xd2: {  	s8 =	sadd.s32 @!p1 s6, s4;
	s4 =	sadd.s32 @!p1 s1, s4;
	_ =	swait.ge [sflag:s23], $0x80  }
0xd3: {  	[sflag:s23] =	ssyncset.done $0x0  }
0xd4: {  	[sflag:s23] =	ssyncadd.s32 $0xFFFFFF80  }
0xd5: {  	[tilespmem:s7], [sflag:$0x2] =	stream.indirect.gather [hbm4b:s5+s9], $0x80, s16, s9, $0xb8;
	[tilespmem:$0x1C400] =	vst v63  }
0xd6: {  	_ =	swait.ge [sflag:s14], $0x4000  }
0xd7: {  	[sflag:s14] =	ssyncset.done $0x0  }
0xd8: {  	[sflag:s14] =	ssyncadd.s32 $0xFFFFC000  }
0xd9: {  	[spmem:s2] =	stream.indirect.scatter.add.f32 [tilespmem:s3], [sflag:$0x7], $0x80, s11, s9, $0xb8;
	[tilespmem:$0x1C400] =	vst v63  }
0xda: {  	_ =	swait.ge [sflag:s15], $0x4000  }
0xdb: {  	s25 =	simm.s32 @!p1 $0x8080;
	[sflag:s15] =	ssyncset.done $0x0  }
0xdc: {  	s26 =	simm.s32 @!p1 $0x8280;
	[sflag:s15] =	ssyncadd.s32 $0xFFFFC000  }
0xdd: {  	[tilespmem:s25], [sflag:$0x4] =	stream.linear.gather @!p1 [hbm4b:s8+s24], $0x80, $0x38;
	[tilespmem:$0x1C400] =	vst v63  }
0xde: {  	s25 =	simm.s32 @!p1 $0x3  }
0xdf: {  	[tilespmem:s26], [sflag:$0x4] =	stream.linear.gather @!p1 [hbm4b:s4+s24], $0x80, $0x38;
	[tilespmem:$0x1C400] =	vst v63  }
0xe0: {  	_ =	swait.ge @!p1 [sflag:s25], $0x80  }
.Ltmp0:
0xe1: {  	[sflag:s25] =	ssyncset.done @!p1 $0x0;
	(pc) =	sbr.rel @p0 .LBB2_2-.Ltmp0, $4  }
0xe2: {  	[sflag:s25] =	ssyncadd.s32 @!p1 $0xFFFFFF80  }
0xe3: {  	s26 =	simm.s32 @!p1 $0x80;
	_ =	swait.ge @!p1 [sflag:s25], $0x80  }
0xe4: {  	p2 =	seq.s32 s28, $0x0;
	s4 =	sadd.s32 s28, s13;
	[sflag:s25] =	ssyncset.done @!p1 $0x0  }
0xe5: {  	s8 =	sand.u32 $0xFFFFF80, s4;
	[sflag:s25] =	ssyncadd.s32 @!p1 $0xFFFFFF80  }
0xe6: {  	[tilespmem:s24], [sflag:$0x1] =	stream.indirect.gather @!p1 [hbm4b:s5+s26], $0x80, s22, s26, $0xb8;
	[tilespmem:$0x1C400] =	vst v63  }
0xe7: {  	_ =	swait.ge [sflag:s21], $0x4000  }
0xe8: {  	[sflag:s21] =	ssyncset.done $0x0  }
0xe9: {  	s4 =	simm.s32 @!p2 $0x8;
	[sflag:s21] =	ssyncadd.s32 $0xFFFFC000  }
0xea: {  	[spmem:s2] =	stream.indirect.scatter.add.f32 [tilespmem:s7], [sflag:$0x8], $0x80, s17, s9, $0xb8;
	[tilespmem:$0x1C400] =	vst v63  }
0xeb: {  	s8 =	sor.u32 s8, s18;
	_ =	swait.ge @!p2 [sflag:s4], $0x4000  }
0xec: {  	s18 =	sor.u32 $0x20, s8;
	[sflag:s4] =	ssyncset.done @!p2 $0x0  }
0xed: {  	s20 =	sadd.s32 s6, s18;
	[sflag:s4] =	ssyncadd.s32 @!p2 $0xFFFFC000  }
0xee: {  	[tilespmem:s10], [sflag:$0x5] =	stream.linear.gather [hbm4b:s20+s3], $0x80, $0x38;
	[tilespmem:$0x1C400] =	vst v63  }
0xef: {  	s22 =	sadd.s32 s1, s18  }
0xf0: {  	[tilespmem:s11], [sflag:$0x5] =	stream.linear.gather [hbm4b:s22+s3], $0x80, $0x38;
	[tilespmem:$0x1C400] =	vst v63  }
0xf1: {  	_ =	swait.ge [sflag:s12], $0x80  }
0xf2: {  	[sflag:s12] =	ssyncset.done $0x0  }
0xf3: {  	[sflag:s12] =	ssyncadd.s32 $0xFFFFFF80  }
0xf4: {  	_ =	swait.ge [sflag:s12], $0x80  }
0xf5: {  	[sflag:s12] =	ssyncset.done $0x0  }
0xf6: {  	[sflag:s12] =	ssyncadd.s32 $0xFFFFFF80  }
0xf7: {  	[tilespmem:s7], [sflag:$0x2] =	stream.indirect.gather [hbm4b:s5+s9], $0x80, s31, s9, $0xb8;
	[tilespmem:$0x1C400] =	vst v63  }
0xf8: {  	_ =	swait.ge [sflag:s14], $0x4000  }
0xf9: {  	[sflag:s14] =	ssyncset.done $0x0  }
0xfa: {  	[sflag:s14] =	ssyncadd.s32 $0xFFFFC000  }
0xfb: {  	[spmem:s2] =	stream.indirect.scatter.add.f32 [tilespmem:s3], [sflag:$0x7], $0x80, s30, s9, $0xb8;
	[tilespmem:$0x1C400] =	vst v63  }
0xfc: {  	_ =	swait.ge [sflag:s15], $0x4000  }
0xfd: {  	s24 =	sor.u32 $0x30, s8;
	[sflag:s15] =	ssyncset.done $0x0  }
0xfe: {  	s8 =	sadd.s32 s6, s24;
	[sflag:s15] =	ssyncadd.s32 $0xFFFFC000  }
0xff: {  	[tilespmem:s16], [sflag:$0x6] =	stream.linear.gather [hbm4b:s8+s3], $0x80, $0x38;
	[tilespmem:$0x1C400] =	vst v63  }
0x100: {  	s4 =	sadd.s32 s1, s24  }
0x101: {  	[tilespmem:s17], [sflag:$0x6] =	stream.linear.gather [hbm4b:s4+s3], $0x80, $0x38;
	[tilespmem:$0x1C400] =	vst v63  }
0x102: {  	_ =	swait.ge [sflag:s19], $0x80  }
0x103: {  	[sflag:s19] =	ssyncset.done $0x0  }
0x104: {  	[sflag:s19] =	ssyncadd.s32 $0xFFFFFF80  }
0x105: {  	_ =	swait.ge [sflag:s19], $0x80  }
0x106: {  	[sflag:s19] =	ssyncset.done $0x0  }
0x107: {  	[sflag:s19] =	ssyncadd.s32 $0xFFFFFF80  }
0x108: {  	[tilespmem:s3], [sflag:$0x1] =	stream.indirect.gather [hbm4b:s5+s9], $0x80, s10, s9, $0xb8;
	[tilespmem:$0x1C400] =	vst v63  }
0x109: {  	p0 =	seq.s32 s28, $0x4C0;
	_ =	swait.ge [sflag:s21], $0x4000  }
0x10a: {  	s4 =	sadd.s32 @!p0 s28, s13;
	[sflag:s21] =	ssyncset.done $0x0  }
0x10b: {  	s8 =	sxor.u32 @!p0 $0xFFFFFFFF, s28;
	s4 =	sadd.s32 @!p0 $0x40, s4;
	[sflag:s21] =	ssyncadd.s32 $0xFFFFC000  }
0x10c: {  	[spmem:s2] =	stream.indirect.scatter.add.f32 [tilespmem:s7], [sflag:$0x8], $0x80, s0, s9, $0xb8;
	[tilespmem:$0x1C400] =	vst v63  }
0x10d: {  	s8 =	sand.u32 @!p0 $0x40, s8;
	s4 =	sand.u32 @!p0 $0xFFFFF80, s4;
	_ =	swait.ge [sflag:s29], $0x4000  }
0x10e: {  	s18 =	simm.s32 @!p0 $0x8000;
	s4 =	sor.u32 @!p0 s8, s4;
	[sflag:s29] =	ssyncset.done $0x0  }
0x10f: {  	s8 =	simm.s32 @!p0 $0x0;
	s20 =	sadd.s32 @!p0 s6, s4;
	[sflag:s29] =	ssyncadd.s32 $0xFFFFC000  }
0x110: {  	[tilespmem:s18], [sflag:$0x3] =	stream.linear.gather @!p0 [hbm4b:s20+s8], $0x80, $0x38;
	[tilespmem:$0x1C400] =	vst v63  }
0x111: {  	s4 =	sadd.s32 @!p0 s1, s4;
	s20 =	simm.s32 @!p0 $0x8200  }
0x112: {  	[tilespmem:s20], [sflag:$0x3] =	stream.linear.gather @!p0 [hbm4b:s4+s8], $0x80, $0x38;
	[tilespmem:$0x1C400] =	vst v63  }
0x113: {  	_ =	swait.ge [sflag:s23], $0x80  }
0x114: {  	[sflag:s23] =	ssyncset.done $0x0  }
0x115: {  	[sflag:s23] =	ssyncadd.s32 $0xFFFFFF80  }
0x116: {  	_ =	swait.ge [sflag:s23], $0x80  }
0x117: {  	[sflag:s23] =	ssyncset.done $0x0  }
0x118: {  	[sflag:s23] =	ssyncadd.s32 $0xFFFFFF80  }
0x119: {  	[tilespmem:s7], [sflag:$0x2] =	stream.indirect.gather [hbm4b:s5+s9], $0x80, s16, s9, $0xb8;
	[tilespmem:$0x1C400] =	vst v63  }
0x11a: {  	_ =	swait.ge [sflag:s14], $0x4000  }
0x11b: {  	s4 =	sadd.s32 @!p0 $0x50, s28;
	[sflag:s14] =	ssyncset.done $0x0  }
0x11c: {  	s20 =	sadd.s32 @!p0 s13, s4;
	[sflag:s14] =	ssyncadd.s32 $0xFFFFC000  }
0x11d: {  	[spmem:s2] =	stream.indirect.scatter.add.f32 [tilespmem:s3], [sflag:$0x7], $0x80, s11, s9, $0xb8;
	[tilespmem:$0x1C400] =	vst v63  }
0x11e: {  	s4 =	sand.u32 @!p0 $0x50, s4;
	s20 =	sand.u32 @!p0 $0xFFFFF80, s20;
	_ =	swait.ge [sflag:s15], $0x4000  }
0x11f: {  	s4 =	sor.u32 @!p0 s4, s20;
	[sflag:s15] =	ssyncset.done $0x0  }
0x120: {  	s22 =	simm.s32 @!p0 $0x8080;
	s20 =	sadd.s32 @!p0 s6, s4;
	[sflag:s15] =	ssyncadd.s32 $0xFFFFC000  }
0x121: {  	[tilespmem:s22], [sflag:$0x4] =	stream.linear.gather @!p0 [hbm4b:s20+s8], $0x80, $0x38;
	[tilespmem:$0x1C400] =	vst v63  }
0x122: {  	s4 =	sadd.s32 @!p0 s1, s4;
	s20 =	simm.s32 @!p0 $0x8280  }
0x123: {  	[tilespmem:s20], [sflag:$0x4] =	stream.linear.gather @!p0 [hbm4b:s4+s8], $0x80, $0x38;
	[tilespmem:$0x1C400] =	vst v63  }
0x124: {  	s4 =	simm.s32 @!p0 $0x3  }
0x125: {  	_ =	swait.ge @!p0 [sflag:s4], $0x80  }
0x126: {  	[sflag:s4] =	ssyncset.done @!p0 $0x0  }
0x127: {  	[sflag:s4] =	ssyncadd.s32 @!p0 $0xFFFFFF80  }
0x128: {  	_ =	swait.ge @!p0 [sflag:s4], $0x80  }
0x129: {  	[sflag:s4] =	ssyncset.done @!p0 $0x0  }
0x12a: {  	[sflag:s4] =	ssyncadd.s32 @!p0 $0xFFFFFF80;
	s4 =	simm.s32 @!p0 $0x80  }
0x12b: {  	[tilespmem:s8], [sflag:$0x1] =	stream.indirect.gather @!p0 [hbm4b:s5+s4], $0x80, s18, s4, $0xb8;
	[tilespmem:$0x1C400] =	vst v63  }
0x12c: {  	_ =	swait.ge [sflag:s21], $0x4000  }
0x12d: {  	[sflag:s21] =	ssyncset.done $0x0  }
0x12e: {  	[sflag:s21] =	ssyncadd.s32 $0xFFFFC000  }
0x12f: {  	[spmem:s2] =	stream.indirect.scatter.add.f32 [tilespmem:s7], [sflag:$0x8], $0x80, s17, s9, $0xb8;
	[tilespmem:$0x1C400] =	vst v63  }
0x130: {  	_ =	swait.ge [sflag:s29], $0x4000  }
0x131: {  	[sflag:s29] =	ssyncset.done $0x0  }
0x132: {  	[sflag:s29] =	ssyncadd.s32 $0xFFFFC000  }
0x133: {  	[bflag:$0x0] =	sbarrier.arrive $0xFFFF  }
0x134: {  	s26 =	simm.s32 $0x9;
	s18 =	rddreg [dreg:$0xe]  }
0x135: {  	[tilespmem:s3], [sflag:$0x9] =	stream.linear.gather [spmem:s18], $0x4000, $0x38;
	[tilespmem:$0x1C400] =	vst v63  }
0x136: {  	_ =	swait.ge [sflag:s26], $0x4000  }
0x137: {  	[sflag:s26] =	ssyncset.done $0x0  }
0x138: {  	s25 =	rddreg [dreg:$0x4];
	[sflag:s26] =	ssyncadd.s32 $0xFFFFC000  }
0x139: {  	[hbm4b:s25+s3] =	stream.linear.scatter [tilespmem:s3], [sflag:$0x9], $0x4000, $0x38;
	[tilespmem:$0x1C400] =	vst v63  }
0x13a: {  	_ =	swait.ge [sflag:s26], $0x4000  }
0x13b: {  	[sflag:s26] =	ssyncset.done $0x0  }
0x13c: {  	s22 =	rddreg [dreg:$0x10];
	[sflag:s26] =	ssyncadd.s32 $0xFFFFC000  }
0x13d: {  	[tilespmem:s7], [sflag:$0x9] =	stream.linear.gather [spmem:s22], $0x4000, $0x38;
	[tilespmem:$0x1C400] =	vst v63  }
0x13e: {  	_ =	swait.ge [sflag:s26], $0x4000  }
0x13f: {  	[sflag:s26] =	ssyncset.done $0x0  }
0x140: {  	s28 =	rddreg [dreg:$0x5];
	[sflag:s26] =	ssyncadd.s32 $0xFFFFC000  }
0x141: {  	[hbm4b:s28+s3] =	stream.linear.scatter [tilespmem:s7], [sflag:$0x9], $0x4000, $0x38;
	[tilespmem:$0x1C400] =	vst v63  }
0x142: {  	_ =	swait.ge [sflag:s26], $0x4000  }
0x143: {  	[sflag:s26] =	ssyncset.done $0x0  }
0x144: {  	s24 =	rddreg [dreg:$0x12];
	[sflag:s26] =	ssyncadd.s32 $0xFFFFC000  }
0x145: {  	[tilespmem:s3], [sflag:$0x9] =	stream.linear.gather [spmem:s24], $0x4000, $0x38;
	[tilespmem:$0x1C400] =	vst v63  }
0x146: {  	_ =	swait.ge [sflag:s26], $0x4000  }
0x147: {  	[sflag:s26] =	ssyncset.done $0x0  }
0x148: {  	s8 =	rddreg [dreg:$0x6];
	[sflag:s26] =	ssyncadd.s32 $0xFFFFC000  }
0x149: {  	[hbm4b:s8+s3] =	stream.linear.scatter [tilespmem:s3], [sflag:$0x9], $0x4000, $0x38;
	[tilespmem:$0x1C400] =	vst v63  }
0x14a: {  	_ =	swait.ge [sflag:s26], $0x4000  }
0x14b: {  	[sflag:s26] =	ssyncset.done $0x0  }
0x14c: {  	s25 =	rddreg [dreg:$0x14];
	[sflag:s26] =	ssyncadd.s32 $0xFFFFC000  }
0x14d: {  	[tilespmem:s7], [sflag:$0x9] =	stream.linear.gather [spmem:s25], $0x4000, $0x38;
	[tilespmem:$0x1C400] =	vst v63  }
0x14e: {  	_ =	swait.ge [sflag:s26], $0x4000  }
0x14f: {  	[sflag:s26] =	ssyncset.done $0x0  }
0x150: {  	s20 =	rddreg [dreg:$0x7];
	[sflag:s26] =	ssyncadd.s32 $0xFFFFC000  }
0x151: {  	[hbm4b:s20+s3] =	stream.linear.scatter [tilespmem:s7], [sflag:$0x9], $0x4000, $0x38;
	[tilespmem:$0x1C400] =	vst v63  }
0x152: {  	_ =	swait.ge [sflag:s26], $0x4000  }
0x153: {  	[sflag:s26] =	ssyncset.done $0x0  }
0x154: {  	s20 =	rddreg [dreg:$0x16];
	[sflag:s26] =	ssyncadd.s32 $0xFFFFC000  }
0x155: {  	[tilespmem:s3], [sflag:$0x9] =	stream.linear.gather [spmem:s20], $0x4000, $0x38;
	[tilespmem:$0x1C400] =	vst v63  }
0x156: {  	_ =	swait.ge [sflag:s26], $0x4000  }
0x157: {  	[sflag:s26] =	ssyncset.done $0x0  }
0x158: {  	s28 =	rddreg [dreg:$0x8];
	[sflag:s26] =	ssyncadd.s32 $0xFFFFC000  }
0x159: {  	[hbm4b:s28+s3] =	stream.linear.scatter [tilespmem:s3], [sflag:$0x9], $0x4000, $0x38;
	[tilespmem:$0x1C400] =	vst v63  }
0x15a: {  	_ =	swait.ge [sflag:s26], $0x4000  }
0x15b: {  	s4 =	rddreg [dreg:$0x18]  }
0x15c: {  	s28 =	rddreg [dreg:$0x17];
	s8 =	sadd.s32 $0x1, s4  }
0x15d: {  	p0 =	sne.s32 s8, s28  }
.Ltmp1:
0x15e: {  	_ = 	snop;
	(pc) =	sbr.rel @p0 .LBB2_1-.Ltmp1, $3  }
0x15f: {  	_ =	sdelay $0x1  }
0x160: {  	[sflag:s26] =	ssyncset.done $0x0  }
0x161: {  	[sflag:s26] =	ssyncadd.s32 $0xFFFFC000  }
0x162: {  	_ =	sfence.sel $0x180000  }
0x163: {  	[bflag:$0x0] =	sbarrier.arrive $0xFFFF  }
0x164: {  	_ =	strace $0x9000004D  }
0x165: {  	s0 =	stileid.u32;
	[bflag:$0x2] =	sbarrier.arrive $0xFFFF  }
0x166: {  	p0 =	sne.s32 s0, $0x0;
	s0 =	rddreg [dreg:$0x3]  }
0x167: {  	s0 =	sadd.s32 @!p0 $0x100000, s0  }
0x168: {  	[sflag:s0] =	ssyncadd.tile.s32 @!p0 $0x1;
	_ =	shalt  }
.Lfunc_end2:
_tile_overlayer_lowered:
.L_overlay_start_2:
0x169: {  	(tag) =	ssettag $0x2  }
0x16a: {  	s0 =	rddreg [dreg:$0x0];
	s2 =	stileid.u32  }
0x16b: {  	s1 =	rddreg [dreg:$0x1];
	p0 =	sne.s32 s2, $0x0  }
0x16c: {  	s3 =	rddreg [dreg:$0x2];
	[bflag:$0x3] =	sbarrier.arrive $0xFFFF;
	s2 =	simm.s32 @!p0 $0x1C09  }
0x16d: {  	[timem:s3], [sflag:s2] =	dma.local @!p0 [hbm:s0], s1  }
0x16e: {  	s0 =	simm.s32 @!p0 $0x9  }
0x16f: {  	_ =	swait.ge @!p0 [sflag:s0], s1  }
0x170: {  	s1 =	ssub.s32 @!p0 $0x0, s1;
	[sflag:s0] =	ssyncset.done @!p0 $0x0  }
0x171: {  	[sflag:s0] =	ssyncadd.s32 @!p0 s1  }
0x172: {  	[bflag:$0x3] =	sbarrier.arrive $0xFFFF  }
0x173: {  	_ =	shalt  }

// kernel: kernel.19.cloned.1.call-start
scs
__scs_entry_jumppad:
0x0: {  	(pc) =	sbr.rel $0x88, $3  }
0x1: {  	(tag) =	ssettag $0x0;
	lr =	simm.s32 $0x1  }
0x2: {  	[smem:$0x3F93] =	sst lr;
	_ =	strace $0xD0000000  }
0x3: {  	_ = 	snop  }
0x4: {  	_ = 	snop  }
0x5: {  	_ = 	snop  }
0x6: {  	_ = 	snop  }
0x7: {  	_ = 	snop  }
__scs_overlays_trampoline_lowered:
0x8: {  	[smem:$0x3FA2] =	sst s0  }
0x9: {  	[smem:$0x3FA3] =	sst s1  }
0xa: {  	[smem:$0x3FA4] =	sst s2  }
0xb: {  	[smem:$0x3FA5] =	sst s3  }
0xc: {  	[smem:$0x3FA6] =	sst s4  }
0xd: {  	[smem:$0x3FA7] =	sst s5  }
0xe: {  	[smem:$0x3FA8] =	sst s6  }
0xf: {  	[smem:$0x3FA9] =	sst s7  }
0x10: {  	[smem:$0x3FAA] =	sst s8  }
0x11: {  	[smem:$0x3FAB] =	sst s9;
	s0 =	simm.s32 @!p0 $0x0  }
0x12: {  	s1 =	sld [smem:$0x3F91];
	s0 =	simm.s32 @p0 $0x1  }
0x13: {  	[smem:$0x3FAC] =	sst s0;
	s0 =	simm.s32 @!p1 $0x0  }
0x14: {  	s2 =	sld [smem:$0x3F90];
	s0 =	simm.s32 @p1 $0x1  }
0x15: {  	[smem:$0x3FAD] =	sst s0;
	s0 =	simm.s32 @!p2 $0x0  }
0x16: {  	s3 =	sld [smem:$0x3FDB];
	s0 =	simm.s32 @p2 $0x1  }
0x17: {  	s4 =	simm.s32 $0x1BF5;
	[smem:$0x3FAF] =	sst s0  }
0x18: {  	s0 =	sld [smem:$0x3F92];
	_ =	swait.ge [sflag:s4], $0x0  }
0x19: {  	s7 =	sld [smem:$0x3F93]  }
0x1a: {  	s8 =	sadd.s32 $0xFFFFE003, lr  }
0x1b: {  	s9 =	sadd.s32 $0xFFFFFEF7, lr;
	s5 =	simm.s32 $0xFFFFFFFF;
	p2 =	slt.u32 s8, $0xFFFFF086  }
0x1c: {  	p1 =	slt.u32 s9, $0xF7A;
	s5 =	simm.s32 @!p2 $0x0  }
0x1d: {  	s5 =	simm.s32 @p1 $0x1;
	p0 =	seq.s32 s7, s2  }
0x1e: {  	s7 =	smul.u32 @!p0 $0xF7A, s2;
	p2 =	seq.s32 @!p0 s5, $0x0  }
0x1f: {  	s9 =	smul.u32 $0xF7A, s1;
	s8 =	simm.s32 @!p0 $0x1BF5;
	p2 =	por !p2, p0  }
0x20: {  	[sflag:s8] =	ssyncset.s32 @!p0 $0xFFFFF086;
	s6 =	sadd.s32 @!p0 s3, s7;
	s7 =	simm.s32 @!p0 $0x108  }
0x21: {  	s3 =	sadd.s32 s3, s9;
	s6 =	sadd.s32 @!p0 $0x88, s6;
	s7 =	simm.s32 @p2 $0x1082  }
0x22: {  	[simem:s7], [sflag:s8] =	dma.local @!p0 [hbm:s6], $0xF7A  }
0x23: {  	s9 =	sor.u32 $0xD0000000, s2;
	s6 =	simm.s32 $0x108;
	_ =	swait.ge @!p0 [sflag:s8], $0x0  }
0x24: {  	s3 =	sadd.s32 $0x88, s3;
	s6 =	simm.s32 @!p1 $0x1082;
	[sflag:s4] =	ssyncset.s32 $0xFFFFF086  }
0x25: {  	[simem:s6], [sflag:s4] =	dma.local [hbm:s3], $0xF7A  }
0x26: {  	[smem:$0x3F93] =	sst s1;
	(tag) =	ssettag s2;
	_ =	strace s9  }
0x27: {  	s1 =	sld [smem:$0x3FA3]  }
0x28: {  	s2 =	sld [smem:$0x3FA4]  }
0x29: {  	s4 =	sld [smem:$0x3FA6]  }
0x2a: {  	p0 =	seq.s32 s5, $0x0;
	s5 =	sld [smem:$0x3FA7]  }
0x2b: {  	s6 =	sld [smem:$0x3FA8]  }
0x2c: {  	s7 =	sld [smem:$0x3FA9]  }
0x2d: {  	s3 =	simm.s32 $0x108;
	s8 =	sld [smem:$0x3FAA]  }
0x2e: {  	s3 =	simm.s32 @!p0 $0x1082;
	s9 =	sld [smem:$0x3FAB]  }
0x2f: {  	lr =	sadd.s32 s0, s3;
	s0 =	sld [smem:$0x3FA2]  }
0x30: {  	s3 =	sld [smem:$0x3FA5]  }
0x31: {  	[smem:$0x3FAE] =	sst s10  }
0x32: {  	s10 =	sld [smem:$0x3FAC];
	_ =	sdelay $0x3  }
0x33: {  	p0 =	seq.s32 s10, $0x1;
	s10 =	sld [smem:$0x3FAE];
	_ =	sdelay $0x3  }
0x34: {  	[smem:$0x3FAE] =	sst s10  }
0x35: {  	s10 =	sld [smem:$0x3FAD];
	_ =	sdelay $0x3  }
0x36: {  	p1 =	seq.s32 s10, $0x1;
	s10 =	sld [smem:$0x3FAE];
	_ =	sdelay $0x3  }
0x37: {  	[smem:$0x3FAE] =	sst s10  }
0x38: {  	s10 =	sld [smem:$0x3FAF]  }
0x39: {  	_ = 	snop;
	(pc) =	sbr.ind lr, $3  }
0x3a: {  	_ = 	snop  }
0x3b: {  	_ = 	snop  }
0x3c: {  	p2 =	seq.s32 s10, $0x1;
	s10 =	sld [smem:$0x3FAE]  }
0x3d: {  	_ =	shalt  }
0x3e: {  	_ =	shalt  }
0x3f: {  	_ =	shalt  }
0x40: {  	_ =	shalt  }
0x41: {  	_ =	shalt  }
0x42: {  	_ =	shalt  }
0x43: {  	_ =	shalt  }
0x44: {  	_ =	shalt  }
0x45: {  	_ =	shalt  }
0x46: {  	_ =	shalt  }
0x47: {  	_ =	shalt  }
0x48: {  	_ =	shalt  }
0x49: {  	_ =	shalt  }
0x4a: {  	_ =	shalt  }
0x4b: {  	_ =	shalt  }
0x4c: {  	_ =	shalt  }
0x4d: {  	_ =	shalt  }
0x4e: {  	_ =	shalt  }
0x4f: {  	_ =	shalt  }
0x50: {  	_ =	shalt  }
0x51: {  	_ =	shalt  }
0x52: {  	_ =	shalt  }
0x53: {  	_ =	shalt  }
0x54: {  	_ =	shalt  }
0x55: {  	_ =	shalt  }
0x56: {  	_ =	shalt  }
0x57: {  	_ =	shalt  }
0x58: {  	_ =	shalt  }
0x59: {  	_ =	shalt  }
0x5a: {  	_ =	shalt  }
0x5b: {  	_ =	shalt  }
0x5c: {  	_ =	shalt  }
0x5d: {  	_ =	shalt  }
0x5e: {  	_ =	shalt  }
0x5f: {  	_ =	shalt  }
0x60: {  	_ =	shalt  }
0x61: {  	_ =	shalt  }
0x62: {  	_ =	shalt  }
0x63: {  	_ =	shalt  }
0x64: {  	_ =	shalt  }
0x65: {  	_ =	shalt  }
0x66: {  	_ =	shalt  }
0x67: {  	_ =	shalt  }
0x68: {  	_ =	shalt  }
0x69: {  	_ =	shalt  }
0x6a: {  	_ =	shalt  }
0x6b: {  	_ =	shalt  }
0x6c: {  	_ =	shalt  }
0x6d: {  	_ =	shalt  }
0x6e: {  	_ =	shalt  }
0x6f: {  	_ =	shalt  }
0x70: {  	_ =	shalt  }
0x71: {  	_ =	shalt  }
0x72: {  	_ =	shalt  }
0x73: {  	_ =	shalt  }
0x74: {  	_ =	shalt  }
0x75: {  	_ =	shalt  }
0x76: {  	_ =	shalt  }
0x77: {  	_ =	shalt  }
0x78: {  	_ =	shalt  }
0x79: {  	_ =	shalt  }
0x7a: {  	_ =	shalt  }
0x7b: {  	_ =	shalt  }
0x7c: {  	_ =	shalt  }
0x7d: {  	_ =	shalt  }
0x7e: {  	_ =	shalt  }
0x7f: {  	_ =	shalt  }
0x80: {  	_ =	shalt  }
0x81: {  	_ =	shalt  }
0x82: {  	_ =	shalt  }
0x83: {  	_ =	shalt  }
0x84: {  	_ =	shalt  }
0x85: {  	_ =	shalt  }
0x86: {  	_ =	shalt  }
0x87: {  	_ =	shalt  }
.Lfunc_end0:
.L_simem_size_0:
called_computation.3_lowered:
.L_overlay_start_0:
0x88: {  	s2 =	sld [smem:$0x3FD9]  }
0x89: {  	s3 =	sld [smem:$0x3FFE];
	_ =	sdelay $0x1  }
0x8a: {  	s1 =	srdreg.scid  }
0x8b: {  	s0 =	sand.u32 $0x1, s1  }
0x8c: {  	s14 =	sshll.u32 s0, $0xA;
	s2 =	sadd.s32 s3, s2  }
0x8d: {  	s2 =	sadd.s32 s2, s14  }
0x8e: {  	[smem:$0x3FBA] =	sst s2  }
0x8f: {  	_ = 	snop  }
0x90: {  	s2 =	sld [smem:$0x3FD0];
	_ =	sdelay $0x2  }
0x91: {  	s15 =	simm.s32 $0xA;
	s4 =	simm.s32 $0x10  }
0x92: {  	[smem:s4], [sflag:s15] =	dma.local [hbm:s2], $0x1  }
0x93: {  	_ =	swait.eq [sflag:s15], $0x1  }
0x94: {  	[sflag:s15] =	ssyncset.done $0x0  }
0x95: {  	[sflag:s15] =	ssyncadd.s32 $0xFFFFFFFF  }
0x96: {  	s16 =	sld [smem:$0x10];
	(tm) =	ssettm $0x1  }
0x97: {  	s17 =	sld [smem:$0x3FFB];
	_ =	sdelay $0x3  }
0x98: {  	_ =	strace s17  }
0x99: {  	s3 =	sld [smem:$0x3FFC];
	_ =	sdelay $0x3  }
0x9a: {  	_ =	strace s3  }
0x9b: {  	s3 =	sld [smem:$0x3FFD];
	_ =	sdelay $0x3  }
0x9c: {  	_ =	strace s3  }
0x9d: {  	_ =	strace $0x8FFFFFFF  }
0x9e: {  	s18 =	sld [smem:$0x3FDB];
	_ =	sdelay $0x1  }
0x9f: {  	s19 =	simm.s32 $_scs_section_size  }
0xa0: {  	s5 =	simm.s32 $_size__tile_overlayer_lowered;
	s6 =	simm.s32 $_tile_overlayer_lowered  }
0xa1: {  	s22 =	simm.s32 $0x1BFF;
	s21 =	sshll.u32 s6, $0x1;
	s3 =	sadd.s32 s19, s18  }
0xa2: {  	s7 =	simm.s32 $0x0;
	s20 =	sshll.u32 s5, $0x1;
	s5 =	sadd.s32 s21, s3  }
0xa3: {  	[timem:s7], [sflag:s22] =	dma.local [hbm:s5], s20  }
0xa4: {  	_ =	swait.ge [sflag:s22], s20  }
0xa5: {  	s4 =	ssub.s32 $0x0, s20;
	[sflag:s22] =	ssyncset.done $0x0  }
0xa6: {  	[sflag:s22] =	ssyncadd.s32 s4;
	_ =	sdelay $0x1  }
0xa7: {  	s23 =	simm.s32 $0x1B8B  }
0xa8: {  	_ =	swait.ge [sflag:s23], $0x1  }
0xa9: {  	[sflag:s23] =	ssyncset.done $0x0  }
0xaa: {  	s25 =	simm.s32 $0x1B8E;
	s24 =	sld [smem:$0x3FFE];
	[sflag:s23] =	ssyncadd.s32 $0xFFFFFFFF  }
0xab: {  	s26 =	simm.s32 $execute0_lowered;
	[smem:$0x3FD2] =	sst s25  }
0xac: {  	s5 =	sshll.u32 s26, $0x1;
	_ =	strace $0x8000004F;
	[dreg:$0x1] =	wrdreg $0xFFFFFFFF  }
0xad: {  	s28 =	simm.s32 $_size_execute0_lowered;
	s3 =	sadd.s32 s3, s5;
	[dreg:$0x0] =	wrdreg $0x0  }
0xae: {  	s5 =	sshll.u32 s28, $0x1;
	[dreg:$0x2] =	wrdreg s3  }
0xaf: {  	[dreg:$0x3] =	wrdreg s5  }
0xb0: {  	[dreg:$0x4] =	wrdreg $0xC0  }
0xb1: {  	_ =	task [dreg:s7], $0x5FFFF  }
0xb2: {  	[dreg:$0x1] =	wrdreg $0xFFFFFFFF  }
0xb3: {  	[dreg:$0x0] =	wrdreg $0x60  }
0xb4: {  	[dreg:$0x2] =	wrdreg s24  }
0xb5: {  	[dreg:$0x3] =	wrdreg s16  }
0xb6: {  	[dreg:$0x4] =	wrdreg $0x84000  }
0xb7: {  	[dreg:$0x5] =	wrdreg $0x9  }
0xb8: {  	_ =	task.clear_ibuf [dreg:s7], $0x6FFFF;
	_ =	strace $0x9000004F  }
0xb9: {  	s29 =	simm.s32 $0x9;
	_ =	strace $0x80000051  }
0xba: {  	_ =	swait.ge [sflag:s29], $0x1  }
0xbb: {  	[sflag:s29] =	ssyncadd.s32 $0xFFFFFFFF  }
0xbc: {  	_ =	strace $0x90000051  }
0xbd: {  	_ =	sfence  }
0xbe: {  	s30 =	sld [smem:$0x0];
	_ =	sdelay $0x2  }
0xbf: {  	s31 =	sshll.u32 s1, $0xD;
	s1 =	sshrl.u32 s1, $0x2  }
0xc0: {  	s3 =	sand.u32 $0x4000, s31;
	s1 =	sadd.s32 s1, s30  }
0xc1: {  	s0 =	sor.u32 s3, s0;
	s1 =	sshll.u32 s1, $0x11  }
0xc2: {  	s0 =	sor.u32 s1, s0  }
0xc3: {  	s0 =	sadd.s32 $0x8F2B, s0  }
0xc4: {  	[sflag:s0] =	ssyncadd.remote.s32 $0x1  }
0xc5: {  	_ =	sfence.sel $0xFFFF  }
0xc6: {  	[dreg:$0x0] =	wrdreg $0xFFFFFFFF;
	(pc) =	sbr.abs _section_cstart, $3  }
0xc7: {  	[dreg:$0x1] =	wrdreg $0xFFFFFFFF  }
0xc8: {  	_ =	task.clear_ibuf [dreg:s7], $0x2FFFF;
	_ =	strace $0x9FFFFFFF  }
0xc9: {  	(tm) =	ssettm $0x7FFFFFFF  }
tec
execute0_lowered:
.L_overlay_start_1:
0x0: {  	(tag) =	ssettag $0x1  }
0x1: {  	s0 =	rddreg [dreg:$0x0]  }
0x2: {  	s1 =	rddreg [dreg:$0x1]  }
0x3: {  	s2 =	rddreg [dreg:$0x2]  }
0x4: {  	s3 =	simm.s32 $0x0;
	s4 =	srdreg.scid;
	s22 =	stileid.u32  }
0x5: {  	s30 =	simm.s32 $0x8200;
	s31 =	simm.s32 $0x8080;
	s29 =	simm.s32 $0x8  }
0x6: {  	[smem:$0x7FF] =	sst s3;
	s5 =	sadd.s32 $0xE800, s0;
	s6 =	sadd.s32 $0x4800, s0  }
0x7: {  	s4 =	sand.u32 $0x1, s4;
	s7 =	sshll.u32 s22, $0x1;
	s9 =	smul.u32 $0x280, s22  }
0x8: {  	s0 =	sadd.s32 $0x36800, s0;
	_ =	strace $0x80000050;
	s13 =	smul.u32 $0x140000, s4  }
0x9: {  	s8 =	ssub.s32 $0x2, s4;
	s7 =	sor.u32 s4, s7;
	s4 =	smul.u32 $0x500, s4  }
0xa: {  	s10 =	sshrl.u32 s8, $0x1;
	s7 =	smul.u32 $0x500, s7;
	s11 =	sadd.s32 $0x80, s9  }
0xb: {  	s12 =	sadd.s32 $0x100, s9;
	s14 =	sadd.s32 $0x180, s9;
	s9 =	sadd.s32 $0x200, s9  }
0xc: {  	s8 =	ssub.s32 s8, s10;
	s10 =	smul.u32 $0x14000, s22;
	s15 =	sshll.u32 s11, $0x7  }
0xd: {  	s16 =	sshll.u32 s12, $0x7;
	s17 =	sshll.u32 s14, $0x7;
	s20 =	sshll.u32 s9, $0x7  }
0xe: {  	s19 =	sadd.s32 s13, s15;
	s23 =	sadd.s32 s13, s16;
	s24 =	sadd.s32 s13, s17  }
0xf: {  	s26 =	sadd.s32 s6, s7;
	s28 =	sadd.s32 s1, s7;
	s18 =	sadd.s32 s10, s13  }
0x10: {  	s19 =	sshrl.u32 s19, $0x3;
	s13 =	sadd.s32 s13, s20;
	[dreg:$0x9] =	wrdreg s26  }
0x11: {  	[dreg:$0xa] =	wrdreg s28;
	s26 =	sshll.u32 s9, $0x4;
	s20 =	sadd.s32 s20, s2  }
0x12: {  	s28 =	smax.u32 s8, $0x1;
	s9 =	simm.s32 $0x80;
	s8 =	simm.s32 $0x0  }
0x13: {  	s18 =	sshrl.u32 s18, $0x3;
	s21 =	sadd.s32 s0, s19;
	s19 =	sshrl.u32 s24, $0x3  }
0x14: {  	s13 =	sshrl.u32 s13, $0x3;
	s24 =	sshll.u32 s12, $0x4;
	[dreg:$0x17] =	wrdreg s28  }
0x15: {  	s12 =	simm.s32 $0x4;
	[dreg:$0x16] =	wrdreg s20;
	s18 =	sadd.s32 s0, s18  }
0x16: {  	[dreg:$0x5] =	wrdreg s21;
	s21 =	smul.u32 $0xA00, s22;
	s25 =	sadd.s32 s0, s19  }
0x17: {  	s19 =	sshrl.u32 s10, $0x3;
	s10 =	simm.s32 $0x8100;
	[dreg:$0x4] =	wrdreg s18  }
0x18: {  	s18 =	sshrl.u32 s23, $0x3;
	[dreg:$0x7] =	wrdreg s25;
	s25 =	sshll.u32 s14, $0x4  }
0x19: {  	s14 =	simm.s32 $0x1;
	s18 =	sadd.s32 s0, s18;
	s0 =	sadd.s32 s0, s13  }
0x1a: {  	s13 =	sadd.s32 s4, s21;
	s4 =	sor.u32 $0x10, s7;
	[dreg:$0x6] =	wrdreg s18  }
0x1b: {  	[dreg:$0x8] =	wrdreg s0;
	s18 =	smul.u32 $0x50000, s22;
	s7 =	sadd.s32 s6, s4  }
0x1c: {  	s0 =	sadd.s32 s1, s4;
	s22 =	sshll.u32 s11, $0x4;
	[dreg:$0xb] =	wrdreg s7  }
0x1d: {  	s11 =	simm.s32 $0x8300;
	[dreg:$0xc] =	wrdreg s0;
	s0 =	sadd.s32 s5, s19  }
0x1e: {  	s23 =	sadd.s32 s5, s22;
	s22 =	sadd.s32 s15, s2;
	[dreg:$0xd] =	wrdreg s0  }
0x1f: {  	s7 =	simm.s32 $0x4000;
	s15 =	simm.s32 $0x7;
	[dreg:$0xf] =	wrdreg s23  }
0x20: {  	s19 =	simm.s32 $0x5;
	s0 =	sadd.s32 s5, s24;
	[dreg:$0x10] =	wrdreg s22  }
0x21: {  	s21 =	sshrl.u32 s18, $0x2;
	s24 =	sadd.s32 s16, s2;
	[dreg:$0x11] =	wrdreg s0  }
0x22: {  	s16 =	simm.s32 $0x8180;
	s0 =	sadd.s32 s5, s25;
	[dreg:$0x12] =	wrdreg s24  }
0x23: {  	s23 =	simm.s32 $0x6;
	s18 =	sadd.s32 s21, s2;
	[dreg:$0x13] =	wrdreg s0  }
0x24: {  	s25 =	sadd.s32 s17, s2;
	s17 =	simm.s32 $0x8380;
	[dreg:$0xe] =	wrdreg s18  }
0x25: {  	s21 =	simm.s32 $0x2;
	s0 =	sadd.s32 s5, s26;
	[dreg:$0x14] =	wrdreg s25  }
0x26: {  	s26 =	simm.s32 $0x9;
	[dreg:$0x15] =	wrdreg s0;
	s0 =	simm.s32 $0x8280  }
.LBB2_1:
0x27: {  	[dreg:$0x18] =	wrdreg s8  }
0x28: {  	s4 =	rddreg [dreg:$0x9];
	s8 =	simm.s32 $0x8000  }
0x29: {  	[tilespmem:s8], [sflag:$0x3] =	stream.linear.gather [hbm4b:s4+s3], $0x80, $0x38;
	[tilespmem:$0x1C400] =	vst v63  }
0x2a: {  	s4 =	rddreg [dreg:$0xa]  }
0x2b: {  	[tilespmem:s30], [sflag:$0x3] =	stream.linear.gather [hbm4b:s4+s3], $0x80, $0x38;
	[tilespmem:$0x1C400] =	vst v63  }
0x2c: {  	s4 =	rddreg [dreg:$0xb]  }
0x2d: {  	[tilespmem:s31], [sflag:$0x4] =	stream.linear.gather [hbm4b:s4+s3], $0x80, $0x38;
	[tilespmem:$0x1C400] =	vst v63  }
0x2e: {  	s4 =	rddreg [dreg:$0xc]  }
0x2f: {  	[tilespmem:s0], [sflag:$0x4] =	stream.linear.gather [hbm4b:s4+s3], $0x80, $0x38;
	[tilespmem:$0x1C400] =	vst v63  }
0x30: {  	s4 =	rddreg [dreg:$0xd]  }
0x31: {  	[tilespmem:s3], [sflag:$0x9] =	stream.linear.gather [hbm4b:s4+s3], $0x4000, $0x38;
	[tilespmem:$0x1C400] =	vst v63  }
0x32: {  	_ =	swait.ge [sflag:s26], $0x4000  }
0x33: {  	[sflag:s26] =	ssyncset.done $0x0  }
0x34: {  	[sflag:s26] =	ssyncadd.s32 $0xFFFFC000  }
0x35: {  	[spmem:s18] =	stream.linear.scatter [tilespmem:s3], [sflag:$0x9], $0x4000, $0x38;
	[tilespmem:$0x1C400] =	vst v63  }
0x36: {  	_ =	swait.ge [sflag:s26], $0x4000  }
0x37: {  	[sflag:s26] =	ssyncset.done $0x0  }
0x38: {  	s18 =	rddreg [dreg:$0xf];
	[sflag:s26] =	ssyncadd.s32 $0xFFFFC000  }
0x39: {  	[tilespmem:s7], [sflag:$0x9] =	stream.linear.gather [hbm4b:s18+s3], $0x4000, $0x38;
	[tilespmem:$0x1C400] =	vst v63  }
0x3a: {  	_ =	swait.ge [sflag:s26], $0x4000  }
0x3b: {  	[sflag:s26] =	ssyncset.done $0x0  }
0x3c: {  	[sflag:s26] =	ssyncadd.s32 $0xFFFFC000  }
0x3d: {  	[spmem:s22] =	stream.linear.scatter [tilespmem:s7], [sflag:$0x9], $0x4000, $0x38;
	[tilespmem:$0x1C400] =	vst v63  }
0x3e: {  	_ =	swait.ge [sflag:s26], $0x4000  }
0x3f: {  	[sflag:s26] =	ssyncset.done $0x0  }
0x40: {  	s22 =	rddreg [dreg:$0x11];
	[sflag:s26] =	ssyncadd.s32 $0xFFFFC000  }
0x41: {  	[tilespmem:s3], [sflag:$0x9] =	stream.linear.gather [hbm4b:s22+s3], $0x4000, $0x38;
	[tilespmem:$0x1C400] =	vst v63  }
0x42: {  	_ =	swait.ge [sflag:s26], $0x4000  }
0x43: {  	[sflag:s26] =	ssyncset.done $0x0  }
0x44: {  	[sflag:s26] =	ssyncadd.s32 $0xFFFFC000  }
0x45: {  	[spmem:s24] =	stream.linear.scatter [tilespmem:s3], [sflag:$0x9], $0x4000, $0x38;
	[tilespmem:$0x1C400] =	vst v63  }
0x46: {  	_ =	swait.ge [sflag:s26], $0x4000  }
0x47: {  	[sflag:s26] =	ssyncset.done $0x0  }
0x48: {  	s18 =	rddreg [dreg:$0x13];
	[sflag:s26] =	ssyncadd.s32 $0xFFFFC000  }
0x49: {  	[tilespmem:s7], [sflag:$0x9] =	stream.linear.gather [hbm4b:s18+s3], $0x4000, $0x38;
	[tilespmem:$0x1C400] =	vst v63  }
0x4a: {  	_ =	swait.ge [sflag:s26], $0x4000  }
0x4b: {  	[sflag:s26] =	ssyncset.done $0x0  }
0x4c: {  	[sflag:s26] =	ssyncadd.s32 $0xFFFFC000  }
0x4d: {  	[spmem:s25] =	stream.linear.scatter [tilespmem:s7], [sflag:$0x9], $0x4000, $0x38;
	[tilespmem:$0x1C400] =	vst v63  }
0x4e: {  	_ =	swait.ge [sflag:s26], $0x4000  }
0x4f: {  	[sflag:s26] =	ssyncset.done $0x0  }
0x50: {  	s22 =	rddreg [dreg:$0x15];
	[sflag:s26] =	ssyncadd.s32 $0xFFFFC000  }
0x51: {  	[tilespmem:s3], [sflag:$0x9] =	stream.linear.gather [hbm4b:s22+s3], $0x4000, $0x38;
	[tilespmem:$0x1C400] =	vst v63  }
0x52: {  	_ =	swait.ge [sflag:s26], $0x4000  }
0x53: {  	[sflag:s26] =	ssyncset.done $0x0  }
0x54: {  	[sflag:s26] =	ssyncadd.s32 $0xFFFFC000  }
0x55: {  	[spmem:s20] =	stream.linear.scatter [tilespmem:s3], [sflag:$0x9], $0x4000, $0x38;
	[tilespmem:$0x1C400] =	vst v63  }
0x56: {  	_ =	swait.ge [sflag:s26], $0x4000  }
0x57: {  	[sflag:s26] =	ssyncset.done $0x0  }
0x58: {  	s24 =	simm.s32 $0x3;
	[sflag:s26] =	ssyncadd.s32 $0xFFFFC000  }
0x59: {  	_ =	swait.ge [sflag:s24], $0x80  }
0x5a: {  	[sflag:s24] =	ssyncset.done $0x0  }
0x5b: {  	[sflag:s24] =	ssyncadd.s32 $0xFFFFFF80  }
0x5c: {  	_ =	swait.ge [sflag:s24], $0x80  }
0x5d: {  	[sflag:s24] =	ssyncset.done $0x0  }
0x5e: {  	[sflag:s24] =	ssyncadd.s32 $0xFFFFFF80  }
0x5f: {  	p0 =	por $0x1, $0x1;
	s25 =	sadd.s32 $0x0, s13;
	[bflag:$0x0] =	sbarrier.arrive $0xFFFF  }
0x60: {  	[tilespmem:s3], [sflag:$0x1] =	stream.indirect.gather [hbm4b:s5+s9], $0x80, s8, s9, $0xb8;
	[tilespmem:$0x1C400] =	vst v63  }
0x61: {  	s20 =	simm.s32 @!p0 $0x8;
	s26 =	sand.u32 $0x40, s3;
	s8 =	sand.u32 $0xFFFFF80, s25  }
0x62: {  	s8 =	sor.u32 s8, s26;
	_ =	swait.ge @!p0 [sflag:s20], $0x4000  }
0x63: {  	s18 =	sor.u32 $0x20, s8;
	[sflag:s20] =	ssyncset.done @!p0 $0x0  }
0x64: {  	s4 =	sadd.s32 s6, s18;
	[sflag:s20] =	ssyncadd.s32 @!p0 $0xFFFFC000  }
0x65: {  	[tilespmem:s10], [sflag:$0x5] =	stream.linear.gather [hbm4b:s4+s3], $0x80, $0x38;
	[tilespmem:$0x1C400] =	vst v63  }
0x66: {  	s18 =	sadd.s32 s1, s18  }
0x67: {  	[tilespmem:s11], [sflag:$0x5] =	stream.linear.gather [hbm4b:s18+s3], $0x80, $0x38;
	[tilespmem:$0x1C400] =	vst v63  }
0x68: {  	_ =	swait.ge [sflag:s12], $0x80  }
0x69: {  	[sflag:s12] =	ssyncset.done $0x0  }
0x6a: {  	[sflag:s12] =	ssyncadd.s32 $0xFFFFFF80  }
0x6b: {  	_ =	swait.ge [sflag:s12], $0x80  }
0x6c: {  	[sflag:s12] =	ssyncset.done $0x0  }
0x6d: {  	[sflag:s12] =	ssyncadd.s32 $0xFFFFFF80  }
0x6e: {  	[tilespmem:s7], [sflag:$0x2] =	stream.indirect.gather [hbm4b:s5+s9], $0x80, s31, s9, $0xb8;
	[tilespmem:$0x1C400] =	vst v63  }
0x6f: {  	_ =	swait.ge [sflag:s14], $0x4000  }
0x70: {  	[sflag:s14] =	ssyncset.done $0x0  }
0x71: {  	[sflag:s14] =	ssyncadd.s32 $0xFFFFC000  }
0x72: {  	[spmem:s2] =	stream.indirect.scatter.add.f32 [tilespmem:s3], [sflag:$0x7], $0x80, s30, s9, $0xb8;
	[tilespmem:$0x1C400] =	vst v63  }
0x73: {  	_ =	swait.ge [sflag:s15], $0x4000  }
0x74: {  	s8 =	sor.u32 $0x30, s8;
	[sflag:s15] =	ssyncset.done $0x0  }
0x75: {  	s24 =	sadd.s32 s6, s8;
	[sflag:s15] =	ssyncadd.s32 $0xFFFFC000  }
0x76: {  	[tilespmem:s16], [sflag:$0x6] =	stream.linear.gather [hbm4b:s24+s3], $0x80, $0x38;
	[tilespmem:$0x1C400] =	vst v63  }
0x77: {  	s8 =	sadd.s32 s1, s8  }
0x78: {  	[tilespmem:s17], [sflag:$0x6] =	stream.linear.gather [hbm4b:s8+s3], $0x80, $0x38;
	[tilespmem:$0x1C400] =	vst v63  }
0x79: {  	_ =	swait.ge [sflag:s19], $0x80  }
0x7a: {  	[sflag:s19] =	ssyncset.done $0x0  }
0x7b: {  	[sflag:s19] =	ssyncadd.s32 $0xFFFFFF80  }
0x7c: {  	_ =	swait.ge [sflag:s19], $0x80  }
0x7d: {  	[sflag:s19] =	ssyncset.done $0x0  }
0x7e: {  	[sflag:s19] =	ssyncadd.s32 $0xFFFFFF80  }
0x7f: {  	[tilespmem:s3], [sflag:$0x1] =	stream.indirect.gather [hbm4b:s5+s9], $0x80, s10, s9, $0xb8;
	[tilespmem:$0x1C400] =	vst v63  }
0x80: {  	p1 =	por $0x0, $0x0;
	_ =	swait.ge [sflag:s21], $0x4000  }
0x81: {  	s8 =	sadd.s32 @!p1 $0x0, s13;
	[sflag:s21] =	ssyncset.done $0x0  }
0x82: {  	s18 =	sxor.u32 @!p1 $0xFFFFFFFF, s3;
	s8 =	sadd.s32 @!p1 $0x40, s8;
	[sflag:s21] =	ssyncadd.s32 $0xFFFFC000  }
0x83: {  	[spmem:s2] =	stream.indirect.scatter.add.f32 [tilespmem:s7], [sflag:$0x8], $0x80, s0, s9, $0xb8;
	[tilespmem:$0x1C400] =	vst v63  }
0x84: {  	s18 =	sand.u32 @!p1 $0x40, s18;
	s8 =	sand.u32 @!p1 $0xFFFFF80, s8;
	_ =	swait.ge [sflag:s29], $0x4000  }
0x85: {  	s22 =	simm.s32 @!p1 $0x8000;
	s8 =	sor.u32 @!p1 s18, s8;
	[sflag:s29] =	ssyncset.done $0x0  }
0x86: {  	s24 =	simm.s32 @!p1 $0x0;
	s18 =	sadd.s32 @!p1 s6, s8;
	[sflag:s29] =	ssyncadd.s32 $0xFFFFC000  }
0x87: {  	[tilespmem:s22], [sflag:$0x3] =	stream.linear.gather @!p1 [hbm4b:s18+s24], $0x80, $0x38;
	[tilespmem:$0x1C400] =	vst v63  }
0x88: {  	s8 =	sadd.s32 @!p1 s1, s8;
	s18 =	simm.s32 @!p1 $0x8200  }
0x89: {  	[tilespmem:s18], [sflag:$0x3] =	stream.linear.gather @!p1 [hbm4b:s8+s24], $0x80, $0x38;
	[tilespmem:$0x1C400] =	vst v63  }
0x8a: {  	_ =	swait.ge [sflag:s23], $0x80  }
0x8b: {  	[sflag:s23] =	ssyncset.done $0x0  }
0x8c: {  	[sflag:s23] =	ssyncadd.s32 $0xFFFFFF80  }
0x8d: {  	_ =	swait.ge [sflag:s23], $0x80  }
0x8e: {  	[sflag:s23] =	ssyncset.done $0x0  }
0x8f: {  	[sflag:s23] =	ssyncadd.s32 $0xFFFFFF80  }
0x90: {  	[tilespmem:s7], [sflag:$0x2] =	stream.indirect.gather [hbm4b:s5+s9], $0x80, s16, s9, $0xb8;
	[tilespmem:$0x1C400] =	vst v63  }
0x91: {  	_ =	swait.ge [sflag:s14], $0x4000  }
0x92: {  	[sflag:s14] =	ssyncset.done $0x0  }
0x93: {  	s8 =	simm.s32 @!p1 $0x50;
	s18 =	sadd.s32 @!p1 $0x50, s13;
	[sflag:s14] =	ssyncadd.s32 $0xFFFFC000  }
0x94: {  	[spmem:s2] =	stream.indirect.scatter.add.f32 [tilespmem:s3], [sflag:$0x7], $0x80, s11, s9, $0xb8;
	[tilespmem:$0x1C400] =	vst v63  }
0x95: {  	s8 =	sand.u32 @!p1 $0x50, s8;
	s18 =	sand.u32 @!p1 $0xFFFFF80, s18;
	_ =	swait.ge [sflag:s15], $0x4000  }
0x96: {  	s8 =	sor.u32 @!p1 s8, s18;
	[sflag:s15] =	ssyncset.done $0x0  }
0x97: {  	s20 =	simm.s32 @!p1 $0x8080;
	s18 =	sadd.s32 @!p1 s6, s8;
	[sflag:s15] =	ssyncadd.s32 $0xFFFFC000  }
0x98: {  	[tilespmem:s20], [sflag:$0x4] =	stream.linear.gather @!p1 [hbm4b:s18+s24], $0x80, $0x38;
	[tilespmem:$0x1C400] =	vst v63  }
0x99: {  	s26 =	simm.s32 @!p1 $0x3;
	s8 =	sadd.s32 @!p1 s1, s8;
	s18 =	simm.s32 @!p1 $0x8280  }
0x9a: {  	[tilespmem:s18], [sflag:$0x4] =	stream.linear.gather @!p1 [hbm4b:s8+s24], $0x80, $0x38;
	[tilespmem:$0x1C400] =	vst v63  }
0x9b: {  	_ =	swait.ge @!p1 [sflag:s26], $0x80  }
0x9c: {  	[sflag:s26] =	ssyncset.done @!p1 $0x0  }
0x9d: {  	s28 =	simm.s32 $0x40;
	[sflag:s26] =	ssyncadd.s32 @!p1 $0xFFFFFF80  }
0x9e: {  	p2 =	por $0x0, $0x0;
	s25 =	sadd.s32 $0x40, s13;
	_ =	swait.ge @!p1 [sflag:s26], $0x80  }
0x9f: {  	s20 =	simm.s32 $0x80;
	s18 =	sand.u32 $0x40, s28;
	[sflag:s26] =	ssyncset.done @!p1 $0x0  }
0xa0: {  	s8 =	sand.u32 $0xFFFFF80, s25;
	[sflag:s26] =	ssyncadd.s32 @!p1 $0xFFFFFF80;
	s26 =	simm.s32 @!p1 $0x80  }
.LBB2_2:
0xa1: {  	[tilespmem:s24], [sflag:$0x1] =	stream.indirect.gather @!p1 [hbm4b:s5+s26], $0x80, s22, s26, $0xb8;
	[tilespmem:$0x1C400] =	vst v63  }
0xa2: {  	s26 =	smov.u32 s20  }
0xa3: {  	s8 =	sor.u32 s8, s18;
	s18 =	sand.u32 $0x40, s20;
	_ =	swait.ge [sflag:s21], $0x4000  }
0xa4: {  	s22 =	sor.u32 $0x20, s8;
	s8 =	sor.u32 $0x30, s8;
	[sflag:s21] =	ssyncset.done $0x0  }
0xa5: {  	s20 =	sadd.s32 $0x40, s20;
	s24 =	simm.s32 @!p2 $0x8;
	[sflag:s21] =	ssyncadd.s32 $0xFFFFC000  }
0xa6: {  	[spmem:s2] =	stream.indirect.scatter.add.f32 [tilespmem:s7], [sflag:$0x8], $0x80, s17, s9, $0xb8;
	[tilespmem:$0x1C400] =	vst v63  }
0xa7: {  	p0 =	sne.s32 s20, $0x500;
	_ =	swait.ge @!p2 [sflag:s24], $0x4000  }
0xa8: {  	s25 =	sadd.s32 s6, s22;
	[sflag:s24] =	ssyncset.done @!p2 $0x0  }
0xa9: {  	[sflag:s24] =	ssyncadd.s32 @!p2 $0xFFFFC000  }
0xaa: {  	[tilespmem:s10], [sflag:$0x5] =	stream.linear.gather [hbm4b:s25+s3], $0x80, $0x38;
	[tilespmem:$0x1C400] =	vst v63  }
0xab: {  	s22 =	sadd.s32 s1, s22  }
0xac: {  	[tilespmem:s11], [sflag:$0x5] =	stream.linear.gather [hbm4b:s22+s3], $0x80, $0x38;
	[tilespmem:$0x1C400] =	vst v63  }
0xad: {  	_ =	swait.ge [sflag:s12], $0x80  }
0xae: {  	[sflag:s12] =	ssyncset.done $0x0  }
0xaf: {  	[sflag:s12] =	ssyncadd.s32 $0xFFFFFF80  }
0xb0: {  	_ =	swait.ge [sflag:s12], $0x80  }
0xb1: {  	[sflag:s12] =	ssyncset.done $0x0  }
0xb2: {  	[sflag:s12] =	ssyncadd.s32 $0xFFFFFF80  }
0xb3: {  	[tilespmem:s7], [sflag:$0x2] =	stream.indirect.gather [hbm4b:s5+s9], $0x80, s31, s9, $0xb8;
	[tilespmem:$0x1C400] =	vst v63  }
0xb4: {  	_ =	swait.ge [sflag:s14], $0x4000  }
0xb5: {  	[sflag:s14] =	ssyncset.done $0x0  }
0xb6: {  	[sflag:s14] =	ssyncadd.s32 $0xFFFFC000  }
0xb7: {  	[spmem:s2] =	stream.indirect.scatter.add.f32 [tilespmem:s3], [sflag:$0x7], $0x80, s30, s9, $0xb8;
	[tilespmem:$0x1C400] =	vst v63  }
0xb8: {  	_ =	swait.ge [sflag:s15], $0x4000  }
0xb9: {  	s22 =	sadd.s32 s6, s8;
	[sflag:s15] =	ssyncset.done $0x0  }
0xba: {  	[sflag:s15] =	ssyncadd.s32 $0xFFFFC000  }
0xbb: {  	[tilespmem:s16], [sflag:$0x6] =	stream.linear.gather [hbm4b:s22+s3], $0x80, $0x38;
	[tilespmem:$0x1C400] =	vst v63  }
0xbc: {  	s8 =	sadd.s32 s1, s8  }
0xbd: {  	[tilespmem:s17], [sflag:$0x6] =	stream.linear.gather [hbm4b:s8+s3], $0x80, $0x38;
	[tilespmem:$0x1C400] =	vst v63  }
0xbe: {  	_ =	swait.ge [sflag:s19], $0x80  }
0xbf: {  	[sflag:s19] =	ssyncset.done $0x0  }
0xc0: {  	[sflag:s19] =	ssyncadd.s32 $0xFFFFFF80  }
0xc1: {  	_ =	swait.ge [sflag:s19], $0x80  }
0xc2: {  	[sflag:s19] =	ssyncset.done $0x0  }
0xc3: {  	[sflag:s19] =	ssyncadd.s32 $0xFFFFFF80  }
0xc4: {  	[tilespmem:s3], [sflag:$0x1] =	stream.indirect.gather [hbm4b:s5+s9], $0x80, s10, s9, $0xb8;
	[tilespmem:$0x1C400] =	vst v63  }
0xc5: {  	p1 =	seq.s32 s28, $0x4C0;
	_ =	swait.ge [sflag:s21], $0x4000  }
0xc6: {  	s22 =	sxor.u32 @!p1 $0xFFFFFFFF, s28;
	s8 =	sadd.s32 @!p1 s28, s13;
	[sflag:s21] =	ssyncset.done $0x0  }
0xc7: {  	s24 =	sand.u32 @!p1 $0x40, s22;
	s8 =	sadd.s32 @!p1 $0x40, s8;
	[sflag:s21] =	ssyncadd.s32 $0xFFFFC000  }
0xc8: {  	[spmem:s2] =	stream.indirect.scatter.add.f32 [tilespmem:s7], [sflag:$0x8], $0x80, s0, s9, $0xb8;
	[tilespmem:$0x1C400] =	vst v63  }
0xc9: {  	s22 =	simm.s32 @!p1 $0x8000;
	s8 =	sand.u32 @!p1 $0xFFFFF80, s8;
	_ =	swait.ge [sflag:s29], $0x4000  }
0xca: {  	s8 =	sor.u32 @!p1 s24, s8;
	s24 =	simm.s32 @!p1 $0x0;
	[sflag:s29] =	ssyncset.done $0x0  }
0xcb: {  	s25 =	sadd.s32 @!p1 s6, s8;
	s8 =	sadd.s32 @!p1 s1, s8;
	[sflag:s29] =	ssyncadd.s32 $0xFFFFC000  }
0xcc: {  	[tilespmem:s22], [sflag:$0x3] =	stream.linear.gather @!p1 [hbm4b:s25+s24], $0x80, $0x38;
	[tilespmem:$0x1C400] =	vst v63  }
0xcd: {  	s4 =	sadd.s32 @!p1 $0x50, s28;
	s28 =	smov.u32 s26;
	s25 =	simm.s32 @!p1 $0x8200  }
0xce: {  	[tilespmem:s25], [sflag:$0x3] =	stream.linear.gather @!p1 [hbm4b:s8+s24], $0x80, $0x38;
	[tilespmem:$0x1C400] =	vst v63  }
0xcf: {  	s8 =	sadd.s32 @!p1 s13, s4;
	s4 =	sand.u32 @!p1 $0x50, s4;
	_ =	swait.ge [sflag:s23], $0x80  }
0xd0: {  	s8 =	sand.u32 @!p1 $0xFFFFF80, s8;
	[sflag:s23] =	ssyncset.done $0x0  }
0xd1: {  	s4 =	sor.u32 @!p1 s4, s8;
	[sflag:s23] =	ssyncadd.s32 $0xFFFFFF80  }
0xd2: {  	s8 =	sadd.s32 @!p1 s6, s4;
	s4 =	sadd.s32 @!p1 s1, s4;
	_ =	swait.ge [sflag:s23], $0x80  }
0xd3: {  	[sflag:s23] =	ssyncset.done $0x0  }
0xd4: {  	[sflag:s23] =	ssyncadd.s32 $0xFFFFFF80  }
0xd5: {  	[tilespmem:s7], [sflag:$0x2] =	stream.indirect.gather [hbm4b:s5+s9], $0x80, s16, s9, $0xb8;
	[tilespmem:$0x1C400] =	vst v63  }
0xd6: {  	_ =	swait.ge [sflag:s14], $0x4000  }
0xd7: {  	[sflag:s14] =	ssyncset.done $0x0  }
0xd8: {  	[sflag:s14] =	ssyncadd.s32 $0xFFFFC000  }
0xd9: {  	[spmem:s2] =	stream.indirect.scatter.add.f32 [tilespmem:s3], [sflag:$0x7], $0x80, s11, s9, $0xb8;
	[tilespmem:$0x1C400] =	vst v63  }
0xda: {  	_ =	swait.ge [sflag:s15], $0x4000  }
0xdb: {  	s25 =	simm.s32 @!p1 $0x8080;
	[sflag:s15] =	ssyncset.done $0x0  }
0xdc: {  	s26 =	simm.s32 @!p1 $0x8280;
	[sflag:s15] =	ssyncadd.s32 $0xFFFFC000  }
0xdd: {  	[tilespmem:s25], [sflag:$0x4] =	stream.linear.gather @!p1 [hbm4b:s8+s24], $0x80, $0x38;
	[tilespmem:$0x1C400] =	vst v63  }
0xde: {  	s25 =	simm.s32 @!p1 $0x3  }
0xdf: {  	[tilespmem:s26], [sflag:$0x4] =	stream.linear.gather @!p1 [hbm4b:s4+s24], $0x80, $0x38;
	[tilespmem:$0x1C400] =	vst v63  }
0xe0: {  	_ =	swait.ge @!p1 [sflag:s25], $0x80  }
.Ltmp0:
0xe1: {  	[sflag:s25] =	ssyncset.done @!p1 $0x0;
	(pc) =	sbr.rel @p0 .LBB2_2-.Ltmp0, $4  }
0xe2: {  	[sflag:s25] =	ssyncadd.s32 @!p1 $0xFFFFFF80  }
0xe3: {  	s26 =	simm.s32 @!p1 $0x80;
	_ =	swait.ge @!p1 [sflag:s25], $0x80  }
0xe4: {  	p2 =	seq.s32 s28, $0x0;
	s4 =	sadd.s32 s28, s13;
	[sflag:s25] =	ssyncset.done @!p1 $0x0  }
0xe5: {  	s8 =	sand.u32 $0xFFFFF80, s4;
	[sflag:s25] =	ssyncadd.s32 @!p1 $0xFFFFFF80  }
0xe6: {  	[tilespmem:s24], [sflag:$0x1] =	stream.indirect.gather @!p1 [hbm4b:s5+s26], $0x80, s22, s26, $0xb8;
	[tilespmem:$0x1C400] =	vst v63  }
0xe7: {  	_ =	swait.ge [sflag:s21], $0x4000  }
0xe8: {  	[sflag:s21] =	ssyncset.done $0x0  }
0xe9: {  	s4 =	simm.s32 @!p2 $0x8;
	[sflag:s21] =	ssyncadd.s32 $0xFFFFC000  }
0xea: {  	[spmem:s2] =	stream.indirect.scatter.add.f32 [tilespmem:s7], [sflag:$0x8], $0x80, s17, s9, $0xb8;
	[tilespmem:$0x1C400] =	vst v63  }
0xeb: {  	s8 =	sor.u32 s8, s18;
	_ =	swait.ge @!p2 [sflag:s4], $0x4000  }
0xec: {  	s18 =	sor.u32 $0x20, s8;
	[sflag:s4] =	ssyncset.done @!p2 $0x0  }
0xed: {  	s20 =	sadd.s32 s6, s18;
	[sflag:s4] =	ssyncadd.s32 @!p2 $0xFFFFC000  }
0xee: {  	[tilespmem:s10], [sflag:$0x5] =	stream.linear.gather [hbm4b:s20+s3], $0x80, $0x38;
	[tilespmem:$0x1C400] =	vst v63  }
0xef: {  	s22 =	sadd.s32 s1, s18  }
0xf0: {  	[tilespmem:s11], [sflag:$0x5] =	stream.linear.gather [hbm4b:s22+s3], $0x80, $0x38;
	[tilespmem:$0x1C400] =	vst v63  }
0xf1: {  	_ =	swait.ge [sflag:s12], $0x80  }
0xf2: {  	[sflag:s12] =	ssyncset.done $0x0  }
0xf3: {  	[sflag:s12] =	ssyncadd.s32 $0xFFFFFF80  }
0xf4: {  	_ =	swait.ge [sflag:s12], $0x80  }
0xf5: {  	[sflag:s12] =	ssyncset.done $0x0  }
0xf6: {  	[sflag:s12] =	ssyncadd.s32 $0xFFFFFF80  }
0xf7: {  	[tilespmem:s7], [sflag:$0x2] =	stream.indirect.gather [hbm4b:s5+s9], $0x80, s31, s9, $0xb8;
	[tilespmem:$0x1C400] =	vst v63  }
0xf8: {  	_ =	swait.ge [sflag:s14], $0x4000  }
0xf9: {  	[sflag:s14] =	ssyncset.done $0x0  }
0xfa: {  	[sflag:s14] =	ssyncadd.s32 $0xFFFFC000  }
0xfb: {  	[spmem:s2] =	stream.indirect.scatter.add.f32 [tilespmem:s3], [sflag:$0x7], $0x80, s30, s9, $0xb8;
	[tilespmem:$0x1C400] =	vst v63  }
0xfc: {  	_ =	swait.ge [sflag:s15], $0x4000  }
0xfd: {  	s24 =	sor.u32 $0x30, s8;
	[sflag:s15] =	ssyncset.done $0x0  }
0xfe: {  	s8 =	sadd.s32 s6, s24;
	[sflag:s15] =	ssyncadd.s32 $0xFFFFC000  }
0xff: {  	[tilespmem:s16], [sflag:$0x6] =	stream.linear.gather [hbm4b:s8+s3], $0x80, $0x38;
	[tilespmem:$0x1C400] =	vst v63  }
0x100: {  	s4 =	sadd.s32 s1, s24  }
0x101: {  	[tilespmem:s17], [sflag:$0x6] =	stream.linear.gather [hbm4b:s4+s3], $0x80, $0x38;
	[tilespmem:$0x1C400] =	vst v63  }
0x102: {  	_ =	swait.ge [sflag:s19], $0x80  }
0x103: {  	[sflag:s19] =	ssyncset.done $0x0  }
0x104: {  	[sflag:s19] =	ssyncadd.s32 $0xFFFFFF80  }
0x105: {  	_ =	swait.ge [sflag:s19], $0x80  }
0x106: {  	[sflag:s19] =	ssyncset.done $0x0  }
0x107: {  	[sflag:s19] =	ssyncadd.s32 $0xFFFFFF80  }
0x108: {  	[tilespmem:s3], [sflag:$0x1] =	stream.indirect.gather [hbm4b:s5+s9], $0x80, s10, s9, $0xb8;
	[tilespmem:$0x1C400] =	vst v63  }
0x109: {  	p0 =	seq.s32 s28, $0x4C0;
	_ =	swait.ge [sflag:s21], $0x4000  }
0x10a: {  	s4 =	sadd.s32 @!p0 s28, s13;
	[sflag:s21] =	ssyncset.done $0x0  }
0x10b: {  	s8 =	sxor.u32 @!p0 $0xFFFFFFFF, s28;
	s4 =	sadd.s32 @!p0 $0x40, s4;
	[sflag:s21] =	ssyncadd.s32 $0xFFFFC000  }
0x10c: {  	[spmem:s2] =	stream.indirect.scatter.add.f32 [tilespmem:s7], [sflag:$0x8], $0x80, s0, s9, $0xb8;
	[tilespmem:$0x1C400] =	vst v63  }
0x10d: {  	s8 =	sand.u32 @!p0 $0x40, s8;
	s4 =	sand.u32 @!p0 $0xFFFFF80, s4;
	_ =	swait.ge [sflag:s29], $0x4000  }
0x10e: {  	s18 =	simm.s32 @!p0 $0x8000;
	s4 =	sor.u32 @!p0 s8, s4;
	[sflag:s29] =	ssyncset.done $0x0  }
0x10f: {  	s8 =	simm.s32 @!p0 $0x0;
	s20 =	sadd.s32 @!p0 s6, s4;
	[sflag:s29] =	ssyncadd.s32 $0xFFFFC000  }
0x110: {  	[tilespmem:s18], [sflag:$0x3] =	stream.linear.gather @!p0 [hbm4b:s20+s8], $0x80, $0x38;
	[tilespmem:$0x1C400] =	vst v63  }
0x111: {  	s4 =	sadd.s32 @!p0 s1, s4;
	s20 =	simm.s32 @!p0 $0x8200  }
0x112: {  	[tilespmem:s20], [sflag:$0x3] =	stream.linear.gather @!p0 [hbm4b:s4+s8], $0x80, $0x38;
	[tilespmem:$0x1C400] =	vst v63  }
0x113: {  	_ =	swait.ge [sflag:s23], $0x80  }
0x114: {  	[sflag:s23] =	ssyncset.done $0x0  }
0x115: {  	[sflag:s23] =	ssyncadd.s32 $0xFFFFFF80  }
0x116: {  	_ =	swait.ge [sflag:s23], $0x80  }
0x117: {  	[sflag:s23] =	ssyncset.done $0x0  }
0x118: {  	[sflag:s23] =	ssyncadd.s32 $0xFFFFFF80  }
0x119: {  	[tilespmem:s7], [sflag:$0x2] =	stream.indirect.gather [hbm4b:s5+s9], $0x80, s16, s9, $0xb8;
	[tilespmem:$0x1C400] =	vst v63  }
0x11a: {  	_ =	swait.ge [sflag:s14], $0x4000  }
0x11b: {  	s4 =	sadd.s32 @!p0 $0x50, s28;
	[sflag:s14] =	ssyncset.done $0x0  }
0x11c: {  	s20 =	sadd.s32 @!p0 s13, s4;
	[sflag:s14] =	ssyncadd.s32 $0xFFFFC000  }
0x11d: {  	[spmem:s2] =	stream.indirect.scatter.add.f32 [tilespmem:s3], [sflag:$0x7], $0x80, s11, s9, $0xb8;
	[tilespmem:$0x1C400] =	vst v63  }
0x11e: {  	s4 =	sand.u32 @!p0 $0x50, s4;
	s20 =	sand.u32 @!p0 $0xFFFFF80, s20;
	_ =	swait.ge [sflag:s15], $0x4000  }
0x11f: {  	s4 =	sor.u32 @!p0 s4, s20;
	[sflag:s15] =	ssyncset.done $0x0  }
0x120: {  	s22 =	simm.s32 @!p0 $0x8080;
	s20 =	sadd.s32 @!p0 s6, s4;
	[sflag:s15] =	ssyncadd.s32 $0xFFFFC000  }
0x121: {  	[tilespmem:s22], [sflag:$0x4] =	stream.linear.gather @!p0 [hbm4b:s20+s8], $0x80, $0x38;
	[tilespmem:$0x1C400] =	vst v63  }
0x122: {  	s4 =	sadd.s32 @!p0 s1, s4;
	s20 =	simm.s32 @!p0 $0x8280  }
0x123: {  	[tilespmem:s20], [sflag:$0x4] =	stream.linear.gather @!p0 [hbm4b:s4+s8], $0x80, $0x38;
	[tilespmem:$0x1C400] =	vst v63  }
0x124: {  	s4 =	simm.s32 @!p0 $0x3  }
0x125: {  	_ =	swait.ge @!p0 [sflag:s4], $0x80  }
0x126: {  	[sflag:s4] =	ssyncset.done @!p0 $0x0  }
0x127: {  	[sflag:s4] =	ssyncadd.s32 @!p0 $0xFFFFFF80  }
0x128: {  	_ =	swait.ge @!p0 [sflag:s4], $0x80  }
0x129: {  	[sflag:s4] =	ssyncset.done @!p0 $0x0  }
0x12a: {  	[sflag:s4] =	ssyncadd.s32 @!p0 $0xFFFFFF80;
	s4 =	simm.s32 @!p0 $0x80  }
0x12b: {  	[tilespmem:s8], [sflag:$0x1] =	stream.indirect.gather @!p0 [hbm4b:s5+s4], $0x80, s18, s4, $0xb8;
	[tilespmem:$0x1C400] =	vst v63  }
0x12c: {  	_ =	swait.ge [sflag:s21], $0x4000  }
0x12d: {  	[sflag:s21] =	ssyncset.done $0x0  }
0x12e: {  	[sflag:s21] =	ssyncadd.s32 $0xFFFFC000  }
0x12f: {  	[spmem:s2] =	stream.indirect.scatter.add.f32 [tilespmem:s7], [sflag:$0x8], $0x80, s17, s9, $0xb8;
	[tilespmem:$0x1C400] =	vst v63  }
0x130: {  	_ =	swait.ge [sflag:s29], $0x4000  }
0x131: {  	[sflag:s29] =	ssyncset.done $0x0  }
0x132: {  	[sflag:s29] =	ssyncadd.s32 $0xFFFFC000  }
0x133: {  	[bflag:$0x0] =	sbarrier.arrive $0xFFFF  }
0x134: {  	s26 =	simm.s32 $0x9;
	s18 =	rddreg [dreg:$0xe]  }
0x135: {  	[tilespmem:s3], [sflag:$0x9] =	stream.linear.gather [spmem:s18], $0x4000, $0x38;
	[tilespmem:$0x1C400] =	vst v63  }
0x136: {  	_ =	swait.ge [sflag:s26], $0x4000  }
0x137: {  	[sflag:s26] =	ssyncset.done $0x0  }
0x138: {  	s25 =	rddreg [dreg:$0x4];
	[sflag:s26] =	ssyncadd.s32 $0xFFFFC000  }
0x139: {  	[hbm4b:s25+s3] =	stream.linear.scatter [tilespmem:s3], [sflag:$0x9], $0x4000, $0x38;
	[tilespmem:$0x1C400] =	vst v63  }
0x13a: {  	_ =	swait.ge [sflag:s26], $0x4000  }
0x13b: {  	[sflag:s26] =	ssyncset.done $0x0  }
0x13c: {  	s22 =	rddreg [dreg:$0x10];
	[sflag:s26] =	ssyncadd.s32 $0xFFFFC000  }
0x13d: {  	[tilespmem:s7], [sflag:$0x9] =	stream.linear.gather [spmem:s22], $0x4000, $0x38;
	[tilespmem:$0x1C400] =	vst v63  }
0x13e: {  	_ =	swait.ge [sflag:s26], $0x4000  }
0x13f: {  	[sflag:s26] =	ssyncset.done $0x0  }
0x140: {  	s28 =	rddreg [dreg:$0x5];
	[sflag:s26] =	ssyncadd.s32 $0xFFFFC000  }
0x141: {  	[hbm4b:s28+s3] =	stream.linear.scatter [tilespmem:s7], [sflag:$0x9], $0x4000, $0x38;
	[tilespmem:$0x1C400] =	vst v63  }
0x142: {  	_ =	swait.ge [sflag:s26], $0x4000  }
0x143: {  	[sflag:s26] =	ssyncset.done $0x0  }
0x144: {  	s24 =	rddreg [dreg:$0x12];
	[sflag:s26] =	ssyncadd.s32 $0xFFFFC000  }
0x145: {  	[tilespmem:s3], [sflag:$0x9] =	stream.linear.gather [spmem:s24], $0x4000, $0x38;
	[tilespmem:$0x1C400] =	vst v63  }
0x146: {  	_ =	swait.ge [sflag:s26], $0x4000  }
0x147: {  	[sflag:s26] =	ssyncset.done $0x0  }
0x148: {  	s8 =	rddreg [dreg:$0x6];
	[sflag:s26] =	ssyncadd.s32 $0xFFFFC000  }
0x149: {  	[hbm4b:s8+s3] =	stream.linear.scatter [tilespmem:s3], [sflag:$0x9], $0x4000, $0x38;
	[tilespmem:$0x1C400] =	vst v63  }
0x14a: {  	_ =	swait.ge [sflag:s26], $0x4000  }
0x14b: {  	[sflag:s26] =	ssyncset.done $0x0  }
0x14c: {  	s25 =	rddreg [dreg:$0x14];
	[sflag:s26] =	ssyncadd.s32 $0xFFFFC000  }
0x14d: {  	[tilespmem:s7], [sflag:$0x9] =	stream.linear.gather [spmem:s25], $0x4000, $0x38;
	[tilespmem:$0x1C400] =	vst v63  }
0x14e: {  	_ =	swait.ge [sflag:s26], $0x4000  }
0x14f: {  	[sflag:s26] =	ssyncset.done $0x0  }
0x150: {  	s20 =	rddreg [dreg:$0x7];
	[sflag:s26] =	ssyncadd.s32 $0xFFFFC000  }
0x151: {  	[hbm4b:s20+s3] =	stream.linear.scatter [tilespmem:s7], [sflag:$0x9], $0x4000, $0x38;
	[tilespmem:$0x1C400] =	vst v63  }
0x152: {  	_ =	swait.ge [sflag:s26], $0x4000  }
0x153: {  	[sflag:s26] =	ssyncset.done $0x0  }
0x154: {  	s20 =	rddreg [dreg:$0x16];
	[sflag:s26] =	ssyncadd.s32 $0xFFFFC000  }
0x155: {  	[tilespmem:s3], [sflag:$0x9] =	stream.linear.gather [spmem:s20], $0x4000, $0x38;
	[tilespmem:$0x1C400] =	vst v63  }
0x156: {  	_ =	swait.ge [sflag:s26], $0x4000  }
0x157: {  	[sflag:s26] =	ssyncset.done $0x0  }
0x158: {  	s28 =	rddreg [dreg:$0x8];
	[sflag:s26] =	ssyncadd.s32 $0xFFFFC000  }
0x159: {  	[hbm4b:s28+s3] =	stream.linear.scatter [tilespmem:s3], [sflag:$0x9], $0x4000, $0x38;
	[tilespmem:$0x1C400] =	vst v63  }
0x15a: {  	_ =	swait.ge [sflag:s26], $0x4000  }
0x15b: {  	s4 =	rddreg [dreg:$0x18]  }
0x15c: {  	s28 =	rddreg [dreg:$0x17];
	s8 =	sadd.s32 $0x1, s4  }
0x15d: {  	p0 =	sne.s32 s8, s28  }
.Ltmp1:
0x15e: {  	_ = 	snop;
	(pc) =	sbr.rel @p0 .LBB2_1-.Ltmp1, $3  }
0x15f: {  	_ =	sdelay $0x1  }
0x160: {  	[sflag:s26] =	ssyncset.done $0x0  }
0x161: {  	[sflag:s26] =	ssyncadd.s32 $0xFFFFC000  }
0x162: {  	_ =	sfence.sel $0x180000  }
0x163: {  	[bflag:$0x0] =	sbarrier.arrive $0xFFFF  }
0x164: {  	_ =	strace $0x90000050  }
0x165: {  	s0 =	stileid.u32;
	[bflag:$0x2] =	sbarrier.arrive $0xFFFF  }
0x166: {  	p0 =	sne.s32 s0, $0x0;
	s0 =	rddreg [dreg:$0x3]  }
0x167: {  	s0 =	sadd.s32 @!p0 $0x100000, s0  }
0x168: {  	[sflag:s0] =	ssyncadd.tile.s32 @!p0 $0x1;
	_ =	shalt  }
.Lfunc_end2:
_tile_overlayer_lowered:
.L_overlay_start_2:
0x169: {  	(tag) =	ssettag $0x2  }
0x16a: {  	s0 =	rddreg [dreg:$0x0];
	s2 =	stileid.u32  }
0x16b: {  	s1 =	rddreg [dreg:$0x1];
	p0 =	sne.s32 s2, $0x0  }
0x16c: {  	s3 =	rddreg [dreg:$0x2];
	[bflag:$0x3] =	sbarrier.arrive $0xFFFF;
	s2 =	simm.s32 @!p0 $0x1C09  }
0x16d: {  	[timem:s3], [sflag:s2] =	dma.local @!p0 [hbm:s0], s1  }
0x16e: {  	s0 =	simm.s32 @!p0 $0x9  }
0x16f: {  	_ =	swait.ge @!p0 [sflag:s0], s1  }
0x170: {  	s1 =	ssub.s32 @!p0 $0x0, s1;
	[sflag:s0] =	ssyncset.done @!p0 $0x0  }
0x171: {  	[sflag:s0] =	ssyncadd.s32 @!p0 s1  }
0x172: {  	[bflag:$0x3] =	sbarrier.arrive $0xFFFF  }
0x173: {  	_ =	shalt  }

</sc_bundles>
